<compile_context>
chip_gen: v7x
topology: tpu7x:2x2x1
jax: 0.10.2.dev20260603
libtpu: 0.0.44.dev20260713+nightly
codegen_flags: <defaults>
</compile_context>

<pallas_src>
import functools

import jax
import jax.numpy as jnp
from jax import lax
from jax.experimental import pallas as pl
from jax.experimental.pallas import tpu as pltpu
from jax.experimental.pallas import tpu_sc as plsc

_N = 10000
_E = 320000
_NC = 2
_NS = 16
_NW = _NC * _NS
_EPW = _E // _NW
_CHUNK = 80
_NCHUNK = _EPW // _CHUNK
_NBUF = 5
_NWB = 10
_WB = _N // _NWB
_ROW_BLK = 1000


def _make_segsum(D, chunk):
  assert D % 16 == 0
  nchunk = _EPW // chunk
  assert nchunk % _NBUF == 0
  mesh = plsc.VectorSubcoreMesh(core_axis_name="c", subcore_axis_name="s")

  @functools.partial(
      pl.kernel,
      out_type=jax.ShapeDtypeStruct((_NC, _N, D), jnp.float32),
      mesh=mesh,
      scratch_types=[
          pltpu.VMEM((nchunk, chunk), jnp.int32),
          pltpu.VMEM((nchunk, chunk), jnp.int32),
          [pltpu.VMEM((chunk, D), jnp.float32)] * _NBUF,
          pltpu.VMEM_SHARED((_N, D), jnp.float32),
          [pltpu.SemaphoreType.DMA] * _NBUF,
          [pltpu.SemaphoreType.DMA] * _NBUF,
      ],
      compiler_params=pltpu.CompilerParams(use_tc_tiling_on_sc=False),
  )
  def segsum(table_hbm, src_hbm, dst_hbm, out_hbm, src_v, dst_v, bufs,
             acc, gsems, ssems):
    buf = bufs[0]
    c = lax.axis_index("c")
    s = lax.axis_index("s")
    wid = c * _NS + s

    pltpu.async_copy(src_hbm.at[wid], src_v, gsems[0])
    pltpu.async_copy(dst_hbm.at[wid], dst_v, gsems[1])

    def zero_row(i, _):
      for k in range(D // 16):
        buf[i, pl.ds(k * 16, 16)] = jnp.zeros((16,), jnp.float32)
      return 0

    lax.fori_loop(0, chunk, zero_row, 0)

    row0 = jnp.where(s < 14, s * 624, 8736 + (s - 14) * 632)

    def _zero_slice(nrows):
      nfull = nrows // chunk
      rem = nrows - nfull * chunk
      def go():
        for j in range(nfull):
          pltpu.sync_copy(buf, acc.at[pl.ds(row0 + j * chunk, chunk)])
        if rem:
          pltpu.sync_copy(buf.at[pl.ds(0, rem)],
                          acc.at[pl.ds(row0 + nfull * chunk, rem)])
      return go

    pl.when(s < 14)(_zero_slice(624))
    pl.when(s >= 14)(_zero_slice(632))

    plsc.subcore_barrier()

    pltpu.make_async_copy(src_hbm.at[wid], src_v, gsems[0]).wait()
    pltpu.make_async_copy(dst_hbm.at[wid], dst_v, gsems[1]).wait()

    for k in range(_NBUF - 1):
      pltpu.async_copy(table_hbm.at[src_v.at[k]], bufs[k], gsems[k])

    def body(i, _):
      for k in range(_NBUF):
        j = i * _NBUF + k
        pltpu.make_async_copy(table_hbm.at[src_v.at[j]], bufs[k],
                              gsems[k]).wait()
        pltpu.async_copy(bufs[k], acc.at[dst_v.at[j]], ssems[k], add=True)
        m = (k + _NBUF - 1) % _NBUF

        @pl.when(j <= nchunk - _NBUF)
        def _issue():
          @pl.when(j >= 1)
          def _drain():
            pltpu.make_async_copy(bufs[m], acc.at[dst_v.at[0]],
                                  ssems[m]).wait()

          pltpu.async_copy(table_hbm.at[src_v.at[j + _NBUF - 1]], bufs[m],
                           gsems[m])

      return 0

    lax.fori_loop(0, nchunk // _NBUF, body, 0)
    for k in range(_NBUF):
      pltpu.make_async_copy(bufs[k], acc.at[dst_v.at[0]], ssems[k]).wait()
    plsc.subcore_barrier()

    @pl.when(s < 14)
    def _writeback14():
      pltpu.sync_copy(acc.at[pl.ds(row0, 624)],
                      out_hbm.at[c].at[pl.ds(row0, 624)])

    @pl.when(s >= 14)
    def _writeback2():
      pltpu.sync_copy(acc.at[pl.ds(row0, 632)],
                      out_hbm.at[c].at[pl.ds(row0, 632)])

  return segsum


_CHUNK_128 = 40
_segsum_128 = _make_segsum(128, _CHUNK_128)
_segsum_64 = _make_segsum(64, _CHUNK)
_segsum_16 = _make_segsum(16, _CHUNK)


def _make_degsum():
  D = 16
  mesh = plsc.VectorSubcoreMesh(core_axis_name="c", subcore_axis_name="s")

  @functools.partial(
      pl.kernel,
      out_type=jax.ShapeDtypeStruct((_NC, _N, D), jnp.float32),
      mesh=mesh,
      scratch_types=[
          pltpu.VMEM((_NCHUNK, _CHUNK), jnp.int32),
          pltpu.VMEM((_CHUNK, D), jnp.float32),
          pltpu.VMEM((_CHUNK, D), jnp.float32),
          pltpu.VMEM_SHARED((_N, D), jnp.float32),
          pltpu.SemaphoreType.DMA,
      ],
      compiler_params=pltpu.CompilerParams(use_tc_tiling_on_sc=False),
  )
  def degsum(dst_hbm, out_hbm, dst_v, zbuf, obuf, acc, isem):
    c = lax.axis_index("c")
    s = lax.axis_index("s")
    wid = c * _NS + s
    pltpu.async_copy(dst_hbm.at[wid], dst_v, isem)

    def fill_row(i, _):
      zbuf[i, pl.ds(0, 16)] = jnp.zeros((16,), jnp.float32)
      obuf[i, pl.ds(0, 16)] = jnp.ones((16,), jnp.float32)
      return 0

    lax.fori_loop(0, _CHUNK, fill_row, 0)

    row0 = jnp.where(s < 14, s * 624, 8736 + (s - 14) * 632)

    def _zero_slice(nrows):
      nfull = nrows // _CHUNK
      rem = nrows - nfull * _CHUNK
      def go():
        for j in range(nfull):
          pltpu.sync_copy(zbuf, acc.at[pl.ds(row0 + j * _CHUNK, _CHUNK)])
        if rem:
          pltpu.sync_copy(zbuf.at[pl.ds(0, rem)],
                          acc.at[pl.ds(row0 + nfull * _CHUNK, rem)])
      return go

    pl.when(s < 14)(_zero_slice(624))
    pl.when(s >= 14)(_zero_slice(632))

    plsc.subcore_barrier()
    pltpu.make_async_copy(dst_hbm.at[wid], dst_v, isem).wait()

    def body(j, _):
      pltpu.sync_copy(obuf, acc.at[dst_v.at[j]], add=True)
      return 0

    lax.fori_loop(0, _NCHUNK, body, 0)
    plsc.subcore_barrier()

    @pl.when(s < 14)
    def _writeback14():
      pltpu.sync_copy(acc.at[pl.ds(row0, 624)],
                      out_hbm.at[c].at[pl.ds(row0, 624)])

    @pl.when(s >= 14)
    def _writeback2():
      pltpu.sync_copy(acc.at[pl.ds(row0, 632)],
                      out_hbm.at[c].at[pl.ds(row0, 632)])

  return degsum


_degsum = _make_degsum()


_GRID = _N // _ROW_BLK


def _tc_mm_body(x_ref, w1_ref, xw_ref):
  xw_ref[...] = jnp.dot(x_ref[...], w1_ref[...],
                        preferred_element_type=jnp.float32)


def _tc1_body(degp_ref, xw_ref, dis_ref, t1_ref):
  deg = degp_ref[0][:, 0:1] + degp_ref[1][:, 0:1] + 1.0
  dis = lax.rsqrt(deg)
  dis_ref[...] = dis
  t1_ref[...] = dis * xw_ref[...]


def _tc_mid_body(accp_ref, t_ref, dis_ref, w_ref, b_ref, out_ref):
  dis = dis_ref[...]
  ssum = accp_ref[0] + accp_ref[1] + t_ref[...]
  h = jnp.tanh(dis * ssum + b_ref[...])
  out_ref[...] = dis * jnp.dot(h, w_ref[...],
                               preferred_element_type=jnp.float32)


def _tc_out_body(accp_ref, t_ref, dis_ref, b_ref, out_ref):
  dis = dis_ref[...]
  full = dis * (accp_ref[0] + accp_ref[1] + t_ref[...]) + b_ref[...]
  out_ref[...] = full[:, 0:1]


def _row_spec(width):
  return pl.BlockSpec((_ROW_BLK, width), lambda i: (i, 0))


def _part_spec(width):
  return pl.BlockSpec((_NC, _ROW_BLK, width), lambda i: (0, i, 0))


def _full_spec(r, c):
  return pl.BlockSpec((r, c), lambda i: (0, 0))


def _tc_mm(x, w1):
  return pl.pallas_call(
      _tc_mm_body,
      grid=(_GRID,),
      in_specs=[_row_spec(128), _full_spec(128, 128)],
      out_specs=_row_spec(128),
      out_shape=jax.ShapeDtypeStruct((_N, 128), jnp.float32),
  )(x, w1)


def _tc1(degp, xw):
  return pl.pallas_call(
      _tc1_body,
      grid=(_GRID,),
      in_specs=[_part_spec(16), _row_spec(128)],
      out_specs=[_row_spec(1), _row_spec(128)],
      out_shape=[
          jax.ShapeDtypeStruct((_N, 1), jnp.float32),
          jax.ShapeDtypeStruct((_N, 128), jnp.float32),
      ],
  )(degp, xw)


def _tc_mid(accp, t, dis, w, b, d_in, d_out):
  return pl.pallas_call(
      _tc_mid_body,
      grid=(_GRID,),
      in_specs=[
          _part_spec(d_in), _row_spec(d_in), _row_spec(1),
          _full_spec(d_in, d_out), _full_spec(1, d_in),
      ],
      out_specs=_row_spec(d_out),
      out_shape=jax.ShapeDtypeStruct((_N, d_out), jnp.float32),
  )(accp, t, dis, w, b)


def _tc_out(accp, t, dis, b):
  return pl.pallas_call(
      _tc_out_body,
      grid=(_GRID,),
      in_specs=[
          _part_spec(16), _row_spec(16), _row_spec(1), _full_spec(1, 16),
      ],
      out_specs=_row_spec(1),
      out_shape=jax.ShapeDtypeStruct((_N, 1), jnp.float32),
  )(accp, t, dis, b)


@jax.jit
def kernel(x, edge_index, W1, b1, W2, b2, W3, b3):
  src2d = edge_index[0].reshape(_NW, _NCHUNK, _CHUNK)
  dst2d = edge_index[1].reshape(_NW, _NCHUNK, _CHUNK)
  src2d_40 = edge_index[0].reshape(_NW, _EPW // _CHUNK_128, _CHUNK_128)
  dst2d_40 = edge_index[1].reshape(_NW, _EPW // _CHUNK_128, _CHUNK_128)

  degp = _degsum(dst2d)
  xw1 = _tc_mm(x, W1)

  dis, t1 = _tc1(degp, xw1)
  acc1 = _segsum_128(t1, src2d_40, dst2d_40)
  t2 = _tc_mid(acc1, t1, dis, W2, b1.reshape(1, 128), 128, 64)
  w3p = jnp.pad(W3, ((0, 0), (0, 15)))
  t3 = _tc_mid(acc2 := _segsum_64(t2, src2d, dst2d), t2, dis, w3p,
               b2.reshape(1, 64), 64, 16)
  acc3 = _segsum_16(t3, src2d, dst2d)
  b3p = jnp.broadcast_to(b3.reshape(1, 1), (1, 16))
  return _tc_out(acc3, t3, dis, b3p)

# --- scband reference (transcript-rebuilt; emitter-appended) ---
"""Pipeline reference for scband-attention-h-18107582120775 (READ-ONLY COPY).

The authoritative reference and input builder live on the scoring server;
editing this copy changes nothing except your own understanding.
"""

import jax, jax.numpy as jnp
import numpy as np

N = 10000
E = 320000
D = 128  # = 2 * size_in
D_HALF = 64  # = size_in


def gcn_conv(x, edge_index, W, b):
    # Faithful PyG GCNConv (normalize=True, add_self_loops=True):
    # out = D^{-1/2} (A + I) D^{-1/2} (X W) + b
    n = x.shape[0]
    src = edge_index[0]
    dst = edge_index[1]
    loop = jnp.arange(n, dtype=src.dtype)
    src = jnp.concatenate([src, loop])
    dst = jnp.concatenate([dst, loop])
    ones = jnp.ones(src.shape[0], dtype=x.dtype)
    deg = jax.ops.segment_sum(ones, dst, num_segments=n)
    deg_inv_sqrt = jnp.where(deg > 0, 1.0 / jnp.sqrt(deg), 0.0)
    norm = deg_inv_sqrt[src] * deg_inv_sqrt[dst]
    xw = x @ W
    msgs = xw[src] * norm[:, None]
    out = jax.ops.segment_sum(msgs, dst, num_segments=n)
    return out + b


def setup_inputs(seed: int = 0):
    key = jax.random.key(seed)
    ks = jax.random.split(key, 8)
    x = jax.random.normal(ks[0], (N, D), dtype=jnp.float32)
    edge_index = jax.random.randint(ks[1], (2, E), 0, N, dtype=jnp.int32)
    # layer1: GCNConv(2*size_in -> 2*size_in)
    W1 = jax.random.normal(ks[2], (D, D), dtype=jnp.float32) * (1.0 / np.sqrt(D))
    b1 = jnp.zeros((D,), dtype=jnp.float32)
    # layer2: GCNConv(2*size_in -> size_in)
    W2 = jax.random.normal(ks[3], (D, D_HALF), dtype=jnp.float32) * (1.0 / np.sqrt(D))
    b2 = jnp.zeros((D_HALF,), dtype=jnp.float32)
    # layer3: GCNConv(size_in -> 1)
    W3 = jax.random.normal(ks[4], (D_HALF, 1), dtype=jnp.float32) * (1.0 / np.sqrt(D_HALF))
    b3 = jnp.zeros((1,), dtype=jnp.float32)
    return {"x": x, "edge_index": edge_index, "W1": W1, "b1": b1, "W2": W2, "b2": b2, "W3": W3, "b3": b3}


def reference(x, edge_index, W1, b1, W2, b2, W3, b3):
    out = gcn_conv(x, edge_index, W1, b1)
    out = jnp.tanh(out)
    out = gcn_conv(out, edge_index, W2, b2)
    out = jnp.tanh(out)
    out = gcn_conv(out, edge_index, W3, b3)
    return out

if __name__ == "__main__":
    import jax
    _d = setup_inputs()
    print(jax.jit(kernel)(*tuple(_d.values())))

</pallas_src>

<mosaic_0001>
#map = affine_map<(d0, d1) -> (0, 0)>
#map1 = affine_map<(d0, d1) -> (0, 0, 0)>
module attributes {stable_mosaic.version = 14 : i64} {
  func.func @segsum(%arg0: i32, %arg1: i32, %arg2: memref<10000x128xf32, #tpu.memory_space<hbm>>, %arg3: memref<32x250x40xi32, #tpu.memory_space<hbm>>, %arg4: memref<32x250x40xi32, #tpu.memory_space<hbm>>, %arg5: memref<2x10000x128xf32, #tpu.memory_space<hbm>>, %arg6: memref<250x40xi32, #tpu.memory_space<vmem>>, %arg7: memref<250x40xi32, #tpu.memory_space<vmem>>, %arg8: memref<40x128xf32, #tpu.memory_space<vmem>>, %arg9: memref<40x128xf32, #tpu.memory_space<vmem>>, %arg10: memref<40x128xf32, #tpu.memory_space<vmem>>, %arg11: memref<40x128xf32, #tpu.memory_space<vmem>>, %arg12: memref<40x128xf32, #tpu.memory_space<vmem>>, %arg13: memref<10000x128xf32, #tpu.memory_space<vmem_shared>>, %arg14: memref<!tpu.dma_semaphore, #tpu.memory_space<semaphore_mem>>, %arg15: memref<!tpu.dma_semaphore, #tpu.memory_space<semaphore_mem>>, %arg16: memref<!tpu.dma_semaphore, #tpu.memory_space<semaphore_mem>>, %arg17: memref<!tpu.dma_semaphore, #tpu.memory_space<semaphore_mem>>, %arg18: memref<!tpu.dma_semaphore, #tpu.memory_space<semaphore_mem>>, %arg19: memref<!tpu.dma_semaphore, #tpu.memory_space<semaphore_mem>>, %arg20: memref<!tpu.dma_semaphore, #tpu.memory_space<semaphore_mem>>, %arg21: memref<!tpu.dma_semaphore, #tpu.memory_space<semaphore_mem>>, %arg22: memref<!tpu.dma_semaphore, #tpu.memory_space<semaphore_mem>>, %arg23: memref<!tpu.dma_semaphore, #tpu.memory_space<semaphore_mem>>) attributes {dimension_semantics = [#tpu.dimension_semantics<core_parallel>, #tpu.dimension_semantics<subcore_parallel>], iteration_bounds = array<i64: 2, 16>, scalar_prefetch = 0 : i64, scratch_operands = 18 : i64, tpu.core_type = #tpu.core_type<sc_vector_subcore>, window_params = [{transform_indices = #map}, {transform_indices = #map1}, {transform_indices = #map1}, {transform_indices = #map1}]} {
    %mul3A = arith.constant 16 : i32
    %mul3A_0 = arith.muli %arg0, %mul3A : i32
    %add3A = arith.addi %mul3A_0, %arg1 : i32
    %dma_start3A = arith.constant 0 : i32
    %dma_start3A_1 = arith.constant 0 : i32
    %dma_start3A_2 = tpu.memref_slice %arg3[%add3A, %dma_start3A, %dma_start3A_1] : memref<32x250x40xi32, #tpu.memory_space<hbm>> -> memref<1x250x40xi32, #tpu.memory_space<hbm>>
    %dma_start3A_3 = tpu.memref_squeeze %dma_start3A_2 : memref<1x250x40xi32, #tpu.memory_space<hbm>> -> memref<250x40xi32, #tpu.memory_space<hbm>>
    %dma_start3A_4 = arith.constant 0 : i32
    %dma_start3A_5 = arith.constant 0 : i32
    %dma_start3A_6 = tpu.memref_slice %arg3[%add3A, %dma_start3A_4, %dma_start3A_5] : memref<32x250x40xi32, #tpu.memory_space<hbm>> -> memref<1x250x40xi32, #tpu.memory_space<hbm>>
    %dma_start3A_7 = tpu.memref_squeeze %dma_start3A_6 : memref<1x250x40xi32, #tpu.memory_space<hbm>> -> memref<250x40xi32, #tpu.memory_space<hbm>>
    tpu.enqueue_dma source(%dma_start3A_7 : memref<250x40xi32, #tpu.memory_space<hbm>>) target(%arg6 : memref<250x40xi32, #tpu.memory_space<vmem>>) target_semaphore(%arg14 : memref<!tpu.dma_semaphore, #tpu.memory_space<semaphore_mem>>)
    %dma_start3A_8 = arith.constant 0 : i32
    %dma_start3A_9 = arith.constant 0 : i32
    %dma_start3A_10 = tpu.memref_slice %arg4[%add3A, %dma_start3A_8, %dma_start3A_9] : memref<32x250x40xi32, #tpu.memory_space<hbm>> -> memref<1x250x40xi32, #tpu.memory_space<hbm>>
    %dma_start3A_11 = tpu.memref_squeeze %dma_start3A_10 : memref<1x250x40xi32, #tpu.memory_space<hbm>> -> memref<250x40xi32, #tpu.memory_space<hbm>>
    %dma_start3A_12 = arith.constant 0 : i32
    %dma_start3A_13 = arith.constant 0 : i32
    %dma_start3A_14 = tpu.memref_slice %arg4[%add3A, %dma_start3A_12, %dma_start3A_13] : memref<32x250x40xi32, #tpu.memory_space<hbm>> -> memref<1x250x40xi32, #tpu.memory_space<hbm>>
    %dma_start3A_15 = tpu.memref_squeeze %dma_start3A_14 : memref<1x250x40xi32, #tpu.memory_space<hbm>> -> memref<250x40xi32, #tpu.memory_space<hbm>>
    tpu.enqueue_dma source(%dma_start3A_15 : memref<250x40xi32, #tpu.memory_space<hbm>>) target(%arg7 : memref<250x40xi32, #tpu.memory_space<vmem>>) target_semaphore(%arg15 : memref<!tpu.dma_semaphore, #tpu.memory_space<semaphore_mem>>)
    %scan3A = arith.constant 0 : i32
    %scan3A_16 = arith.constant 0 : i32
    %scan3A_17 = arith.constant 40 : i32
    %scan3A_18 = arith.addi %scan3A_16, %scan3A_17 : i32
    %scan3A_19 = arith.constant 1 : i32
    %scan3A_20 = scf.for %scan3A_133 = %scan3A_16 to %scan3A_18 step %scan3A_19 iter_args(%scan3A_134 = %scan3A) -> (i32)  : i32 {
      %broadcast_in_dim3A = arith.constant 0.000000e+00 : f32
      %broadcast_in_dim3A_135 = vector.broadcast %broadcast_in_dim3A : f32 to vector<16xf32>
      %swap3A = arith.index_cast %scan3A_133 : i32 to index
      %swap3A_136 = arith.constant 0 : index
      %swap3A_137 = tpu.vector_load %arg8[%swap3A, %swap3A_136] {strides = array<i32>} : memref<40x128xf32, #tpu.memory_space<vmem>>, vector<1x16xf32>,
      %swap3A_138 = vector.shape_cast %swap3A_137 : vector<1x16xf32> to vector<16xf32>
      %swap3A_139 = vector.shape_cast %broadcast_in_dim3A_135 : vector<16xf32> to vector<1x16xf32>
      tpu.vector_store %arg8[%swap3A, %swap3A_136], %swap3A_139 {strides = array<i32>} : memref<40x128xf32, #tpu.memory_space<vmem>>, vector<1x16xf32>,
      %broadcast_in_dim3A_140 = arith.constant 0.000000e+00 : f32
      %broadcast_in_dim3A_141 = vector.broadcast %broadcast_in_dim3A_140 : f32 to vector<16xf32>
      %swap3A_142 = arith.index_cast %scan3A_133 : i32 to index
      %swap3A_143 = arith.constant 16 : index
      %swap3A_144 = tpu.vector_load %arg8[%swap3A_142, %swap3A_143] {strides = array<i32>} : memref<40x128xf32, #tpu.memory_space<vmem>>, vector<1x16xf32>,
      %swap3A_145 = vector.shape_cast %swap3A_144 : vector<1x16xf32> to vector<16xf32>
      %swap3A_146 = vector.shape_cast %broadcast_in_dim3A_141 : vector<16xf32> to vector<1x16xf32>
      tpu.vector_store %arg8[%swap3A_142, %swap3A_143], %swap3A_146 {strides = array<i32>} : memref<40x128xf32, #tpu.memory_space<vmem>>, vector<1x16xf32>,
      %broadcast_in_dim3A_147 = arith.constant 0.000000e+00 : f32
      %broadcast_in_dim3A_148 = vector.broadcast %broadcast_in_dim3A_147 : f32 to vector<16xf32>
      %swap3A_149 = arith.index_cast %scan3A_133 : i32 to index
      %swap3A_150 = arith.constant 32 : index
      %swap3A_151 = tpu.vector_load %arg8[%swap3A_149, %swap3A_150] {strides = array<i32>} : memref<40x128xf32, #tpu.memory_space<vmem>>, vector<1x16xf32>,
      %swap3A_152 = vector.shape_cast %swap3A_151 : vector<1x16xf32> to vector<16xf32>
      %swap3A_153 = vector.shape_cast %broadcast_in_dim3A_148 : vector<16xf32> to vector<1x16xf32>
      tpu.vector_store %arg8[%swap3A_149, %swap3A_150], %swap3A_153 {strides = array<i32>} : memref<40x128xf32, #tpu.memory_space<vmem>>, vector<1x16xf32>,
      %broadcast_in_dim3A_154 = arith.constant 0.000000e+00 : f32
      %broadcast_in_dim3A_155 = vector.broadcast %broadcast_in_dim3A_154 : f32 to vector<16xf32>
      %swap3A_156 = arith.index_cast %scan3A_133 : i32 to index
      %swap3A_157 = arith.constant 48 : index
      %swap3A_158 = tpu.vector_load %arg8[%swap3A_156, %swap3A_157] {strides = array<i32>} : memref<40x128xf32, #tpu.memory_space<vmem>>, vector<1x16xf32>,
      %swap3A_159 = vector.shape_cast %swap3A_158 : vector<1x16xf32> to vector<16xf32>
      %swap3A_160 = vector.shape_cast %broadcast_in_dim3A_155 : vector<16xf32> to vector<1x16xf32>
      tpu.vector_store %arg8[%swap3A_156, %swap3A_157], %swap3A_160 {strides = array<i32>} : memref<40x128xf32, #tpu.memory_space<vmem>>, vector<1x16xf32>,
      %broadcast_in_dim3A_161 = arith.constant 0.000000e+00 : f32
      %broadcast_in_dim3A_162 = vector.broadcast %broadcast_in_dim3A_161 : f32 to vector<16xf32>
      %swap3A_163 = arith.index_cast %scan3A_133 : i32 to index
      %swap3A_164 = arith.constant 64 : index
      %swap3A_165 = tpu.vector_load %arg8[%swap3A_163, %swap3A_164] {strides = array<i32>} : memref<40x128xf32, #tpu.memory_space<vmem>>, vector<1x16xf32>,
      %swap3A_166 = vector.shape_cast %swap3A_165 : vector<1x16xf32> to vector<16xf32>
      %swap3A_167 = vector.shape_cast %broadcast_in_dim3A_162 : vector<16xf32> to vector<1x16xf32>
      tpu.vector_store %arg8[%swap3A_163, %swap3A_164], %swap3A_167 {strides = array<i32>} : memref<40x128xf32, #tpu.memory_space<vmem>>, vector<1x16xf32>,
      %broadcast_in_dim3A_168 = arith.constant 0.000000e+00 : f32
      %broadcast_in_dim3A_169 = vector.broadcast %broadcast_in_dim3A_168 : f32 to vector<16xf32>
      %swap3A_170 = arith.index_cast %scan3A_133 : i32 to index
      %swap3A_171 = arith.constant 80 : index
      %swap3A_172 = tpu.vector_load %arg8[%swap3A_170, %swap3A_171] {strides = array<i32>} : memref<40x128xf32, #tpu.memory_space<vmem>>, vector<1x16xf32>,
      %swap3A_173 = vector.shape_cast %swap3A_172 : vector<1x16xf32> to vector<16xf32>
      %swap3A_174 = vector.shape_cast %broadcast_in_dim3A_169 : vector<16xf32> to vector<1x16xf32>
      tpu.vector_store %arg8[%swap3A_170, %swap3A_171], %swap3A_174 {strides = array<i32>} : memref<40x128xf32, #tpu.memory_space<vmem>>, vector<1x16xf32>,
      %broadcast_in_dim3A_175 = arith.constant 0.000000e+00 : f32
      %broadcast_in_dim3A_176 = vector.broadcast %broadcast_in_dim3A_175 : f32 to vector<16xf32>
      %swap3A_177 = arith.index_cast %scan3A_133 : i32 to index
      %swap3A_178 = arith.constant 96 : index
      %swap3A_179 = tpu.vector_load %arg8[%swap3A_177, %swap3A_178] {strides = array<i32>} : memref<40x128xf32, #tpu.memory_space<vmem>>, vector<1x16xf32>,
      %swap3A_180 = vector.shape_cast %swap3A_179 : vector<1x16xf32> to vector<16xf32>
      %swap3A_181 = vector.shape_cast %broadcast_in_dim3A_176 : vector<16xf32> to vector<1x16xf32>
      tpu.vector_store %arg8[%swap3A_177, %swap3A_178], %swap3A_181 {strides = array<i32>} : memref<40x128xf32, #tpu.memory_space<vmem>>, vector<1x16xf32>,
      %broadcast_in_dim3A_182 = arith.constant 0.000000e+00 : f32
      %broadcast_in_dim3A_183 = vector.broadcast %broadcast_in_dim3A_182 : f32 to vector<16xf32>
      %swap3A_184 = arith.index_cast %scan3A_133 : i32 to index
      %swap3A_185 = arith.constant 112 : index
      %swap3A_186 = tpu.vector_load %arg8[%swap3A_184, %swap3A_185] {strides = array<i32>} : memref<40x128xf32, #tpu.memory_space<vmem>>, vector<1x16xf32>,
      %swap3A_187 = vector.shape_cast %swap3A_186 : vector<1x16xf32> to vector<16xf32>
      %swap3A_188 = vector.shape_cast %broadcast_in_dim3A_183 : vector<16xf32> to vector<1x16xf32>
      tpu.vector_store %arg8[%swap3A_184, %swap3A_185], %swap3A_188 {strides = array<i32>} : memref<40x128xf32, #tpu.memory_space<vmem>>, vector<1x16xf32>,
      %scan3A_189 = arith.constant 0 : i32
      scf.yield %scan3A_189 : i32
    }
    %scan3A_21 = arith.constant 40 : i32
    %lt3A = arith.constant 14 : i32
    %lt3A_22 = arith.cmpi slt, %arg1, %lt3A : i32
    %mul3A_23 = arith.constant 624 : i32
    %mul3A_24 = arith.muli %arg1, %mul3A_23 : i32
    %sub3A = arith.constant 14 : i32
    %sub3A_25 = arith.subi %arg1, %sub3A : i32
    %mul3A_26 = arith.constant 632 : i32
    %mul3A_27 = arith.muli %sub3A_25, %mul3A_26 : i32
    %add3A_28 = arith.constant 8736 : i32
    %add3A_29 = arith.addi %add3A_28, %mul3A_27 : i32
    %select_n3A = arith.select %lt3A_22, %mul3A_24, %add3A_29 : i32
    %lt3A_30 = arith.constant 14 : i32
    %lt3A_31 = arith.cmpi slt, %arg1, %lt3A_30 : i32
    %convert_element_type3A = arith.extui %lt3A_31 : i1 to i32
    %cond3A = arith.constant 0 : i32
    %cond3A_32 = arith.cmpi ne, %convert_element_type3A, %cond3A : i32
    scf.if %cond3A_32 {
      %add3A_133 = arith.constant 0 : i32
      %add3A_134 = arith.addi %select_n3A, %add3A_133 : i32
      "tpu.region"() ({
        %run_scoped3A = tpu.sem_alloc : memref<!tpu.dma_semaphore, #tpu.memory_space<semaphore_mem>>
        %dma_start3A_165 = arith.constant 0 : i32
        %dma_start3A_166 = tpu.memref_slice %arg13[%add3A_134, %dma_start3A_165] : memref<10000x128xf32, #tpu.memory_space<vmem_shared>> -> memref<40x128xf32, #tpu.memory_space<vmem_shared>>
        %dma_start3A_167 = arith.constant 0 : i32
        %dma_start3A_168 = tpu.memref_slice %arg13[%add3A_134, %dma_start3A_167] : memref<10000x128xf32, #tpu.memory_space<vmem_shared>> -> memref<40x128xf32, #tpu.memory_space<vmem_shared>>
        tpu.enqueue_dma source(%arg8 : memref<40x128xf32, #tpu.memory_space<vmem>>) target(%dma_start3A_168 : memref<40x128xf32, #tpu.memory_space<vmem_shared>>) target_semaphore(%run_scoped3A : memref<!tpu.dma_semaphore, #tpu.memory_space<semaphore_mem>>)
        %dma_wait3A_169 = arith.constant 0 : i32
        %dma_wait3A_170 = tpu.memref_slice %arg13[%add3A_134, %dma_wait3A_169] : memref<10000x128xf32, #tpu.memory_space<vmem_shared>> -> memref<40x128xf32, #tpu.memory_space<vmem_shared>>
        %dma_wait3A_171 = arith.constant 0 : i32
        %dma_wait3A_172 = tpu.memref_slice %arg13[%add3A_134, %dma_wait3A_171] : memref<10000x128xf32, #tpu.memory_space<vmem_shared>> -> memref<40x128xf32, #tpu.memory_space<vmem_shared>>
        tpu.wait_dma2 semaphore(%run_scoped3A : memref<!tpu.dma_semaphore, #tpu.memory_space<semaphore_mem>>) src(%arg8 : memref<40x128xf32, #tpu.memory_space<vmem>>) dst(%dma_wait3A_172 : memref<40x128xf32, #tpu.memory_space<vmem_shared>>)
        tpu.yield
      }) : () -> ()
      %add3A_135 = arith.constant 40 : i32
      %add3A_136 = arith.addi %select_n3A, %add3A_135 : i32
      "tpu.region"() ({
        %run_scoped3A = tpu.sem_alloc : memref<!tpu.dma_semaphore, #tpu.memory_space<semaphore_mem>>
        %dma_start3A_165 = arith.constant 0 : i32
        %dma_start3A_166 = tpu.memref_slice %arg13[%add3A_136, %dma_start3A_165] : memref<10000x128xf32, #tpu.memory_space<vmem_shared>> -> memref<40x128xf32, #tpu.memory_space<vmem_shared>>
        %dma_start3A_167 = arith.constant 0 : i32
        %dma_start3A_168 = tpu.memref_slice %arg13[%add3A_136, %dma_start3A_167] : memref<10000x128xf32, #tpu.memory_space<vmem_shared>> -> memref<40x128xf32, #tpu.memory_space<vmem_shared>>
        tpu.enqueue_dma source(%arg8 : memref<40x128xf32, #tpu.memory_space<vmem>>) target(%dma_start3A_168 : memref<40x128xf32, #tpu.memory_space<vmem_shared>>) target_semaphore(%run_scoped3A : memref<!tpu.dma_semaphore, #tpu.memory_space<semaphore_mem>>)
        %dma_wait3A_169 = arith.constant 0 : i32
        %dma_wait3A_170 = tpu.memref_slice %arg13[%add3A_136, %dma_wait3A_169] : memref<10000x128xf32, #tpu.memory_space<vmem_shared>> -> memref<40x128xf32, #tpu.memory_space<vmem_shared>>
        %dma_wait3A_171 = arith.constant 0 : i32
        %dma_wait3A_172 = tpu.memref_slice %arg13[%add3A_136, %dma_wait3A_171] : memref<10000x128xf32, #tpu.memory_space<vmem_shared>> -> memref<40x128xf32, #tpu.memory_space<vmem_shared>>
        tpu.wait_dma2 semaphore(%run_scoped3A : memref<!tpu.dma_semaphore, #tpu.memory_space<semaphore_mem>>) src(%arg8 : memref<40x128xf32, #tpu.memory_space<vmem>>) dst(%dma_wait3A_172 : memref<40x128xf32, #tpu.memory_space<vmem_shared>>)
        tpu.yield
      }) : () -> ()
      %add3A_137 = arith.constant 80 : i32
      %add3A_138 = arith.addi %select_n3A, %add3A_137 : i32
      "tpu.region"() ({
        %run_scoped3A = tpu.sem_alloc : memref<!tpu.dma_semaphore, #tpu.memory_space<semaphore_mem>>
        %dma_start3A_165 = arith.constant 0 : i32
        %dma_start3A_166 = tpu.memref_slice %arg13[%add3A_138, %dma_start3A_165] : memref<10000x128xf32, #tpu.memory_space<vmem_shared>> -> memref<40x128xf32, #tpu.memory_space<vmem_shared>>
        %dma_start3A_167 = arith.constant 0 : i32
        %dma_start3A_168 = tpu.memref_slice %arg13[%add3A_138, %dma_start3A_167] : memref<10000x128xf32, #tpu.memory_space<vmem_shared>> -> memref<40x128xf32, #tpu.memory_space<vmem_shared>>
        tpu.enqueue_dma source(%arg8 : memref<40x128xf32, #tpu.memory_space<vmem>>) target(%dma_start3A_168 : memref<40x128xf32, #tpu.memory_space<vmem_shared>>) target_semaphore(%run_scoped3A : memref<!tpu.dma_semaphore, #tpu.memory_space<semaphore_mem>>)
        %dma_wait3A_169 = arith.constant 0 : i32
        %dma_wait3A_170 = tpu.memref_slice %arg13[%add3A_138, %dma_wait3A_169] : memref<10000x128xf32, #tpu.memory_space<vmem_shared>> -> memref<40x128xf32, #tpu.memory_space<vmem_shared>>
        %dma_wait3A_171 = arith.constant 0 : i32
        %dma_wait3A_172 = tpu.memref_slice %arg13[%add3A_138, %dma_wait3A_171] : memref<10000x128xf32, #tpu.memory_space<vmem_shared>> -> memref<40x128xf32, #tpu.memory_space<vmem_shared>>
        tpu.wait_dma2 semaphore(%run_scoped3A : memref<!tpu.dma_semaphore, #tpu.memory_space<semaphore_mem>>) src(%arg8 : memref<40x128xf32, #tpu.memory_space<vmem>>) dst(%dma_wait3A_172 : memref<40x128xf32, #tpu.memory_space<vmem_shared>>)
        tpu.yield
      }) : () -> ()
      %add3A_139 = arith.constant 120 : i32
      %add3A_140 = arith.addi %select_n3A, %add3A_139 : i32
      "tpu.region"() ({
        %run_scoped3A = tpu.sem_alloc : memref<!tpu.dma_semaphore, #tpu.memory_space<semaphore_mem>>
        %dma_start3A_165 = arith.constant 0 : i32
        %dma_start3A_166 = tpu.memref_slice %arg13[%add3A_140, %dma_start3A_165] : memref<10000x128xf32, #tpu.memory_space<vmem_shared>> -> memref<40x128xf32, #tpu.memory_space<vmem_shared>>
        %dma_start3A_167 = arith.constant 0 : i32
        %dma_start3A_168 = tpu.memref_slice %arg13[%add3A_140, %dma_start3A_167] : memref<10000x128xf32, #tpu.memory_space<vmem_shared>> -> memref<40x128xf32, #tpu.memory_space<vmem_shared>>
        tpu.enqueue_dma source(%arg8 : memref<40x128xf32, #tpu.memory_space<vmem>>) target(%dma_start3A_168 : memref<40x128xf32, #tpu.memory_space<vmem_shared>>) target_semaphore(%run_scoped3A : memref<!tpu.dma_semaphore, #tpu.memory_space<semaphore_mem>>)
        %dma_wait3A_169 = arith.constant 0 : i32
        %dma_wait3A_170 = tpu.memref_slice %arg13[%add3A_140, %dma_wait3A_169] : memref<10000x128xf32, #tpu.memory_space<vmem_shared>> -> memref<40x128xf32, #tpu.memory_space<vmem_shared>>
        %dma_wait3A_171 = arith.constant 0 : i32
        %dma_wait3A_172 = tpu.memref_slice %arg13[%add3A_140, %dma_wait3A_171] : memref<10000x128xf32, #tpu.memory_space<vmem_shared>> -> memref<40x128xf32, #tpu.memory_space<vmem_shared>>
        tpu.wait_dma2 semaphore(%run_scoped3A : memref<!tpu.dma_semaphore, #tpu.memory_space<semaphore_mem>>) src(%arg8 : memref<40x128xf32, #tpu.memory_space<vmem>>) dst(%dma_wait3A_172 : memref<40x128xf32, #tpu.memory_space<vmem_shared>>)
        tpu.yield
      }) : () -> ()
      %add3A_141 = arith.constant 160 : i32
      %add3A_142 = arith.addi %select_n3A, %add3A_141 : i32
      "tpu.region"() ({
        %run_scoped3A = tpu.sem_alloc : memref<!tpu.dma_semaphore, #tpu.memory_space<semaphore_mem>>
        %dma_start3A_165 = arith.constant 0 : i32
        %dma_start3A_166 = tpu.memref_slice %arg13[%add3A_142, %dma_start3A_165] : memref<10000x128xf32, #tpu.memory_space<vmem_shared>> -> memref<40x128xf32, #tpu.memory_space<vmem_shared>>
        %dma_start3A_167 = arith.constant 0 : i32
        %dma_start3A_168 = tpu.memref_slice %arg13[%add3A_142, %dma_start3A_167] : memref<10000x128xf32, #tpu.memory_space<vmem_shared>> -> memref<40x128xf32, #tpu.memory_space<vmem_shared>>
        tpu.enqueue_dma source(%arg8 : memref<40x128xf32, #tpu.memory_space<vmem>>) target(%dma_start3A_168 : memref<40x128xf32, #tpu.memory_space<vmem_shared>>) target_semaphore(%run_scoped3A : memref<!tpu.dma_semaphore, #tpu.memory_space<semaphore_mem>>)
        %dma_wait3A_169 = arith.constant 0 : i32
        %dma_wait3A_170 = tpu.memref_slice %arg13[%add3A_142, %dma_wait3A_169] : memref<10000x128xf32, #tpu.memory_space<vmem_shared>> -> memref<40x128xf32, #tpu.memory_space<vmem_shared>>
        %dma_wait3A_171 = arith.constant 0 : i32
        %dma_wait3A_172 = tpu.memref_slice %arg13[%add3A_142, %dma_wait3A_171] : memref<10000x128xf32, #tpu.memory_space<vmem_shared>> -> memref<40x128xf32, #tpu.memory_space<vmem_shared>>
        tpu.wait_dma2 semaphore(%run_scoped3A : memref<!tpu.dma_semaphore, #tpu.memory_space<semaphore_mem>>) src(%arg8 : memref<40x128xf32, #tpu.memory_space<vmem>>) dst(%dma_wait3A_172 : memref<40x128xf32, #tpu.memory_space<vmem_shared>>)
        tpu.yield
      }) : () -> ()
      %add3A_143 = arith.constant 200 : i32
      %add3A_144 = arith.addi %select_n3A, %add3A_143 : i32
      "tpu.region"() ({
        %run_scoped3A = tpu.sem_alloc : memref<!tpu.dma_semaphore, #tpu.memory_space<semaphore_mem>>
        %dma_start3A_165 = arith.constant 0 : i32
        %dma_start3A_166 = tpu.memref_slice %arg13[%add3A_144, %dma_start3A_165] : memref<10000x128xf32, #tpu.memory_space<vmem_shared>> -> memref<40x128xf32, #tpu.memory_space<vmem_shared>>
        %dma_start3A_167 = arith.constant 0 : i32
        %dma_start3A_168 = tpu.memref_slice %arg13[%add3A_144, %dma_start3A_167] : memref<10000x128xf32, #tpu.memory_space<vmem_shared>> -> memref<40x128xf32, #tpu.memory_space<vmem_shared>>
        tpu.enqueue_dma source(%arg8 : memref<40x128xf32, #tpu.memory_space<vmem>>) target(%dma_start3A_168 : memref<40x128xf32, #tpu.memory_space<vmem_shared>>) target_semaphore(%run_scoped3A : memref<!tpu.dma_semaphore, #tpu.memory_space<semaphore_mem>>)
        %dma_wait3A_169 = arith.constant 0 : i32
        %dma_wait3A_170 = tpu.memref_slice %arg13[%add3A_144, %dma_wait3A_169] : memref<10000x128xf32, #tpu.memory_space<vmem_shared>> -> memref<40x128xf32, #tpu.memory_space<vmem_shared>>
        %dma_wait3A_171 = arith.constant 0 : i32
        %dma_wait3A_172 = tpu.memref_slice %arg13[%add3A_144, %dma_wait3A_171] : memref<10000x128xf32, #tpu.memory_space<vmem_shared>> -> memref<40x128xf32, #tpu.memory_space<vmem_shared>>
        tpu.wait_dma2 semaphore(%run_scoped3A : memref<!tpu.dma_semaphore, #tpu.memory_space<semaphore_mem>>) src(%arg8 : memref<40x128xf32, #tpu.memory_space<vmem>>) dst(%dma_wait3A_172 : memref<40x128xf32, #tpu.memory_space<vmem_shared>>)
        tpu.yield
      }) : () -> ()
      %add3A_145 = arith.constant 240 : i32
      %add3A_146 = arith.addi %select_n3A, %add3A_145 : i32
      "tpu.region"() ({
        %run_scoped3A = tpu.sem_alloc : memref<!tpu.dma_semaphore, #tpu.memory_space<semaphore_mem>>
        %dma_start3A_165 = arith.constant 0 : i32
        %dma_start3A_166 = tpu.memref_slice %arg13[%add3A_146, %dma_start3A_165] : memref<10000x128xf32, #tpu.memory_space<vmem_shared>> -> memref<40x128xf32, #tpu.memory_space<vmem_shared>>
        %dma_start3A_167 = arith.constant 0 : i32
        %dma_start3A_168 = tpu.memref_slice %arg13[%add3A_146, %dma_start3A_167] : memref<10000x128xf32, #tpu.memory_space<vmem_shared>> -> memref<40x128xf32, #tpu.memory_space<vmem_shared>>
        tpu.enqueue_dma source(%arg8 : memref<40x128xf32, #tpu.memory_space<vmem>>) target(%dma_start3A_168 : memref<40x128xf32, #tpu.memory_space<vmem_shared>>) target_semaphore(%run_scoped3A : memref<!tpu.dma_semaphore, #tpu.memory_space<semaphore_mem>>)
        %dma_wait3A_169 = arith.constant 0 : i32
        %dma_wait3A_170 = tpu.memref_slice %arg13[%add3A_146, %dma_wait3A_169] : memref<10000x128xf32, #tpu.memory_space<vmem_shared>> -> memref<40x128xf32, #tpu.memory_space<vmem_shared>>
        %dma_wait3A_171 = arith.constant 0 : i32
        %dma_wait3A_172 = tpu.memref_slice %arg13[%add3A_146, %dma_wait3A_171] : memref<10000x128xf32, #tpu.memory_space<vmem_shared>> -> memref<40x128xf32, #tpu.memory_space<vmem_shared>>
        tpu.wait_dma2 semaphore(%run_scoped3A : memref<!tpu.dma_semaphore, #tpu.memory_space<semaphore_mem>>) src(%arg8 : memref<40x128xf32, #tpu.memory_space<vmem>>) dst(%dma_wait3A_172 : memref<40x128xf32, #tpu.memory_space<vmem_shared>>)
        tpu.yield
      }) : () -> ()
      %add3A_147 = arith.constant 280 : i32
      %add3A_148 = arith.addi %select_n3A, %add3A_147 : i32
      "tpu.region"() ({
        %run_scoped3A = tpu.sem_alloc : memref<!tpu.dma_semaphore, #tpu.memory_space<semaphore_mem>>
        %dma_start3A_165 = arith.constant 0 : i32
        %dma_start3A_166 = tpu.memref_slice %arg13[%add3A_148, %dma_start3A_165] : memref<10000x128xf32, #tpu.memory_space<vmem_shared>> -> memref<40x128xf32, #tpu.memory_space<vmem_shared>>
        %dma_start3A_167 = arith.constant 0 : i32
        %dma_start3A_168 = tpu.memref_slice %arg13[%add3A_148, %dma_start3A_167] : memref<10000x128xf32, #tpu.memory_space<vmem_shared>> -> memref<40x128xf32, #tpu.memory_space<vmem_shared>>
        tpu.enqueue_dma source(%arg8 : memref<40x128xf32, #tpu.memory_space<vmem>>) target(%dma_start3A_168 : memref<40x128xf32, #tpu.memory_space<vmem_shared>>) target_semaphore(%run_scoped3A : memref<!tpu.dma_semaphore, #tpu.memory_space<semaphore_mem>>)
        %dma_wait3A_169 = arith.constant 0 : i32
        %dma_wait3A_170 = tpu.memref_slice %arg13[%add3A_148, %dma_wait3A_169] : memref<10000x128xf32, #tpu.memory_space<vmem_shared>> -> memref<40x128xf32, #tpu.memory_space<vmem_shared>>
        %dma_wait3A_171 = arith.constant 0 : i32
        %dma_wait3A_172 = tpu.memref_slice %arg13[%add3A_148, %dma_wait3A_171] : memref<10000x128xf32, #tpu.memory_space<vmem_shared>> -> memref<40x128xf32, #tpu.memory_space<vmem_shared>>
        tpu.wait_dma2 semaphore(%run_scoped3A : memref<!tpu.dma_semaphore, #tpu.memory_space<semaphore_mem>>) src(%arg8 : memref<40x128xf32, #tpu.memory_space<vmem>>) dst(%dma_wait3A_172 : memref<40x128xf32, #tpu.memory_space<vmem_shared>>)
        tpu.yield
      }) : () -> ()
      %add3A_149 = arith.constant 320 : i32
      %add3A_150 = arith.addi %select_n3A, %add3A_149 : i32
      "tpu.region"() ({
        %run_scoped3A = tpu.sem_alloc : memref<!tpu.dma_semaphore, #tpu.memory_space<semaphore_mem>>
        %dma_start3A_165 = arith.constant 0 : i32
        %dma_start3A_166 = tpu.memref_slice %arg13[%add3A_150, %dma_start3A_165] : memref<10000x128xf32, #tpu.memory_space<vmem_shared>> -> memref<40x128xf32, #tpu.memory_space<vmem_shared>>
        %dma_start3A_167 = arith.constant 0 : i32
        %dma_start3A_168 = tpu.memref_slice %arg13[%add3A_150, %dma_start3A_167] : memref<10000x128xf32, #tpu.memory_space<vmem_shared>> -> memref<40x128xf32, #tpu.memory_space<vmem_shared>>
        tpu.enqueue_dma source(%arg8 : memref<40x128xf32, #tpu.memory_space<vmem>>) target(%dma_start3A_168 : memref<40x128xf32, #tpu.memory_space<vmem_shared>>) target_semaphore(%run_scoped3A : memref<!tpu.dma_semaphore, #tpu.memory_space<semaphore_mem>>)
        %dma_wait3A_169 = arith.constant 0 : i32
        %dma_wait3A_170 = tpu.memref_slice %arg13[%add3A_150, %dma_wait3A_169] : memref<10000x128xf32, #tpu.memory_space<vmem_shared>> -> memref<40x128xf32, #tpu.memory_space<vmem_shared>>
        %dma_wait3A_171 = arith.constant 0 : i32
        %dma_wait3A_172 = tpu.memref_slice %arg13[%add3A_150, %dma_wait3A_171] : memref<10000x128xf32, #tpu.memory_space<vmem_shared>> -> memref<40x128xf32, #tpu.memory_space<vmem_shared>>
        tpu.wait_dma2 semaphore(%run_scoped3A : memref<!tpu.dma_semaphore, #tpu.memory_space<semaphore_mem>>) src(%arg8 : memref<40x128xf32, #tpu.memory_space<vmem>>) dst(%dma_wait3A_172 : memref<40x128xf32, #tpu.memory_space<vmem_shared>>)
        tpu.yield
      }) : () -> ()
      %add3A_151 = arith.constant 360 : i32
      %add3A_152 = arith.addi %select_n3A, %add3A_151 : i32
      "tpu.region"() ({
        %run_scoped3A = tpu.sem_alloc : memref<!tpu.dma_semaphore, #tpu.memory_space<semaphore_mem>>
        %dma_start3A_165 = arith.constant 0 : i32
        %dma_start3A_166 = tpu.memref_slice %arg13[%add3A_152, %dma_start3A_165] : memref<10000x128xf32, #tpu.memory_space<vmem_shared>> -> memref<40x128xf32, #tpu.memory_space<vmem_shared>>
        %dma_start3A_167 = arith.constant 0 : i32
        %dma_start3A_168 = tpu.memref_slice %arg13[%add3A_152, %dma_start3A_167] : memref<10000x128xf32, #tpu.memory_space<vmem_shared>> -> memref<40x128xf32, #tpu.memory_space<vmem_shared>>
        tpu.enqueue_dma source(%arg8 : memref<40x128xf32, #tpu.memory_space<vmem>>) target(%dma_start3A_168 : memref<40x128xf32, #tpu.memory_space<vmem_shared>>) target_semaphore(%run_scoped3A : memref<!tpu.dma_semaphore, #tpu.memory_space<semaphore_mem>>)
        %dma_wait3A_169 = arith.constant 0 : i32
        %dma_wait3A_170 = tpu.memref_slice %arg13[%add3A_152, %dma_wait3A_169] : memref<10000x128xf32, #tpu.memory_space<vmem_shared>> -> memref<40x128xf32, #tpu.memory_space<vmem_shared>>
        %dma_wait3A_171 = arith.constant 0 : i32
        %dma_wait3A_172 = tpu.memref_slice %arg13[%add3A_152, %dma_wait3A_171] : memref<10000x128xf32, #tpu.memory_space<vmem_shared>> -> memref<40x128xf32, #tpu.memory_space<vmem_shared>>
        tpu.wait_dma2 semaphore(%run_scoped3A : memref<!tpu.dma_semaphore, #tpu.memory_space<semaphore_mem>>) src(%arg8 : memref<40x128xf32, #tpu.memory_space<vmem>>) dst(%dma_wait3A_172 : memref<40x128xf32, #tpu.memory_space<vmem_shared>>)
        tpu.yield
      }) : () -> ()
      %add3A_153 = arith.constant 400 : i32
      %add3A_154 = arith.addi %select_n3A, %add3A_153 : i32
      "tpu.region"() ({
        %run_scoped3A = tpu.sem_alloc : memref<!tpu.dma_semaphore, #tpu.memory_space<semaphore_mem>>
        %dma_start3A_165 = arith.constant 0 : i32
        %dma_start3A_166 = tpu.memref_slice %arg13[%add3A_154, %dma_start3A_165] : memref<10000x128xf32, #tpu.memory_space<vmem_shared>> -> memref<40x128xf32, #tpu.memory_space<vmem_shared>>
        %dma_start3A_167 = arith.constant 0 : i32
        %dma_start3A_168 = tpu.memref_slice %arg13[%add3A_154, %dma_start3A_167] : memref<10000x128xf32, #tpu.memory_space<vmem_shared>> -> memref<40x128xf32, #tpu.memory_space<vmem_shared>>
        tpu.enqueue_dma source(%arg8 : memref<40x128xf32, #tpu.memory_space<vmem>>) target(%dma_start3A_168 : memref<40x128xf32, #tpu.memory_space<vmem_shared>>) target_semaphore(%run_scoped3A : memref<!tpu.dma_semaphore, #tpu.memory_space<semaphore_mem>>)
        %dma_wait3A_169 = arith.constant 0 : i32
        %dma_wait3A_170 = tpu.memref_slice %arg13[%add3A_154, %dma_wait3A_169] : memref<10000x128xf32, #tpu.memory_space<vmem_shared>> -> memref<40x128xf32, #tpu.memory_space<vmem_shared>>
        %dma_wait3A_171 = arith.constant 0 : i32
        %dma_wait3A_172 = tpu.memref_slice %arg13[%add3A_154, %dma_wait3A_171] : memref<10000x128xf32, #tpu.memory_space<vmem_shared>> -> memref<40x128xf32, #tpu.memory_space<vmem_shared>>
        tpu.wait_dma2 semaphore(%run_scoped3A : memref<!tpu.dma_semaphore, #tpu.memory_space<semaphore_mem>>) src(%arg8 : memref<40x128xf32, #tpu.memory_space<vmem>>) dst(%dma_wait3A_172 : memref<40x128xf32, #tpu.memory_space<vmem_shared>>)
        tpu.yield
      }) : () -> ()
      %add3A_155 = arith.constant 440 : i32
      %add3A_156 = arith.addi %select_n3A, %add3A_155 : i32
      "tpu.region"() ({
        %run_scoped3A = tpu.sem_alloc : memref<!tpu.dma_semaphore, #tpu.memory_space<semaphore_mem>>
        %dma_start3A_165 = arith.constant 0 : i32
        %dma_start3A_166 = tpu.memref_slice %arg13[%add3A_156, %dma_start3A_165] : memref<10000x128xf32, #tpu.memory_space<vmem_shared>> -> memref<40x128xf32, #tpu.memory_space<vmem_shared>>
        %dma_start3A_167 = arith.constant 0 : i32
        %dma_start3A_168 = tpu.memref_slice %arg13[%add3A_156, %dma_start3A_167] : memref<10000x128xf32, #tpu.memory_space<vmem_shared>> -> memref<40x128xf32, #tpu.memory_space<vmem_shared>>
        tpu.enqueue_dma source(%arg8 : memref<40x128xf32, #tpu.memory_space<vmem>>) target(%dma_start3A_168 : memref<40x128xf32, #tpu.memory_space<vmem_shared>>) target_semaphore(%run_scoped3A : memref<!tpu.dma_semaphore, #tpu.memory_space<semaphore_mem>>)
        %dma_wait3A_169 = arith.constant 0 : i32
        %dma_wait3A_170 = tpu.memref_slice %arg13[%add3A_156, %dma_wait3A_169] : memref<10000x128xf32, #tpu.memory_space<vmem_shared>> -> memref<40x128xf32, #tpu.memory_space<vmem_shared>>
        %dma_wait3A_171 = arith.constant 0 : i32
        %dma_wait3A_172 = tpu.memref_slice %arg13[%add3A_156, %dma_wait3A_171] : memref<10000x128xf32, #tpu.memory_space<vmem_shared>> -> memref<40x128xf32, #tpu.memory_space<vmem_shared>>
        tpu.wait_dma2 semaphore(%run_scoped3A : memref<!tpu.dma_semaphore, #tpu.memory_space<semaphore_mem>>) src(%arg8 : memref<40x128xf32, #tpu.memory_space<vmem>>) dst(%dma_wait3A_172 : memref<40x128xf32, #tpu.memory_space<vmem_shared>>)
        tpu.yield
      }) : () -> ()
      %add3A_157 = arith.constant 480 : i32
      %add3A_158 = arith.addi %select_n3A, %add3A_157 : i32
      "tpu.region"() ({
        %run_scoped3A = tpu.sem_alloc : memref<!tpu.dma_semaphore, #tpu.memory_space<semaphore_mem>>
        %dma_start3A_165 = arith.constant 0 : i32
        %dma_start3A_166 = tpu.memref_slice %arg13[%add3A_158, %dma_start3A_165] : memref<10000x128xf32, #tpu.memory_space<vmem_shared>> -> memref<40x128xf32, #tpu.memory_space<vmem_shared>>
        %dma_start3A_167 = arith.constant 0 : i32
        %dma_start3A_168 = tpu.memref_slice %arg13[%add3A_158, %dma_start3A_167] : memref<10000x128xf32, #tpu.memory_space<vmem_shared>> -> memref<40x128xf32, #tpu.memory_space<vmem_shared>>
        tpu.enqueue_dma source(%arg8 : memref<40x128xf32, #tpu.memory_space<vmem>>) target(%dma_start3A_168 : memref<40x128xf32, #tpu.memory_space<vmem_shared>>) target_semaphore(%run_scoped3A : memref<!tpu.dma_semaphore, #tpu.memory_space<semaphore_mem>>)
        %dma_wait3A_169 = arith.constant 0 : i32
        %dma_wait3A_170 = tpu.memref_slice %arg13[%add3A_158, %dma_wait3A_169] : memref<10000x128xf32, #tpu.memory_space<vmem_shared>> -> memref<40x128xf32, #tpu.memory_space<vmem_shared>>
        %dma_wait3A_171 = arith.constant 0 : i32
        %dma_wait3A_172 = tpu.memref_slice %arg13[%add3A_158, %dma_wait3A_171] : memref<10000x128xf32, #tpu.memory_space<vmem_shared>> -> memref<40x128xf32, #tpu.memory_space<vmem_shared>>
        tpu.wait_dma2 semaphore(%run_scoped3A : memref<!tpu.dma_semaphore, #tpu.memory_space<semaphore_mem>>) src(%arg8 : memref<40x128xf32, #tpu.memory_space<vmem>>) dst(%dma_wait3A_172 : memref<40x128xf32, #tpu.memory_space<vmem_shared>>)
        tpu.yield
      }) : () -> ()
      %add3A_159 = arith.constant 520 : i32
      %add3A_160 = arith.addi %select_n3A, %add3A_159 : i32
      "tpu.region"() ({
        %run_scoped3A = tpu.sem_alloc : memref<!tpu.dma_semaphore, #tpu.memory_space<semaphore_mem>>
        %dma_start3A_165 = arith.constant 0 : i32
        %dma_start3A_166 = tpu.memref_slice %arg13[%add3A_160, %dma_start3A_165] : memref<10000x128xf32, #tpu.memory_space<vmem_shared>> -> memref<40x128xf32, #tpu.memory_space<vmem_shared>>
        %dma_start3A_167 = arith.constant 0 : i32
        %dma_start3A_168 = tpu.memref_slice %arg13[%add3A_160, %dma_start3A_167] : memref<10000x128xf32, #tpu.memory_space<vmem_shared>> -> memref<40x128xf32, #tpu.memory_space<vmem_shared>>
        tpu.enqueue_dma source(%arg8 : memref<40x128xf32, #tpu.memory_space<vmem>>) target(%dma_start3A_168 : memref<40x128xf32, #tpu.memory_space<vmem_shared>>) target_semaphore(%run_scoped3A : memref<!tpu.dma_semaphore, #tpu.memory_space<semaphore_mem>>)
        %dma_wait3A_169 = arith.constant 0 : i32
        %dma_wait3A_170 = tpu.memref_slice %arg13[%add3A_160, %dma_wait3A_169] : memref<10000x128xf32, #tpu.memory_space<vmem_shared>> -> memref<40x128xf32, #tpu.memory_space<vmem_shared>>
        %dma_wait3A_171 = arith.constant 0 : i32
        %dma_wait3A_172 = tpu.memref_slice %arg13[%add3A_160, %dma_wait3A_171] : memref<10000x128xf32, #tpu.memory_space<vmem_shared>> -> memref<40x128xf32, #tpu.memory_space<vmem_shared>>
        tpu.wait_dma2 semaphore(%run_scoped3A : memref<!tpu.dma_semaphore, #tpu.memory_space<semaphore_mem>>) src(%arg8 : memref<40x128xf32, #tpu.memory_space<vmem>>) dst(%dma_wait3A_172 : memref<40x128xf32, #tpu.memory_space<vmem_shared>>)
        tpu.yield
      }) : () -> ()
      %add3A_161 = arith.constant 560 : i32
      %add3A_162 = arith.addi %select_n3A, %add3A_161 : i32
      "tpu.region"() ({
        %run_scoped3A = tpu.sem_alloc : memref<!tpu.dma_semaphore, #tpu.memory_space<semaphore_mem>>
        %dma_start3A_165 = arith.constant 0 : i32
        %dma_start3A_166 = tpu.memref_slice %arg13[%add3A_162, %dma_start3A_165] : memref<10000x128xf32, #tpu.memory_space<vmem_shared>> -> memref<40x128xf32, #tpu.memory_space<vmem_shared>>
        %dma_start3A_167 = arith.constant 0 : i32
        %dma_start3A_168 = tpu.memref_slice %arg13[%add3A_162, %dma_start3A_167] : memref<10000x128xf32, #tpu.memory_space<vmem_shared>> -> memref<40x128xf32, #tpu.memory_space<vmem_shared>>
        tpu.enqueue_dma source(%arg8 : memref<40x128xf32, #tpu.memory_space<vmem>>) target(%dma_start3A_168 : memref<40x128xf32, #tpu.memory_space<vmem_shared>>) target_semaphore(%run_scoped3A : memref<!tpu.dma_semaphore, #tpu.memory_space<semaphore_mem>>)
        %dma_wait3A_169 = arith.constant 0 : i32
        %dma_wait3A_170 = tpu.memref_slice %arg13[%add3A_162, %dma_wait3A_169] : memref<10000x128xf32, #tpu.memory_space<vmem_shared>> -> memref<40x128xf32, #tpu.memory_space<vmem_shared>>
        %dma_wait3A_171 = arith.constant 0 : i32
        %dma_wait3A_172 = tpu.memref_slice %arg13[%add3A_162, %dma_wait3A_171] : memref<10000x128xf32, #tpu.memory_space<vmem_shared>> -> memref<40x128xf32, #tpu.memory_space<vmem_shared>>
        tpu.wait_dma2 semaphore(%run_scoped3A : memref<!tpu.dma_semaphore, #tpu.memory_space<semaphore_mem>>) src(%arg8 : memref<40x128xf32, #tpu.memory_space<vmem>>) dst(%dma_wait3A_172 : memref<40x128xf32, #tpu.memory_space<vmem_shared>>)
        tpu.yield
      }) : () -> ()
      %add3A_163 = arith.constant 600 : i32
      %add3A_164 = arith.addi %select_n3A, %add3A_163 : i32
      "tpu.region"() ({
        %run_scoped3A = tpu.sem_alloc : memref<!tpu.dma_semaphore, #tpu.memory_space<semaphore_mem>>
        %dma_start3A_165 = arith.constant 0 : i32
        %dma_start3A_166 = arith.constant 0 : i32
        %dma_start3A_167 = tpu.memref_slice %arg8[%dma_start3A_165, %dma_start3A_166] : memref<40x128xf32, #tpu.memory_space<vmem>> -> memref<24x128xf32, #tpu.memory_space<vmem>>
        %dma_start3A_168 = arith.constant 0 : i32
        %dma_start3A_169 = tpu.memref_slice %arg13[%add3A_164, %dma_start3A_168] : memref<10000x128xf32, #tpu.memory_space<vmem_shared>> -> memref<24x128xf32, #tpu.memory_space<vmem_shared>>
        %dma_start3A_170 = arith.constant 0 : i32
        %dma_start3A_171 = tpu.memref_slice %arg13[%add3A_164, %dma_start3A_170] : memref<10000x128xf32, #tpu.memory_space<vmem_shared>> -> memref<24x128xf32, #tpu.memory_space<vmem_shared>>
        %dma_start3A_172 = arith.constant 0 : i32
        %dma_start3A_173 = arith.constant 0 : i32
        %dma_start3A_174 = tpu.memref_slice %arg8[%dma_start3A_172, %dma_start3A_173] : memref<40x128xf32, #tpu.memory_space<vmem>> -> memref<24x128xf32, #tpu.memory_space<vmem>>
        tpu.enqueue_dma source(%dma_start3A_174 : memref<24x128xf32, #tpu.memory_space<vmem>>) target(%dma_start3A_171 : memref<24x128xf32, #tpu.memory_space<vmem_shared>>) target_semaphore(%run_scoped3A : memref<!tpu.dma_semaphore, #tpu.memory_space<semaphore_mem>>)
        %dma_wait3A_175 = arith.constant 0 : i32
        %dma_wait3A_176 = arith.constant 0 : i32
        %dma_wait3A_177 = tpu.memref_slice %arg8[%dma_wait3A_175, %dma_wait3A_176] : memref<40x128xf32, #tpu.memory_space<vmem>> -> memref<24x128xf32, #tpu.memory_space<vmem>>
        %dma_wait3A_178 = arith.constant 0 : i32
        %dma_wait3A_179 = tpu.memref_slice %arg13[%add3A_164, %dma_wait3A_178] : memref<10000x128xf32, #tpu.memory_space<vmem_shared>> -> memref<24x128xf32, #tpu.memory_space<vmem_shared>>
        %dma_wait3A_180 = arith.constant 0 : i32
        %dma_wait3A_181 = tpu.memref_slice %arg13[%add3A_164, %dma_wait3A_180] : memref<10000x128xf32, #tpu.memory_space<vmem_shared>> -> memref<24x128xf32, #tpu.memory_space<vmem_shared>>
        %dma_wait3A_182 = arith.constant 0 : i32
        %dma_wait3A_183 = arith.constant 0 : i32
        %dma_wait3A_184 = tpu.memref_slice %arg8[%dma_wait3A_182, %dma_wait3A_183] : memref<40x128xf32, #tpu.memory_space<vmem>> -> memref<24x128xf32, #tpu.memory_space<vmem>>
        tpu.wait_dma2 semaphore(%run_scoped3A : memref<!tpu.dma_semaphore, #tpu.memory_space<semaphore_mem>>) src(%dma_wait3A_184 : memref<24x128xf32, #tpu.memory_space<vmem>>) dst(%dma_wait3A_181 : memref<24x128xf32, #tpu.memory_space<vmem_shared>>)
        tpu.yield
      }) : () -> ()
    } else {
    }
    %ge3A = arith.constant 14 : i32
    %ge3A_33 = arith.cmpi sge, %arg1, %ge3A : i32
    %convert_element_type3A_34 = arith.extui %ge3A_33 : i1 to i32
    %cond3A_35 = arith.constant 0 : i32
    %cond3A_36 = arith.cmpi ne, %convert_element_type3A_34, %cond3A_35 : i32
    scf.if %cond3A_36 {
      %add3A_133 = arith.constant 0 : i32
      %add3A_134 = arith.addi %select_n3A, %add3A_133 : i32
      "tpu.region"() ({
        %run_scoped3A = tpu.sem_alloc : memref<!tpu.dma_semaphore, #tpu.memory_space<semaphore_mem>>
        %dma_start3A_165 = arith.constant 0 : i32
        %dma_start3A_166 = tpu.memref_slice %arg13[%add3A_134, %dma_start3A_165] : memref<10000x128xf32, #tpu.memory_space<vmem_shared>> -> memref<40x128xf32, #tpu.memory_space<vmem_shared>>
        %dma_start3A_167 = arith.constant 0 : i32
        %dma_start3A_168 = tpu.memref_slice %arg13[%add3A_134, %dma_start3A_167] : memref<10000x128xf32, #tpu.memory_space<vmem_shared>> -> memref<40x128xf32, #tpu.memory_space<vmem_shared>>
        tpu.enqueue_dma source(%arg8 : memref<40x128xf32, #tpu.memory_space<vmem>>) target(%dma_start3A_168 : memref<40x128xf32, #tpu.memory_space<vmem_shared>>) target_semaphore(%run_scoped3A : memref<!tpu.dma_semaphore, #tpu.memory_space<semaphore_mem>>)
        %dma_wait3A_169 = arith.constant 0 : i32
        %dma_wait3A_170 = tpu.memref_slice %arg13[%add3A_134, %dma_wait3A_169] : memref<10000x128xf32, #tpu.memory_space<vmem_shared>> -> memref<40x128xf32, #tpu.memory_space<vmem_shared>>
        %dma_wait3A_171 = arith.constant 0 : i32
        %dma_wait3A_172 = tpu.memref_slice %arg13[%add3A_134, %dma_wait3A_171] : memref<10000x128xf32, #tpu.memory_space<vmem_shared>> -> memref<40x128xf32, #tpu.memory_space<vmem_shared>>
        tpu.wait_dma2 semaphore(%run_scoped3A : memref<!tpu.dma_semaphore, #tpu.memory_space<semaphore_mem>>) src(%arg8 : memref<40x128xf32, #tpu.memory_space<vmem>>) dst(%dma_wait3A_172 : memref<40x128xf32, #tpu.memory_space<vmem_shared>>)
        tpu.yield
      }) : () -> ()
      %add3A_135 = arith.constant 40 : i32
      %add3A_136 = arith.addi %select_n3A, %add3A_135 : i32
      "tpu.region"() ({
        %run_scoped3A = tpu.sem_alloc : memref<!tpu.dma_semaphore, #tpu.memory_space<semaphore_mem>>
        %dma_start3A_165 = arith.constant 0 : i32
        %dma_start3A_166 = tpu.memref_slice %arg13[%add3A_136, %dma_start3A_165] : memref<10000x128xf32, #tpu.memory_space<vmem_shared>> -> memref<40x128xf32, #tpu.memory_space<vmem_shared>>
        %dma_start3A_167 = arith.constant 0 : i32
        %dma_start3A_168 = tpu.memref_slice %arg13[%add3A_136, %dma_start3A_167] : memref<10000x128xf32, #tpu.memory_space<vmem_shared>> -> memref<40x128xf32, #tpu.memory_space<vmem_shared>>
        tpu.enqueue_dma source(%arg8 : memref<40x128xf32, #tpu.memory_space<vmem>>) target(%dma_start3A_168 : memref<40x128xf32, #tpu.memory_space<vmem_shared>>) target_semaphore(%run_scoped3A : memref<!tpu.dma_semaphore, #tpu.memory_space<semaphore_mem>>)
        %dma_wait3A_169 = arith.constant 0 : i32
        %dma_wait3A_170 = tpu.memref_slice %arg13[%add3A_136, %dma_wait3A_169] : memref<10000x128xf32, #tpu.memory_space<vmem_shared>> -> memref<40x128xf32, #tpu.memory_space<vmem_shared>>
        %dma_wait3A_171 = arith.constant 0 : i32
        %dma_wait3A_172 = tpu.memref_slice %arg13[%add3A_136, %dma_wait3A_171] : memref<10000x128xf32, #tpu.memory_space<vmem_shared>> -> memref<40x128xf32, #tpu.memory_space<vmem_shared>>
        tpu.wait_dma2 semaphore(%run_scoped3A : memref<!tpu.dma_semaphore, #tpu.memory_space<semaphore_mem>>) src(%arg8 : memref<40x128xf32, #tpu.memory_space<vmem>>) dst(%dma_wait3A_172 : memref<40x128xf32, #tpu.memory_space<vmem_shared>>)
        tpu.yield
      }) : () -> ()
      %add3A_137 = arith.constant 80 : i32
      %add3A_138 = arith.addi %select_n3A, %add3A_137 : i32
      "tpu.region"() ({
        %run_scoped3A = tpu.sem_alloc : memref<!tpu.dma_semaphore, #tpu.memory_space<semaphore_mem>>
        %dma_start3A_165 = arith.constant 0 : i32
        %dma_start3A_166 = tpu.memref_slice %arg13[%add3A_138, %dma_start3A_165] : memref<10000x128xf32, #tpu.memory_space<vmem_shared>> -> memref<40x128xf32, #tpu.memory_space<vmem_shared>>
        %dma_start3A_167 = arith.constant 0 : i32
        %dma_start3A_168 = tpu.memref_slice %arg13[%add3A_138, %dma_start3A_167] : memref<10000x128xf32, #tpu.memory_space<vmem_shared>> -> memref<40x128xf32, #tpu.memory_space<vmem_shared>>
        tpu.enqueue_dma source(%arg8 : memref<40x128xf32, #tpu.memory_space<vmem>>) target(%dma_start3A_168 : memref<40x128xf32, #tpu.memory_space<vmem_shared>>) target_semaphore(%run_scoped3A : memref<!tpu.dma_semaphore, #tpu.memory_space<semaphore_mem>>)
        %dma_wait3A_169 = arith.constant 0 : i32
        %dma_wait3A_170 = tpu.memref_slice %arg13[%add3A_138, %dma_wait3A_169] : memref<10000x128xf32, #tpu.memory_space<vmem_shared>> -> memref<40x128xf32, #tpu.memory_space<vmem_shared>>
        %dma_wait3A_171 = arith.constant 0 : i32
        %dma_wait3A_172 = tpu.memref_slice %arg13[%add3A_138, %dma_wait3A_171] : memref<10000x128xf32, #tpu.memory_space<vmem_shared>> -> memref<40x128xf32, #tpu.memory_space<vmem_shared>>
        tpu.wait_dma2 semaphore(%run_scoped3A : memref<!tpu.dma_semaphore, #tpu.memory_space<semaphore_mem>>) src(%arg8 : memref<40x128xf32, #tpu.memory_space<vmem>>) dst(%dma_wait3A_172 : memref<40x128xf32, #tpu.memory_space<vmem_shared>>)
        tpu.yield
      }) : () -> ()
      %add3A_139 = arith.constant 120 : i32
      %add3A_140 = arith.addi %select_n3A, %add3A_139 : i32
      "tpu.region"() ({
        %run_scoped3A = tpu.sem_alloc : memref<!tpu.dma_semaphore, #tpu.memory_space<semaphore_mem>>
        %dma_start3A_165 = arith.constant 0 : i32
        %dma_start3A_166 = tpu.memref_slice %arg13[%add3A_140, %dma_start3A_165] : memref<10000x128xf32, #tpu.memory_space<vmem_shared>> -> memref<40x128xf32, #tpu.memory_space<vmem_shared>>
        %dma_start3A_167 = arith.constant 0 : i32
        %dma_start3A_168 = tpu.memref_slice %arg13[%add3A_140, %dma_start3A_167] : memref<10000x128xf32, #tpu.memory_space<vmem_shared>> -> memref<40x128xf32, #tpu.memory_space<vmem_shared>>
        tpu.enqueue_dma source(%arg8 : memref<40x128xf32, #tpu.memory_space<vmem>>) target(%dma_start3A_168 : memref<40x128xf32, #tpu.memory_space<vmem_shared>>) target_semaphore(%run_scoped3A : memref<!tpu.dma_semaphore, #tpu.memory_space<semaphore_mem>>)
        %dma_wait3A_169 = arith.constant 0 : i32
        %dma_wait3A_170 = tpu.memref_slice %arg13[%add3A_140, %dma_wait3A_169] : memref<10000x128xf32, #tpu.memory_space<vmem_shared>> -> memref<40x128xf32, #tpu.memory_space<vmem_shared>>
        %dma_wait3A_171 = arith.constant 0 : i32
        %dma_wait3A_172 = tpu.memref_slice %arg13[%add3A_140, %dma_wait3A_171] : memref<10000x128xf32, #tpu.memory_space<vmem_shared>> -> memref<40x128xf32, #tpu.memory_space<vmem_shared>>
        tpu.wait_dma2 semaphore(%run_scoped3A : memref<!tpu.dma_semaphore, #tpu.memory_space<semaphore_mem>>) src(%arg8 : memref<40x128xf32, #tpu.memory_space<vmem>>) dst(%dma_wait3A_172 : memref<40x128xf32, #tpu.memory_space<vmem_shared>>)
        tpu.yield
      }) : () -> ()
      %add3A_141 = arith.constant 160 : i32
      %add3A_142 = arith.addi %select_n3A, %add3A_141 : i32
      "tpu.region"() ({
        %run_scoped3A = tpu.sem_alloc : memref<!tpu.dma_semaphore, #tpu.memory_space<semaphore_mem>>
        %dma_start3A_165 = arith.constant 0 : i32
        %dma_start3A_166 = tpu.memref_slice %arg13[%add3A_142, %dma_start3A_165] : memref<10000x128xf32, #tpu.memory_space<vmem_shared>> -> memref<40x128xf32, #tpu.memory_space<vmem_shared>>
        %dma_start3A_167 = arith.constant 0 : i32
        %dma_start3A_168 = tpu.memref_slice %arg13[%add3A_142, %dma_start3A_167] : memref<10000x128xf32, #tpu.memory_space<vmem_shared>> -> memref<40x128xf32, #tpu.memory_space<vmem_shared>>
        tpu.enqueue_dma source(%arg8 : memref<40x128xf32, #tpu.memory_space<vmem>>) target(%dma_start3A_168 : memref<40x128xf32, #tpu.memory_space<vmem_shared>>) target_semaphore(%run_scoped3A : memref<!tpu.dma_semaphore, #tpu.memory_space<semaphore_mem>>)
        %dma_wait3A_169 = arith.constant 0 : i32
        %dma_wait3A_170 = tpu.memref_slice %arg13[%add3A_142, %dma_wait3A_169] : memref<10000x128xf32, #tpu.memory_space<vmem_shared>> -> memref<40x128xf32, #tpu.memory_space<vmem_shared>>
        %dma_wait3A_171 = arith.constant 0 : i32
        %dma_wait3A_172 = tpu.memref_slice %arg13[%add3A_142, %dma_wait3A_171] : memref<10000x128xf32, #tpu.memory_space<vmem_shared>> -> memref<40x128xf32, #tpu.memory_space<vmem_shared>>
        tpu.wait_dma2 semaphore(%run_scoped3A : memref<!tpu.dma_semaphore, #tpu.memory_space<semaphore_mem>>) src(%arg8 : memref<40x128xf32, #tpu.memory_space<vmem>>) dst(%dma_wait3A_172 : memref<40x128xf32, #tpu.memory_space<vmem_shared>>)
        tpu.yield
      }) : () -> ()
      %add3A_143 = arith.constant 200 : i32
      %add3A_144 = arith.addi %select_n3A, %add3A_143 : i32
      "tpu.region"() ({
        %run_scoped3A = tpu.sem_alloc : memref<!tpu.dma_semaphore, #tpu.memory_space<semaphore_mem>>
        %dma_start3A_165 = arith.constant 0 : i32
        %dma_start3A_166 = tpu.memref_slice %arg13[%add3A_144, %dma_start3A_165] : memref<10000x128xf32, #tpu.memory_space<vmem_shared>> -> memref<40x128xf32, #tpu.memory_space<vmem_shared>>
        %dma_start3A_167 = arith.constant 0 : i32
        %dma_start3A_168 = tpu.memref_slice %arg13[%add3A_144, %dma_start3A_167] : memref<10000x128xf32, #tpu.memory_space<vmem_shared>> -> memref<40x128xf32, #tpu.memory_space<vmem_shared>>
        tpu.enqueue_dma source(%arg8 : memref<40x128xf32, #tpu.memory_space<vmem>>) target(%dma_start3A_168 : memref<40x128xf32, #tpu.memory_space<vmem_shared>>) target_semaphore(%run_scoped3A : memref<!tpu.dma_semaphore, #tpu.memory_space<semaphore_mem>>)
        %dma_wait3A_169 = arith.constant 0 : i32
        %dma_wait3A_170 = tpu.memref_slice %arg13[%add3A_144, %dma_wait3A_169] : memref<10000x128xf32, #tpu.memory_space<vmem_shared>> -> memref<40x128xf32, #tpu.memory_space<vmem_shared>>
        %dma_wait3A_171 = arith.constant 0 : i32
        %dma_wait3A_172 = tpu.memref_slice %arg13[%add3A_144, %dma_wait3A_171] : memref<10000x128xf32, #tpu.memory_space<vmem_shared>> -> memref<40x128xf32, #tpu.memory_space<vmem_shared>>
        tpu.wait_dma2 semaphore(%run_scoped3A : memref<!tpu.dma_semaphore, #tpu.memory_space<semaphore_mem>>) src(%arg8 : memref<40x128xf32, #tpu.memory_space<vmem>>) dst(%dma_wait3A_172 : memref<40x128xf32, #tpu.memory_space<vmem_shared>>)
        tpu.yield
      }) : () -> ()
      %add3A_145 = arith.constant 240 : i32
      %add3A_146 = arith.addi %select_n3A, %add3A_145 : i32
      "tpu.region"() ({
        %run_scoped3A = tpu.sem_alloc : memref<!tpu.dma_semaphore, #tpu.memory_space<semaphore_mem>>
        %dma_start3A_165 = arith.constant 0 : i32
        %dma_start3A_166 = tpu.memref_slice %arg13[%add3A_146, %dma_start3A_165] : memref<10000x128xf32, #tpu.memory_space<vmem_shared>> -> memref<40x128xf32, #tpu.memory_space<vmem_shared>>
        %dma_start3A_167 = arith.constant 0 : i32
        %dma_start3A_168 = tpu.memref_slice %arg13[%add3A_146, %dma_start3A_167] : memref<10000x128xf32, #tpu.memory_space<vmem_shared>> -> memref<40x128xf32, #tpu.memory_space<vmem_shared>>
        tpu.enqueue_dma source(%arg8 : memref<40x128xf32, #tpu.memory_space<vmem>>) target(%dma_start3A_168 : memref<40x128xf32, #tpu.memory_space<vmem_shared>>) target_semaphore(%run_scoped3A : memref<!tpu.dma_semaphore, #tpu.memory_space<semaphore_mem>>)
        %dma_wait3A_169 = arith.constant 0 : i32
        %dma_wait3A_170 = tpu.memref_slice %arg13[%add3A_146, %dma_wait3A_169] : memref<10000x128xf32, #tpu.memory_space<vmem_shared>> -> memref<40x128xf32, #tpu.memory_space<vmem_shared>>
        %dma_wait3A_171 = arith.constant 0 : i32
        %dma_wait3A_172 = tpu.memref_slice %arg13[%add3A_146, %dma_wait3A_171] : memref<10000x128xf32, #tpu.memory_space<vmem_shared>> -> memref<40x128xf32, #tpu.memory_space<vmem_shared>>
        tpu.wait_dma2 semaphore(%run_scoped3A : memref<!tpu.dma_semaphore, #tpu.memory_space<semaphore_mem>>) src(%arg8 : memref<40x128xf32, #tpu.memory_space<vmem>>) dst(%dma_wait3A_172 : memref<40x128xf32, #tpu.memory_space<vmem_shared>>)
        tpu.yield
      }) : () -> ()
      %add3A_147 = arith.constant 280 : i32
      %add3A_148 = arith.addi %select_n3A, %add3A_147 : i32
      "tpu.region"() ({
        %run_scoped3A = tpu.sem_alloc : memref<!tpu.dma_semaphore, #tpu.memory_space<semaphore_mem>>
        %dma_start3A_165 = arith.constant 0 : i32
        %dma_start3A_166 = tpu.memref_slice %arg13[%add3A_148, %dma_start3A_165] : memref<10000x128xf32, #tpu.memory_space<vmem_shared>> -> memref<40x128xf32, #tpu.memory_space<vmem_shared>>
        %dma_start3A_167 = arith.constant 0 : i32
        %dma_start3A_168 = tpu.memref_slice %arg13[%add3A_148, %dma_start3A_167] : memref<10000x128xf32, #tpu.memory_space<vmem_shared>> -> memref<40x128xf32, #tpu.memory_space<vmem_shared>>
        tpu.enqueue_dma source(%arg8 : memref<40x128xf32, #tpu.memory_space<vmem>>) target(%dma_start3A_168 : memref<40x128xf32, #tpu.memory_space<vmem_shared>>) target_semaphore(%run_scoped3A : memref<!tpu.dma_semaphore, #tpu.memory_space<semaphore_mem>>)
        %dma_wait3A_169 = arith.constant 0 : i32
        %dma_wait3A_170 = tpu.memref_slice %arg13[%add3A_148, %dma_wait3A_169] : memref<10000x128xf32, #tpu.memory_space<vmem_shared>> -> memref<40x128xf32, #tpu.memory_space<vmem_shared>>
        %dma_wait3A_171 = arith.constant 0 : i32
        %dma_wait3A_172 = tpu.memref_slice %arg13[%add3A_148, %dma_wait3A_171] : memref<10000x128xf32, #tpu.memory_space<vmem_shared>> -> memref<40x128xf32, #tpu.memory_space<vmem_shared>>
        tpu.wait_dma2 semaphore(%run_scoped3A : memref<!tpu.dma_semaphore, #tpu.memory_space<semaphore_mem>>) src(%arg8 : memref<40x128xf32, #tpu.memory_space<vmem>>) dst(%dma_wait3A_172 : memref<40x128xf32, #tpu.memory_space<vmem_shared>>)
        tpu.yield
      }) : () -> ()
      %add3A_149 = arith.constant 320 : i32
      %add3A_150 = arith.addi %select_n3A, %add3A_149 : i32
      "tpu.region"() ({
        %run_scoped3A = tpu.sem_alloc : memref<!tpu.dma_semaphore, #tpu.memory_space<semaphore_mem>>
        %dma_start3A_165 = arith.constant 0 : i32
        %dma_start3A_166 = tpu.memref_slice %arg13[%add3A_150, %dma_start3A_165] : memref<10000x128xf32, #tpu.memory_space<vmem_shared>> -> memref<40x128xf32, #tpu.memory_space<vmem_shared>>
        %dma_start3A_167 = arith.constant 0 : i32
        %dma_start3A_168 = tpu.memref_slice %arg13[%add3A_150, %dma_start3A_167] : memref<10000x128xf32, #tpu.memory_space<vmem_shared>> -> memref<40x128xf32, #tpu.memory_space<vmem_shared>>
        tpu.enqueue_dma source(%arg8 : memref<40x128xf32, #tpu.memory_space<vmem>>) target(%dma_start3A_168 : memref<40x128xf32, #tpu.memory_space<vmem_shared>>) target_semaphore(%run_scoped3A : memref<!tpu.dma_semaphore, #tpu.memory_space<semaphore_mem>>)
        %dma_wait3A_169 = arith.constant 0 : i32
        %dma_wait3A_170 = tpu.memref_slice %arg13[%add3A_150, %dma_wait3A_169] : memref<10000x128xf32, #tpu.memory_space<vmem_shared>> -> memref<40x128xf32, #tpu.memory_space<vmem_shared>>
        %dma_wait3A_171 = arith.constant 0 : i32
        %dma_wait3A_172 = tpu.memref_slice %arg13[%add3A_150, %dma_wait3A_171] : memref<10000x128xf32, #tpu.memory_space<vmem_shared>> -> memref<40x128xf32, #tpu.memory_space<vmem_shared>>
        tpu.wait_dma2 semaphore(%run_scoped3A : memref<!tpu.dma_semaphore, #tpu.memory_space<semaphore_mem>>) src(%arg8 : memref<40x128xf32, #tpu.memory_space<vmem>>) dst(%dma_wait3A_172 : memref<40x128xf32, #tpu.memory_space<vmem_shared>>)
        tpu.yield
      }) : () -> ()
      %add3A_151 = arith.constant 360 : i32
      %add3A_152 = arith.addi %select_n3A, %add3A_151 : i32
      "tpu.region"() ({
        %run_scoped3A = tpu.sem_alloc : memref<!tpu.dma_semaphore, #tpu.memory_space<semaphore_mem>>
        %dma_start3A_165 = arith.constant 0 : i32
        %dma_start3A_166 = tpu.memref_slice %arg13[%add3A_152, %dma_start3A_165] : memref<10000x128xf32, #tpu.memory_space<vmem_shared>> -> memref<40x128xf32, #tpu.memory_space<vmem_shared>>
        %dma_start3A_167 = arith.constant 0 : i32
        %dma_start3A_168 = tpu.memref_slice %arg13[%add3A_152, %dma_start3A_167] : memref<10000x128xf32, #tpu.memory_space<vmem_shared>> -> memref<40x128xf32, #tpu.memory_space<vmem_shared>>
        tpu.enqueue_dma source(%arg8 : memref<40x128xf32, #tpu.memory_space<vmem>>) target(%dma_start3A_168 : memref<40x128xf32, #tpu.memory_space<vmem_shared>>) target_semaphore(%run_scoped3A : memref<!tpu.dma_semaphore, #tpu.memory_space<semaphore_mem>>)
        %dma_wait3A_169 = arith.constant 0 : i32
        %dma_wait3A_170 = tpu.memref_slice %arg13[%add3A_152, %dma_wait3A_169] : memref<10000x128xf32, #tpu.memory_space<vmem_shared>> -> memref<40x128xf32, #tpu.memory_space<vmem_shared>>
        %dma_wait3A_171 = arith.constant 0 : i32
        %dma_wait3A_172 = tpu.memref_slice %arg13[%add3A_152, %dma_wait3A_171] : memref<10000x128xf32, #tpu.memory_space<vmem_shared>> -> memref<40x128xf32, #tpu.memory_space<vmem_shared>>
        tpu.wait_dma2 semaphore(%run_scoped3A : memref<!tpu.dma_semaphore, #tpu.memory_space<semaphore_mem>>) src(%arg8 : memref<40x128xf32, #tpu.memory_space<vmem>>) dst(%dma_wait3A_172 : memref<40x128xf32, #tpu.memory_space<vmem_shared>>)
        tpu.yield
      }) : () -> ()
      %add3A_153 = arith.constant 400 : i32
      %add3A_154 = arith.addi %select_n3A, %add3A_153 : i32
      "tpu.region"() ({
        %run_scoped3A = tpu.sem_alloc : memref<!tpu.dma_semaphore, #tpu.memory_space<semaphore_mem>>
        %dma_start3A_165 = arith.constant 0 : i32
        %dma_start3A_166 = tpu.memref_slice %arg13[%add3A_154, %dma_start3A_165] : memref<10000x128xf32, #tpu.memory_space<vmem_shared>> -> memref<40x128xf32, #tpu.memory_space<vmem_shared>>
        %dma_start3A_167 = arith.constant 0 : i32
        %dma_start3A_168 = tpu.memref_slice %arg13[%add3A_154, %dma_start3A_167] : memref<10000x128xf32, #tpu.memory_space<vmem_shared>> -> memref<40x128xf32, #tpu.memory_space<vmem_shared>>
        tpu.enqueue_dma source(%arg8 : memref<40x128xf32, #tpu.memory_space<vmem>>) target(%dma_start3A_168 : memref<40x128xf32, #tpu.memory_space<vmem_shared>>) target_semaphore(%run_scoped3A : memref<!tpu.dma_semaphore, #tpu.memory_space<semaphore_mem>>)
        %dma_wait3A_169 = arith.constant 0 : i32
        %dma_wait3A_170 = tpu.memref_slice %arg13[%add3A_154, %dma_wait3A_169] : memref<10000x128xf32, #tpu.memory_space<vmem_shared>> -> memref<40x128xf32, #tpu.memory_space<vmem_shared>>
        %dma_wait3A_171 = arith.constant 0 : i32
        %dma_wait3A_172 = tpu.memref_slice %arg13[%add3A_154, %dma_wait3A_171] : memref<10000x128xf32, #tpu.memory_space<vmem_shared>> -> memref<40x128xf32, #tpu.memory_space<vmem_shared>>
        tpu.wait_dma2 semaphore(%run_scoped3A : memref<!tpu.dma_semaphore, #tpu.memory_space<semaphore_mem>>) src(%arg8 : memref<40x128xf32, #tpu.memory_space<vmem>>) dst(%dma_wait3A_172 : memref<40x128xf32, #tpu.memory_space<vmem_shared>>)
        tpu.yield
      }) : () -> ()
      %add3A_155 = arith.constant 440 : i32
      %add3A_156 = arith.addi %select_n3A, %add3A_155 : i32
      "tpu.region"() ({
        %run_scoped3A = tpu.sem_alloc : memref<!tpu.dma_semaphore, #tpu.memory_space<semaphore_mem>>
        %dma_start3A_165 = arith.constant 0 : i32
        %dma_start3A_166 = tpu.memref_slice %arg13[%add3A_156, %dma_start3A_165] : memref<10000x128xf32, #tpu.memory_space<vmem_shared>> -> memref<40x128xf32, #tpu.memory_space<vmem_shared>>
        %dma_start3A_167 = arith.constant 0 : i32
        %dma_start3A_168 = tpu.memref_slice %arg13[%add3A_156, %dma_start3A_167] : memref<10000x128xf32, #tpu.memory_space<vmem_shared>> -> memref<40x128xf32, #tpu.memory_space<vmem_shared>>
        tpu.enqueue_dma source(%arg8 : memref<40x128xf32, #tpu.memory_space<vmem>>) target(%dma_start3A_168 : memref<40x128xf32, #tpu.memory_space<vmem_shared>>) target_semaphore(%run_scoped3A : memref<!tpu.dma_semaphore, #tpu.memory_space<semaphore_mem>>)
        %dma_wait3A_169 = arith.constant 0 : i32
        %dma_wait3A_170 = tpu.memref_slice %arg13[%add3A_156, %dma_wait3A_169] : memref<10000x128xf32, #tpu.memory_space<vmem_shared>> -> memref<40x128xf32, #tpu.memory_space<vmem_shared>>
        %dma_wait3A_171 = arith.constant 0 : i32
        %dma_wait3A_172 = tpu.memref_slice %arg13[%add3A_156, %dma_wait3A_171] : memref<10000x128xf32, #tpu.memory_space<vmem_shared>> -> memref<40x128xf32, #tpu.memory_space<vmem_shared>>
        tpu.wait_dma2 semaphore(%run_scoped3A : memref<!tpu.dma_semaphore, #tpu.memory_space<semaphore_mem>>) src(%arg8 : memref<40x128xf32, #tpu.memory_space<vmem>>) dst(%dma_wait3A_172 : memref<40x128xf32, #tpu.memory_space<vmem_shared>>)
        tpu.yield
      }) : () -> ()
      %add3A_157 = arith.constant 480 : i32
      %add3A_158 = arith.addi %select_n3A, %add3A_157 : i32
      "tpu.region"() ({
        %run_scoped3A = tpu.sem_alloc : memref<!tpu.dma_semaphore, #tpu.memory_space<semaphore_mem>>
        %dma_start3A_165 = arith.constant 0 : i32
        %dma_start3A_166 = tpu.memref_slice %arg13[%add3A_158, %dma_start3A_165] : memref<10000x128xf32, #tpu.memory_space<vmem_shared>> -> memref<40x128xf32, #tpu.memory_space<vmem_shared>>
        %dma_start3A_167 = arith.constant 0 : i32
        %dma_start3A_168 = tpu.memref_slice %arg13[%add3A_158, %dma_start3A_167] : memref<10000x128xf32, #tpu.memory_space<vmem_shared>> -> memref<40x128xf32, #tpu.memory_space<vmem_shared>>
        tpu.enqueue_dma source(%arg8 : memref<40x128xf32, #tpu.memory_space<vmem>>) target(%dma_start3A_168 : memref<40x128xf32, #tpu.memory_space<vmem_shared>>) target_semaphore(%run_scoped3A : memref<!tpu.dma_semaphore, #tpu.memory_space<semaphore_mem>>)
        %dma_wait3A_169 = arith.constant 0 : i32
        %dma_wait3A_170 = tpu.memref_slice %arg13[%add3A_158, %dma_wait3A_169] : memref<10000x128xf32, #tpu.memory_space<vmem_shared>> -> memref<40x128xf32, #tpu.memory_space<vmem_shared>>
        %dma_wait3A_171 = arith.constant 0 : i32
        %dma_wait3A_172 = tpu.memref_slice %arg13[%add3A_158, %dma_wait3A_171] : memref<10000x128xf32, #tpu.memory_space<vmem_shared>> -> memref<40x128xf32, #tpu.memory_space<vmem_shared>>
        tpu.wait_dma2 semaphore(%run_scoped3A : memref<!tpu.dma_semaphore, #tpu.memory_space<semaphore_mem>>) src(%arg8 : memref<40x128xf32, #tpu.memory_space<vmem>>) dst(%dma_wait3A_172 : memref<40x128xf32, #tpu.memory_space<vmem_shared>>)
        tpu.yield
      }) : () -> ()
      %add3A_159 = arith.constant 520 : i32
      %add3A_160 = arith.addi %select_n3A, %add3A_159 : i32
      "tpu.region"() ({
        %run_scoped3A = tpu.sem_alloc : memref<!tpu.dma_semaphore, #tpu.memory_space<semaphore_mem>>
        %dma_start3A_165 = arith.constant 0 : i32
        %dma_start3A_166 = tpu.memref_slice %arg13[%add3A_160, %dma_start3A_165] : memref<10000x128xf32, #tpu.memory_space<vmem_shared>> -> memref<40x128xf32, #tpu.memory_space<vmem_shared>>
        %dma_start3A_167 = arith.constant 0 : i32
        %dma_start3A_168 = tpu.memref_slice %arg13[%add3A_160, %dma_start3A_167] : memref<10000x128xf32, #tpu.memory_space<vmem_shared>> -> memref<40x128xf32, #tpu.memory_space<vmem_shared>>
        tpu.enqueue_dma source(%arg8 : memref<40x128xf32, #tpu.memory_space<vmem>>) target(%dma_start3A_168 : memref<40x128xf32, #tpu.memory_space<vmem_shared>>) target_semaphore(%run_scoped3A : memref<!tpu.dma_semaphore, #tpu.memory_space<semaphore_mem>>)
        %dma_wait3A_169 = arith.constant 0 : i32
        %dma_wait3A_170 = tpu.memref_slice %arg13[%add3A_160, %dma_wait3A_169] : memref<10000x128xf32, #tpu.memory_space<vmem_shared>> -> memref<40x128xf32, #tpu.memory_space<vmem_shared>>
        %dma_wait3A_171 = arith.constant 0 : i32
        %dma_wait3A_172 = tpu.memref_slice %arg13[%add3A_160, %dma_wait3A_171] : memref<10000x128xf32, #tpu.memory_space<vmem_shared>> -> memref<40x128xf32, #tpu.memory_space<vmem_shared>>
        tpu.wait_dma2 semaphore(%run_scoped3A : memref<!tpu.dma_semaphore, #tpu.memory_space<semaphore_mem>>) src(%arg8 : memref<40x128xf32, #tpu.memory_space<vmem>>) dst(%dma_wait3A_172 : memref<40x128xf32, #tpu.memory_space<vmem_shared>>)
        tpu.yield
      }) : () -> ()
      %add3A_161 = arith.constant 560 : i32
      %add3A_162 = arith.addi %select_n3A, %add3A_161 : i32
      "tpu.region"() ({
        %run_scoped3A = tpu.sem_alloc : memref<!tpu.dma_semaphore, #tpu.memory_space<semaphore_mem>>
        %dma_start3A_165 = arith.constant 0 : i32
        %dma_start3A_166 = tpu.memref_slice %arg13[%add3A_162, %dma_start3A_165] : memref<10000x128xf32, #tpu.memory_space<vmem_shared>> -> memref<40x128xf32, #tpu.memory_space<vmem_shared>>
        %dma_start3A_167 = arith.constant 0 : i32
        %dma_start3A_168 = tpu.memref_slice %arg13[%add3A_162, %dma_start3A_167] : memref<10000x128xf32, #tpu.memory_space<vmem_shared>> -> memref<40x128xf32, #tpu.memory_space<vmem_shared>>
        tpu.enqueue_dma source(%arg8 : memref<40x128xf32, #tpu.memory_space<vmem>>) target(%dma_start3A_168 : memref<40x128xf32, #tpu.memory_space<vmem_shared>>) target_semaphore(%run_scoped3A : memref<!tpu.dma_semaphore, #tpu.memory_space<semaphore_mem>>)
        %dma_wait3A_169 = arith.constant 0 : i32
        %dma_wait3A_170 = tpu.memref_slice %arg13[%add3A_162, %dma_wait3A_169] : memref<10000x128xf32, #tpu.memory_space<vmem_shared>> -> memref<40x128xf32, #tpu.memory_space<vmem_shared>>
        %dma_wait3A_171 = arith.constant 0 : i32
        %dma_wait3A_172 = tpu.memref_slice %arg13[%add3A_162, %dma_wait3A_171] : memref<10000x128xf32, #tpu.memory_space<vmem_shared>> -> memref<40x128xf32, #tpu.memory_space<vmem_shared>>
        tpu.wait_dma2 semaphore(%run_scoped3A : memref<!tpu.dma_semaphore, #tpu.memory_space<semaphore_mem>>) src(%arg8 : memref<40x128xf32, #tpu.memory_space<vmem>>) dst(%dma_wait3A_172 : memref<40x128xf32, #tpu.memory_space<vmem_shared>>)
        tpu.yield
      }) : () -> ()
      %add3A_163 = arith.constant 600 : i32
      %add3A_164 = arith.addi %select_n3A, %add3A_163 : i32
      "tpu.region"() ({
        %run_scoped3A = tpu.sem_alloc : memref<!tpu.dma_semaphore, #tpu.memory_space<semaphore_mem>>
        %dma_start3A_165 = arith.constant 0 : i32
        %dma_start3A_166 = arith.constant 0 : i32
        %dma_start3A_167 = tpu.memref_slice %arg8[%dma_start3A_165, %dma_start3A_166] : memref<40x128xf32, #tpu.memory_space<vmem>> -> memref<32x128xf32, #tpu.memory_space<vmem>>
        %dma_start3A_168 = arith.constant 0 : i32
        %dma_start3A_169 = tpu.memref_slice %arg13[%add3A_164, %dma_start3A_168] : memref<10000x128xf32, #tpu.memory_space<vmem_shared>> -> memref<32x128xf32, #tpu.memory_space<vmem_shared>>
        %dma_start3A_170 = arith.constant 0 : i32
        %dma_start3A_171 = tpu.memref_slice %arg13[%add3A_164, %dma_start3A_170] : memref<10000x128xf32, #tpu.memory_space<vmem_shared>> -> memref<32x128xf32, #tpu.memory_space<vmem_shared>>
        %dma_start3A_172 = arith.constant 0 : i32
        %dma_start3A_173 = arith.constant 0 : i32
        %dma_start3A_174 = tpu.memref_slice %arg8[%dma_start3A_172, %dma_start3A_173] : memref<40x128xf32, #tpu.memory_space<vmem>> -> memref<32x128xf32, #tpu.memory_space<vmem>>
        tpu.enqueue_dma source(%dma_start3A_174 : memref<32x128xf32, #tpu.memory_space<vmem>>) target(%dma_start3A_171 : memref<32x128xf32, #tpu.memory_space<vmem_shared>>) target_semaphore(%run_scoped3A : memref<!tpu.dma_semaphore, #tpu.memory_space<semaphore_mem>>)
        %dma_wait3A_175 = arith.constant 0 : i32
        %dma_wait3A_176 = arith.constant 0 : i32
        %dma_wait3A_177 = tpu.memref_slice %arg8[%dma_wait3A_175, %dma_wait3A_176] : memref<40x128xf32, #tpu.memory_space<vmem>> -> memref<32x128xf32, #tpu.memory_space<vmem>>
        %dma_wait3A_178 = arith.constant 0 : i32
        %dma_wait3A_179 = tpu.memref_slice %arg13[%add3A_164, %dma_wait3A_178] : memref<10000x128xf32, #tpu.memory_space<vmem_shared>> -> memref<32x128xf32, #tpu.memory_space<vmem_shared>>
        %dma_wait3A_180 = arith.constant 0 : i32
        %dma_wait3A_181 = tpu.memref_slice %arg13[%add3A_164, %dma_wait3A_180] : memref<10000x128xf32, #tpu.memory_space<vmem_shared>> -> memref<32x128xf32, #tpu.memory_space<vmem_shared>>
        %dma_wait3A_182 = arith.constant 0 : i32
        %dma_wait3A_183 = arith.constant 0 : i32
        %dma_wait3A_184 = tpu.memref_slice %arg8[%dma_wait3A_182, %dma_wait3A_183] : memref<40x128xf32, #tpu.memory_space<vmem>> -> memref<32x128xf32, #tpu.memory_space<vmem>>
        tpu.wait_dma2 semaphore(%run_scoped3A : memref<!tpu.dma_semaphore, #tpu.memory_space<semaphore_mem>>) src(%dma_wait3A_184 : memref<32x128xf32, #tpu.memory_space<vmem>>) dst(%dma_wait3A_181 : memref<32x128xf32, #tpu.memory_space<vmem_shared>>)
        tpu.yield
      }) : () -> ()
    } else {
    }
    %barrier3A = arith.constant 0 : index
    tpu.barrier barrier_id(%barrier3A)
    %dma_wait3A = arith.constant 0 : i32
    %dma_wait3A_37 = arith.constant 0 : i32
    %dma_wait3A_38 = tpu.memref_slice %arg3[%add3A, %dma_wait3A, %dma_wait3A_37] : memref<32x250x40xi32, #tpu.memory_space<hbm>> -> memref<1x250x40xi32, #tpu.memory_space<hbm>>
    %dma_wait3A_39 = tpu.memref_squeeze %dma_wait3A_38 : memref<1x250x40xi32, #tpu.memory_space<hbm>> -> memref<250x40xi32, #tpu.memory_space<hbm>>
    %dma_wait3A_40 = arith.constant 0 : i32
    %dma_wait3A_41 = arith.constant 0 : i32
    %dma_wait3A_42 = tpu.memref_slice %arg3[%add3A, %dma_wait3A_40, %dma_wait3A_41] : memref<32x250x40xi32, #tpu.memory_space<hbm>> -> memref<1x250x40xi32, #tpu.memory_space<hbm>>
    %dma_wait3A_43 = tpu.memref_squeeze %dma_wait3A_42 : memref<1x250x40xi32, #tpu.memory_space<hbm>> -> memref<250x40xi32, #tpu.memory_space<hbm>>
    tpu.wait_dma2 semaphore(%arg14 : memref<!tpu.dma_semaphore, #tpu.memory_space<semaphore_mem>>) src(%dma_wait3A_43 : memref<250x40xi32, #tpu.memory_space<hbm>>) dst(%arg6 : memref<250x40xi32, #tpu.memory_space<vmem>>)
    %dma_wait3A_44 = arith.constant 0 : i32
    %dma_wait3A_45 = arith.constant 0 : i32
    %dma_wait3A_46 = tpu.memref_slice %arg4[%add3A, %dma_wait3A_44, %dma_wait3A_45] : memref<32x250x40xi32, #tpu.memory_space<hbm>> -> memref<1x250x40xi32, #tpu.memory_space<hbm>>
    %dma_wait3A_47 = tpu.memref_squeeze %dma_wait3A_46 : memref<1x250x40xi32, #tpu.memory_space<hbm>> -> memref<250x40xi32, #tpu.memory_space<hbm>>
    %dma_wait3A_48 = arith.constant 0 : i32
    %dma_wait3A_49 = arith.constant 0 : i32
    %dma_wait3A_50 = tpu.memref_slice %arg4[%add3A, %dma_wait3A_48, %dma_wait3A_49] : memref<32x250x40xi32, #tpu.memory_space<hbm>> -> memref<1x250x40xi32, #tpu.memory_space<hbm>>
    %dma_wait3A_51 = tpu.memref_squeeze %dma_wait3A_50 : memref<1x250x40xi32, #tpu.memory_space<hbm>> -> memref<250x40xi32, #tpu.memory_space<hbm>>
    tpu.wait_dma2 semaphore(%arg15 : memref<!tpu.dma_semaphore, #tpu.memory_space<semaphore_mem>>) src(%dma_wait3A_51 : memref<250x40xi32, #tpu.memory_space<hbm>>) dst(%arg7 : memref<250x40xi32, #tpu.memory_space<vmem>>)
    %dma_start3A_52 = arith.constant 0 : i32
    %dma_start3A_53 = arith.constant 0 : i32
    %dma_start3A_54 = tpu.memref_slice %arg6[%dma_start3A_52, %dma_start3A_53] : memref<250x40xi32, #tpu.memory_space<vmem>> -> memref<1x40xi32, #tpu.memory_space<vmem>>
    %dma_start3A_55 = tpu.memref_squeeze %dma_start3A_54 : memref<1x40xi32, #tpu.memory_space<vmem>> -> memref<40xi32, #tpu.memory_space<vmem>>
    %dma_start3A_56 = arith.constant 0 : i32
    %dma_start3A_57 = arith.constant 0 : i32
    %dma_start3A_58 = tpu.memref_slice %arg2[%dma_start3A_56, %dma_start3A_57] : memref<10000x128xf32, #tpu.memory_space<hbm>> -> memref<10000x128xf32, #tpu.memory_space<hbm>>
    tpu.enqueue_indirect_dma source(%dma_start3A_58 : memref<10000x128xf32, #tpu.memory_space<hbm>>) target(%arg8 : memref<40x128xf32, #tpu.memory_space<vmem>>) offsets(%dma_start3A_55 : memref<40xi32, #tpu.memory_space<vmem>>) semaphore(%arg14 : memref<!tpu.dma_semaphore, #tpu.memory_space<semaphore_mem>>)
    %dma_start3A_59 = arith.constant 1 : i32
    %dma_start3A_60 = arith.constant 0 : i32
    %dma_start3A_61 = tpu.memref_slice %arg6[%dma_start3A_59, %dma_start3A_60] : memref<250x40xi32, #tpu.memory_space<vmem>> -> memref<1x40xi32, #tpu.memory_space<vmem>>
    %dma_start3A_62 = tpu.memref_squeeze %dma_start3A_61 : memref<1x40xi32, #tpu.memory_space<vmem>> -> memref<40xi32, #tpu.memory_space<vmem>>
    %dma_start3A_63 = arith.constant 0 : i32
    %dma_start3A_64 = arith.constant 0 : i32
    %dma_start3A_65 = tpu.memref_slice %arg2[%dma_start3A_63, %dma_start3A_64] : memref<10000x128xf32, #tpu.memory_space<hbm>> -> memref<10000x128xf32, #tpu.memory_space<hbm>>
    tpu.enqueue_indirect_dma source(%dma_start3A_65 : memref<10000x128xf32, #tpu.memory_space<hbm>>) target(%arg9 : memref<40x128xf32, #tpu.memory_space<vmem>>) offsets(%dma_start3A_62 : memref<40xi32, #tpu.memory_space<vmem>>) semaphore(%arg15 : memref<!tpu.dma_semaphore, #tpu.memory_space<semaphore_mem>>)
    %dma_start3A_66 = arith.constant 2 : i32
    %dma_start3A_67 = arith.constant 0 : i32
    %dma_start3A_68 = tpu.memref_slice %arg6[%dma_start3A_66, %dma_start3A_67] : memref<250x40xi32, #tpu.memory_space<vmem>> -> memref<1x40xi32, #tpu.memory_space<vmem>>
    %dma_start3A_69 = tpu.memref_squeeze %dma_start3A_68 : memref<1x40xi32, #tpu.memory_space<vmem>> -> memref<40xi32, #tpu.memory_space<vmem>>
    %dma_start3A_70 = arith.constant 0 : i32
    %dma_start3A_71 = arith.constant 0 : i32
    %dma_start3A_72 = tpu.memref_slice %arg2[%dma_start3A_70, %dma_start3A_71] : memref<10000x128xf32, #tpu.memory_space<hbm>> -> memref<10000x128xf32, #tpu.memory_space<hbm>>
    tpu.enqueue_indirect_dma source(%dma_start3A_72 : memref<10000x128xf32, #tpu.memory_space<hbm>>) target(%arg10 : memref<40x128xf32, #tpu.memory_space<vmem>>) offsets(%dma_start3A_69 : memref<40xi32, #tpu.memory_space<vmem>>) semaphore(%arg16 : memref<!tpu.dma_semaphore, #tpu.memory_space<semaphore_mem>>)
    %dma_start3A_73 = arith.constant 3 : i32
    %dma_start3A_74 = arith.constant 0 : i32
    %dma_start3A_75 = tpu.memref_slice %arg6[%dma_start3A_73, %dma_start3A_74] : memref<250x40xi32, #tpu.memory_space<vmem>> -> memref<1x40xi32, #tpu.memory_space<vmem>>
    %dma_start3A_76 = tpu.memref_squeeze %dma_start3A_75 : memref<1x40xi32, #tpu.memory_space<vmem>> -> memref<40xi32, #tpu.memory_space<vmem>>
    %dma_start3A_77 = arith.constant 0 : i32
    %dma_start3A_78 = arith.constant 0 : i32
    %dma_start3A_79 = tpu.memref_slice %arg2[%dma_start3A_77, %dma_start3A_78] : memref<10000x128xf32, #tpu.memory_space<hbm>> -> memref<10000x128xf32, #tpu.memory_space<hbm>>
    tpu.enqueue_indirect_dma source(%dma_start3A_79 : memref<10000x128xf32, #tpu.memory_space<hbm>>) target(%arg11 : memref<40x128xf32, #tpu.memory_space<vmem>>) offsets(%dma_start3A_76 : memref<40xi32, #tpu.memory_space<vmem>>) semaphore(%arg17 : memref<!tpu.dma_semaphore, #tpu.memory_space<semaphore_mem>>)
    %scan3A_80 = arith.constant 0 : i32
    %scan3A_81 = arith.constant 0 : i32
    %scan3A_82 = arith.constant 50 : i32
    %scan3A_83 = arith.addi %scan3A_81, %scan3A_82 : i32
    %scan3A_84 = arith.constant 1 : i32
    %scan3A_85 = scf.for %scan3A_133 = %scan3A_81 to %scan3A_83 step %scan3A_84 iter_args(%scan3A_134 = %scan3A_80) -> (i32)  : i32 {
      %mul3A_135 = arith.constant 5 : i32
      %mul3A_136 = arith.muli %scan3A_133, %mul3A_135 : i32
      %add3A_137 = arith.constant 0 : i32
      %add3A_138 = arith.addi %mul3A_136, %add3A_137 : i32
      %dma_wait3A_139 = arith.constant 0 : i32
      %dma_wait3A_140 = tpu.memref_slice %arg6[%add3A_138, %dma_wait3A_139] : memref<250x40xi32, #tpu.memory_space<vmem>> -> memref<1x40xi32, #tpu.memory_space<vmem>>
      %dma_wait3A_141 = tpu.memref_squeeze %dma_wait3A_140 : memref<1x40xi32, #tpu.memory_space<vmem>> -> memref<40xi32, #tpu.memory_space<vmem>>
      %dma_wait3A_142 = arith.constant 0 : i32
      %dma_wait3A_143 = arith.constant 0 : i32
      %dma_wait3A_144 = tpu.memref_slice %arg2[%dma_wait3A_142, %dma_wait3A_143] : memref<10000x128xf32, #tpu.memory_space<hbm>> -> memref<10000x128xf32, #tpu.memory_space<hbm>>
      tpu.wait_indirect_dma semaphore(%arg14 : memref<!tpu.dma_semaphore, #tpu.memory_space<semaphore_mem>>) src(%dma_wait3A_144 : memref<10000x128xf32, #tpu.memory_space<hbm>>) dst(%arg8 : memref<40x128xf32, #tpu.memory_space<vmem>>)
      %dma_start3A_145 = arith.constant 0 : i32
      %dma_start3A_146 = tpu.memref_slice %arg7[%add3A_138, %dma_start3A_145] : memref<250x40xi32, #tpu.memory_space<vmem>> -> memref<1x40xi32, #tpu.memory_space<vmem>>
      %dma_start3A_147 = tpu.memref_squeeze %dma_start3A_146 : memref<1x40xi32, #tpu.memory_space<vmem>> -> memref<40xi32, #tpu.memory_space<vmem>>
      %dma_start3A_148 = arith.constant 0 : i32
      %dma_start3A_149 = arith.constant 0 : i32
      %dma_start3A_150 = tpu.memref_slice %arg13[%dma_start3A_148, %dma_start3A_149] : memref<10000x128xf32, #tpu.memory_space<vmem_shared>> -> memref<10000x128xf32, #tpu.memory_space<vmem_shared>>
      tpu.enqueue_indirect_dma source(%arg8 : memref<40x128xf32, #tpu.memory_space<vmem>>) target(%dma_start3A_150 : memref<10000x128xf32, #tpu.memory_space<vmem_shared>>) offsets(%dma_start3A_147 : memref<40xi32, #tpu.memory_space<vmem>>) semaphore(%arg19 : memref<!tpu.dma_semaphore, #tpu.memory_space<semaphore_mem>>) {add = true}
      %le3A = arith.constant 245 : i32
      %le3A_151 = arith.cmpi sle, %add3A_138, %le3A : i32
      %convert_element_type3A_152 = arith.extui %le3A_151 : i1 to i32
      %cond3A_153 = arith.constant 0 : i32
      %cond3A_154 = arith.cmpi ne, %convert_element_type3A_152, %cond3A_153 : i32
      scf.if %cond3A_154 {
        %ge3A_240 = arith.constant 1 : i32
        %ge3A_241 = arith.cmpi sge, %add3A_138, %ge3A_240 : i32
        %convert_element_type3A_242 = arith.extui %ge3A_241 : i1 to i32
        %cond3A_243 = arith.constant 0 : i32
        %cond3A_244 = arith.cmpi ne, %convert_element_type3A_242, %cond3A_243 : i32
        scf.if %cond3A_244 {
          %dma_wait3A_255 = arith.constant 0 : i32
          %dma_wait3A_256 = arith.constant 0 : i32
          %dma_wait3A_257 = tpu.memref_slice %arg7[%dma_wait3A_255, %dma_wait3A_256] : memref<250x40xi32, #tpu.memory_space<vmem>> -> memref<1x40xi32, #tpu.memory_space<vmem>>
          %dma_wait3A_258 = tpu.memref_squeeze %dma_wait3A_257 : memref<1x40xi32, #tpu.memory_space<vmem>> -> memref<40xi32, #tpu.memory_space<vmem>>
          %dma_wait3A_259 = arith.constant 0 : i32
          %dma_wait3A_260 = arith.constant 0 : i32
          %dma_wait3A_261 = tpu.memref_slice %arg13[%dma_wait3A_259, %dma_wait3A_260] : memref<10000x128xf32, #tpu.memory_space<vmem_shared>> -> memref<10000x128xf32, #tpu.memory_space<vmem_shared>>
          tpu.wait_indirect_dma semaphore(%arg23 : memref<!tpu.dma_semaphore, #tpu.memory_space<semaphore_mem>>) src(%arg12 : memref<40x128xf32, #tpu.memory_space<vmem>>) dst(%dma_wait3A_261 : memref<10000x128xf32, #tpu.memory_space<vmem_shared>>)
        } else {
        }
        %add3A_245 = arith.constant 5 : i32
        %add3A_246 = arith.addi %add3A_138, %add3A_245 : i32
        %sub3A_247 = arith.constant 1 : i32
        %sub3A_248 = arith.subi %add3A_246, %sub3A_247 : i32
        %dma_start3A_249 = arith.constant 0 : i32
        %dma_start3A_250 = tpu.memref_slice %arg6[%sub3A_248, %dma_start3A_249] : memref<250x40xi32, #tpu.memory_space<vmem>> -> memref<1x40xi32, #tpu.memory_space<vmem>>
        %dma_start3A_251 = tpu.memref_squeeze %dma_start3A_250 : memref<1x40xi32, #tpu.memory_space<vmem>> -> memref<40xi32, #tpu.memory_space<vmem>>
        %dma_start3A_252 = arith.constant 0 : i32
        %dma_start3A_253 = arith.constant 0 : i32
        %dma_start3A_254 = tpu.memref_slice %arg2[%dma_start3A_252, %dma_start3A_253] : memref<10000x128xf32, #tpu.memory_space<hbm>> -> memref<10000x128xf32, #tpu.memory_space<hbm>>
        tpu.enqueue_indirect_dma source(%dma_start3A_254 : memref<10000x128xf32, #tpu.memory_space<hbm>>) target(%arg12 : memref<40x128xf32, #tpu.memory_space<vmem>>) offsets(%dma_start3A_251 : memref<40xi32, #tpu.memory_space<vmem>>) semaphore(%arg18 : memref<!tpu.dma_semaphore, #tpu.memory_space<semaphore_mem>>)
      } else {
      }
      %mul3A_155 = arith.constant 5 : i32
      %mul3A_156 = arith.muli %scan3A_133, %mul3A_155 : i32
      %add3A_157 = arith.constant 1 : i32
      %add3A_158 = arith.addi %mul3A_156, %add3A_157 : i32
      %dma_wait3A_159 = arith.constant 0 : i32
      %dma_wait3A_160 = tpu.memref_slice %arg6[%add3A_158, %dma_wait3A_159] : memref<250x40xi32, #tpu.memory_space<vmem>> -> memref<1x40xi32, #tpu.memory_space<vmem>>
      %dma_wait3A_161 = tpu.memref_squeeze %dma_wait3A_160 : memref<1x40xi32, #tpu.memory_space<vmem>> -> memref<40xi32, #tpu.memory_space<vmem>>
      %dma_wait3A_162 = arith.constant 0 : i32
      %dma_wait3A_163 = arith.constant 0 : i32
      %dma_wait3A_164 = tpu.memref_slice %arg2[%dma_wait3A_162, %dma_wait3A_163] : memref<10000x128xf32, #tpu.memory_space<hbm>> -> memref<10000x128xf32, #tpu.memory_space<hbm>>
      tpu.wait_indirect_dma semaphore(%arg15 : memref<!tpu.dma_semaphore, #tpu.memory_space<semaphore_mem>>) src(%dma_wait3A_164 : memref<10000x128xf32, #tpu.memory_space<hbm>>) dst(%arg9 : memref<40x128xf32, #tpu.memory_space<vmem>>)
      %dma_start3A_165 = arith.constant 0 : i32
      %dma_start3A_166 = tpu.memref_slice %arg7[%add3A_158, %dma_start3A_165] : memref<250x40xi32, #tpu.memory_space<vmem>> -> memref<1x40xi32, #tpu.memory_space<vmem>>
      %dma_start3A_167 = tpu.memref_squeeze %dma_start3A_166 : memref<1x40xi32, #tpu.memory_space<vmem>> -> memref<40xi32, #tpu.memory_space<vmem>>
      %dma_start3A_168 = arith.constant 0 : i32
      %dma_start3A_169 = arith.constant 0 : i32
      %dma_start3A_170 = tpu.memref_slice %arg13[%dma_start3A_168, %dma_start3A_169] : memref<10000x128xf32, #tpu.memory_space<vmem_shared>> -> memref<10000x128xf32, #tpu.memory_space<vmem_shared>>
      tpu.enqueue_indirect_dma source(%arg9 : memref<40x128xf32, #tpu.memory_space<vmem>>) target(%dma_start3A_170 : memref<10000x128xf32, #tpu.memory_space<vmem_shared>>) offsets(%dma_start3A_167 : memref<40xi32, #tpu.memory_space<vmem>>) semaphore(%arg20 : memref<!tpu.dma_semaphore, #tpu.memory_space<semaphore_mem>>) {add = true}
      %le3A_171 = arith.constant 245 : i32
      %le3A_172 = arith.cmpi sle, %add3A_158, %le3A_171 : i32
      %convert_element_type3A_173 = arith.extui %le3A_172 : i1 to i32
      %cond3A_174 = arith.constant 0 : i32
      %cond3A_175 = arith.cmpi ne, %convert_element_type3A_173, %cond3A_174 : i32
      scf.if %cond3A_175 {
        %ge3A_240 = arith.constant 1 : i32
        %ge3A_241 = arith.cmpi sge, %add3A_158, %ge3A_240 : i32
        %convert_element_type3A_242 = arith.extui %ge3A_241 : i1 to i32
        %cond3A_243 = arith.constant 0 : i32
        %cond3A_244 = arith.cmpi ne, %convert_element_type3A_242, %cond3A_243 : i32
        scf.if %cond3A_244 {
          %dma_wait3A_255 = arith.constant 0 : i32
          %dma_wait3A_256 = arith.constant 0 : i32
          %dma_wait3A_257 = tpu.memref_slice %arg7[%dma_wait3A_255, %dma_wait3A_256] : memref<250x40xi32, #tpu.memory_space<vmem>> -> memref<1x40xi32, #tpu.memory_space<vmem>>
          %dma_wait3A_258 = tpu.memref_squeeze %dma_wait3A_257 : memref<1x40xi32, #tpu.memory_space<vmem>> -> memref<40xi32, #tpu.memory_space<vmem>>
          %dma_wait3A_259 = arith.constant 0 : i32
          %dma_wait3A_260 = arith.constant 0 : i32
          %dma_wait3A_261 = tpu.memref_slice %arg13[%dma_wait3A_259, %dma_wait3A_260] : memref<10000x128xf32, #tpu.memory_space<vmem_shared>> -> memref<10000x128xf32, #tpu.memory_space<vmem_shared>>
          tpu.wait_indirect_dma semaphore(%arg19 : memref<!tpu.dma_semaphore, #tpu.memory_space<semaphore_mem>>) src(%arg8 : memref<40x128xf32, #tpu.memory_space<vmem>>) dst(%dma_wait3A_261 : memref<10000x128xf32, #tpu.memory_space<vmem_shared>>)
        } else {
        }
        %add3A_245 = arith.constant 5 : i32
        %add3A_246 = arith.addi %add3A_158, %add3A_245 : i32
        %sub3A_247 = arith.constant 1 : i32
        %sub3A_248 = arith.subi %add3A_246, %sub3A_247 : i32
        %dma_start3A_249 = arith.constant 0 : i32
        %dma_start3A_250 = tpu.memref_slice %arg6[%sub3A_248, %dma_start3A_249] : memref<250x40xi32, #tpu.memory_space<vmem>> -> memref<1x40xi32, #tpu.memory_space<vmem>>
        %dma_start3A_251 = tpu.memref_squeeze %dma_start3A_250 : memref<1x40xi32, #tpu.memory_space<vmem>> -> memref<40xi32, #tpu.memory_space<vmem>>
        %dma_start3A_252 = arith.constant 0 : i32
        %dma_start3A_253 = arith.constant 0 : i32
        %dma_start3A_254 = tpu.memref_slice %arg2[%dma_start3A_252, %dma_start3A_253] : memref<10000x128xf32, #tpu.memory_space<hbm>> -> memref<10000x128xf32, #tpu.memory_space<hbm>>
        tpu.enqueue_indirect_dma source(%dma_start3A_254 : memref<10000x128xf32, #tpu.memory_space<hbm>>) target(%arg8 : memref<40x128xf32, #tpu.memory_space<vmem>>) offsets(%dma_start3A_251 : memref<40xi32, #tpu.memory_space<vmem>>) semaphore(%arg14 : memref<!tpu.dma_semaphore, #tpu.memory_space<semaphore_mem>>)
      } else {
      }
      %mul3A_176 = arith.constant 5 : i32
      %mul3A_177 = arith.muli %scan3A_133, %mul3A_176 : i32
      %add3A_178 = arith.constant 2 : i32
      %add3A_179 = arith.addi %mul3A_177, %add3A_178 : i32
      %dma_wait3A_180 = arith.constant 0 : i32
      %dma_wait3A_181 = tpu.memref_slice %arg6[%add3A_179, %dma_wait3A_180] : memref<250x40xi32, #tpu.memory_space<vmem>> -> memref<1x40xi32, #tpu.memory_space<vmem>>
      %dma_wait3A_182 = tpu.memref_squeeze %dma_wait3A_181 : memref<1x40xi32, #tpu.memory_space<vmem>> -> memref<40xi32, #tpu.memory_space<vmem>>
      %dma_wait3A_183 = arith.constant 0 : i32
      %dma_wait3A_184 = arith.constant 0 : i32
      %dma_wait3A_185 = tpu.memref_slice %arg2[%dma_wait3A_183, %dma_wait3A_184] : memref<10000x128xf32, #tpu.memory_space<hbm>> -> memref<10000x128xf32, #tpu.memory_space<hbm>>
      tpu.wait_indirect_dma semaphore(%arg16 : memref<!tpu.dma_semaphore, #tpu.memory_space<semaphore_mem>>) src(%dma_wait3A_185 : memref<10000x128xf32, #tpu.memory_space<hbm>>) dst(%arg10 : memref<40x128xf32, #tpu.memory_space<vmem>>)
      %dma_start3A_186 = arith.constant 0 : i32
      %dma_start3A_187 = tpu.memref_slice %arg7[%add3A_179, %dma_start3A_186] : memref<250x40xi32, #tpu.memory_space<vmem>> -> memref<1x40xi32, #tpu.memory_space<vmem>>
      %dma_start3A_188 = tpu.memref_squeeze %dma_start3A_187 : memref<1x40xi32, #tpu.memory_space<vmem>> -> memref<40xi32, #tpu.memory_space<vmem>>
      %dma_start3A_189 = arith.constant 0 : i32
      %dma_start3A_190 = arith.constant 0 : i32
      %dma_start3A_191 = tpu.memref_slice %arg13[%dma_start3A_189, %dma_start3A_190] : memref<10000x128xf32, #tpu.memory_space<vmem_shared>> -> memref<10000x128xf32, #tpu.memory_space<vmem_shared>>
      tpu.enqueue_indirect_dma source(%arg10 : memref<40x128xf32, #tpu.memory_space<vmem>>) target(%dma_start3A_191 : memref<10000x128xf32, #tpu.memory_space<vmem_shared>>) offsets(%dma_start3A_188 : memref<40xi32, #tpu.memory_space<vmem>>) semaphore(%arg21 : memref<!tpu.dma_semaphore, #tpu.memory_space<semaphore_mem>>) {add = true}
      %le3A_192 = arith.constant 245 : i32
      %le3A_193 = arith.cmpi sle, %add3A_179, %le3A_192 : i32
      %convert_element_type3A_194 = arith.extui %le3A_193 : i1 to i32
      %cond3A_195 = arith.constant 0 : i32
      %cond3A_196 = arith.cmpi ne, %convert_element_type3A_194, %cond3A_195 : i32
      scf.if %cond3A_196 {
        %ge3A_240 = arith.constant 1 : i32
        %ge3A_241 = arith.cmpi sge, %add3A_179, %ge3A_240 : i32
        %convert_element_type3A_242 = arith.extui %ge3A_241 : i1 to i32
        %cond3A_243 = arith.constant 0 : i32
        %cond3A_244 = arith.cmpi ne, %convert_element_type3A_242, %cond3A_243 : i32
        scf.if %cond3A_244 {
          %dma_wait3A_255 = arith.constant 0 : i32
          %dma_wait3A_256 = arith.constant 0 : i32
          %dma_wait3A_257 = tpu.memref_slice %arg7[%dma_wait3A_255, %dma_wait3A_256] : memref<250x40xi32, #tpu.memory_space<vmem>> -> memref<1x40xi32, #tpu.memory_space<vmem>>
          %dma_wait3A_258 = tpu.memref_squeeze %dma_wait3A_257 : memref<1x40xi32, #tpu.memory_space<vmem>> -> memref<40xi32, #tpu.memory_space<vmem>>
          %dma_wait3A_259 = arith.constant 0 : i32
          %dma_wait3A_260 = arith.constant 0 : i32
          %dma_wait3A_261 = tpu.memref_slice %arg13[%dma_wait3A_259, %dma_wait3A_260] : memref<10000x128xf32, #tpu.memory_space<vmem_shared>> -> memref<10000x128xf32, #tpu.memory_space<vmem_shared>>
          tpu.wait_indirect_dma semaphore(%arg20 : memref<!tpu.dma_semaphore, #tpu.memory_space<semaphore_mem>>) src(%arg9 : memref<40x128xf32, #tpu.memory_space<vmem>>) dst(%dma_wait3A_261 : memref<10000x128xf32, #tpu.memory_space<vmem_shared>>)
        } else {
        }
        %add3A_245 = arith.constant 5 : i32
        %add3A_246 = arith.addi %add3A_179, %add3A_245 : i32
        %sub3A_247 = arith.constant 1 : i32
        %sub3A_248 = arith.subi %add3A_246, %sub3A_247 : i32
        %dma_start3A_249 = arith.constant 0 : i32
        %dma_start3A_250 = tpu.memref_slice %arg6[%sub3A_248, %dma_start3A_249] : memref<250x40xi32, #tpu.memory_space<vmem>> -> memref<1x40xi32, #tpu.memory_space<vmem>>
        %dma_start3A_251 = tpu.memref_squeeze %dma_start3A_250 : memref<1x40xi32, #tpu.memory_space<vmem>> -> memref<40xi32, #tpu.memory_space<vmem>>
        %dma_start3A_252 = arith.constant 0 : i32
        %dma_start3A_253 = arith.constant 0 : i32
        %dma_start3A_254 = tpu.memref_slice %arg2[%dma_start3A_252, %dma_start3A_253] : memref<10000x128xf32, #tpu.memory_space<hbm>> -> memref<10000x128xf32, #tpu.memory_space<hbm>>
        tpu.enqueue_indirect_dma source(%dma_start3A_254 : memref<10000x128xf32, #tpu.memory_space<hbm>>) target(%arg9 : memref<40x128xf32, #tpu.memory_space<vmem>>) offsets(%dma_start3A_251 : memref<40xi32, #tpu.memory_space<vmem>>) semaphore(%arg15 : memref<!tpu.dma_semaphore, #tpu.memory_space<semaphore_mem>>)
      } else {
      }
      %mul3A_197 = arith.constant 5 : i32
      %mul3A_198 = arith.muli %scan3A_133, %mul3A_197 : i32
      %add3A_199 = arith.constant 3 : i32
      %add3A_200 = arith.addi %mul3A_198, %add3A_199 : i32
      %dma_wait3A_201 = arith.constant 0 : i32
      %dma_wait3A_202 = tpu.memref_slice %arg6[%add3A_200, %dma_wait3A_201] : memref<250x40xi32, #tpu.memory_space<vmem>> -> memref<1x40xi32, #tpu.memory_space<vmem>>
      %dma_wait3A_203 = tpu.memref_squeeze %dma_wait3A_202 : memref<1x40xi32, #tpu.memory_space<vmem>> -> memref<40xi32, #tpu.memory_space<vmem>>
      %dma_wait3A_204 = arith.constant 0 : i32
      %dma_wait3A_205 = arith.constant 0 : i32
      %dma_wait3A_206 = tpu.memref_slice %arg2[%dma_wait3A_204, %dma_wait3A_205] : memref<10000x128xf32, #tpu.memory_space<hbm>> -> memref<10000x128xf32, #tpu.memory_space<hbm>>
      tpu.wait_indirect_dma semaphore(%arg17 : memref<!tpu.dma_semaphore, #tpu.memory_space<semaphore_mem>>) src(%dma_wait3A_206 : memref<10000x128xf32, #tpu.memory_space<hbm>>) dst(%arg11 : memref<40x128xf32, #tpu.memory_space<vmem>>)
      %dma_start3A_207 = arith.constant 0 : i32
      %dma_start3A_208 = tpu.memref_slice %arg7[%add3A_200, %dma_start3A_207] : memref<250x40xi32, #tpu.memory_space<vmem>> -> memref<1x40xi32, #tpu.memory_space<vmem>>
      %dma_start3A_209 = tpu.memref_squeeze %dma_start3A_208 : memref<1x40xi32, #tpu.memory_space<vmem>> -> memref<40xi32, #tpu.memory_space<vmem>>
      %dma_start3A_210 = arith.constant 0 : i32
      %dma_start3A_211 = arith.constant 0 : i32
      %dma_start3A_212 = tpu.memref_slice %arg13[%dma_start3A_210, %dma_start3A_211] : memref<10000x128xf32, #tpu.memory_space<vmem_shared>> -> memref<10000x128xf32, #tpu.memory_space<vmem_shared>>
      tpu.enqueue_indirect_dma source(%arg11 : memref<40x128xf32, #tpu.memory_space<vmem>>) target(%dma_start3A_212 : memref<10000x128xf32, #tpu.memory_space<vmem_shared>>) offsets(%dma_start3A_209 : memref<40xi32, #tpu.memory_space<vmem>>) semaphore(%arg22 : memref<!tpu.dma_semaphore, #tpu.memory_space<semaphore_mem>>) {add = true}
      %le3A_213 = arith.constant 245 : i32
      %le3A_214 = arith.cmpi sle, %add3A_200, %le3A_213 : i32
      %convert_element_type3A_215 = arith.extui %le3A_214 : i1 to i32
      %cond3A_216 = arith.constant 0 : i32
      %cond3A_217 = arith.cmpi ne, %convert_element_type3A_215, %cond3A_216 : i32
      scf.if %cond3A_217 {
        %ge3A_240 = arith.constant 1 : i32
        %ge3A_241 = arith.cmpi sge, %add3A_200, %ge3A_240 : i32
        %convert_element_type3A_242 = arith.extui %ge3A_241 : i1 to i32
        %cond3A_243 = arith.constant 0 : i32
        %cond3A_244 = arith.cmpi ne, %convert_element_type3A_242, %cond3A_243 : i32
        scf.if %cond3A_244 {
          %dma_wait3A_255 = arith.constant 0 : i32
          %dma_wait3A_256 = arith.constant 0 : i32
          %dma_wait3A_257 = tpu.memref_slice %arg7[%dma_wait3A_255, %dma_wait3A_256] : memref<250x40xi32, #tpu.memory_space<vmem>> -> memref<1x40xi32, #tpu.memory_space<vmem>>
          %dma_wait3A_258 = tpu.memref_squeeze %dma_wait3A_257 : memref<1x40xi32, #tpu.memory_space<vmem>> -> memref<40xi32, #tpu.memory_space<vmem>>
          %dma_wait3A_259 = arith.constant 0 : i32
          %dma_wait3A_260 = arith.constant 0 : i32
          %dma_wait3A_261 = tpu.memref_slice %arg13[%dma_wait3A_259, %dma_wait3A_260] : memref<10000x128xf32, #tpu.memory_space<vmem_shared>> -> memref<10000x128xf32, #tpu.memory_space<vmem_shared>>
          tpu.wait_indirect_dma semaphore(%arg21 : memref<!tpu.dma_semaphore, #tpu.memory_space<semaphore_mem>>) src(%arg10 : memref<40x128xf32, #tpu.memory_space<vmem>>) dst(%dma_wait3A_261 : memref<10000x128xf32, #tpu.memory_space<vmem_shared>>)
        } else {
        }
        %add3A_245 = arith.constant 5 : i32
        %add3A_246 = arith.addi %add3A_200, %add3A_245 : i32
        %sub3A_247 = arith.constant 1 : i32
        %sub3A_248 = arith.subi %add3A_246, %sub3A_247 : i32
        %dma_start3A_249 = arith.constant 0 : i32
        %dma_start3A_250 = tpu.memref_slice %arg6[%sub3A_248, %dma_start3A_249] : memref<250x40xi32, #tpu.memory_space<vmem>> -> memref<1x40xi32, #tpu.memory_space<vmem>>
        %dma_start3A_251 = tpu.memref_squeeze %dma_start3A_250 : memref<1x40xi32, #tpu.memory_space<vmem>> -> memref<40xi32, #tpu.memory_space<vmem>>
        %dma_start3A_252 = arith.constant 0 : i32
        %dma_start3A_253 = arith.constant 0 : i32
        %dma_start3A_254 = tpu.memref_slice %arg2[%dma_start3A_252, %dma_start3A_253] : memref<10000x128xf32, #tpu.memory_space<hbm>> -> memref<10000x128xf32, #tpu.memory_space<hbm>>
        tpu.enqueue_indirect_dma source(%dma_start3A_254 : memref<10000x128xf32, #tpu.memory_space<hbm>>) target(%arg10 : memref<40x128xf32, #tpu.memory_space<vmem>>) offsets(%dma_start3A_251 : memref<40xi32, #tpu.memory_space<vmem>>) semaphore(%arg16 : memref<!tpu.dma_semaphore, #tpu.memory_space<semaphore_mem>>)
      } else {
      }
      %mul3A_218 = arith.constant 5 : i32
      %mul3A_219 = arith.muli %scan3A_133, %mul3A_218 : i32
      %add3A_220 = arith.constant 4 : i32
      %add3A_221 = arith.addi %mul3A_219, %add3A_220 : i32
      %dma_wait3A_222 = arith.constant 0 : i32
      %dma_wait3A_223 = tpu.memref_slice %arg6[%add3A_221, %dma_wait3A_222] : memref<250x40xi32, #tpu.memory_space<vmem>> -> memref<1x40xi32, #tpu.memory_space<vmem>>
      %dma_wait3A_224 = tpu.memref_squeeze %dma_wait3A_223 : memref<1x40xi32, #tpu.memory_space<vmem>> -> memref<40xi32, #tpu.memory_space<vmem>>
      %dma_wait3A_225 = arith.constant 0 : i32
      %dma_wait3A_226 = arith.constant 0 : i32
      %dma_wait3A_227 = tpu.memref_slice %arg2[%dma_wait3A_225, %dma_wait3A_226] : memref<10000x128xf32, #tpu.memory_space<hbm>> -> memref<10000x128xf32, #tpu.memory_space<hbm>>
      tpu.wait_indirect_dma semaphore(%arg18 : memref<!tpu.dma_semaphore, #tpu.memory_space<semaphore_mem>>) src(%dma_wait3A_227 : memref<10000x128xf32, #tpu.memory_space<hbm>>) dst(%arg12 : memref<40x128xf32, #tpu.memory_space<vmem>>)
      %dma_start3A_228 = arith.constant 0 : i32
      %dma_start3A_229 = tpu.memref_slice %arg7[%add3A_221, %dma_start3A_228] : memref<250x40xi32, #tpu.memory_space<vmem>> -> memref<1x40xi32, #tpu.memory_space<vmem>>
      %dma_start3A_230 = tpu.memref_squeeze %dma_start3A_229 : memref<1x40xi32, #tpu.memory_space<vmem>> -> memref<40xi32, #tpu.memory_space<vmem>>
      %dma_start3A_231 = arith.constant 0 : i32
      %dma_start3A_232 = arith.constant 0 : i32
      %dma_start3A_233 = tpu.memref_slice %arg13[%dma_start3A_231, %dma_start3A_232] : memref<10000x128xf32, #tpu.memory_space<vmem_shared>> -> memref<10000x128xf32, #tpu.memory_space<vmem_shared>>
      tpu.enqueue_indirect_dma source(%arg12 : memref<40x128xf32, #tpu.memory_space<vmem>>) target(%dma_start3A_233 : memref<10000x128xf32, #tpu.memory_space<vmem_shared>>) offsets(%dma_start3A_230 : memref<40xi32, #tpu.memory_space<vmem>>) semaphore(%arg23 : memref<!tpu.dma_semaphore, #tpu.memory_space<semaphore_mem>>) {add = true}
      %le3A_234 = arith.constant 245 : i32
      %le3A_235 = arith.cmpi sle, %add3A_221, %le3A_234 : i32
      %convert_element_type3A_236 = arith.extui %le3A_235 : i1 to i32
      %cond3A_237 = arith.constant 0 : i32
      %cond3A_238 = arith.cmpi ne, %convert_element_type3A_236, %cond3A_237 : i32
      scf.if %cond3A_238 {
        %ge3A_240 = arith.constant 1 : i32
        %ge3A_241 = arith.cmpi sge, %add3A_221, %ge3A_240 : i32
        %convert_element_type3A_242 = arith.extui %ge3A_241 : i1 to i32
        %cond3A_243 = arith.constant 0 : i32
        %cond3A_244 = arith.cmpi ne, %convert_element_type3A_242, %cond3A_243 : i32
        scf.if %cond3A_244 {
          %dma_wait3A_255 = arith.constant 0 : i32
          %dma_wait3A_256 = arith.constant 0 : i32
          %dma_wait3A_257 = tpu.memref_slice %arg7[%dma_wait3A_255, %dma_wait3A_256] : memref<250x40xi32, #tpu.memory_space<vmem>> -> memref<1x40xi32, #tpu.memory_space<vmem>>
          %dma_wait3A_258 = tpu.memref_squeeze %dma_wait3A_257 : memref<1x40xi32, #tpu.memory_space<vmem>> -> memref<40xi32, #tpu.memory_space<vmem>>
          %dma_wait3A_259 = arith.constant 0 : i32
          %dma_wait3A_260 = arith.constant 0 : i32
          %dma_wait3A_261 = tpu.memref_slice %arg13[%dma_wait3A_259, %dma_wait3A_260] : memref<10000x128xf32, #tpu.memory_space<vmem_shared>> -> memref<10000x128xf32, #tpu.memory_space<vmem_shared>>
          tpu.wait_indirect_dma semaphore(%arg22 : memref<!tpu.dma_semaphore, #tpu.memory_space<semaphore_mem>>) src(%arg11 : memref<40x128xf32, #tpu.memory_space<vmem>>) dst(%dma_wait3A_261 : memref<10000x128xf32, #tpu.memory_space<vmem_shared>>)
        } else {
        }
        %add3A_245 = arith.constant 5 : i32
        %add3A_246 = arith.addi %add3A_221, %add3A_245 : i32
        %sub3A_247 = arith.constant 1 : i32
        %sub3A_248 = arith.subi %add3A_246, %sub3A_247 : i32
        %dma_start3A_249 = arith.constant 0 : i32
        %dma_start3A_250 = tpu.memref_slice %arg6[%sub3A_248, %dma_start3A_249] : memref<250x40xi32, #tpu.memory_space<vmem>> -> memref<1x40xi32, #tpu.memory_space<vmem>>
        %dma_start3A_251 = tpu.memref_squeeze %dma_start3A_250 : memref<1x40xi32, #tpu.memory_space<vmem>> -> memref<40xi32, #tpu.memory_space<vmem>>
        %dma_start3A_252 = arith.constant 0 : i32
        %dma_start3A_253 = arith.constant 0 : i32
        %dma_start3A_254 = tpu.memref_slice %arg2[%dma_start3A_252, %dma_start3A_253] : memref<10000x128xf32, #tpu.memory_space<hbm>> -> memref<10000x128xf32, #tpu.memory_space<hbm>>
        tpu.enqueue_indirect_dma source(%dma_start3A_254 : memref<10000x128xf32, #tpu.memory_space<hbm>>) target(%arg11 : memref<40x128xf32, #tpu.memory_space<vmem>>) offsets(%dma_start3A_251 : memref<40xi32, #tpu.memory_space<vmem>>) semaphore(%arg17 : memref<!tpu.dma_semaphore, #tpu.memory_space<semaphore_mem>>)
      } else {
      }
      %scan3A_239 = arith.constant 0 : i32
      scf.yield %scan3A_239 : i32
    }
    %scan3A_86 = arith.constant 50 : i32
    %dma_wait3A_87 = arith.constant 0 : i32
    %dma_wait3A_88 = arith.constant 0 : i32
    %dma_wait3A_89 = tpu.memref_slice %arg7[%dma_wait3A_87, %dma_wait3A_88] : memref<250x40xi32, #tpu.memory_space<vmem>> -> memref<1x40xi32, #tpu.memory_space<vmem>>
    %dma_wait3A_90 = tpu.memref_squeeze %dma_wait3A_89 : memref<1x40xi32, #tpu.memory_space<vmem>> -> memref<40xi32, #tpu.memory_space<vmem>>
    %dma_wait3A_91 = arith.constant 0 : i32
    %dma_wait3A_92 = arith.constant 0 : i32
    %dma_wait3A_93 = tpu.memref_slice %arg13[%dma_wait3A_91, %dma_wait3A_92] : memref<10000x128xf32, #tpu.memory_space<vmem_shared>> -> memref<10000x128xf32, #tpu.memory_space<vmem_shared>>
    tpu.wait_indirect_dma semaphore(%arg19 : memref<!tpu.dma_semaphore, #tpu.memory_space<semaphore_mem>>) src(%arg8 : memref<40x128xf32, #tpu.memory_space<vmem>>) dst(%dma_wait3A_93 : memref<10000x128xf32, #tpu.memory_space<vmem_shared>>)
    %dma_wait3A_94 = arith.constant 0 : i32
    %dma_wait3A_95 = arith.constant 0 : i32
    %dma_wait3A_96 = tpu.memref_slice %arg7[%dma_wait3A_94, %dma_wait3A_95] : memref<250x40xi32, #tpu.memory_space<vmem>> -> memref<1x40xi32, #tpu.memory_space<vmem>>
    %dma_wait3A_97 = tpu.memref_squeeze %dma_wait3A_96 : memref<1x40xi32, #tpu.memory_space<vmem>> -> memref<40xi32, #tpu.memory_space<vmem>>
    %dma_wait3A_98 = arith.constant 0 : i32
    %dma_wait3A_99 = arith.constant 0 : i32
    %dma_wait3A_100 = tpu.memref_slice %arg13[%dma_wait3A_98, %dma_wait3A_99] : memref<10000x128xf32, #tpu.memory_space<vmem_shared>> -> memref<10000x128xf32, #tpu.memory_space<vmem_shared>>
    tpu.wait_indirect_dma semaphore(%arg20 : memref<!tpu.dma_semaphore, #tpu.memory_space<semaphore_mem>>) src(%arg9 : memref<40x128xf32, #tpu.memory_space<vmem>>) dst(%dma_wait3A_100 : memref<10000x128xf32, #tpu.memory_space<vmem_shared>>)
    %dma_wait3A_101 = arith.constant 0 : i32
    %dma_wait3A_102 = arith.constant 0 : i32
    %dma_wait3A_103 = tpu.memref_slice %arg7[%dma_wait3A_101, %dma_wait3A_102] : memref<250x40xi32, #tpu.memory_space<vmem>> -> memref<1x40xi32, #tpu.memory_space<vmem>>
    %dma_wait3A_104 = tpu.memref_squeeze %dma_wait3A_103 : memref<1x40xi32, #tpu.memory_space<vmem>> -> memref<40xi32, #tpu.memory_space<vmem>>
    %dma_wait3A_105 = arith.constant 0 : i32
    %dma_wait3A_106 = arith.constant 0 : i32
    %dma_wait3A_107 = tpu.memref_slice %arg13[%dma_wait3A_105, %dma_wait3A_106] : memref<10000x128xf32, #tpu.memory_space<vmem_shared>> -> memref<10000x128xf32, #tpu.memory_space<vmem_shared>>
    tpu.wait_indirect_dma semaphore(%arg21 : memref<!tpu.dma_semaphore, #tpu.memory_space<semaphore_mem>>) src(%arg10 : memref<40x128xf32, #tpu.memory_space<vmem>>) dst(%dma_wait3A_107 : memref<10000x128xf32, #tpu.memory_space<vmem_shared>>)
    %dma_wait3A_108 = arith.constant 0 : i32
    %dma_wait3A_109 = arith.constant 0 : i32
    %dma_wait3A_110 = tpu.memref_slice %arg7[%dma_wait3A_108, %dma_wait3A_109] : memref<250x40xi32, #tpu.memory_space<vmem>> -> memref<1x40xi32, #tpu.memory_space<vmem>>
    %dma_wait3A_111 = tpu.memref_squeeze %dma_wait3A_110 : memref<1x40xi32, #tpu.memory_space<vmem>> -> memref<40xi32, #tpu.memory_space<vmem>>
    %dma_wait3A_112 = arith.constant 0 : i32
    %dma_wait3A_113 = arith.constant 0 : i32
    %dma_wait3A_114 = tpu.memref_slice %arg13[%dma_wait3A_112, %dma_wait3A_113] : memref<10000x128xf32, #tpu.memory_space<vmem_shared>> -> memref<10000x128xf32, #tpu.memory_space<vmem_shared>>
    tpu.wait_indirect_dma semaphore(%arg22 : memref<!tpu.dma_semaphore, #tpu.memory_space<semaphore_mem>>) src(%arg11 : memref<40x128xf32, #tpu.memory_space<vmem>>) dst(%dma_wait3A_114 : memref<10000x128xf32, #tpu.memory_space<vmem_shared>>)
    %dma_wait3A_115 = arith.constant 0 : i32
    %dma_wait3A_116 = arith.constant 0 : i32
    %dma_wait3A_117 = tpu.memref_slice %arg7[%dma_wait3A_115, %dma_wait3A_116] : memref<250x40xi32, #tpu.memory_space<vmem>> -> memref<1x40xi32, #tpu.memory_space<vmem>>
    %dma_wait3A_118 = tpu.memref_squeeze %dma_wait3A_117 : memref<1x40xi32, #tpu.memory_space<vmem>> -> memref<40xi32, #tpu.memory_space<vmem>>
    %dma_wait3A_119 = arith.constant 0 : i32
    %dma_wait3A_120 = arith.constant 0 : i32
    %dma_wait3A_121 = tpu.memref_slice %arg13[%dma_wait3A_119, %dma_wait3A_120] : memref<10000x128xf32, #tpu.memory_space<vmem_shared>> -> memref<10000x128xf32, #tpu.memory_space<vmem_shared>>
    tpu.wait_indirect_dma semaphore(%arg23 : memref<!tpu.dma_semaphore, #tpu.memory_space<semaphore_mem>>) src(%arg12 : memref<40x128xf32, #tpu.memory_space<vmem>>) dst(%dma_wait3A_121 : memref<10000x128xf32, #tpu.memory_space<vmem_shared>>)
    %barrier3A_122 = arith.constant 0 : index
    tpu.barrier barrier_id(%barrier3A_122)
    %lt3A_123 = arith.constant 14 : i32
    %lt3A_124 = arith.cmpi slt, %arg1, %lt3A_123 : i32
    %convert_element_type3A_125 = arith.extui %lt3A_124 : i1 to i32
    %cond3A_126 = arith.constant 0 : i32
    %cond3A_127 = arith.cmpi ne, %convert_element_type3A_125, %cond3A_126 : i32
    scf.if %cond3A_127 {
      "tpu.region"() ({
        %run_scoped3A = tpu.sem_alloc : memref<!tpu.dma_semaphore, #tpu.memory_space<semaphore_mem>>
        %dma_start3A_133 = arith.constant 0 : i32
        %dma_start3A_134 = arith.constant 0 : i32
        %dma_start3A_135 = tpu.memref_slice %arg5[%arg0, %dma_start3A_133, %dma_start3A_134] : memref<2x10000x128xf32, #tpu.memory_space<hbm>> -> memref<1x10000x128xf32, #tpu.memory_space<hbm>>
        %dma_start3A_136 = tpu.memref_squeeze %dma_start3A_135 : memref<1x10000x128xf32, #tpu.memory_space<hbm>> -> memref<10000x128xf32, #tpu.memory_space<hbm>>
        %dma_start3A_137 = arith.constant 0 : i32
        %dma_start3A_138 = tpu.memref_slice %dma_start3A_136[%select_n3A, %dma_start3A_137] : memref<10000x128xf32, #tpu.memory_space<hbm>> -> memref<624x128xf32, #tpu.memory_space<hbm>>
        %dma_start3A_139 = arith.constant 0 : i32
        %dma_start3A_140 = tpu.memref_slice %arg13[%select_n3A, %dma_start3A_139] : memref<10000x128xf32, #tpu.memory_space<vmem_shared>> -> memref<624x128xf32, #tpu.memory_space<vmem_shared>>
        tpu.enqueue_dma source(%dma_start3A_140 : memref<624x128xf32, #tpu.memory_space<vmem_shared>>) target(%dma_start3A_138 : memref<624x128xf32, #tpu.memory_space<hbm>>) target_semaphore(%run_scoped3A : memref<!tpu.dma_semaphore, #tpu.memory_space<semaphore_mem>>)
        %dma_wait3A_141 = arith.constant 0 : i32
        %dma_wait3A_142 = arith.constant 0 : i32
        %dma_wait3A_143 = tpu.memref_slice %arg5[%arg0, %dma_wait3A_141, %dma_wait3A_142] : memref<2x10000x128xf32, #tpu.memory_space<hbm>> -> memref<1x10000x128xf32, #tpu.memory_space<hbm>>
        %dma_wait3A_144 = tpu.memref_squeeze %dma_wait3A_143 : memref<1x10000x128xf32, #tpu.memory_space<hbm>> -> memref<10000x128xf32, #tpu.memory_space<hbm>>
        %dma_wait3A_145 = arith.constant 0 : i32
        %dma_wait3A_146 = tpu.memref_slice %dma_wait3A_144[%select_n3A, %dma_wait3A_145] : memref<10000x128xf32, #tpu.memory_space<hbm>> -> memref<624x128xf32, #tpu.memory_space<hbm>>
        %dma_wait3A_147 = arith.constant 0 : i32
        %dma_wait3A_148 = tpu.memref_slice %arg13[%select_n3A, %dma_wait3A_147] : memref<10000x128xf32, #tpu.memory_space<vmem_shared>> -> memref<624x128xf32, #tpu.memory_space<vmem_shared>>
        tpu.wait_dma2 semaphore(%run_scoped3A : memref<!tpu.dma_semaphore, #tpu.memory_space<semaphore_mem>>) src(%dma_wait3A_148 : memref<624x128xf32, #tpu.memory_space<vmem_shared>>) dst(%dma_wait3A_146 : memref<624x128xf32, #tpu.memory_space<hbm>>)
        tpu.yield
      }) : () -> ()
    } else {
    }
    %ge3A_128 = arith.constant 14 : i32
    %ge3A_129 = arith.cmpi sge, %arg1, %ge3A_128 : i32
    %convert_element_type3A_130 = arith.extui %ge3A_129 : i1 to i32
    %cond3A_131 = arith.constant 0 : i32
    %cond3A_132 = arith.cmpi ne, %convert_element_type3A_130, %cond3A_131 : i32
    scf.if %cond3A_132 {
      "tpu.region"() ({
        %run_scoped3A = tpu.sem_alloc : memref<!tpu.dma_semaphore, #tpu.memory_space<semaphore_mem>>
        %dma_start3A_133 = arith.constant 0 : i32
        %dma_start3A_134 = arith.constant 0 : i32
        %dma_start3A_135 = tpu.memref_slice %arg5[%arg0, %dma_start3A_133, %dma_start3A_134] : memref<2x10000x128xf32, #tpu.memory_space<hbm>> -> memref<1x10000x128xf32, #tpu.memory_space<hbm>>
        %dma_start3A_136 = tpu.memref_squeeze %dma_start3A_135 : memref<1x10000x128xf32, #tpu.memory_space<hbm>> -> memref<10000x128xf32, #tpu.memory_space<hbm>>
        %dma_start3A_137 = arith.constant 0 : i32
        %dma_start3A_138 = tpu.memref_slice %dma_start3A_136[%select_n3A, %dma_start3A_137] : memref<10000x128xf32, #tpu.memory_space<hbm>> -> memref<632x128xf32, #tpu.memory_space<hbm>>
        %dma_start3A_139 = arith.constant 0 : i32
        %dma_start3A_140 = tpu.memref_slice %arg13[%select_n3A, %dma_start3A_139] : memref<10000x128xf32, #tpu.memory_space<vmem_shared>> -> memref<632x128xf32, #tpu.memory_space<vmem_shared>>
        tpu.enqueue_dma source(%dma_start3A_140 : memref<632x128xf32, #tpu.memory_space<vmem_shared>>) target(%dma_start3A_138 : memref<632x128xf32, #tpu.memory_space<hbm>>) target_semaphore(%run_scoped3A : memref<!tpu.dma_semaphore, #tpu.memory_space<semaphore_mem>>)
        %dma_wait3A_141 = arith.constant 0 : i32
        %dma_wait3A_142 = arith.constant 0 : i32
        %dma_wait3A_143 = tpu.memref_slice %arg5[%arg0, %dma_wait3A_141, %dma_wait3A_142] : memref<2x10000x128xf32, #tpu.memory_space<hbm>> -> memref<1x10000x128xf32, #tpu.memory_space<hbm>>
        %dma_wait3A_144 = tpu.memref_squeeze %dma_wait3A_143 : memref<1x10000x128xf32, #tpu.memory_space<hbm>> -> memref<10000x128xf32, #tpu.memory_space<hbm>>
        %dma_wait3A_145 = arith.constant 0 : i32
        %dma_wait3A_146 = tpu.memref_slice %dma_wait3A_144[%select_n3A, %dma_wait3A_145] : memref<10000x128xf32, #tpu.memory_space<hbm>> -> memref<632x128xf32, #tpu.memory_space<hbm>>
        %dma_wait3A_147 = arith.constant 0 : i32
        %dma_wait3A_148 = tpu.memref_slice %arg13[%select_n3A, %dma_wait3A_147] : memref<10000x128xf32, #tpu.memory_space<vmem_shared>> -> memref<632x128xf32, #tpu.memory_space<vmem_shared>>
        tpu.wait_dma2 semaphore(%run_scoped3A : memref<!tpu.dma_semaphore, #tpu.memory_space<semaphore_mem>>) src(%dma_wait3A_148 : memref<632x128xf32, #tpu.memory_space<vmem_shared>>) dst(%dma_wait3A_146 : memref<632x128xf32, #tpu.memory_space<hbm>>)
        tpu.yield
      }) : () -> ()
    } else {
    }
    return
  }
}

#map = affine_map<(d0, d1) -> (0, 0, 0)>
module attributes {stable_mosaic.version = 14 : i64} {
  func.func @degsum(%arg0: i32, %arg1: i32, %arg2: memref<32x125x80xi32, #tpu.memory_space<hbm>>, %arg3: memref<2x10000x16xf32, #tpu.memory_space<hbm>>, %arg4: memref<125x80xi32, #tpu.memory_space<vmem>>, %arg5: memref<80x16xf32, #tpu.memory_space<vmem>>, %arg6: memref<80x16xf32, #tpu.memory_space<vmem>>, %arg7: memref<10000x16xf32, #tpu.memory_space<vmem_shared>>, %arg8: memref<!tpu.dma_semaphore, #tpu.memory_space<semaphore_mem>>) attributes {dimension_semantics = [#tpu.dimension_semantics<core_parallel>, #tpu.dimension_semantics<subcore_parallel>], iteration_bounds = array<i64: 2, 16>, scalar_prefetch = 0 : i64, scratch_operands = 5 : i64, tpu.core_type = #tpu.core_type<sc_vector_subcore>, window_params = [{transform_indices = #map}, {transform_indices = #map}]} {
    %mul3A = arith.constant 16 : i32
    %mul3A_0 = arith.muli %arg0, %mul3A : i32
    %add3A = arith.addi %mul3A_0, %arg1 : i32
    %dma_start3A = arith.constant 0 : i32
    %dma_start3A_1 = arith.constant 0 : i32
    %dma_start3A_2 = tpu.memref_slice %arg2[%add3A, %dma_start3A, %dma_start3A_1] : memref<32x125x80xi32, #tpu.memory_space<hbm>> -> memref<1x125x80xi32, #tpu.memory_space<hbm>>
    %dma_start3A_3 = tpu.memref_squeeze %dma_start3A_2 : memref<1x125x80xi32, #tpu.memory_space<hbm>> -> memref<125x80xi32, #tpu.memory_space<hbm>>
    %dma_start3A_4 = arith.constant 0 : i32
    %dma_start3A_5 = arith.constant 0 : i32
    %dma_start3A_6 = tpu.memref_slice %arg2[%add3A, %dma_start3A_4, %dma_start3A_5] : memref<32x125x80xi32, #tpu.memory_space<hbm>> -> memref<1x125x80xi32, #tpu.memory_space<hbm>>
    %dma_start3A_7 = tpu.memref_squeeze %dma_start3A_6 : memref<1x125x80xi32, #tpu.memory_space<hbm>> -> memref<125x80xi32, #tpu.memory_space<hbm>>
    tpu.enqueue_dma source(%dma_start3A_7 : memref<125x80xi32, #tpu.memory_space<hbm>>) target(%arg4 : memref<125x80xi32, #tpu.memory_space<vmem>>) target_semaphore(%arg8 : memref<!tpu.dma_semaphore, #tpu.memory_space<semaphore_mem>>)
    %scan3A = arith.constant 0 : i32
    %scan3A_8 = arith.constant 0 : i32
    %scan3A_9 = arith.constant 80 : i32
    %scan3A_10 = arith.addi %scan3A_8, %scan3A_9 : i32
    %scan3A_11 = arith.constant 1 : i32
    %scan3A_12 = scf.for %scan3A_54 = %scan3A_8 to %scan3A_10 step %scan3A_11 iter_args(%scan3A_55 = %scan3A) -> (i32)  : i32 {
      %broadcast_in_dim3A = arith.constant 0.000000e+00 : f32
      %broadcast_in_dim3A_56 = vector.broadcast %broadcast_in_dim3A : f32 to vector<16xf32>
      %swap3A = arith.index_cast %scan3A_54 : i32 to index
      %swap3A_57 = arith.constant 0 : index
      %swap3A_58 = tpu.vector_load %arg5[%swap3A, %swap3A_57] {strides = array<i32>} : memref<80x16xf32, #tpu.memory_space<vmem>>, vector<1x16xf32>,
      %swap3A_59 = vector.shape_cast %swap3A_58 : vector<1x16xf32> to vector<16xf32>
      %swap3A_60 = vector.shape_cast %broadcast_in_dim3A_56 : vector<16xf32> to vector<1x16xf32>
      tpu.vector_store %arg5[%swap3A, %swap3A_57], %swap3A_60 {strides = array<i32>} : memref<80x16xf32, #tpu.memory_space<vmem>>, vector<1x16xf32>,
      %broadcast_in_dim3A_61 = arith.constant 1.000000e+00 : f32
      %broadcast_in_dim3A_62 = vector.broadcast %broadcast_in_dim3A_61 : f32 to vector<16xf32>
      %swap3A_63 = arith.index_cast %scan3A_54 : i32 to index
      %swap3A_64 = arith.constant 0 : index
      %swap3A_65 = tpu.vector_load %arg6[%swap3A_63, %swap3A_64] {strides = array<i32>} : memref<80x16xf32, #tpu.memory_space<vmem>>, vector<1x16xf32>,
      %swap3A_66 = vector.shape_cast %swap3A_65 : vector<1x16xf32> to vector<16xf32>
      %swap3A_67 = vector.shape_cast %broadcast_in_dim3A_62 : vector<16xf32> to vector<1x16xf32>
      tpu.vector_store %arg6[%swap3A_63, %swap3A_64], %swap3A_67 {strides = array<i32>} : memref<80x16xf32, #tpu.memory_space<vmem>>, vector<1x16xf32>,
      %scan3A_68 = arith.constant 0 : i32
      scf.yield %scan3A_68 : i32
    }
    %scan3A_13 = arith.constant 80 : i32
    %lt3A = arith.constant 14 : i32
    %lt3A_14 = arith.cmpi slt, %arg1, %lt3A : i32
    %mul3A_15 = arith.constant 624 : i32
    %mul3A_16 = arith.muli %arg1, %mul3A_15 : i32
    %sub3A = arith.constant 14 : i32
    %sub3A_17 = arith.subi %arg1, %sub3A : i32
    %mul3A_18 = arith.constant 632 : i32
    %mul3A_19 = arith.muli %sub3A_17, %mul3A_18 : i32
    %add3A_20 = arith.constant 8736 : i32
    %add3A_21 = arith.addi %add3A_20, %mul3A_19 : i32
    %select_n3A = arith.select %lt3A_14, %mul3A_16, %add3A_21 : i32
    %lt3A_22 = arith.constant 14 : i32
    %lt3A_23 = arith.cmpi slt, %arg1, %lt3A_22 : i32
    %convert_element_type3A = arith.extui %lt3A_23 : i1 to i32
    %cond3A = arith.constant 0 : i32
    %cond3A_24 = arith.cmpi ne, %convert_element_type3A, %cond3A : i32
    scf.if %cond3A_24 {
      %add3A_54 = arith.constant 0 : i32
      %add3A_55 = arith.addi %select_n3A, %add3A_54 : i32
      "tpu.region"() ({
        %run_scoped3A = tpu.sem_alloc : memref<!tpu.dma_semaphore, #tpu.memory_space<semaphore_mem>>
        %dma_start3A_70 = arith.constant 0 : i32
        %dma_start3A_71 = tpu.memref_slice %arg7[%add3A_55, %dma_start3A_70] : memref<10000x16xf32, #tpu.memory_space<vmem_shared>> -> memref<80x16xf32, #tpu.memory_space<vmem_shared>>
        %dma_start3A_72 = arith.constant 0 : i32
        %dma_start3A_73 = tpu.memref_slice %arg7[%add3A_55, %dma_start3A_72] : memref<10000x16xf32, #tpu.memory_space<vmem_shared>> -> memref<80x16xf32, #tpu.memory_space<vmem_shared>>
        tpu.enqueue_dma source(%arg5 : memref<80x16xf32, #tpu.memory_space<vmem>>) target(%dma_start3A_73 : memref<80x16xf32, #tpu.memory_space<vmem_shared>>) target_semaphore(%run_scoped3A : memref<!tpu.dma_semaphore, #tpu.memory_space<semaphore_mem>>)
        %dma_wait3A_74 = arith.constant 0 : i32
        %dma_wait3A_75 = tpu.memref_slice %arg7[%add3A_55, %dma_wait3A_74] : memref<10000x16xf32, #tpu.memory_space<vmem_shared>> -> memref<80x16xf32, #tpu.memory_space<vmem_shared>>
        %dma_wait3A_76 = arith.constant 0 : i32
        %dma_wait3A_77 = tpu.memref_slice %arg7[%add3A_55, %dma_wait3A_76] : memref<10000x16xf32, #tpu.memory_space<vmem_shared>> -> memref<80x16xf32, #tpu.memory_space<vmem_shared>>
        tpu.wait_dma2 semaphore(%run_scoped3A : memref<!tpu.dma_semaphore, #tpu.memory_space<semaphore_mem>>) src(%arg5 : memref<80x16xf32, #tpu.memory_space<vmem>>) dst(%dma_wait3A_77 : memref<80x16xf32, #tpu.memory_space<vmem_shared>>)
        tpu.yield
      }) : () -> ()
      %add3A_56 = arith.constant 80 : i32
      %add3A_57 = arith.addi %select_n3A, %add3A_56 : i32
      "tpu.region"() ({
        %run_scoped3A = tpu.sem_alloc : memref<!tpu.dma_semaphore, #tpu.memory_space<semaphore_mem>>
        %dma_start3A_70 = arith.constant 0 : i32
        %dma_start3A_71 = tpu.memref_slice %arg7[%add3A_57, %dma_start3A_70] : memref<10000x16xf32, #tpu.memory_space<vmem_shared>> -> memref<80x16xf32, #tpu.memory_space<vmem_shared>>
        %dma_start3A_72 = arith.constant 0 : i32
        %dma_start3A_73 = tpu.memref_slice %arg7[%add3A_57, %dma_start3A_72] : memref<10000x16xf32, #tpu.memory_space<vmem_shared>> -> memref<80x16xf32, #tpu.memory_space<vmem_shared>>
        tpu.enqueue_dma source(%arg5 : memref<80x16xf32, #tpu.memory_space<vmem>>) target(%dma_start3A_73 : memref<80x16xf32, #tpu.memory_space<vmem_shared>>) target_semaphore(%run_scoped3A : memref<!tpu.dma_semaphore, #tpu.memory_space<semaphore_mem>>)
        %dma_wait3A_74 = arith.constant 0 : i32
        %dma_wait3A_75 = tpu.memref_slice %arg7[%add3A_57, %dma_wait3A_74] : memref<10000x16xf32, #tpu.memory_space<vmem_shared>> -> memref<80x16xf32, #tpu.memory_space<vmem_shared>>
        %dma_wait3A_76 = arith.constant 0 : i32
        %dma_wait3A_77 = tpu.memref_slice %arg7[%add3A_57, %dma_wait3A_76] : memref<10000x16xf32, #tpu.memory_space<vmem_shared>> -> memref<80x16xf32, #tpu.memory_space<vmem_shared>>
        tpu.wait_dma2 semaphore(%run_scoped3A : memref<!tpu.dma_semaphore, #tpu.memory_space<semaphore_mem>>) src(%arg5 : memref<80x16xf32, #tpu.memory_space<vmem>>) dst(%dma_wait3A_77 : memref<80x16xf32, #tpu.memory_space<vmem_shared>>)
        tpu.yield
      }) : () -> ()
      %add3A_58 = arith.constant 160 : i32
      %add3A_59 = arith.addi %select_n3A, %add3A_58 : i32
      "tpu.region"() ({
        %run_scoped3A = tpu.sem_alloc : memref<!tpu.dma_semaphore, #tpu.memory_space<semaphore_mem>>
        %dma_start3A_70 = arith.constant 0 : i32
        %dma_start3A_71 = tpu.memref_slice %arg7[%add3A_59, %dma_start3A_70] : memref<10000x16xf32, #tpu.memory_space<vmem_shared>> -> memref<80x16xf32, #tpu.memory_space<vmem_shared>>
        %dma_start3A_72 = arith.constant 0 : i32
        %dma_start3A_73 = tpu.memref_slice %arg7[%add3A_59, %dma_start3A_72] : memref<10000x16xf32, #tpu.memory_space<vmem_shared>> -> memref<80x16xf32, #tpu.memory_space<vmem_shared>>
        tpu.enqueue_dma source(%arg5 : memref<80x16xf32, #tpu.memory_space<vmem>>) target(%dma_start3A_73 : memref<80x16xf32, #tpu.memory_space<vmem_shared>>) target_semaphore(%run_scoped3A : memref<!tpu.dma_semaphore, #tpu.memory_space<semaphore_mem>>)
        %dma_wait3A_74 = arith.constant 0 : i32
        %dma_wait3A_75 = tpu.memref_slice %arg7[%add3A_59, %dma_wait3A_74] : memref<10000x16xf32, #tpu.memory_space<vmem_shared>> -> memref<80x16xf32, #tpu.memory_space<vmem_shared>>
        %dma_wait3A_76 = arith.constant 0 : i32
        %dma_wait3A_77 = tpu.memref_slice %arg7[%add3A_59, %dma_wait3A_76] : memref<10000x16xf32, #tpu.memory_space<vmem_shared>> -> memref<80x16xf32, #tpu.memory_space<vmem_shared>>
        tpu.wait_dma2 semaphore(%run_scoped3A : memref<!tpu.dma_semaphore, #tpu.memory_space<semaphore_mem>>) src(%arg5 : memref<80x16xf32, #tpu.memory_space<vmem>>) dst(%dma_wait3A_77 : memref<80x16xf32, #tpu.memory_space<vmem_shared>>)
        tpu.yield
      }) : () -> ()
      %add3A_60 = arith.constant 240 : i32
      %add3A_61 = arith.addi %select_n3A, %add3A_60 : i32
      "tpu.region"() ({
        %run_scoped3A = tpu.sem_alloc : memref<!tpu.dma_semaphore, #tpu.memory_space<semaphore_mem>>
        %dma_start3A_70 = arith.constant 0 : i32
        %dma_start3A_71 = tpu.memref_slice %arg7[%add3A_61, %dma_start3A_70] : memref<10000x16xf32, #tpu.memory_space<vmem_shared>> -> memref<80x16xf32, #tpu.memory_space<vmem_shared>>
        %dma_start3A_72 = arith.constant 0 : i32
        %dma_start3A_73 = tpu.memref_slice %arg7[%add3A_61, %dma_start3A_72] : memref<10000x16xf32, #tpu.memory_space<vmem_shared>> -> memref<80x16xf32, #tpu.memory_space<vmem_shared>>
        tpu.enqueue_dma source(%arg5 : memref<80x16xf32, #tpu.memory_space<vmem>>) target(%dma_start3A_73 : memref<80x16xf32, #tpu.memory_space<vmem_shared>>) target_semaphore(%run_scoped3A : memref<!tpu.dma_semaphore, #tpu.memory_space<semaphore_mem>>)
        %dma_wait3A_74 = arith.constant 0 : i32
        %dma_wait3A_75 = tpu.memref_slice %arg7[%add3A_61, %dma_wait3A_74] : memref<10000x16xf32, #tpu.memory_space<vmem_shared>> -> memref<80x16xf32, #tpu.memory_space<vmem_shared>>
        %dma_wait3A_76 = arith.constant 0 : i32
        %dma_wait3A_77 = tpu.memref_slice %arg7[%add3A_61, %dma_wait3A_76] : memref<10000x16xf32, #tpu.memory_space<vmem_shared>> -> memref<80x16xf32, #tpu.memory_space<vmem_shared>>
        tpu.wait_dma2 semaphore(%run_scoped3A : memref<!tpu.dma_semaphore, #tpu.memory_space<semaphore_mem>>) src(%arg5 : memref<80x16xf32, #tpu.memory_space<vmem>>) dst(%dma_wait3A_77 : memref<80x16xf32, #tpu.memory_space<vmem_shared>>)
        tpu.yield
      }) : () -> ()
      %add3A_62 = arith.constant 320 : i32
      %add3A_63 = arith.addi %select_n3A, %add3A_62 : i32
      "tpu.region"() ({
        %run_scoped3A = tpu.sem_alloc : memref<!tpu.dma_semaphore, #tpu.memory_space<semaphore_mem>>
        %dma_start3A_70 = arith.constant 0 : i32
        %dma_start3A_71 = tpu.memref_slice %arg7[%add3A_63, %dma_start3A_70] : memref<10000x16xf32, #tpu.memory_space<vmem_shared>> -> memref<80x16xf32, #tpu.memory_space<vmem_shared>>
        %dma_start3A_72 = arith.constant 0 : i32
        %dma_start3A_73 = tpu.memref_slice %arg7[%add3A_63, %dma_start3A_72] : memref<10000x16xf32, #tpu.memory_space<vmem_shared>> -> memref<80x16xf32, #tpu.memory_space<vmem_shared>>
        tpu.enqueue_dma source(%arg5 : memref<80x16xf32, #tpu.memory_space<vmem>>) target(%dma_start3A_73 : memref<80x16xf32, #tpu.memory_space<vmem_shared>>) target_semaphore(%run_scoped3A : memref<!tpu.dma_semaphore, #tpu.memory_space<semaphore_mem>>)
        %dma_wait3A_74 = arith.constant 0 : i32
        %dma_wait3A_75 = tpu.memref_slice %arg7[%add3A_63, %dma_wait3A_74] : memref<10000x16xf32, #tpu.memory_space<vmem_shared>> -> memref<80x16xf32, #tpu.memory_space<vmem_shared>>
        %dma_wait3A_76 = arith.constant 0 : i32
        %dma_wait3A_77 = tpu.memref_slice %arg7[%add3A_63, %dma_wait3A_76] : memref<10000x16xf32, #tpu.memory_space<vmem_shared>> -> memref<80x16xf32, #tpu.memory_space<vmem_shared>>
        tpu.wait_dma2 semaphore(%run_scoped3A : memref<!tpu.dma_semaphore, #tpu.memory_space<semaphore_mem>>) src(%arg5 : memref<80x16xf32, #tpu.memory_space<vmem>>) dst(%dma_wait3A_77 : memref<80x16xf32, #tpu.memory_space<vmem_shared>>)
        tpu.yield
      }) : () -> ()
      %add3A_64 = arith.constant 400 : i32
      %add3A_65 = arith.addi %select_n3A, %add3A_64 : i32
      "tpu.region"() ({
        %run_scoped3A = tpu.sem_alloc : memref<!tpu.dma_semaphore, #tpu.memory_space<semaphore_mem>>
        %dma_start3A_70 = arith.constant 0 : i32
        %dma_start3A_71 = tpu.memref_slice %arg7[%add3A_65, %dma_start3A_70] : memref<10000x16xf32, #tpu.memory_space<vmem_shared>> -> memref<80x16xf32, #tpu.memory_space<vmem_shared>>
        %dma_start3A_72 = arith.constant 0 : i32
        %dma_start3A_73 = tpu.memref_slice %arg7[%add3A_65, %dma_start3A_72] : memref<10000x16xf32, #tpu.memory_space<vmem_shared>> -> memref<80x16xf32, #tpu.memory_space<vmem_shared>>
        tpu.enqueue_dma source(%arg5 : memref<80x16xf32, #tpu.memory_space<vmem>>) target(%dma_start3A_73 : memref<80x16xf32, #tpu.memory_space<vmem_shared>>) target_semaphore(%run_scoped3A : memref<!tpu.dma_semaphore, #tpu.memory_space<semaphore_mem>>)
        %dma_wait3A_74 = arith.constant 0 : i32
        %dma_wait3A_75 = tpu.memref_slice %arg7[%add3A_65, %dma_wait3A_74] : memref<10000x16xf32, #tpu.memory_space<vmem_shared>> -> memref<80x16xf32, #tpu.memory_space<vmem_shared>>
        %dma_wait3A_76 = arith.constant 0 : i32
        %dma_wait3A_77 = tpu.memref_slice %arg7[%add3A_65, %dma_wait3A_76] : memref<10000x16xf32, #tpu.memory_space<vmem_shared>> -> memref<80x16xf32, #tpu.memory_space<vmem_shared>>
        tpu.wait_dma2 semaphore(%run_scoped3A : memref<!tpu.dma_semaphore, #tpu.memory_space<semaphore_mem>>) src(%arg5 : memref<80x16xf32, #tpu.memory_space<vmem>>) dst(%dma_wait3A_77 : memref<80x16xf32, #tpu.memory_space<vmem_shared>>)
        tpu.yield
      }) : () -> ()
      %add3A_66 = arith.constant 480 : i32
      %add3A_67 = arith.addi %select_n3A, %add3A_66 : i32
      "tpu.region"() ({
        %run_scoped3A = tpu.sem_alloc : memref<!tpu.dma_semaphore, #tpu.memory_space<semaphore_mem>>
        %dma_start3A_70 = arith.constant 0 : i32
        %dma_start3A_71 = tpu.memref_slice %arg7[%add3A_67, %dma_start3A_70] : memref<10000x16xf32, #tpu.memory_space<vmem_shared>> -> memref<80x16xf32, #tpu.memory_space<vmem_shared>>
        %dma_start3A_72 = arith.constant 0 : i32
        %dma_start3A_73 = tpu.memref_slice %arg7[%add3A_67, %dma_start3A_72] : memref<10000x16xf32, #tpu.memory_space<vmem_shared>> -> memref<80x16xf32, #tpu.memory_space<vmem_shared>>
        tpu.enqueue_dma source(%arg5 : memref<80x16xf32, #tpu.memory_space<vmem>>) target(%dma_start3A_73 : memref<80x16xf32, #tpu.memory_space<vmem_shared>>) target_semaphore(%run_scoped3A : memref<!tpu.dma_semaphore, #tpu.memory_space<semaphore_mem>>)
        %dma_wait3A_74 = arith.constant 0 : i32
        %dma_wait3A_75 = tpu.memref_slice %arg7[%add3A_67, %dma_wait3A_74] : memref<10000x16xf32, #tpu.memory_space<vmem_shared>> -> memref<80x16xf32, #tpu.memory_space<vmem_shared>>
        %dma_wait3A_76 = arith.constant 0 : i32
        %dma_wait3A_77 = tpu.memref_slice %arg7[%add3A_67, %dma_wait3A_76] : memref<10000x16xf32, #tpu.memory_space<vmem_shared>> -> memref<80x16xf32, #tpu.memory_space<vmem_shared>>
        tpu.wait_dma2 semaphore(%run_scoped3A : memref<!tpu.dma_semaphore, #tpu.memory_space<semaphore_mem>>) src(%arg5 : memref<80x16xf32, #tpu.memory_space<vmem>>) dst(%dma_wait3A_77 : memref<80x16xf32, #tpu.memory_space<vmem_shared>>)
        tpu.yield
      }) : () -> ()
      %add3A_68 = arith.constant 560 : i32
      %add3A_69 = arith.addi %select_n3A, %add3A_68 : i32
      "tpu.region"() ({
        %run_scoped3A = tpu.sem_alloc : memref<!tpu.dma_semaphore, #tpu.memory_space<semaphore_mem>>
        %dma_start3A_70 = arith.constant 0 : i32
        %dma_start3A_71 = arith.constant 0 : i32
        %dma_start3A_72 = tpu.memref_slice %arg5[%dma_start3A_70, %dma_start3A_71] : memref<80x16xf32, #tpu.memory_space<vmem>> -> memref<64x16xf32, #tpu.memory_space<vmem>>
        %dma_start3A_73 = arith.constant 0 : i32
        %dma_start3A_74 = tpu.memref_slice %arg7[%add3A_69, %dma_start3A_73] : memref<10000x16xf32, #tpu.memory_space<vmem_shared>> -> memref<64x16xf32, #tpu.memory_space<vmem_shared>>
        %dma_start3A_75 = arith.constant 0 : i32
        %dma_start3A_76 = tpu.memref_slice %arg7[%add3A_69, %dma_start3A_75] : memref<10000x16xf32, #tpu.memory_space<vmem_shared>> -> memref<64x16xf32, #tpu.memory_space<vmem_shared>>
        %dma_start3A_77 = arith.constant 0 : i32
        %dma_start3A_78 = arith.constant 0 : i32
        %dma_start3A_79 = tpu.memref_slice %arg5[%dma_start3A_77, %dma_start3A_78] : memref<80x16xf32, #tpu.memory_space<vmem>> -> memref<64x16xf32, #tpu.memory_space<vmem>>
        tpu.enqueue_dma source(%dma_start3A_79 : memref<64x16xf32, #tpu.memory_space<vmem>>) target(%dma_start3A_76 : memref<64x16xf32, #tpu.memory_space<vmem_shared>>) target_semaphore(%run_scoped3A : memref<!tpu.dma_semaphore, #tpu.memory_space<semaphore_mem>>)
        %dma_wait3A_80 = arith.constant 0 : i32
        %dma_wait3A_81 = arith.constant 0 : i32
        %dma_wait3A_82 = tpu.memref_slice %arg5[%dma_wait3A_80, %dma_wait3A_81] : memref<80x16xf32, #tpu.memory_space<vmem>> -> memref<64x16xf32, #tpu.memory_space<vmem>>
        %dma_wait3A_83 = arith.constant 0 : i32
        %dma_wait3A_84 = tpu.memref_slice %arg7[%add3A_69, %dma_wait3A_83] : memref<10000x16xf32, #tpu.memory_space<vmem_shared>> -> memref<64x16xf32, #tpu.memory_space<vmem_shared>>
        %dma_wait3A_85 = arith.constant 0 : i32
        %dma_wait3A_86 = tpu.memref_slice %arg7[%add3A_69, %dma_wait3A_85] : memref<10000x16xf32, #tpu.memory_space<vmem_shared>> -> memref<64x16xf32, #tpu.memory_space<vmem_shared>>
        %dma_wait3A_87 = arith.constant 0 : i32
        %dma_wait3A_88 = arith.constant 0 : i32
        %dma_wait3A_89 = tpu.memref_slice %arg5[%dma_wait3A_87, %dma_wait3A_88] : memref<80x16xf32, #tpu.memory_space<vmem>> -> memref<64x16xf32, #tpu.memory_space<vmem>>
        tpu.wait_dma2 semaphore(%run_scoped3A : memref<!tpu.dma_semaphore, #tpu.memory_space<semaphore_mem>>) src(%dma_wait3A_89 : memref<64x16xf32, #tpu.memory_space<vmem>>) dst(%dma_wait3A_86 : memref<64x16xf32, #tpu.memory_space<vmem_shared>>)
        tpu.yield
      }) : () -> ()
    } else {
    }
    %ge3A = arith.constant 14 : i32
    %ge3A_25 = arith.cmpi sge, %arg1, %ge3A : i32
    %convert_element_type3A_26 = arith.extui %ge3A_25 : i1 to i32
    %cond3A_27 = arith.constant 0 : i32
    %cond3A_28 = arith.cmpi ne, %convert_element_type3A_26, %cond3A_27 : i32
    scf.if %cond3A_28 {
      %add3A_54 = arith.constant 0 : i32
      %add3A_55 = arith.addi %select_n3A, %add3A_54 : i32
      "tpu.region"() ({
        %run_scoped3A = tpu.sem_alloc : memref<!tpu.dma_semaphore, #tpu.memory_space<semaphore_mem>>
        %dma_start3A_70 = arith.constant 0 : i32
        %dma_start3A_71 = tpu.memref_slice %arg7[%add3A_55, %dma_start3A_70] : memref<10000x16xf32, #tpu.memory_space<vmem_shared>> -> memref<80x16xf32, #tpu.memory_space<vmem_shared>>
        %dma_start3A_72 = arith.constant 0 : i32
        %dma_start3A_73 = tpu.memref_slice %arg7[%add3A_55, %dma_start3A_72] : memref<10000x16xf32, #tpu.memory_space<vmem_shared>> -> memref<80x16xf32, #tpu.memory_space<vmem_shared>>
        tpu.enqueue_dma source(%arg5 : memref<80x16xf32, #tpu.memory_space<vmem>>) target(%dma_start3A_73 : memref<80x16xf32, #tpu.memory_space<vmem_shared>>) target_semaphore(%run_scoped3A : memref<!tpu.dma_semaphore, #tpu.memory_space<semaphore_mem>>)
        %dma_wait3A_74 = arith.constant 0 : i32
        %dma_wait3A_75 = tpu.memref_slice %arg7[%add3A_55, %dma_wait3A_74] : memref<10000x16xf32, #tpu.memory_space<vmem_shared>> -> memref<80x16xf32, #tpu.memory_space<vmem_shared>>
        %dma_wait3A_76 = arith.constant 0 : i32
        %dma_wait3A_77 = tpu.memref_slice %arg7[%add3A_55, %dma_wait3A_76] : memref<10000x16xf32, #tpu.memory_space<vmem_shared>> -> memref<80x16xf32, #tpu.memory_space<vmem_shared>>
        tpu.wait_dma2 semaphore(%run_scoped3A : memref<!tpu.dma_semaphore, #tpu.memory_space<semaphore_mem>>) src(%arg5 : memref<80x16xf32, #tpu.memory_space<vmem>>) dst(%dma_wait3A_77 : memref<80x16xf32, #tpu.memory_space<vmem_shared>>)
        tpu.yield
      }) : () -> ()
      %add3A_56 = arith.constant 80 : i32
      %add3A_57 = arith.addi %select_n3A, %add3A_56 : i32
      "tpu.region"() ({
        %run_scoped3A = tpu.sem_alloc : memref<!tpu.dma_semaphore, #tpu.memory_space<semaphore_mem>>
        %dma_start3A_70 = arith.constant 0 : i32
        %dma_start3A_71 = tpu.memref_slice %arg7[%add3A_57, %dma_start3A_70] : memref<10000x16xf32, #tpu.memory_space<vmem_shared>> -> memref<80x16xf32, #tpu.memory_space<vmem_shared>>
        %dma_start3A_72 = arith.constant 0 : i32
        %dma_start3A_73 = tpu.memref_slice %arg7[%add3A_57, %dma_start3A_72] : memref<10000x16xf32, #tpu.memory_space<vmem_shared>> -> memref<80x16xf32, #tpu.memory_space<vmem_shared>>
        tpu.enqueue_dma source(%arg5 : memref<80x16xf32, #tpu.memory_space<vmem>>) target(%dma_start3A_73 : memref<80x16xf32, #tpu.memory_space<vmem_shared>>) target_semaphore(%run_scoped3A : memref<!tpu.dma_semaphore, #tpu.memory_space<semaphore_mem>>)
        %dma_wait3A_74 = arith.constant 0 : i32
        %dma_wait3A_75 = tpu.memref_slice %arg7[%add3A_57, %dma_wait3A_74] : memref<10000x16xf32, #tpu.memory_space<vmem_shared>> -> memref<80x16xf32, #tpu.memory_space<vmem_shared>>
        %dma_wait3A_76 = arith.constant 0 : i32
        %dma_wait3A_77 = tpu.memref_slice %arg7[%add3A_57, %dma_wait3A_76] : memref<10000x16xf32, #tpu.memory_space<vmem_shared>> -> memref<80x16xf32, #tpu.memory_space<vmem_shared>>
        tpu.wait_dma2 semaphore(%run_scoped3A : memref<!tpu.dma_semaphore, #tpu.memory_space<semaphore_mem>>) src(%arg5 : memref<80x16xf32, #tpu.memory_space<vmem>>) dst(%dma_wait3A_77 : memref<80x16xf32, #tpu.memory_space<vmem_shared>>)
        tpu.yield
      }) : () -> ()
      %add3A_58 = arith.constant 160 : i32
      %add3A_59 = arith.addi %select_n3A, %add3A_58 : i32
      "tpu.region"() ({
        %run_scoped3A = tpu.sem_alloc : memref<!tpu.dma_semaphore, #tpu.memory_space<semaphore_mem>>
        %dma_start3A_70 = arith.constant 0 : i32
        %dma_start3A_71 = tpu.memref_slice %arg7[%add3A_59, %dma_start3A_70] : memref<10000x16xf32, #tpu.memory_space<vmem_shared>> -> memref<80x16xf32, #tpu.memory_space<vmem_shared>>
        %dma_start3A_72 = arith.constant 0 : i32
        %dma_start3A_73 = tpu.memref_slice %arg7[%add3A_59, %dma_start3A_72] : memref<10000x16xf32, #tpu.memory_space<vmem_shared>> -> memref<80x16xf32, #tpu.memory_space<vmem_shared>>
        tpu.enqueue_dma source(%arg5 : memref<80x16xf32, #tpu.memory_space<vmem>>) target(%dma_start3A_73 : memref<80x16xf32, #tpu.memory_space<vmem_shared>>) target_semaphore(%run_scoped3A : memref<!tpu.dma_semaphore, #tpu.memory_space<semaphore_mem>>)
        %dma_wait3A_74 = arith.constant 0 : i32
        %dma_wait3A_75 = tpu.memref_slice %arg7[%add3A_59, %dma_wait3A_74] : memref<10000x16xf32, #tpu.memory_space<vmem_shared>> -> memref<80x16xf32, #tpu.memory_space<vmem_shared>>
        %dma_wait3A_76 = arith.constant 0 : i32
        %dma_wait3A_77 = tpu.memref_slice %arg7[%add3A_59, %dma_wait3A_76] : memref<10000x16xf32, #tpu.memory_space<vmem_shared>> -> memref<80x16xf32, #tpu.memory_space<vmem_shared>>
        tpu.wait_dma2 semaphore(%run_scoped3A : memref<!tpu.dma_semaphore, #tpu.memory_space<semaphore_mem>>) src(%arg5 : memref<80x16xf32, #tpu.memory_space<vmem>>) dst(%dma_wait3A_77 : memref<80x16xf32, #tpu.memory_space<vmem_shared>>)
        tpu.yield
      }) : () -> ()
      %add3A_60 = arith.constant 240 : i32
      %add3A_61 = arith.addi %select_n3A, %add3A_60 : i32
      "tpu.region"() ({
        %run_scoped3A = tpu.sem_alloc : memref<!tpu.dma_semaphore, #tpu.memory_space<semaphore_mem>>
        %dma_start3A_70 = arith.constant 0 : i32
        %dma_start3A_71 = tpu.memref_slice %arg7[%add3A_61, %dma_start3A_70] : memref<10000x16xf32, #tpu.memory_space<vmem_shared>> -> memref<80x16xf32, #tpu.memory_space<vmem_shared>>
        %dma_start3A_72 = arith.constant 0 : i32
        %dma_start3A_73 = tpu.memref_slice %arg7[%add3A_61, %dma_start3A_72] : memref<10000x16xf32, #tpu.memory_space<vmem_shared>> -> memref<80x16xf32, #tpu.memory_space<vmem_shared>>
        tpu.enqueue_dma source(%arg5 : memref<80x16xf32, #tpu.memory_space<vmem>>) target(%dma_start3A_73 : memref<80x16xf32, #tpu.memory_space<vmem_shared>>) target_semaphore(%run_scoped3A : memref<!tpu.dma_semaphore, #tpu.memory_space<semaphore_mem>>)
        %dma_wait3A_74 = arith.constant 0 : i32
        %dma_wait3A_75 = tpu.memref_slice %arg7[%add3A_61, %dma_wait3A_74] : memref<10000x16xf32, #tpu.memory_space<vmem_shared>> -> memref<80x16xf32, #tpu.memory_space<vmem_shared>>
        %dma_wait3A_76 = arith.constant 0 : i32
        %dma_wait3A_77 = tpu.memref_slice %arg7[%add3A_61, %dma_wait3A_76] : memref<10000x16xf32, #tpu.memory_space<vmem_shared>> -> memref<80x16xf32, #tpu.memory_space<vmem_shared>>
        tpu.wait_dma2 semaphore(%run_scoped3A : memref<!tpu.dma_semaphore, #tpu.memory_space<semaphore_mem>>) src(%arg5 : memref<80x16xf32, #tpu.memory_space<vmem>>) dst(%dma_wait3A_77 : memref<80x16xf32, #tpu.memory_space<vmem_shared>>)
        tpu.yield
      }) : () -> ()
      %add3A_62 = arith.constant 320 : i32
      %add3A_63 = arith.addi %select_n3A, %add3A_62 : i32
      "tpu.region"() ({
        %run_scoped3A = tpu.sem_alloc : memref<!tpu.dma_semaphore, #tpu.memory_space<semaphore_mem>>
        %dma_start3A_70 = arith.constant 0 : i32
        %dma_start3A_71 = tpu.memref_slice %arg7[%add3A_63, %dma_start3A_70] : memref<10000x16xf32, #tpu.memory_space<vmem_shared>> -> memref<80x16xf32, #tpu.memory_space<vmem_shared>>
        %dma_start3A_72 = arith.constant 0 : i32
        %dma_start3A_73 = tpu.memref_slice %arg7[%add3A_63, %dma_start3A_72] : memref<10000x16xf32, #tpu.memory_space<vmem_shared>> -> memref<80x16xf32, #tpu.memory_space<vmem_shared>>
        tpu.enqueue_dma source(%arg5 : memref<80x16xf32, #tpu.memory_space<vmem>>) target(%dma_start3A_73 : memref<80x16xf32, #tpu.memory_space<vmem_shared>>) target_semaphore(%run_scoped3A : memref<!tpu.dma_semaphore, #tpu.memory_space<semaphore_mem>>)
        %dma_wait3A_74 = arith.constant 0 : i32
        %dma_wait3A_75 = tpu.memref_slice %arg7[%add3A_63, %dma_wait3A_74] : memref<10000x16xf32, #tpu.memory_space<vmem_shared>> -> memref<80x16xf32, #tpu.memory_space<vmem_shared>>
        %dma_wait3A_76 = arith.constant 0 : i32
        %dma_wait3A_77 = tpu.memref_slice %arg7[%add3A_63, %dma_wait3A_76] : memref<10000x16xf32, #tpu.memory_space<vmem_shared>> -> memref<80x16xf32, #tpu.memory_space<vmem_shared>>
        tpu.wait_dma2 semaphore(%run_scoped3A : memref<!tpu.dma_semaphore, #tpu.memory_space<semaphore_mem>>) src(%arg5 : memref<80x16xf32, #tpu.memory_space<vmem>>) dst(%dma_wait3A_77 : memref<80x16xf32, #tpu.memory_space<vmem_shared>>)
        tpu.yield
      }) : () -> ()
      %add3A_64 = arith.constant 400 : i32
      %add3A_65 = arith.addi %select_n3A, %add3A_64 : i32
      "tpu.region"() ({
        %run_scoped3A = tpu.sem_alloc : memref<!tpu.dma_semaphore, #tpu.memory_space<semaphore_mem>>
        %dma_start3A_70 = arith.constant 0 : i32
        %dma_start3A_71 = tpu.memref_slice %arg7[%add3A_65, %dma_start3A_70] : memref<10000x16xf32, #tpu.memory_space<vmem_shared>> -> memref<80x16xf32, #tpu.memory_space<vmem_shared>>
        %dma_start3A_72 = arith.constant 0 : i32
        %dma_start3A_73 = tpu.memref_slice %arg7[%add3A_65, %dma_start3A_72] : memref<10000x16xf32, #tpu.memory_space<vmem_shared>> -> memref<80x16xf32, #tpu.memory_space<vmem_shared>>
        tpu.enqueue_dma source(%arg5 : memref<80x16xf32, #tpu.memory_space<vmem>>) target(%dma_start3A_73 : memref<80x16xf32, #tpu.memory_space<vmem_shared>>) target_semaphore(%run_scoped3A : memref<!tpu.dma_semaphore, #tpu.memory_space<semaphore_mem>>)
        %dma_wait3A_74 = arith.constant 0 : i32
        %dma_wait3A_75 = tpu.memref_slice %arg7[%add3A_65, %dma_wait3A_74] : memref<10000x16xf32, #tpu.memory_space<vmem_shared>> -> memref<80x16xf32, #tpu.memory_space<vmem_shared>>
        %dma_wait3A_76 = arith.constant 0 : i32
        %dma_wait3A_77 = tpu.memref_slice %arg7[%add3A_65, %dma_wait3A_76] : memref<10000x16xf32, #tpu.memory_space<vmem_shared>> -> memref<80x16xf32, #tpu.memory_space<vmem_shared>>
        tpu.wait_dma2 semaphore(%run_scoped3A : memref<!tpu.dma_semaphore, #tpu.memory_space<semaphore_mem>>) src(%arg5 : memref<80x16xf32, #tpu.memory_space<vmem>>) dst(%dma_wait3A_77 : memref<80x16xf32, #tpu.memory_space<vmem_shared>>)
        tpu.yield
      }) : () -> ()
      %add3A_66 = arith.constant 480 : i32
      %add3A_67 = arith.addi %select_n3A, %add3A_66 : i32
      "tpu.region"() ({
        %run_scoped3A = tpu.sem_alloc : memref<!tpu.dma_semaphore, #tpu.memory_space<semaphore_mem>>
        %dma_start3A_70 = arith.constant 0 : i32
        %dma_start3A_71 = tpu.memref_slice %arg7[%add3A_67, %dma_start3A_70] : memref<10000x16xf32, #tpu.memory_space<vmem_shared>> -> memref<80x16xf32, #tpu.memory_space<vmem_shared>>
        %dma_start3A_72 = arith.constant 0 : i32
        %dma_start3A_73 = tpu.memref_slice %arg7[%add3A_67, %dma_start3A_72] : memref<10000x16xf32, #tpu.memory_space<vmem_shared>> -> memref<80x16xf32, #tpu.memory_space<vmem_shared>>
        tpu.enqueue_dma source(%arg5 : memref<80x16xf32, #tpu.memory_space<vmem>>) target(%dma_start3A_73 : memref<80x16xf32, #tpu.memory_space<vmem_shared>>) target_semaphore(%run_scoped3A : memref<!tpu.dma_semaphore, #tpu.memory_space<semaphore_mem>>)
        %dma_wait3A_74 = arith.constant 0 : i32
        %dma_wait3A_75 = tpu.memref_slice %arg7[%add3A_67, %dma_wait3A_74] : memref<10000x16xf32, #tpu.memory_space<vmem_shared>> -> memref<80x16xf32, #tpu.memory_space<vmem_shared>>
        %dma_wait3A_76 = arith.constant 0 : i32
        %dma_wait3A_77 = tpu.memref_slice %arg7[%add3A_67, %dma_wait3A_76] : memref<10000x16xf32, #tpu.memory_space<vmem_shared>> -> memref<80x16xf32, #tpu.memory_space<vmem_shared>>
        tpu.wait_dma2 semaphore(%run_scoped3A : memref<!tpu.dma_semaphore, #tpu.memory_space<semaphore_mem>>) src(%arg5 : memref<80x16xf32, #tpu.memory_space<vmem>>) dst(%dma_wait3A_77 : memref<80x16xf32, #tpu.memory_space<vmem_shared>>)
        tpu.yield
      }) : () -> ()
      %add3A_68 = arith.constant 560 : i32
      %add3A_69 = arith.addi %select_n3A, %add3A_68 : i32
      "tpu.region"() ({
        %run_scoped3A = tpu.sem_alloc : memref<!tpu.dma_semaphore, #tpu.memory_space<semaphore_mem>>
        %dma_start3A_70 = arith.constant 0 : i32
        %dma_start3A_71 = arith.constant 0 : i32
        %dma_start3A_72 = tpu.memref_slice %arg5[%dma_start3A_70, %dma_start3A_71] : memref<80x16xf32, #tpu.memory_space<vmem>> -> memref<72x16xf32, #tpu.memory_space<vmem>>
        %dma_start3A_73 = arith.constant 0 : i32
        %dma_start3A_74 = tpu.memref_slice %arg7[%add3A_69, %dma_start3A_73] : memref<10000x16xf32, #tpu.memory_space<vmem_shared>> -> memref<72x16xf32, #tpu.memory_space<vmem_shared>>
        %dma_start3A_75 = arith.constant 0 : i32
        %dma_start3A_76 = tpu.memref_slice %arg7[%add3A_69, %dma_start3A_75] : memref<10000x16xf32, #tpu.memory_space<vmem_shared>> -> memref<72x16xf32, #tpu.memory_space<vmem_shared>>
        %dma_start3A_77 = arith.constant 0 : i32
        %dma_start3A_78 = arith.constant 0 : i32
        %dma_start3A_79 = tpu.memref_slice %arg5[%dma_start3A_77, %dma_start3A_78] : memref<80x16xf32, #tpu.memory_space<vmem>> -> memref<72x16xf32, #tpu.memory_space<vmem>>
        tpu.enqueue_dma source(%dma_start3A_79 : memref<72x16xf32, #tpu.memory_space<vmem>>) target(%dma_start3A_76 : memref<72x16xf32, #tpu.memory_space<vmem_shared>>) target_semaphore(%run_scoped3A : memref<!tpu.dma_semaphore, #tpu.memory_space<semaphore_mem>>)
        %dma_wait3A_80 = arith.constant 0 : i32
        %dma_wait3A_81 = arith.constant 0 : i32
        %dma_wait3A_82 = tpu.memref_slice %arg5[%dma_wait3A_80, %dma_wait3A_81] : memref<80x16xf32, #tpu.memory_space<vmem>> -> memref<72x16xf32, #tpu.memory_space<vmem>>
        %dma_wait3A_83 = arith.constant 0 : i32
        %dma_wait3A_84 = tpu.memref_slice %arg7[%add3A_69, %dma_wait3A_83] : memref<10000x16xf32, #tpu.memory_space<vmem_shared>> -> memref<72x16xf32, #tpu.memory_space<vmem_shared>>
        %dma_wait3A_85 = arith.constant 0 : i32
        %dma_wait3A_86 = tpu.memref_slice %arg7[%add3A_69, %dma_wait3A_85] : memref<10000x16xf32, #tpu.memory_space<vmem_shared>> -> memref<72x16xf32, #tpu.memory_space<vmem_shared>>
        %dma_wait3A_87 = arith.constant 0 : i32
        %dma_wait3A_88 = arith.constant 0 : i32
        %dma_wait3A_89 = tpu.memref_slice %arg5[%dma_wait3A_87, %dma_wait3A_88] : memref<80x16xf32, #tpu.memory_space<vmem>> -> memref<72x16xf32, #tpu.memory_space<vmem>>
        tpu.wait_dma2 semaphore(%run_scoped3A : memref<!tpu.dma_semaphore, #tpu.memory_space<semaphore_mem>>) src(%dma_wait3A_89 : memref<72x16xf32, #tpu.memory_space<vmem>>) dst(%dma_wait3A_86 : memref<72x16xf32, #tpu.memory_space<vmem_shared>>)
        tpu.yield
      }) : () -> ()
    } else {
    }
    %barrier3A = arith.constant 0 : index
    tpu.barrier barrier_id(%barrier3A)
    %dma_wait3A = arith.constant 0 : i32
    %dma_wait3A_29 = arith.constant 0 : i32
    %dma_wait3A_30 = tpu.memref_slice %arg2[%add3A, %dma_wait3A, %dma_wait3A_29] : memref<32x125x80xi32, #tpu.memory_space<hbm>> -> memref<1x125x80xi32, #tpu.memory_space<hbm>>
    %dma_wait3A_31 = tpu.memref_squeeze %dma_wait3A_30 : memref<1x125x80xi32, #tpu.memory_space<hbm>> -> memref<125x80xi32, #tpu.memory_space<hbm>>
    %dma_wait3A_32 = arith.constant 0 : i32
    %dma_wait3A_33 = arith.constant 0 : i32
    %dma_wait3A_34 = tpu.memref_slice %arg2[%add3A, %dma_wait3A_32, %dma_wait3A_33] : memref<32x125x80xi32, #tpu.memory_space<hbm>> -> memref<1x125x80xi32, #tpu.memory_space<hbm>>
    %dma_wait3A_35 = tpu.memref_squeeze %dma_wait3A_34 : memref<1x125x80xi32, #tpu.memory_space<hbm>> -> memref<125x80xi32, #tpu.memory_space<hbm>>
    tpu.wait_dma2 semaphore(%arg8 : memref<!tpu.dma_semaphore, #tpu.memory_space<semaphore_mem>>) src(%dma_wait3A_35 : memref<125x80xi32, #tpu.memory_space<hbm>>) dst(%arg4 : memref<125x80xi32, #tpu.memory_space<vmem>>)
    %scan3A_36 = arith.constant 0 : i32
    %scan3A_37 = arith.constant 0 : i32
    %scan3A_38 = arith.constant 125 : i32
    %scan3A_39 = arith.addi %scan3A_37, %scan3A_38 : i32
    %scan3A_40 = arith.constant 1 : i32
    %scan3A_41 = scf.for %scan3A_54 = %scan3A_37 to %scan3A_39 step %scan3A_40 iter_args(%scan3A_55 = %scan3A_36) -> (i32)  : i32 {
      "tpu.region"() ({
        %run_scoped3A = tpu.sem_alloc : memref<!tpu.dma_semaphore, #tpu.memory_space<semaphore_mem>>
        %dma_start3A_57 = arith.constant 0 : i32
        %dma_start3A_58 = tpu.memref_slice %arg4[%scan3A_54, %dma_start3A_57] : memref<125x80xi32, #tpu.memory_space<vmem>> -> memref<1x80xi32, #tpu.memory_space<vmem>>
        %dma_start3A_59 = tpu.memref_squeeze %dma_start3A_58 : memref<1x80xi32, #tpu.memory_space<vmem>> -> memref<80xi32, #tpu.memory_space<vmem>>
        %dma_start3A_60 = arith.constant 0 : i32
        %dma_start3A_61 = arith.constant 0 : i32
        %dma_start3A_62 = tpu.memref_slice %arg7[%dma_start3A_60, %dma_start3A_61] : memref<10000x16xf32, #tpu.memory_space<vmem_shared>> -> memref<10000x16xf32, #tpu.memory_space<vmem_shared>>
        tpu.enqueue_indirect_dma source(%arg6 : memref<80x16xf32, #tpu.memory_space<vmem>>) target(%dma_start3A_62 : memref<10000x16xf32, #tpu.memory_space<vmem_shared>>) offsets(%dma_start3A_59 : memref<80xi32, #tpu.memory_space<vmem>>) semaphore(%run_scoped3A : memref<!tpu.dma_semaphore, #tpu.memory_space<semaphore_mem>>) {add = true}
        %dma_wait3A_63 = arith.constant 0 : i32
        %dma_wait3A_64 = tpu.memref_slice %arg4[%scan3A_54, %dma_wait3A_63] : memref<125x80xi32, #tpu.memory_space<vmem>> -> memref<1x80xi32, #tpu.memory_space<vmem>>
        %dma_wait3A_65 = tpu.memref_squeeze %dma_wait3A_64 : memref<1x80xi32, #tpu.memory_space<vmem>> -> memref<80xi32, #tpu.memory_space<vmem>>
        %dma_wait3A_66 = arith.constant 0 : i32
        %dma_wait3A_67 = arith.constant 0 : i32
        %dma_wait3A_68 = tpu.memref_slice %arg7[%dma_wait3A_66, %dma_wait3A_67] : memref<10000x16xf32, #tpu.memory_space<vmem_shared>> -> memref<10000x16xf32, #tpu.memory_space<vmem_shared>>
        tpu.wait_indirect_dma semaphore(%run_scoped3A : memref<!tpu.dma_semaphore, #tpu.memory_space<semaphore_mem>>) src(%arg6 : memref<80x16xf32, #tpu.memory_space<vmem>>) dst(%dma_wait3A_68 : memref<10000x16xf32, #tpu.memory_space<vmem_shared>>)
        tpu.yield
      }) : () -> ()
      %scan3A_56 = arith.constant 0 : i32
      scf.yield %scan3A_56 : i32
    }
    %scan3A_42 = arith.constant 125 : i32
    %barrier3A_43 = arith.constant 0 : index
    tpu.barrier barrier_id(%barrier3A_43)
    %lt3A_44 = arith.constant 14 : i32
    %lt3A_45 = arith.cmpi slt, %arg1, %lt3A_44 : i32
    %convert_element_type3A_46 = arith.extui %lt3A_45 : i1 to i32
    %cond3A_47 = arith.constant 0 : i32
    %cond3A_48 = arith.cmpi ne, %convert_element_type3A_46, %cond3A_47 : i32
    scf.if %cond3A_48 {
      "tpu.region"() ({
        %run_scoped3A = tpu.sem_alloc : memref<!tpu.dma_semaphore, #tpu.memory_space<semaphore_mem>>
        %dma_start3A_54 = arith.constant 0 : i32
        %dma_start3A_55 = arith.constant 0 : i32
        %dma_start3A_56 = tpu.memref_slice %arg3[%arg0, %dma_start3A_54, %dma_start3A_55] : memref<2x10000x16xf32, #tpu.memory_space<hbm>> -> memref<1x10000x16xf32, #tpu.memory_space<hbm>>
        %dma_start3A_57 = tpu.memref_squeeze %dma_start3A_56 : memref<1x10000x16xf32, #tpu.memory_space<hbm>> -> memref<10000x16xf32, #tpu.memory_space<hbm>>
        %dma_start3A_58 = arith.constant 0 : i32
        %dma_start3A_59 = tpu.memref_slice %dma_start3A_57[%select_n3A, %dma_start3A_58] : memref<10000x16xf32, #tpu.memory_space<hbm>> -> memref<624x16xf32, #tpu.memory_space<hbm>>
        %dma_start3A_60 = arith.constant 0 : i32
        %dma_start3A_61 = tpu.memref_slice %arg7[%select_n3A, %dma_start3A_60] : memref<10000x16xf32, #tpu.memory_space<vmem_shared>> -> memref<624x16xf32, #tpu.memory_space<vmem_shared>>
        tpu.enqueue_dma source(%dma_start3A_61 : memref<624x16xf32, #tpu.memory_space<vmem_shared>>) target(%dma_start3A_59 : memref<624x16xf32, #tpu.memory_space<hbm>>) target_semaphore(%run_scoped3A : memref<!tpu.dma_semaphore, #tpu.memory_space<semaphore_mem>>)
        %dma_wait3A_62 = arith.constant 0 : i32
        %dma_wait3A_63 = arith.constant 0 : i32
        %dma_wait3A_64 = tpu.memref_slice %arg3[%arg0, %dma_wait3A_62, %dma_wait3A_63] : memref<2x10000x16xf32, #tpu.memory_space<hbm>> -> memref<1x10000x16xf32, #tpu.memory_space<hbm>>
        %dma_wait3A_65 = tpu.memref_squeeze %dma_wait3A_64 : memref<1x10000x16xf32, #tpu.memory_space<hbm>> -> memref<10000x16xf32, #tpu.memory_space<hbm>>
        %dma_wait3A_66 = arith.constant 0 : i32
        %dma_wait3A_67 = tpu.memref_slice %dma_wait3A_65[%select_n3A, %dma_wait3A_66] : memref<10000x16xf32, #tpu.memory_space<hbm>> -> memref<624x16xf32, #tpu.memory_space<hbm>>
        %dma_wait3A_68 = arith.constant 0 : i32
        %dma_wait3A_69 = tpu.memref_slice %arg7[%select_n3A, %dma_wait3A_68] : memref<10000x16xf32, #tpu.memory_space<vmem_shared>> -> memref<624x16xf32, #tpu.memory_space<vmem_shared>>
        tpu.wait_dma2 semaphore(%run_scoped3A : memref<!tpu.dma_semaphore, #tpu.memory_space<semaphore_mem>>) src(%dma_wait3A_69 : memref<624x16xf32, #tpu.memory_space<vmem_shared>>) dst(%dma_wait3A_67 : memref<624x16xf32, #tpu.memory_space<hbm>>)
        tpu.yield
      }) : () -> ()
    } else {
    }
    %ge3A_49 = arith.constant 14 : i32
    %ge3A_50 = arith.cmpi sge, %arg1, %ge3A_49 : i32
    %convert_element_type3A_51 = arith.extui %ge3A_50 : i1 to i32
    %cond3A_52 = arith.constant 0 : i32
    %cond3A_53 = arith.cmpi ne, %convert_element_type3A_51, %cond3A_52 : i32
    scf.if %cond3A_53 {
      "tpu.region"() ({
        %run_scoped3A = tpu.sem_alloc : memref<!tpu.dma_semaphore, #tpu.memory_space<semaphore_mem>>
        %dma_start3A_54 = arith.constant 0 : i32
        %dma_start3A_55 = arith.constant 0 : i32
        %dma_start3A_56 = tpu.memref_slice %arg3[%arg0, %dma_start3A_54, %dma_start3A_55] : memref<2x10000x16xf32, #tpu.memory_space<hbm>> -> memref<1x10000x16xf32, #tpu.memory_space<hbm>>
        %dma_start3A_57 = tpu.memref_squeeze %dma_start3A_56 : memref<1x10000x16xf32, #tpu.memory_space<hbm>> -> memref<10000x16xf32, #tpu.memory_space<hbm>>
        %dma_start3A_58 = arith.constant 0 : i32
        %dma_start3A_59 = tpu.memref_slice %dma_start3A_57[%select_n3A, %dma_start3A_58] : memref<10000x16xf32, #tpu.memory_space<hbm>> -> memref<632x16xf32, #tpu.memory_space<hbm>>
        %dma_start3A_60 = arith.constant 0 : i32
        %dma_start3A_61 = tpu.memref_slice %arg7[%select_n3A, %dma_start3A_60] : memref<10000x16xf32, #tpu.memory_space<vmem_shared>> -> memref<632x16xf32, #tpu.memory_space<vmem_shared>>
        tpu.enqueue_dma source(%dma_start3A_61 : memref<632x16xf32, #tpu.memory_space<vmem_shared>>) target(%dma_start3A_59 : memref<632x16xf32, #tpu.memory_space<hbm>>) target_semaphore(%run_scoped3A : memref<!tpu.dma_semaphore, #tpu.memory_space<semaphore_mem>>)
        %dma_wait3A_62 = arith.constant 0 : i32
        %dma_wait3A_63 = arith.constant 0 : i32
        %dma_wait3A_64 = tpu.memref_slice %arg3[%arg0, %dma_wait3A_62, %dma_wait3A_63] : memref<2x10000x16xf32, #tpu.memory_space<hbm>> -> memref<1x10000x16xf32, #tpu.memory_space<hbm>>
        %dma_wait3A_65 = tpu.memref_squeeze %dma_wait3A_64 : memref<1x10000x16xf32, #tpu.memory_space<hbm>> -> memref<10000x16xf32, #tpu.memory_space<hbm>>
        %dma_wait3A_66 = arith.constant 0 : i32
        %dma_wait3A_67 = tpu.memref_slice %dma_wait3A_65[%select_n3A, %dma_wait3A_66] : memref<10000x16xf32, #tpu.memory_space<hbm>> -> memref<632x16xf32, #tpu.memory_space<hbm>>
        %dma_wait3A_68 = arith.constant 0 : i32
        %dma_wait3A_69 = tpu.memref_slice %arg7[%select_n3A, %dma_wait3A_68] : memref<10000x16xf32, #tpu.memory_space<vmem_shared>> -> memref<632x16xf32, #tpu.memory_space<vmem_shared>>
        tpu.wait_dma2 semaphore(%run_scoped3A : memref<!tpu.dma_semaphore, #tpu.memory_space<semaphore_mem>>) src(%dma_wait3A_69 : memref<632x16xf32, #tpu.memory_space<vmem_shared>>) dst(%dma_wait3A_67 : memref<632x16xf32, #tpu.memory_space<hbm>>)
        tpu.yield
      }) : () -> ()
    } else {
    }
    return
  }
}

#map = affine_map<(d0, d1) -> (0, 0)>
#map1 = affine_map<(d0, d1) -> (0, 0, 0)>
module attributes {stable_mosaic.version = 14 : i64} {
  func.func @segsum(%arg0: i32, %arg1: i32, %arg2: memref<10000x16xf32, #tpu.memory_space<hbm>>, %arg3: memref<32x125x80xi32, #tpu.memory_space<hbm>>, %arg4: memref<32x125x80xi32, #tpu.memory_space<hbm>>, %arg5: memref<2x10000x16xf32, #tpu.memory_space<hbm>>, %arg6: memref<125x80xi32, #tpu.memory_space<vmem>>, %arg7: memref<125x80xi32, #tpu.memory_space<vmem>>, %arg8: memref<80x16xf32, #tpu.memory_space<vmem>>, %arg9: memref<80x16xf32, #tpu.memory_space<vmem>>, %arg10: memref<80x16xf32, #tpu.memory_space<vmem>>, %arg11: memref<80x16xf32, #tpu.memory_space<vmem>>, %arg12: memref<80x16xf32, #tpu.memory_space<vmem>>, %arg13: memref<10000x16xf32, #tpu.memory_space<vmem_shared>>, %arg14: memref<!tpu.dma_semaphore, #tpu.memory_space<semaphore_mem>>, %arg15: memref<!tpu.dma_semaphore, #tpu.memory_space<semaphore_mem>>, %arg16: memref<!tpu.dma_semaphore, #tpu.memory_space<semaphore_mem>>, %arg17: memref<!tpu.dma_semaphore, #tpu.memory_space<semaphore_mem>>, %arg18: memref<!tpu.dma_semaphore, #tpu.memory_space<semaphore_mem>>, %arg19: memref<!tpu.dma_semaphore, #tpu.memory_space<semaphore_mem>>, %arg20: memref<!tpu.dma_semaphore, #tpu.memory_space<semaphore_mem>>, %arg21: memref<!tpu.dma_semaphore, #tpu.memory_space<semaphore_mem>>, %arg22: memref<!tpu.dma_semaphore, #tpu.memory_space<semaphore_mem>>, %arg23: memref<!tpu.dma_semaphore, #tpu.memory_space<semaphore_mem>>) attributes {dimension_semantics = [#tpu.dimension_semantics<core_parallel>, #tpu.dimension_semantics<subcore_parallel>], iteration_bounds = array<i64: 2, 16>, scalar_prefetch = 0 : i64, scratch_operands = 18 : i64, tpu.core_type = #tpu.core_type<sc_vector_subcore>, window_params = [{transform_indices = #map}, {transform_indices = #map1}, {transform_indices = #map1}, {transform_indices = #map1}]} {
    %mul3A = arith.constant 16 : i32
    %mul3A_0 = arith.muli %arg0, %mul3A : i32
    %add3A = arith.addi %mul3A_0, %arg1 : i32
    %dma_start3A = arith.constant 0 : i32
    %dma_start3A_1 = arith.constant 0 : i32
    %dma_start3A_2 = tpu.memref_slice %arg3[%add3A, %dma_start3A, %dma_start3A_1] : memref<32x125x80xi32, #tpu.memory_space<hbm>> -> memref<1x125x80xi32, #tpu.memory_space<hbm>>
    %dma_start3A_3 = tpu.memref_squeeze %dma_start3A_2 : memref<1x125x80xi32, #tpu.memory_space<hbm>> -> memref<125x80xi32, #tpu.memory_space<hbm>>
    %dma_start3A_4 = arith.constant 0 : i32
    %dma_start3A_5 = arith.constant 0 : i32
    %dma_start3A_6 = tpu.memref_slice %arg3[%add3A, %dma_start3A_4, %dma_start3A_5] : memref<32x125x80xi32, #tpu.memory_space<hbm>> -> memref<1x125x80xi32, #tpu.memory_space<hbm>>
    %dma_start3A_7 = tpu.memref_squeeze %dma_start3A_6 : memref<1x125x80xi32, #tpu.memory_space<hbm>> -> memref<125x80xi32, #tpu.memory_space<hbm>>
    tpu.enqueue_dma source(%dma_start3A_7 : memref<125x80xi32, #tpu.memory_space<hbm>>) target(%arg6 : memref<125x80xi32, #tpu.memory_space<vmem>>) target_semaphore(%arg14 : memref<!tpu.dma_semaphore, #tpu.memory_space<semaphore_mem>>)
    %dma_start3A_8 = arith.constant 0 : i32
    %dma_start3A_9 = arith.constant 0 : i32
    %dma_start3A_10 = tpu.memref_slice %arg4[%add3A, %dma_start3A_8, %dma_start3A_9] : memref<32x125x80xi32, #tpu.memory_space<hbm>> -> memref<1x125x80xi32, #tpu.memory_space<hbm>>
    %dma_start3A_11 = tpu.memref_squeeze %dma_start3A_10 : memref<1x125x80xi32, #tpu.memory_space<hbm>> -> memref<125x80xi32, #tpu.memory_space<hbm>>
    %dma_start3A_12 = arith.constant 0 : i32
    %dma_start3A_13 = arith.constant 0 : i32
    %dma_start3A_14 = tpu.memref_slice %arg4[%add3A, %dma_start3A_12, %dma_start3A_13] : memref<32x125x80xi32, #tpu.memory_space<hbm>> -> memref<1x125x80xi32, #tpu.memory_space<hbm>>
    %dma_start3A_15 = tpu.memref_squeeze %dma_start3A_14 : memref<1x125x80xi32, #tpu.memory_space<hbm>> -> memref<125x80xi32, #tpu.memory_space<hbm>>
    tpu.enqueue_dma source(%dma_start3A_15 : memref<125x80xi32, #tpu.memory_space<hbm>>) target(%arg7 : memref<125x80xi32, #tpu.memory_space<vmem>>) target_semaphore(%arg15 : memref<!tpu.dma_semaphore, #tpu.memory_space<semaphore_mem>>)
    %scan3A = arith.constant 0 : i32
    %scan3A_16 = arith.constant 0 : i32
    %scan3A_17 = arith.constant 80 : i32
    %scan3A_18 = arith.addi %scan3A_16, %scan3A_17 : i32
    %scan3A_19 = arith.constant 1 : i32
    %scan3A_20 = scf.for %scan3A_133 = %scan3A_16 to %scan3A_18 step %scan3A_19 iter_args(%scan3A_134 = %scan3A) -> (i32)  : i32 {
      %broadcast_in_dim3A = arith.constant 0.000000e+00 : f32
      %broadcast_in_dim3A_135 = vector.broadcast %broadcast_in_dim3A : f32 to vector<16xf32>
      %swap3A = arith.index_cast %scan3A_133 : i32 to index
      %swap3A_136 = arith.constant 0 : index
      %swap3A_137 = tpu.vector_load %arg8[%swap3A, %swap3A_136] {strides = array<i32>} : memref<80x16xf32, #tpu.memory_space<vmem>>, vector<1x16xf32>,
      %swap3A_138 = vector.shape_cast %swap3A_137 : vector<1x16xf32> to vector<16xf32>
      %swap3A_139 = vector.shape_cast %broadcast_in_dim3A_135 : vector<16xf32> to vector<1x16xf32>
      tpu.vector_store %arg8[%swap3A, %swap3A_136], %swap3A_139 {strides = array<i32>} : memref<80x16xf32, #tpu.memory_space<vmem>>, vector<1x16xf32>,
      %scan3A_140 = arith.constant 0 : i32
      scf.yield %scan3A_140 : i32
    }
    %scan3A_21 = arith.constant 80 : i32
    %lt3A = arith.constant 14 : i32
    %lt3A_22 = arith.cmpi slt, %arg1, %lt3A : i32
    %mul3A_23 = arith.constant 624 : i32
    %mul3A_24 = arith.muli %arg1, %mul3A_23 : i32
    %sub3A = arith.constant 14 : i32
    %sub3A_25 = arith.subi %arg1, %sub3A : i32
    %mul3A_26 = arith.constant 632 : i32
    %mul3A_27 = arith.muli %sub3A_25, %mul3A_26 : i32
    %add3A_28 = arith.constant 8736 : i32
    %add3A_29 = arith.addi %add3A_28, %mul3A_27 : i32
    %select_n3A = arith.select %lt3A_22, %mul3A_24, %add3A_29 : i32
    %lt3A_30 = arith.constant 14 : i32
    %lt3A_31 = arith.cmpi slt, %arg1, %lt3A_30 : i32
    %convert_element_type3A = arith.extui %lt3A_31 : i1 to i32
    %cond3A = arith.constant 0 : i32
    %cond3A_32 = arith.cmpi ne, %convert_element_type3A, %cond3A : i32
    scf.if %cond3A_32 {
      %add3A_133 = arith.constant 0 : i32
      %add3A_134 = arith.addi %select_n3A, %add3A_133 : i32
      "tpu.region"() ({
        %run_scoped3A = tpu.sem_alloc : memref<!tpu.dma_semaphore, #tpu.memory_space<semaphore_mem>>
        %dma_start3A_149 = arith.constant 0 : i32
        %dma_start3A_150 = tpu.memref_slice %arg13[%add3A_134, %dma_start3A_149] : memref<10000x16xf32, #tpu.memory_space<vmem_shared>> -> memref<80x16xf32, #tpu.memory_space<vmem_shared>>
        %dma_start3A_151 = arith.constant 0 : i32
        %dma_start3A_152 = tpu.memref_slice %arg13[%add3A_134, %dma_start3A_151] : memref<10000x16xf32, #tpu.memory_space<vmem_shared>> -> memref<80x16xf32, #tpu.memory_space<vmem_shared>>
        tpu.enqueue_dma source(%arg8 : memref<80x16xf32, #tpu.memory_space<vmem>>) target(%dma_start3A_152 : memref<80x16xf32, #tpu.memory_space<vmem_shared>>) target_semaphore(%run_scoped3A : memref<!tpu.dma_semaphore, #tpu.memory_space<semaphore_mem>>)
        %dma_wait3A_153 = arith.constant 0 : i32
        %dma_wait3A_154 = tpu.memref_slice %arg13[%add3A_134, %dma_wait3A_153] : memref<10000x16xf32, #tpu.memory_space<vmem_shared>> -> memref<80x16xf32, #tpu.memory_space<vmem_shared>>
        %dma_wait3A_155 = arith.constant 0 : i32
        %dma_wait3A_156 = tpu.memref_slice %arg13[%add3A_134, %dma_wait3A_155] : memref<10000x16xf32, #tpu.memory_space<vmem_shared>> -> memref<80x16xf32, #tpu.memory_space<vmem_shared>>
        tpu.wait_dma2 semaphore(%run_scoped3A : memref<!tpu.dma_semaphore, #tpu.memory_space<semaphore_mem>>) src(%arg8 : memref<80x16xf32, #tpu.memory_space<vmem>>) dst(%dma_wait3A_156 : memref<80x16xf32, #tpu.memory_space<vmem_shared>>)
        tpu.yield
      }) : () -> ()
      %add3A_135 = arith.constant 80 : i32
      %add3A_136 = arith.addi %select_n3A, %add3A_135 : i32
      "tpu.region"() ({
        %run_scoped3A = tpu.sem_alloc : memref<!tpu.dma_semaphore, #tpu.memory_space<semaphore_mem>>
        %dma_start3A_149 = arith.constant 0 : i32
        %dma_start3A_150 = tpu.memref_slice %arg13[%add3A_136, %dma_start3A_149] : memref<10000x16xf32, #tpu.memory_space<vmem_shared>> -> memref<80x16xf32, #tpu.memory_space<vmem_shared>>
        %dma_start3A_151 = arith.constant 0 : i32
        %dma_start3A_152 = tpu.memref_slice %arg13[%add3A_136, %dma_start3A_151] : memref<10000x16xf32, #tpu.memory_space<vmem_shared>> -> memref<80x16xf32, #tpu.memory_space<vmem_shared>>
        tpu.enqueue_dma source(%arg8 : memref<80x16xf32, #tpu.memory_space<vmem>>) target(%dma_start3A_152 : memref<80x16xf32, #tpu.memory_space<vmem_shared>>) target_semaphore(%run_scoped3A : memref<!tpu.dma_semaphore, #tpu.memory_space<semaphore_mem>>)
        %dma_wait3A_153 = arith.constant 0 : i32
        %dma_wait3A_154 = tpu.memref_slice %arg13[%add3A_136, %dma_wait3A_153] : memref<10000x16xf32, #tpu.memory_space<vmem_shared>> -> memref<80x16xf32, #tpu.memory_space<vmem_shared>>
        %dma_wait3A_155 = arith.constant 0 : i32
        %dma_wait3A_156 = tpu.memref_slice %arg13[%add3A_136, %dma_wait3A_155] : memref<10000x16xf32, #tpu.memory_space<vmem_shared>> -> memref<80x16xf32, #tpu.memory_space<vmem_shared>>
        tpu.wait_dma2 semaphore(%run_scoped3A : memref<!tpu.dma_semaphore, #tpu.memory_space<semaphore_mem>>) src(%arg8 : memref<80x16xf32, #tpu.memory_space<vmem>>) dst(%dma_wait3A_156 : memref<80x16xf32, #tpu.memory_space<vmem_shared>>)
        tpu.yield
      }) : () -> ()
      %add3A_137 = arith.constant 160 : i32
      %add3A_138 = arith.addi %select_n3A, %add3A_137 : i32
      "tpu.region"() ({
        %run_scoped3A = tpu.sem_alloc : memref<!tpu.dma_semaphore, #tpu.memory_space<semaphore_mem>>
        %dma_start3A_149 = arith.constant 0 : i32
        %dma_start3A_150 = tpu.memref_slice %arg13[%add3A_138, %dma_start3A_149] : memref<10000x16xf32, #tpu.memory_space<vmem_shared>> -> memref<80x16xf32, #tpu.memory_space<vmem_shared>>
        %dma_start3A_151 = arith.constant 0 : i32
        %dma_start3A_152 = tpu.memref_slice %arg13[%add3A_138, %dma_start3A_151] : memref<10000x16xf32, #tpu.memory_space<vmem_shared>> -> memref<80x16xf32, #tpu.memory_space<vmem_shared>>
        tpu.enqueue_dma source(%arg8 : memref<80x16xf32, #tpu.memory_space<vmem>>) target(%dma_start3A_152 : memref<80x16xf32, #tpu.memory_space<vmem_shared>>) target_semaphore(%run_scoped3A : memref<!tpu.dma_semaphore, #tpu.memory_space<semaphore_mem>>)
        %dma_wait3A_153 = arith.constant 0 : i32
        %dma_wait3A_154 = tpu.memref_slice %arg13[%add3A_138, %dma_wait3A_153] : memref<10000x16xf32, #tpu.memory_space<vmem_shared>> -> memref<80x16xf32, #tpu.memory_space<vmem_shared>>
        %dma_wait3A_155 = arith.constant 0 : i32
        %dma_wait3A_156 = tpu.memref_slice %arg13[%add3A_138, %dma_wait3A_155] : memref<10000x16xf32, #tpu.memory_space<vmem_shared>> -> memref<80x16xf32, #tpu.memory_space<vmem_shared>>
        tpu.wait_dma2 semaphore(%run_scoped3A : memref<!tpu.dma_semaphore, #tpu.memory_space<semaphore_mem>>) src(%arg8 : memref<80x16xf32, #tpu.memory_space<vmem>>) dst(%dma_wait3A_156 : memref<80x16xf32, #tpu.memory_space<vmem_shared>>)
        tpu.yield
      }) : () -> ()
      %add3A_139 = arith.constant 240 : i32
      %add3A_140 = arith.addi %select_n3A, %add3A_139 : i32
      "tpu.region"() ({
        %run_scoped3A = tpu.sem_alloc : memref<!tpu.dma_semaphore, #tpu.memory_space<semaphore_mem>>
        %dma_start3A_149 = arith.constant 0 : i32
        %dma_start3A_150 = tpu.memref_slice %arg13[%add3A_140, %dma_start3A_149] : memref<10000x16xf32, #tpu.memory_space<vmem_shared>> -> memref<80x16xf32, #tpu.memory_space<vmem_shared>>
        %dma_start3A_151 = arith.constant 0 : i32
        %dma_start3A_152 = tpu.memref_slice %arg13[%add3A_140, %dma_start3A_151] : memref<10000x16xf32, #tpu.memory_space<vmem_shared>> -> memref<80x16xf32, #tpu.memory_space<vmem_shared>>
        tpu.enqueue_dma source(%arg8 : memref<80x16xf32, #tpu.memory_space<vmem>>) target(%dma_start3A_152 : memref<80x16xf32, #tpu.memory_space<vmem_shared>>) target_semaphore(%run_scoped3A : memref<!tpu.dma_semaphore, #tpu.memory_space<semaphore_mem>>)
        %dma_wait3A_153 = arith.constant 0 : i32
        %dma_wait3A_154 = tpu.memref_slice %arg13[%add3A_140, %dma_wait3A_153] : memref<10000x16xf32, #tpu.memory_space<vmem_shared>> -> memref<80x16xf32, #tpu.memory_space<vmem_shared>>
        %dma_wait3A_155 = arith.constant 0 : i32
        %dma_wait3A_156 = tpu.memref_slice %arg13[%add3A_140, %dma_wait3A_155] : memref<10000x16xf32, #tpu.memory_space<vmem_shared>> -> memref<80x16xf32, #tpu.memory_space<vmem_shared>>
        tpu.wait_dma2 semaphore(%run_scoped3A : memref<!tpu.dma_semaphore, #tpu.memory_space<semaphore_mem>>) src(%arg8 : memref<80x16xf32, #tpu.memory_space<vmem>>) dst(%dma_wait3A_156 : memref<80x16xf32, #tpu.memory_space<vmem_shared>>)
        tpu.yield
      }) : () -> ()
      %add3A_141 = arith.constant 320 : i32
      %add3A_142 = arith.addi %select_n3A, %add3A_141 : i32
      "tpu.region"() ({
        %run_scoped3A = tpu.sem_alloc : memref<!tpu.dma_semaphore, #tpu.memory_space<semaphore_mem>>
        %dma_start3A_149 = arith.constant 0 : i32
        %dma_start3A_150 = tpu.memref_slice %arg13[%add3A_142, %dma_start3A_149] : memref<10000x16xf32, #tpu.memory_space<vmem_shared>> -> memref<80x16xf32, #tpu.memory_space<vmem_shared>>
        %dma_start3A_151 = arith.constant 0 : i32
        %dma_start3A_152 = tpu.memref_slice %arg13[%add3A_142, %dma_start3A_151] : memref<10000x16xf32, #tpu.memory_space<vmem_shared>> -> memref<80x16xf32, #tpu.memory_space<vmem_shared>>
        tpu.enqueue_dma source(%arg8 : memref<80x16xf32, #tpu.memory_space<vmem>>) target(%dma_start3A_152 : memref<80x16xf32, #tpu.memory_space<vmem_shared>>) target_semaphore(%run_scoped3A : memref<!tpu.dma_semaphore, #tpu.memory_space<semaphore_mem>>)
        %dma_wait3A_153 = arith.constant 0 : i32
        %dma_wait3A_154 = tpu.memref_slice %arg13[%add3A_142, %dma_wait3A_153] : memref<10000x16xf32, #tpu.memory_space<vmem_shared>> -> memref<80x16xf32, #tpu.memory_space<vmem_shared>>
        %dma_wait3A_155 = arith.constant 0 : i32
        %dma_wait3A_156 = tpu.memref_slice %arg13[%add3A_142, %dma_wait3A_155] : memref<10000x16xf32, #tpu.memory_space<vmem_shared>> -> memref<80x16xf32, #tpu.memory_space<vmem_shared>>
        tpu.wait_dma2 semaphore(%run_scoped3A : memref<!tpu.dma_semaphore, #tpu.memory_space<semaphore_mem>>) src(%arg8 : memref<80x16xf32, #tpu.memory_space<vmem>>) dst(%dma_wait3A_156 : memref<80x16xf32, #tpu.memory_space<vmem_shared>>)
        tpu.yield
      }) : () -> ()
      %add3A_143 = arith.constant 400 : i32
      %add3A_144 = arith.addi %select_n3A, %add3A_143 : i32
      "tpu.region"() ({
        %run_scoped3A = tpu.sem_alloc : memref<!tpu.dma_semaphore, #tpu.memory_space<semaphore_mem>>
        %dma_start3A_149 = arith.constant 0 : i32
        %dma_start3A_150 = tpu.memref_slice %arg13[%add3A_144, %dma_start3A_149] : memref<10000x16xf32, #tpu.memory_space<vmem_shared>> -> memref<80x16xf32, #tpu.memory_space<vmem_shared>>
        %dma_start3A_151 = arith.constant 0 : i32
        %dma_start3A_152 = tpu.memref_slice %arg13[%add3A_144, %dma_start3A_151] : memref<10000x16xf32, #tpu.memory_space<vmem_shared>> -> memref<80x16xf32, #tpu.memory_space<vmem_shared>>
        tpu.enqueue_dma source(%arg8 : memref<80x16xf32, #tpu.memory_space<vmem>>) target(%dma_start3A_152 : memref<80x16xf32, #tpu.memory_space<vmem_shared>>) target_semaphore(%run_scoped3A : memref<!tpu.dma_semaphore, #tpu.memory_space<semaphore_mem>>)
        %dma_wait3A_153 = arith.constant 0 : i32
        %dma_wait3A_154 = tpu.memref_slice %arg13[%add3A_144, %dma_wait3A_153] : memref<10000x16xf32, #tpu.memory_space<vmem_shared>> -> memref<80x16xf32, #tpu.memory_space<vmem_shared>>
        %dma_wait3A_155 = arith.constant 0 : i32
        %dma_wait3A_156 = tpu.memref_slice %arg13[%add3A_144, %dma_wait3A_155] : memref<10000x16xf32, #tpu.memory_space<vmem_shared>> -> memref<80x16xf32, #tpu.memory_space<vmem_shared>>
        tpu.wait_dma2 semaphore(%run_scoped3A : memref<!tpu.dma_semaphore, #tpu.memory_space<semaphore_mem>>) src(%arg8 : memref<80x16xf32, #tpu.memory_space<vmem>>) dst(%dma_wait3A_156 : memref<80x16xf32, #tpu.memory_space<vmem_shared>>)
        tpu.yield
      }) : () -> ()
      %add3A_145 = arith.constant 480 : i32
      %add3A_146 = arith.addi %select_n3A, %add3A_145 : i32
      "tpu.region"() ({
        %run_scoped3A = tpu.sem_alloc : memref<!tpu.dma_semaphore, #tpu.memory_space<semaphore_mem>>
        %dma_start3A_149 = arith.constant 0 : i32
        %dma_start3A_150 = tpu.memref_slice %arg13[%add3A_146, %dma_start3A_149] : memref<10000x16xf32, #tpu.memory_space<vmem_shared>> -> memref<80x16xf32, #tpu.memory_space<vmem_shared>>
        %dma_start3A_151 = arith.constant 0 : i32
        %dma_start3A_152 = tpu.memref_slice %arg13[%add3A_146, %dma_start3A_151] : memref<10000x16xf32, #tpu.memory_space<vmem_shared>> -> memref<80x16xf32, #tpu.memory_space<vmem_shared>>
        tpu.enqueue_dma source(%arg8 : memref<80x16xf32, #tpu.memory_space<vmem>>) target(%dma_start3A_152 : memref<80x16xf32, #tpu.memory_space<vmem_shared>>) target_semaphore(%run_scoped3A : memref<!tpu.dma_semaphore, #tpu.memory_space<semaphore_mem>>)
        %dma_wait3A_153 = arith.constant 0 : i32
        %dma_wait3A_154 = tpu.memref_slice %arg13[%add3A_146, %dma_wait3A_153] : memref<10000x16xf32, #tpu.memory_space<vmem_shared>> -> memref<80x16xf32, #tpu.memory_space<vmem_shared>>
        %dma_wait3A_155 = arith.constant 0 : i32
        %dma_wait3A_156 = tpu.memref_slice %arg13[%add3A_146, %dma_wait3A_155] : memref<10000x16xf32, #tpu.memory_space<vmem_shared>> -> memref<80x16xf32, #tpu.memory_space<vmem_shared>>
        tpu.wait_dma2 semaphore(%run_scoped3A : memref<!tpu.dma_semaphore, #tpu.memory_space<semaphore_mem>>) src(%arg8 : memref<80x16xf32, #tpu.memory_space<vmem>>) dst(%dma_wait3A_156 : memref<80x16xf32, #tpu.memory_space<vmem_shared>>)
        tpu.yield
      }) : () -> ()
      %add3A_147 = arith.constant 560 : i32
      %add3A_148 = arith.addi %select_n3A, %add3A_147 : i32
      "tpu.region"() ({
        %run_scoped3A = tpu.sem_alloc : memref<!tpu.dma_semaphore, #tpu.memory_space<semaphore_mem>>
        %dma_start3A_149 = arith.constant 0 : i32
        %dma_start3A_150 = arith.constant 0 : i32
        %dma_start3A_151 = tpu.memref_slice %arg8[%dma_start3A_149, %dma_start3A_150] : memref<80x16xf32, #tpu.memory_space<vmem>> -> memref<64x16xf32, #tpu.memory_space<vmem>>
        %dma_start3A_152 = arith.constant 0 : i32
        %dma_start3A_153 = tpu.memref_slice %arg13[%add3A_148, %dma_start3A_152] : memref<10000x16xf32, #tpu.memory_space<vmem_shared>> -> memref<64x16xf32, #tpu.memory_space<vmem_shared>>
        %dma_start3A_154 = arith.constant 0 : i32
        %dma_start3A_155 = tpu.memref_slice %arg13[%add3A_148, %dma_start3A_154] : memref<10000x16xf32, #tpu.memory_space<vmem_shared>> -> memref<64x16xf32, #tpu.memory_space<vmem_shared>>
        %dma_start3A_156 = arith.constant 0 : i32
        %dma_start3A_157 = arith.constant 0 : i32
        %dma_start3A_158 = tpu.memref_slice %arg8[%dma_start3A_156, %dma_start3A_157] : memref<80x16xf32, #tpu.memory_space<vmem>> -> memref<64x16xf32, #tpu.memory_space<vmem>>
        tpu.enqueue_dma source(%dma_start3A_158 : memref<64x16xf32, #tpu.memory_space<vmem>>) target(%dma_start3A_155 : memref<64x16xf32, #tpu.memory_space<vmem_shared>>) target_semaphore(%run_scoped3A : memref<!tpu.dma_semaphore, #tpu.memory_space<semaphore_mem>>)
        %dma_wait3A_159 = arith.constant 0 : i32
        %dma_wait3A_160 = arith.constant 0 : i32
        %dma_wait3A_161 = tpu.memref_slice %arg8[%dma_wait3A_159, %dma_wait3A_160] : memref<80x16xf32, #tpu.memory_space<vmem>> -> memref<64x16xf32, #tpu.memory_space<vmem>>
        %dma_wait3A_162 = arith.constant 0 : i32
        %dma_wait3A_163 = tpu.memref_slice %arg13[%add3A_148, %dma_wait3A_162] : memref<10000x16xf32, #tpu.memory_space<vmem_shared>> -> memref<64x16xf32, #tpu.memory_space<vmem_shared>>
        %dma_wait3A_164 = arith.constant 0 : i32
        %dma_wait3A_165 = tpu.memref_slice %arg13[%add3A_148, %dma_wait3A_164] : memref<10000x16xf32, #tpu.memory_space<vmem_shared>> -> memref<64x16xf32, #tpu.memory_space<vmem_shared>>
        %dma_wait3A_166 = arith.constant 0 : i32
        %dma_wait3A_167 = arith.constant 0 : i32
        %dma_wait3A_168 = tpu.memref_slice %arg8[%dma_wait3A_166, %dma_wait3A_167] : memref<80x16xf32, #tpu.memory_space<vmem>> -> memref<64x16xf32, #tpu.memory_space<vmem>>
        tpu.wait_dma2 semaphore(%run_scoped3A : memref<!tpu.dma_semaphore, #tpu.memory_space<semaphore_mem>>) src(%dma_wait3A_168 : memref<64x16xf32, #tpu.memory_space<vmem>>) dst(%dma_wait3A_165 : memref<64x16xf32, #tpu.memory_space<vmem_shared>>)
        tpu.yield
      }) : () -> ()
    } else {
    }
    %ge3A = arith.constant 14 : i32
    %ge3A_33 = arith.cmpi sge, %arg1, %ge3A : i32
    %convert_element_type3A_34 = arith.extui %ge3A_33 : i1 to i32
    %cond3A_35 = arith.constant 0 : i32
    %cond3A_36 = arith.cmpi ne, %convert_element_type3A_34, %cond3A_35 : i32
    scf.if %cond3A_36 {
      %add3A_133 = arith.constant 0 : i32
      %add3A_134 = arith.addi %select_n3A, %add3A_133 : i32
      "tpu.region"() ({
        %run_scoped3A = tpu.sem_alloc : memref<!tpu.dma_semaphore, #tpu.memory_space<semaphore_mem>>
        %dma_start3A_149 = arith.constant 0 : i32
        %dma_start3A_150 = tpu.memref_slice %arg13[%add3A_134, %dma_start3A_149] : memref<10000x16xf32, #tpu.memory_space<vmem_shared>> -> memref<80x16xf32, #tpu.memory_space<vmem_shared>>
        %dma_start3A_151 = arith.constant 0 : i32
        %dma_start3A_152 = tpu.memref_slice %arg13[%add3A_134, %dma_start3A_151] : memref<10000x16xf32, #tpu.memory_space<vmem_shared>> -> memref<80x16xf32, #tpu.memory_space<vmem_shared>>
        tpu.enqueue_dma source(%arg8 : memref<80x16xf32, #tpu.memory_space<vmem>>) target(%dma_start3A_152 : memref<80x16xf32, #tpu.memory_space<vmem_shared>>) target_semaphore(%run_scoped3A : memref<!tpu.dma_semaphore, #tpu.memory_space<semaphore_mem>>)
        %dma_wait3A_153 = arith.constant 0 : i32
        %dma_wait3A_154 = tpu.memref_slice %arg13[%add3A_134, %dma_wait3A_153] : memref<10000x16xf32, #tpu.memory_space<vmem_shared>> -> memref<80x16xf32, #tpu.memory_space<vmem_shared>>
        %dma_wait3A_155 = arith.constant 0 : i32
        %dma_wait3A_156 = tpu.memref_slice %arg13[%add3A_134, %dma_wait3A_155] : memref<10000x16xf32, #tpu.memory_space<vmem_shared>> -> memref<80x16xf32, #tpu.memory_space<vmem_shared>>
        tpu.wait_dma2 semaphore(%run_scoped3A : memref<!tpu.dma_semaphore, #tpu.memory_space<semaphore_mem>>) src(%arg8 : memref<80x16xf32, #tpu.memory_space<vmem>>) dst(%dma_wait3A_156 : memref<80x16xf32, #tpu.memory_space<vmem_shared>>)
        tpu.yield
      }) : () -> ()
      %add3A_135 = arith.constant 80 : i32
      %add3A_136 = arith.addi %select_n3A, %add3A_135 : i32
      "tpu.region"() ({
        %run_scoped3A = tpu.sem_alloc : memref<!tpu.dma_semaphore, #tpu.memory_space<semaphore_mem>>
        %dma_start3A_149 = arith.constant 0 : i32
        %dma_start3A_150 = tpu.memref_slice %arg13[%add3A_136, %dma_start3A_149] : memref<10000x16xf32, #tpu.memory_space<vmem_shared>> -> memref<80x16xf32, #tpu.memory_space<vmem_shared>>
        %dma_start3A_151 = arith.constant 0 : i32
        %dma_start3A_152 = tpu.memref_slice %arg13[%add3A_136, %dma_start3A_151] : memref<10000x16xf32, #tpu.memory_space<vmem_shared>> -> memref<80x16xf32, #tpu.memory_space<vmem_shared>>
        tpu.enqueue_dma source(%arg8 : memref<80x16xf32, #tpu.memory_space<vmem>>) target(%dma_start3A_152 : memref<80x16xf32, #tpu.memory_space<vmem_shared>>) target_semaphore(%run_scoped3A : memref<!tpu.dma_semaphore, #tpu.memory_space<semaphore_mem>>)
        %dma_wait3A_153 = arith.constant 0 : i32
        %dma_wait3A_154 = tpu.memref_slice %arg13[%add3A_136, %dma_wait3A_153] : memref<10000x16xf32, #tpu.memory_space<vmem_shared>> -> memref<80x16xf32, #tpu.memory_space<vmem_shared>>
        %dma_wait3A_155 = arith.constant 0 : i32
        %dma_wait3A_156 = tpu.memref_slice %arg13[%add3A_136, %dma_wait3A_155] : memref<10000x16xf32, #tpu.memory_space<vmem_shared>> -> memref<80x16xf32, #tpu.memory_space<vmem_shared>>
        tpu.wait_dma2 semaphore(%run_scoped3A : memref<!tpu.dma_semaphore, #tpu.memory_space<semaphore_mem>>) src(%arg8 : memref<80x16xf32, #tpu.memory_space<vmem>>) dst(%dma_wait3A_156 : memref<80x16xf32, #tpu.memory_space<vmem_shared>>)
        tpu.yield
      }) : () -> ()
      %add3A_137 = arith.constant 160 : i32
      %add3A_138 = arith.addi %select_n3A, %add3A_137 : i32
      "tpu.region"() ({
        %run_scoped3A = tpu.sem_alloc : memref<!tpu.dma_semaphore, #tpu.memory_space<semaphore_mem>>
        %dma_start3A_149 = arith.constant 0 : i32
        %dma_start3A_150 = tpu.memref_slice %arg13[%add3A_138, %dma_start3A_149] : memref<10000x16xf32, #tpu.memory_space<vmem_shared>> -> memref<80x16xf32, #tpu.memory_space<vmem_shared>>
        %dma_start3A_151 = arith.constant 0 : i32
        %dma_start3A_152 = tpu.memref_slice %arg13[%add3A_138, %dma_start3A_151] : memref<10000x16xf32, #tpu.memory_space<vmem_shared>> -> memref<80x16xf32, #tpu.memory_space<vmem_shared>>
        tpu.enqueue_dma source(%arg8 : memref<80x16xf32, #tpu.memory_space<vmem>>) target(%dma_start3A_152 : memref<80x16xf32, #tpu.memory_space<vmem_shared>>) target_semaphore(%run_scoped3A : memref<!tpu.dma_semaphore, #tpu.memory_space<semaphore_mem>>)
        %dma_wait3A_153 = arith.constant 0 : i32
        %dma_wait3A_154 = tpu.memref_slice %arg13[%add3A_138, %dma_wait3A_153] : memref<10000x16xf32, #tpu.memory_space<vmem_shared>> -> memref<80x16xf32, #tpu.memory_space<vmem_shared>>
        %dma_wait3A_155 = arith.constant 0 : i32
        %dma_wait3A_156 = tpu.memref_slice %arg13[%add3A_138, %dma_wait3A_155] : memref<10000x16xf32, #tpu.memory_space<vmem_shared>> -> memref<80x16xf32, #tpu.memory_space<vmem_shared>>
        tpu.wait_dma2 semaphore(%run_scoped3A : memref<!tpu.dma_semaphore, #tpu.memory_space<semaphore_mem>>) src(%arg8 : memref<80x16xf32, #tpu.memory_space<vmem>>) dst(%dma_wait3A_156 : memref<80x16xf32, #tpu.memory_space<vmem_shared>>)
        tpu.yield
      }) : () -> ()
      %add3A_139 = arith.constant 240 : i32
      %add3A_140 = arith.addi %select_n3A, %add3A_139 : i32
      "tpu.region"() ({
        %run_scoped3A = tpu.sem_alloc : memref<!tpu.dma_semaphore, #tpu.memory_space<semaphore_mem>>
        %dma_start3A_149 = arith.constant 0 : i32
        %dma_start3A_150 = tpu.memref_slice %arg13[%add3A_140, %dma_start3A_149] : memref<10000x16xf32, #tpu.memory_space<vmem_shared>> -> memref<80x16xf32, #tpu.memory_space<vmem_shared>>
        %dma_start3A_151 = arith.constant 0 : i32
        %dma_start3A_152 = tpu.memref_slice %arg13[%add3A_140, %dma_start3A_151] : memref<10000x16xf32, #tpu.memory_space<vmem_shared>> -> memref<80x16xf32, #tpu.memory_space<vmem_shared>>
        tpu.enqueue_dma source(%arg8 : memref<80x16xf32, #tpu.memory_space<vmem>>) target(%dma_start3A_152 : memref<80x16xf32, #tpu.memory_space<vmem_shared>>) target_semaphore(%run_scoped3A : memref<!tpu.dma_semaphore, #tpu.memory_space<semaphore_mem>>)
        %dma_wait3A_153 = arith.constant 0 : i32
        %dma_wait3A_154 = tpu.memref_slice %arg13[%add3A_140, %dma_wait3A_153] : memref<10000x16xf32, #tpu.memory_space<vmem_shared>> -> memref<80x16xf32, #tpu.memory_space<vmem_shared>>
        %dma_wait3A_155 = arith.constant 0 : i32
        %dma_wait3A_156 = tpu.memref_slice %arg13[%add3A_140, %dma_wait3A_155] : memref<10000x16xf32, #tpu.memory_space<vmem_shared>> -> memref<80x16xf32, #tpu.memory_space<vmem_shared>>
        tpu.wait_dma2 semaphore(%run_scoped3A : memref<!tpu.dma_semaphore, #tpu.memory_space<semaphore_mem>>) src(%arg8 : memref<80x16xf32, #tpu.memory_space<vmem>>) dst(%dma_wait3A_156 : memref<80x16xf32, #tpu.memory_space<vmem_shared>>)
        tpu.yield
      }) : () -> ()
      %add3A_141 = arith.constant 320 : i32
      %add3A_142 = arith.addi %select_n3A, %add3A_141 : i32
      "tpu.region"() ({
        %run_scoped3A = tpu.sem_alloc : memref<!tpu.dma_semaphore, #tpu.memory_space<semaphore_mem>>
        %dma_start3A_149 = arith.constant 0 : i32
        %dma_start3A_150 = tpu.memref_slice %arg13[%add3A_142, %dma_start3A_149] : memref<10000x16xf32, #tpu.memory_space<vmem_shared>> -> memref<80x16xf32, #tpu.memory_space<vmem_shared>>
        %dma_start3A_151 = arith.constant 0 : i32
        %dma_start3A_152 = tpu.memref_slice %arg13[%add3A_142, %dma_start3A_151] : memref<10000x16xf32, #tpu.memory_space<vmem_shared>> -> memref<80x16xf32, #tpu.memory_space<vmem_shared>>
        tpu.enqueue_dma source(%arg8 : memref<80x16xf32, #tpu.memory_space<vmem>>) target(%dma_start3A_152 : memref<80x16xf32, #tpu.memory_space<vmem_shared>>) target_semaphore(%run_scoped3A : memref<!tpu.dma_semaphore, #tpu.memory_space<semaphore_mem>>)
        %dma_wait3A_153 = arith.constant 0 : i32
        %dma_wait3A_154 = tpu.memref_slice %arg13[%add3A_142, %dma_wait3A_153] : memref<10000x16xf32, #tpu.memory_space<vmem_shared>> -> memref<80x16xf32, #tpu.memory_space<vmem_shared>>
        %dma_wait3A_155 = arith.constant 0 : i32
        %dma_wait3A_156 = tpu.memref_slice %arg13[%add3A_142, %dma_wait3A_155] : memref<10000x16xf32, #tpu.memory_space<vmem_shared>> -> memref<80x16xf32, #tpu.memory_space<vmem_shared>>
        tpu.wait_dma2 semaphore(%run_scoped3A : memref<!tpu.dma_semaphore, #tpu.memory_space<semaphore_mem>>) src(%arg8 : memref<80x16xf32, #tpu.memory_space<vmem>>) dst(%dma_wait3A_156 : memref<80x16xf32, #tpu.memory_space<vmem_shared>>)
        tpu.yield
      }) : () -> ()
      %add3A_143 = arith.constant 400 : i32
      %add3A_144 = arith.addi %select_n3A, %add3A_143 : i32
      "tpu.region"() ({
        %run_scoped3A = tpu.sem_alloc : memref<!tpu.dma_semaphore, #tpu.memory_space<semaphore_mem>>
        %dma_start3A_149 = arith.constant 0 : i32
        %dma_start3A_150 = tpu.memref_slice %arg13[%add3A_144, %dma_start3A_149] : memref<10000x16xf32, #tpu.memory_space<vmem_shared>> -> memref<80x16xf32, #tpu.memory_space<vmem_shared>>
        %dma_start3A_151 = arith.constant 0 : i32
        %dma_start3A_152 = tpu.memref_slice %arg13[%add3A_144, %dma_start3A_151] : memref<10000x16xf32, #tpu.memory_space<vmem_shared>> -> memref<80x16xf32, #tpu.memory_space<vmem_shared>>
        tpu.enqueue_dma source(%arg8 : memref<80x16xf32, #tpu.memory_space<vmem>>) target(%dma_start3A_152 : memref<80x16xf32, #tpu.memory_space<vmem_shared>>) target_semaphore(%run_scoped3A : memref<!tpu.dma_semaphore, #tpu.memory_space<semaphore_mem>>)
        %dma_wait3A_153 = arith.constant 0 : i32
        %dma_wait3A_154 = tpu.memref_slice %arg13[%add3A_144, %dma_wait3A_153] : memref<10000x16xf32, #tpu.memory_space<vmem_shared>> -> memref<80x16xf32, #tpu.memory_space<vmem_shared>>
        %dma_wait3A_155 = arith.constant 0 : i32
        %dma_wait3A_156 = tpu.memref_slice %arg13[%add3A_144, %dma_wait3A_155] : memref<10000x16xf32, #tpu.memory_space<vmem_shared>> -> memref<80x16xf32, #tpu.memory_space<vmem_shared>>
        tpu.wait_dma2 semaphore(%run_scoped3A : memref<!tpu.dma_semaphore, #tpu.memory_space<semaphore_mem>>) src(%arg8 : memref<80x16xf32, #tpu.memory_space<vmem>>) dst(%dma_wait3A_156 : memref<80x16xf32, #tpu.memory_space<vmem_shared>>)
        tpu.yield
      }) : () -> ()
      %add3A_145 = arith.constant 480 : i32
      %add3A_146 = arith.addi %select_n3A, %add3A_145 : i32
      "tpu.region"() ({
        %run_scoped3A = tpu.sem_alloc : memref<!tpu.dma_semaphore, #tpu.memory_space<semaphore_mem>>
        %dma_start3A_149 = arith.constant 0 : i32
        %dma_start3A_150 = tpu.memref_slice %arg13[%add3A_146, %dma_start3A_149] : memref<10000x16xf32, #tpu.memory_space<vmem_shared>> -> memref<80x16xf32, #tpu.memory_space<vmem_shared>>
        %dma_start3A_151 = arith.constant 0 : i32
        %dma_start3A_152 = tpu.memref_slice %arg13[%add3A_146, %dma_start3A_151] : memref<10000x16xf32, #tpu.memory_space<vmem_shared>> -> memref<80x16xf32, #tpu.memory_space<vmem_shared>>
        tpu.enqueue_dma source(%arg8 : memref<80x16xf32, #tpu.memory_space<vmem>>) target(%dma_start3A_152 : memref<80x16xf32, #tpu.memory_space<vmem_shared>>) target_semaphore(%run_scoped3A : memref<!tpu.dma_semaphore, #tpu.memory_space<semaphore_mem>>)
        %dma_wait3A_153 = arith.constant 0 : i32
        %dma_wait3A_154 = tpu.memref_slice %arg13[%add3A_146, %dma_wait3A_153] : memref<10000x16xf32, #tpu.memory_space<vmem_shared>> -> memref<80x16xf32, #tpu.memory_space<vmem_shared>>
        %dma_wait3A_155 = arith.constant 0 : i32
        %dma_wait3A_156 = tpu.memref_slice %arg13[%add3A_146, %dma_wait3A_155] : memref<10000x16xf32, #tpu.memory_space<vmem_shared>> -> memref<80x16xf32, #tpu.memory_space<vmem_shared>>
        tpu.wait_dma2 semaphore(%run_scoped3A : memref<!tpu.dma_semaphore, #tpu.memory_space<semaphore_mem>>) src(%arg8 : memref<80x16xf32, #tpu.memory_space<vmem>>) dst(%dma_wait3A_156 : memref<80x16xf32, #tpu.memory_space<vmem_shared>>)
        tpu.yield
      }) : () -> ()
      %add3A_147 = arith.constant 560 : i32
      %add3A_148 = arith.addi %select_n3A, %add3A_147 : i32
      "tpu.region"() ({
        %run_scoped3A = tpu.sem_alloc : memref<!tpu.dma_semaphore, #tpu.memory_space<semaphore_mem>>
        %dma_start3A_149 = arith.constant 0 : i32
        %dma_start3A_150 = arith.constant 0 : i32
        %dma_start3A_151 = tpu.memref_slice %arg8[%dma_start3A_149, %dma_start3A_150] : memref<80x16xf32, #tpu.memory_space<vmem>> -> memref<72x16xf32, #tpu.memory_space<vmem>>
        %dma_start3A_152 = arith.constant 0 : i32
        %dma_start3A_153 = tpu.memref_slice %arg13[%add3A_148, %dma_start3A_152] : memref<10000x16xf32, #tpu.memory_space<vmem_shared>> -> memref<72x16xf32, #tpu.memory_space<vmem_shared>>
        %dma_start3A_154 = arith.constant 0 : i32
        %dma_start3A_155 = tpu.memref_slice %arg13[%add3A_148, %dma_start3A_154] : memref<10000x16xf32, #tpu.memory_space<vmem_shared>> -> memref<72x16xf32, #tpu.memory_space<vmem_shared>>
        %dma_start3A_156 = arith.constant 0 : i32
        %dma_start3A_157 = arith.constant 0 : i32
        %dma_start3A_158 = tpu.memref_slice %arg8[%dma_start3A_156, %dma_start3A_157] : memref<80x16xf32, #tpu.memory_space<vmem>> -> memref<72x16xf32, #tpu.memory_space<vmem>>
        tpu.enqueue_dma source(%dma_start3A_158 : memref<72x16xf32, #tpu.memory_space<vmem>>) target(%dma_start3A_155 : memref<72x16xf32, #tpu.memory_space<vmem_shared>>) target_semaphore(%run_scoped3A : memref<!tpu.dma_semaphore, #tpu.memory_space<semaphore_mem>>)
        %dma_wait3A_159 = arith.constant 0 : i32
        %dma_wait3A_160 = arith.constant 0 : i32
        %dma_wait3A_161 = tpu.memref_slice %arg8[%dma_wait3A_159, %dma_wait3A_160] : memref<80x16xf32, #tpu.memory_space<vmem>> -> memref<72x16xf32, #tpu.memory_space<vmem>>
        %dma_wait3A_162 = arith.constant 0 : i32
        %dma_wait3A_163 = tpu.memref_slice %arg13[%add3A_148, %dma_wait3A_162] : memref<10000x16xf32, #tpu.memory_space<vmem_shared>> -> memref<72x16xf32, #tpu.memory_space<vmem_shared>>
        %dma_wait3A_164 = arith.constant 0 : i32
        %dma_wait3A_165 = tpu.memref_slice %arg13[%add3A_148, %dma_wait3A_164] : memref<10000x16xf32, #tpu.memory_space<vmem_shared>> -> memref<72x16xf32, #tpu.memory_space<vmem_shared>>
        %dma_wait3A_166 = arith.constant 0 : i32
        %dma_wait3A_167 = arith.constant 0 : i32
        %dma_wait3A_168 = tpu.memref_slice %arg8[%dma_wait3A_166, %dma_wait3A_167] : memref<80x16xf32, #tpu.memory_space<vmem>> -> memref<72x16xf32, #tpu.memory_space<vmem>>
        tpu.wait_dma2 semaphore(%run_scoped3A : memref<!tpu.dma_semaphore, #tpu.memory_space<semaphore_mem>>) src(%dma_wait3A_168 : memref<72x16xf32, #tpu.memory_space<vmem>>) dst(%dma_wait3A_165 : memref<72x16xf32, #tpu.memory_space<vmem_shared>>)
        tpu.yield
      }) : () -> ()
    } else {
    }
    %barrier3A = arith.constant 0 : index
    tpu.barrier barrier_id(%barrier3A)
    %dma_wait3A = arith.constant 0 : i32
    %dma_wait3A_37 = arith.constant 0 : i32
    %dma_wait3A_38 = tpu.memref_slice %arg3[%add3A, %dma_wait3A, %dma_wait3A_37] : memref<32x125x80xi32, #tpu.memory_space<hbm>> -> memref<1x125x80xi32, #tpu.memory_space<hbm>>
    %dma_wait3A_39 = tpu.memref_squeeze %dma_wait3A_38 : memref<1x125x80xi32, #tpu.memory_space<hbm>> -> memref<125x80xi32, #tpu.memory_space<hbm>>
    %dma_wait3A_40 = arith.constant 0 : i32
    %dma_wait3A_41 = arith.constant 0 : i32
    %dma_wait3A_42 = tpu.memref_slice %arg3[%add3A, %dma_wait3A_40, %dma_wait3A_41] : memref<32x125x80xi32, #tpu.memory_space<hbm>> -> memref<1x125x80xi32, #tpu.memory_space<hbm>>
    %dma_wait3A_43 = tpu.memref_squeeze %dma_wait3A_42 : memref<1x125x80xi32, #tpu.memory_space<hbm>> -> memref<125x80xi32, #tpu.memory_space<hbm>>
    tpu.wait_dma2 semaphore(%arg14 : memref<!tpu.dma_semaphore, #tpu.memory_space<semaphore_mem>>) src(%dma_wait3A_43 : memref<125x80xi32, #tpu.memory_space<hbm>>) dst(%arg6 : memref<125x80xi32, #tpu.memory_space<vmem>>)
    %dma_wait3A_44 = arith.constant 0 : i32
    %dma_wait3A_45 = arith.constant 0 : i32
    %dma_wait3A_46 = tpu.memref_slice %arg4[%add3A, %dma_wait3A_44, %dma_wait3A_45] : memref<32x125x80xi32, #tpu.memory_space<hbm>> -> memref<1x125x80xi32, #tpu.memory_space<hbm>>
    %dma_wait3A_47 = tpu.memref_squeeze %dma_wait3A_46 : memref<1x125x80xi32, #tpu.memory_space<hbm>> -> memref<125x80xi32, #tpu.memory_space<hbm>>
    %dma_wait3A_48 = arith.constant 0 : i32
    %dma_wait3A_49 = arith.constant 0 : i32
    %dma_wait3A_50 = tpu.memref_slice %arg4[%add3A, %dma_wait3A_48, %dma_wait3A_49] : memref<32x125x80xi32, #tpu.memory_space<hbm>> -> memref<1x125x80xi32, #tpu.memory_space<hbm>>
    %dma_wait3A_51 = tpu.memref_squeeze %dma_wait3A_50 : memref<1x125x80xi32, #tpu.memory_space<hbm>> -> memref<125x80xi32, #tpu.memory_space<hbm>>
    tpu.wait_dma2 semaphore(%arg15 : memref<!tpu.dma_semaphore, #tpu.memory_space<semaphore_mem>>) src(%dma_wait3A_51 : memref<125x80xi32, #tpu.memory_space<hbm>>) dst(%arg7 : memref<125x80xi32, #tpu.memory_space<vmem>>)
    %dma_start3A_52 = arith.constant 0 : i32
    %dma_start3A_53 = arith.constant 0 : i32
    %dma_start3A_54 = tpu.memref_slice %arg6[%dma_start3A_52, %dma_start3A_53] : memref<125x80xi32, #tpu.memory_space<vmem>> -> memref<1x80xi32, #tpu.memory_space<vmem>>
    %dma_start3A_55 = tpu.memref_squeeze %dma_start3A_54 : memref<1x80xi32, #tpu.memory_space<vmem>> -> memref<80xi32, #tpu.memory_space<vmem>>
    %dma_start3A_56 = arith.constant 0 : i32
    %dma_start3A_57 = arith.constant 0 : i32
    %dma_start3A_58 = tpu.memref_slice %arg2[%dma_start3A_56, %dma_start3A_57] : memref<10000x16xf32, #tpu.memory_space<hbm>> -> memref<10000x16xf32, #tpu.memory_space<hbm>>
    tpu.enqueue_indirect_dma source(%dma_start3A_58 : memref<10000x16xf32, #tpu.memory_space<hbm>>) target(%arg8 : memref<80x16xf32, #tpu.memory_space<vmem>>) offsets(%dma_start3A_55 : memref<80xi32, #tpu.memory_space<vmem>>) semaphore(%arg14 : memref<!tpu.dma_semaphore, #tpu.memory_space<semaphore_mem>>)
    %dma_start3A_59 = arith.constant 1 : i32
    %dma_start3A_60 = arith.constant 0 : i32
    %dma_start3A_61 = tpu.memref_slice %arg6[%dma_start3A_59, %dma_start3A_60] : memref<125x80xi32, #tpu.memory_space<vmem>> -> memref<1x80xi32, #tpu.memory_space<vmem>>
    %dma_start3A_62 = tpu.memref_squeeze %dma_start3A_61 : memref<1x80xi32, #tpu.memory_space<vmem>> -> memref<80xi32, #tpu.memory_space<vmem>>
    %dma_start3A_63 = arith.constant 0 : i32
    %dma_start3A_64 = arith.constant 0 : i32
    %dma_start3A_65 = tpu.memref_slice %arg2[%dma_start3A_63, %dma_start3A_64] : memref<10000x16xf32, #tpu.memory_space<hbm>> -> memref<10000x16xf32, #tpu.memory_space<hbm>>
    tpu.enqueue_indirect_dma source(%dma_start3A_65 : memref<10000x16xf32, #tpu.memory_space<hbm>>) target(%arg9 : memref<80x16xf32, #tpu.memory_space<vmem>>) offsets(%dma_start3A_62 : memref<80xi32, #tpu.memory_space<vmem>>) semaphore(%arg15 : memref<!tpu.dma_semaphore, #tpu.memory_space<semaphore_mem>>)
    %dma_start3A_66 = arith.constant 2 : i32
    %dma_start3A_67 = arith.constant 0 : i32
    %dma_start3A_68 = tpu.memref_slice %arg6[%dma_start3A_66, %dma_start3A_67] : memref<125x80xi32, #tpu.memory_space<vmem>> -> memref<1x80xi32, #tpu.memory_space<vmem>>
    %dma_start3A_69 = tpu.memref_squeeze %dma_start3A_68 : memref<1x80xi32, #tpu.memory_space<vmem>> -> memref<80xi32, #tpu.memory_space<vmem>>
    %dma_start3A_70 = arith.constant 0 : i32
    %dma_start3A_71 = arith.constant 0 : i32
    %dma_start3A_72 = tpu.memref_slice %arg2[%dma_start3A_70, %dma_start3A_71] : memref<10000x16xf32, #tpu.memory_space<hbm>> -> memref<10000x16xf32, #tpu.memory_space<hbm>>
    tpu.enqueue_indirect_dma source(%dma_start3A_72 : memref<10000x16xf32, #tpu.memory_space<hbm>>) target(%arg10 : memref<80x16xf32, #tpu.memory_space<vmem>>) offsets(%dma_start3A_69 : memref<80xi32, #tpu.memory_space<vmem>>) semaphore(%arg16 : memref<!tpu.dma_semaphore, #tpu.memory_space<semaphore_mem>>)
    %dma_start3A_73 = arith.constant 3 : i32
    %dma_start3A_74 = arith.constant 0 : i32
    %dma_start3A_75 = tpu.memref_slice %arg6[%dma_start3A_73, %dma_start3A_74] : memref<125x80xi32, #tpu.memory_space<vmem>> -> memref<1x80xi32, #tpu.memory_space<vmem>>
    %dma_start3A_76 = tpu.memref_squeeze %dma_start3A_75 : memref<1x80xi32, #tpu.memory_space<vmem>> -> memref<80xi32, #tpu.memory_space<vmem>>
    %dma_start3A_77 = arith.constant 0 : i32
    %dma_start3A_78 = arith.constant 0 : i32
    %dma_start3A_79 = tpu.memref_slice %arg2[%dma_start3A_77, %dma_start3A_78] : memref<10000x16xf32, #tpu.memory_space<hbm>> -> memref<10000x16xf32, #tpu.memory_space<hbm>>
    tpu.enqueue_indirect_dma source(%dma_start3A_79 : memref<10000x16xf32, #tpu.memory_space<hbm>>) target(%arg11 : memref<80x16xf32, #tpu.memory_space<vmem>>) offsets(%dma_start3A_76 : memref<80xi32, #tpu.memory_space<vmem>>) semaphore(%arg17 : memref<!tpu.dma_semaphore, #tpu.memory_space<semaphore_mem>>)
    %scan3A_80 = arith.constant 0 : i32
    %scan3A_81 = arith.constant 0 : i32
    %scan3A_82 = arith.constant 25 : i32
    %scan3A_83 = arith.addi %scan3A_81, %scan3A_82 : i32
    %scan3A_84 = arith.constant 1 : i32
    %scan3A_85 = scf.for %scan3A_133 = %scan3A_81 to %scan3A_83 step %scan3A_84 iter_args(%scan3A_134 = %scan3A_80) -> (i32)  : i32 {
      %mul3A_135 = arith.constant 5 : i32
      %mul3A_136 = arith.muli %scan3A_133, %mul3A_135 : i32
      %add3A_137 = arith.constant 0 : i32
      %add3A_138 = arith.addi %mul3A_136, %add3A_137 : i32
      %dma_wait3A_139 = arith.constant 0 : i32
      %dma_wait3A_140 = tpu.memref_slice %arg6[%add3A_138, %dma_wait3A_139] : memref<125x80xi32, #tpu.memory_space<vmem>> -> memref<1x80xi32, #tpu.memory_space<vmem>>
      %dma_wait3A_141 = tpu.memref_squeeze %dma_wait3A_140 : memref<1x80xi32, #tpu.memory_space<vmem>> -> memref<80xi32, #tpu.memory_space<vmem>>
      %dma_wait3A_142 = arith.constant 0 : i32
      %dma_wait3A_143 = arith.constant 0 : i32
      %dma_wait3A_144 = tpu.memref_slice %arg2[%dma_wait3A_142, %dma_wait3A_143] : memref<10000x16xf32, #tpu.memory_space<hbm>> -> memref<10000x16xf32, #tpu.memory_space<hbm>>
      tpu.wait_indirect_dma semaphore(%arg14 : memref<!tpu.dma_semaphore, #tpu.memory_space<semaphore_mem>>) src(%dma_wait3A_144 : memref<10000x16xf32, #tpu.memory_space<hbm>>) dst(%arg8 : memref<80x16xf32, #tpu.memory_space<vmem>>)
      %dma_start3A_145 = arith.constant 0 : i32
      %dma_start3A_146 = tpu.memref_slice %arg7[%add3A_138, %dma_start3A_145] : memref<125x80xi32, #tpu.memory_space<vmem>> -> memref<1x80xi32, #tpu.memory_space<vmem>>
      %dma_start3A_147 = tpu.memref_squeeze %dma_start3A_146 : memref<1x80xi32, #tpu.memory_space<vmem>> -> memref<80xi32, #tpu.memory_space<vmem>>
      %dma_start3A_148 = arith.constant 0 : i32
      %dma_start3A_149 = arith.constant 0 : i32
      %dma_start3A_150 = tpu.memref_slice %arg13[%dma_start3A_148, %dma_start3A_149] : memref<10000x16xf32, #tpu.memory_space<vmem_shared>> -> memref<10000x16xf32, #tpu.memory_space<vmem_shared>>
      tpu.enqueue_indirect_dma source(%arg8 : memref<80x16xf32, #tpu.memory_space<vmem>>) target(%dma_start3A_150 : memref<10000x16xf32, #tpu.memory_space<vmem_shared>>) offsets(%dma_start3A_147 : memref<80xi32, #tpu.memory_space<vmem>>) semaphore(%arg19 : memref<!tpu.dma_semaphore, #tpu.memory_space<semaphore_mem>>) {add = true}
      %le3A = arith.constant 120 : i32
      %le3A_151 = arith.cmpi sle, %add3A_138, %le3A : i32
      %convert_element_type3A_152 = arith.extui %le3A_151 : i1 to i32
      %cond3A_153 = arith.constant 0 : i32
      %cond3A_154 = arith.cmpi ne, %convert_element_type3A_152, %cond3A_153 : i32
      scf.if %cond3A_154 {
        %ge3A_240 = arith.constant 1 : i32
        %ge3A_241 = arith.cmpi sge, %add3A_138, %ge3A_240 : i32
        %convert_element_type3A_242 = arith.extui %ge3A_241 : i1 to i32
        %cond3A_243 = arith.constant 0 : i32
        %cond3A_244 = arith.cmpi ne, %convert_element_type3A_242, %cond3A_243 : i32
        scf.if %cond3A_244 {
          %dma_wait3A_255 = arith.constant 0 : i32
          %dma_wait3A_256 = arith.constant 0 : i32
          %dma_wait3A_257 = tpu.memref_slice %arg7[%dma_wait3A_255, %dma_wait3A_256] : memref<125x80xi32, #tpu.memory_space<vmem>> -> memref<1x80xi32, #tpu.memory_space<vmem>>
          %dma_wait3A_258 = tpu.memref_squeeze %dma_wait3A_257 : memref<1x80xi32, #tpu.memory_space<vmem>> -> memref<80xi32, #tpu.memory_space<vmem>>
          %dma_wait3A_259 = arith.constant 0 : i32
          %dma_wait3A_260 = arith.constant 0 : i32
          %dma_wait3A_261 = tpu.memref_slice %arg13[%dma_wait3A_259, %dma_wait3A_260] : memref<10000x16xf32, #tpu.memory_space<vmem_shared>> -> memref<10000x16xf32, #tpu.memory_space<vmem_shared>>
          tpu.wait_indirect_dma semaphore(%arg23 : memref<!tpu.dma_semaphore, #tpu.memory_space<semaphore_mem>>) src(%arg12 : memref<80x16xf32, #tpu.memory_space<vmem>>) dst(%dma_wait3A_261 : memref<10000x16xf32, #tpu.memory_space<vmem_shared>>)
        } else {
        }
        %add3A_245 = arith.constant 5 : i32
        %add3A_246 = arith.addi %add3A_138, %add3A_245 : i32
        %sub3A_247 = arith.constant 1 : i32
        %sub3A_248 = arith.subi %add3A_246, %sub3A_247 : i32
        %dma_start3A_249 = arith.constant 0 : i32
        %dma_start3A_250 = tpu.memref_slice %arg6[%sub3A_248, %dma_start3A_249] : memref<125x80xi32, #tpu.memory_space<vmem>> -> memref<1x80xi32, #tpu.memory_space<vmem>>
        %dma_start3A_251 = tpu.memref_squeeze %dma_start3A_250 : memref<1x80xi32, #tpu.memory_space<vmem>> -> memref<80xi32, #tpu.memory_space<vmem>>
        %dma_start3A_252 = arith.constant 0 : i32
        %dma_start3A_253 = arith.constant 0 : i32
        %dma_start3A_254 = tpu.memref_slice %arg2[%dma_start3A_252, %dma_start3A_253] : memref<10000x16xf32, #tpu.memory_space<hbm>> -> memref<10000x16xf32, #tpu.memory_space<hbm>>
        tpu.enqueue_indirect_dma source(%dma_start3A_254 : memref<10000x16xf32, #tpu.memory_space<hbm>>) target(%arg12 : memref<80x16xf32, #tpu.memory_space<vmem>>) offsets(%dma_start3A_251 : memref<80xi32, #tpu.memory_space<vmem>>) semaphore(%arg18 : memref<!tpu.dma_semaphore, #tpu.memory_space<semaphore_mem>>)
      } else {
      }
      %mul3A_155 = arith.constant 5 : i32
      %mul3A_156 = arith.muli %scan3A_133, %mul3A_155 : i32
      %add3A_157 = arith.constant 1 : i32
      %add3A_158 = arith.addi %mul3A_156, %add3A_157 : i32
      %dma_wait3A_159 = arith.constant 0 : i32
      %dma_wait3A_160 = tpu.memref_slice %arg6[%add3A_158, %dma_wait3A_159] : memref<125x80xi32, #tpu.memory_space<vmem>> -> memref<1x80xi32, #tpu.memory_space<vmem>>
      %dma_wait3A_161 = tpu.memref_squeeze %dma_wait3A_160 : memref<1x80xi32, #tpu.memory_space<vmem>> -> memref<80xi32, #tpu.memory_space<vmem>>
      %dma_wait3A_162 = arith.constant 0 : i32
      %dma_wait3A_163 = arith.constant 0 : i32
      %dma_wait3A_164 = tpu.memref_slice %arg2[%dma_wait3A_162, %dma_wait3A_163] : memref<10000x16xf32, #tpu.memory_space<hbm>> -> memref<10000x16xf32, #tpu.memory_space<hbm>>
      tpu.wait_indirect_dma semaphore(%arg15 : memref<!tpu.dma_semaphore, #tpu.memory_space<semaphore_mem>>) src(%dma_wait3A_164 : memref<10000x16xf32, #tpu.memory_space<hbm>>) dst(%arg9 : memref<80x16xf32, #tpu.memory_space<vmem>>)
      %dma_start3A_165 = arith.constant 0 : i32
      %dma_start3A_166 = tpu.memref_slice %arg7[%add3A_158, %dma_start3A_165] : memref<125x80xi32, #tpu.memory_space<vmem>> -> memref<1x80xi32, #tpu.memory_space<vmem>>
      %dma_start3A_167 = tpu.memref_squeeze %dma_start3A_166 : memref<1x80xi32, #tpu.memory_space<vmem>> -> memref<80xi32, #tpu.memory_space<vmem>>
      %dma_start3A_168 = arith.constant 0 : i32
      %dma_start3A_169 = arith.constant 0 : i32
      %dma_start3A_170 = tpu.memref_slice %arg13[%dma_start3A_168, %dma_start3A_169] : memref<10000x16xf32, #tpu.memory_space<vmem_shared>> -> memref<10000x16xf32, #tpu.memory_space<vmem_shared>>
      tpu.enqueue_indirect_dma source(%arg9 : memref<80x16xf32, #tpu.memory_space<vmem>>) target(%dma_start3A_170 : memref<10000x16xf32, #tpu.memory_space<vmem_shared>>) offsets(%dma_start3A_167 : memref<80xi32, #tpu.memory_space<vmem>>) semaphore(%arg20 : memref<!tpu.dma_semaphore, #tpu.memory_space<semaphore_mem>>) {add = true}
      %le3A_171 = arith.constant 120 : i32
      %le3A_172 = arith.cmpi sle, %add3A_158, %le3A_171 : i32
      %convert_element_type3A_173 = arith.extui %le3A_172 : i1 to i32
      %cond3A_174 = arith.constant 0 : i32
      %cond3A_175 = arith.cmpi ne, %convert_element_type3A_173, %cond3A_174 : i32
      scf.if %cond3A_175 {
        %ge3A_240 = arith.constant 1 : i32
        %ge3A_241 = arith.cmpi sge, %add3A_158, %ge3A_240 : i32
        %convert_element_type3A_242 = arith.extui %ge3A_241 : i1 to i32
        %cond3A_243 = arith.constant 0 : i32
        %cond3A_244 = arith.cmpi ne, %convert_element_type3A_242, %cond3A_243 : i32
        scf.if %cond3A_244 {
          %dma_wait3A_255 = arith.constant 0 : i32
          %dma_wait3A_256 = arith.constant 0 : i32
          %dma_wait3A_257 = tpu.memref_slice %arg7[%dma_wait3A_255, %dma_wait3A_256] : memref<125x80xi32, #tpu.memory_space<vmem>> -> memref<1x80xi32, #tpu.memory_space<vmem>>
          %dma_wait3A_258 = tpu.memref_squeeze %dma_wait3A_257 : memref<1x80xi32, #tpu.memory_space<vmem>> -> memref<80xi32, #tpu.memory_space<vmem>>
          %dma_wait3A_259 = arith.constant 0 : i32
          %dma_wait3A_260 = arith.constant 0 : i32
          %dma_wait3A_261 = tpu.memref_slice %arg13[%dma_wait3A_259, %dma_wait3A_260] : memref<10000x16xf32, #tpu.memory_space<vmem_shared>> -> memref<10000x16xf32, #tpu.memory_space<vmem_shared>>
          tpu.wait_indirect_dma semaphore(%arg19 : memref<!tpu.dma_semaphore, #tpu.memory_space<semaphore_mem>>) src(%arg8 : memref<80x16xf32, #tpu.memory_space<vmem>>) dst(%dma_wait3A_261 : memref<10000x16xf32, #tpu.memory_space<vmem_shared>>)
        } else {
        }
        %add3A_245 = arith.constant 5 : i32
        %add3A_246 = arith.addi %add3A_158, %add3A_245 : i32
        %sub3A_247 = arith.constant 1 : i32
        %sub3A_248 = arith.subi %add3A_246, %sub3A_247 : i32
        %dma_start3A_249 = arith.constant 0 : i32
        %dma_start3A_250 = tpu.memref_slice %arg6[%sub3A_248, %dma_start3A_249] : memref<125x80xi32, #tpu.memory_space<vmem>> -> memref<1x80xi32, #tpu.memory_space<vmem>>
        %dma_start3A_251 = tpu.memref_squeeze %dma_start3A_250 : memref<1x80xi32, #tpu.memory_space<vmem>> -> memref<80xi32, #tpu.memory_space<vmem>>
        %dma_start3A_252 = arith.constant 0 : i32
        %dma_start3A_253 = arith.constant 0 : i32
        %dma_start3A_254 = tpu.memref_slice %arg2[%dma_start3A_252, %dma_start3A_253] : memref<10000x16xf32, #tpu.memory_space<hbm>> -> memref<10000x16xf32, #tpu.memory_space<hbm>>
        tpu.enqueue_indirect_dma source(%dma_start3A_254 : memref<10000x16xf32, #tpu.memory_space<hbm>>) target(%arg8 : memref<80x16xf32, #tpu.memory_space<vmem>>) offsets(%dma_start3A_251 : memref<80xi32, #tpu.memory_space<vmem>>) semaphore(%arg14 : memref<!tpu.dma_semaphore, #tpu.memory_space<semaphore_mem>>)
      } else {
      }
      %mul3A_176 = arith.constant 5 : i32
      %mul3A_177 = arith.muli %scan3A_133, %mul3A_176 : i32
      %add3A_178 = arith.constant 2 : i32
      %add3A_179 = arith.addi %mul3A_177, %add3A_178 : i32
      %dma_wait3A_180 = arith.constant 0 : i32
      %dma_wait3A_181 = tpu.memref_slice %arg6[%add3A_179, %dma_wait3A_180] : memref<125x80xi32, #tpu.memory_space<vmem>> -> memref<1x80xi32, #tpu.memory_space<vmem>>
      %dma_wait3A_182 = tpu.memref_squeeze %dma_wait3A_181 : memref<1x80xi32, #tpu.memory_space<vmem>> -> memref<80xi32, #tpu.memory_space<vmem>>
      %dma_wait3A_183 = arith.constant 0 : i32
      %dma_wait3A_184 = arith.constant 0 : i32
      %dma_wait3A_185 = tpu.memref_slice %arg2[%dma_wait3A_183, %dma_wait3A_184] : memref<10000x16xf32, #tpu.memory_space<hbm>> -> memref<10000x16xf32, #tpu.memory_space<hbm>>
      tpu.wait_indirect_dma semaphore(%arg16 : memref<!tpu.dma_semaphore, #tpu.memory_space<semaphore_mem>>) src(%dma_wait3A_185 : memref<10000x16xf32, #tpu.memory_space<hbm>>) dst(%arg10 : memref<80x16xf32, #tpu.memory_space<vmem>>)
      %dma_start3A_186 = arith.constant 0 : i32
      %dma_start3A_187 = tpu.memref_slice %arg7[%add3A_179, %dma_start3A_186] : memref<125x80xi32, #tpu.memory_space<vmem>> -> memref<1x80xi32, #tpu.memory_space<vmem>>
      %dma_start3A_188 = tpu.memref_squeeze %dma_start3A_187 : memref<1x80xi32, #tpu.memory_space<vmem>> -> memref<80xi32, #tpu.memory_space<vmem>>
      %dma_start3A_189 = arith.constant 0 : i32
      %dma_start3A_190 = arith.constant 0 : i32
      %dma_start3A_191 = tpu.memref_slice %arg13[%dma_start3A_189, %dma_start3A_190] : memref<10000x16xf32, #tpu.memory_space<vmem_shared>> -> memref<10000x16xf32, #tpu.memory_space<vmem_shared>>
      tpu.enqueue_indirect_dma source(%arg10 : memref<80x16xf32, #tpu.memory_space<vmem>>) target(%dma_start3A_191 : memref<10000x16xf32, #tpu.memory_space<vmem_shared>>) offsets(%dma_start3A_188 : memref<80xi32, #tpu.memory_space<vmem>>) semaphore(%arg21 : memref<!tpu.dma_semaphore, #tpu.memory_space<semaphore_mem>>) {add = true}
      %le3A_192 = arith.constant 120 : i32
      %le3A_193 = arith.cmpi sle, %add3A_179, %le3A_192 : i32
      %convert_element_type3A_194 = arith.extui %le3A_193 : i1 to i32
      %cond3A_195 = arith.constant 0 : i32
      %cond3A_196 = arith.cmpi ne, %convert_element_type3A_194, %cond3A_195 : i32
      scf.if %cond3A_196 {
        %ge3A_240 = arith.constant 1 : i32
        %ge3A_241 = arith.cmpi sge, %add3A_179, %ge3A_240 : i32
        %convert_element_type3A_242 = arith.extui %ge3A_241 : i1 to i32
        %cond3A_243 = arith.constant 0 : i32
        %cond3A_244 = arith.cmpi ne, %convert_element_type3A_242, %cond3A_243 : i32
        scf.if %cond3A_244 {
          %dma_wait3A_255 = arith.constant 0 : i32
          %dma_wait3A_256 = arith.constant 0 : i32
          %dma_wait3A_257 = tpu.memref_slice %arg7[%dma_wait3A_255, %dma_wait3A_256] : memref<125x80xi32, #tpu.memory_space<vmem>> -> memref<1x80xi32, #tpu.memory_space<vmem>>
          %dma_wait3A_258 = tpu.memref_squeeze %dma_wait3A_257 : memref<1x80xi32, #tpu.memory_space<vmem>> -> memref<80xi32, #tpu.memory_space<vmem>>
          %dma_wait3A_259 = arith.constant 0 : i32
          %dma_wait3A_260 = arith.constant 0 : i32
          %dma_wait3A_261 = tpu.memref_slice %arg13[%dma_wait3A_259, %dma_wait3A_260] : memref<10000x16xf32, #tpu.memory_space<vmem_shared>> -> memref<10000x16xf32, #tpu.memory_space<vmem_shared>>
          tpu.wait_indirect_dma semaphore(%arg20 : memref<!tpu.dma_semaphore, #tpu.memory_space<semaphore_mem>>) src(%arg9 : memref<80x16xf32, #tpu.memory_space<vmem>>) dst(%dma_wait3A_261 : memref<10000x16xf32, #tpu.memory_space<vmem_shared>>)
        } else {
        }
        %add3A_245 = arith.constant 5 : i32
        %add3A_246 = arith.addi %add3A_179, %add3A_245 : i32
        %sub3A_247 = arith.constant 1 : i32
        %sub3A_248 = arith.subi %add3A_246, %sub3A_247 : i32
        %dma_start3A_249 = arith.constant 0 : i32
        %dma_start3A_250 = tpu.memref_slice %arg6[%sub3A_248, %dma_start3A_249] : memref<125x80xi32, #tpu.memory_space<vmem>> -> memref<1x80xi32, #tpu.memory_space<vmem>>
        %dma_start3A_251 = tpu.memref_squeeze %dma_start3A_250 : memref<1x80xi32, #tpu.memory_space<vmem>> -> memref<80xi32, #tpu.memory_space<vmem>>
        %dma_start3A_252 = arith.constant 0 : i32
        %dma_start3A_253 = arith.constant 0 : i32
        %dma_start3A_254 = tpu.memref_slice %arg2[%dma_start3A_252, %dma_start3A_253] : memref<10000x16xf32, #tpu.memory_space<hbm>> -> memref<10000x16xf32, #tpu.memory_space<hbm>>
        tpu.enqueue_indirect_dma source(%dma_start3A_254 : memref<10000x16xf32, #tpu.memory_space<hbm>>) target(%arg9 : memref<80x16xf32, #tpu.memory_space<vmem>>) offsets(%dma_start3A_251 : memref<80xi32, #tpu.memory_space<vmem>>) semaphore(%arg15 : memref<!tpu.dma_semaphore, #tpu.memory_space<semaphore_mem>>)
      } else {
      }
      %mul3A_197 = arith.constant 5 : i32
      %mul3A_198 = arith.muli %scan3A_133, %mul3A_197 : i32
      %add3A_199 = arith.constant 3 : i32
      %add3A_200 = arith.addi %mul3A_198, %add3A_199 : i32
      %dma_wait3A_201 = arith.constant 0 : i32
      %dma_wait3A_202 = tpu.memref_slice %arg6[%add3A_200, %dma_wait3A_201] : memref<125x80xi32, #tpu.memory_space<vmem>> -> memref<1x80xi32, #tpu.memory_space<vmem>>
      %dma_wait3A_203 = tpu.memref_squeeze %dma_wait3A_202 : memref<1x80xi32, #tpu.memory_space<vmem>> -> memref<80xi32, #tpu.memory_space<vmem>>
      %dma_wait3A_204 = arith.constant 0 : i32
      %dma_wait3A_205 = arith.constant 0 : i32
      %dma_wait3A_206 = tpu.memref_slice %arg2[%dma_wait3A_204, %dma_wait3A_205] : memref<10000x16xf32, #tpu.memory_space<hbm>> -> memref<10000x16xf32, #tpu.memory_space<hbm>>
      tpu.wait_indirect_dma semaphore(%arg17 : memref<!tpu.dma_semaphore, #tpu.memory_space<semaphore_mem>>) src(%dma_wait3A_206 : memref<10000x16xf32, #tpu.memory_space<hbm>>) dst(%arg11 : memref<80x16xf32, #tpu.memory_space<vmem>>)
      %dma_start3A_207 = arith.constant 0 : i32
      %dma_start3A_208 = tpu.memref_slice %arg7[%add3A_200, %dma_start3A_207] : memref<125x80xi32, #tpu.memory_space<vmem>> -> memref<1x80xi32, #tpu.memory_space<vmem>>
      %dma_start3A_209 = tpu.memref_squeeze %dma_start3A_208 : memref<1x80xi32, #tpu.memory_space<vmem>> -> memref<80xi32, #tpu.memory_space<vmem>>
      %dma_start3A_210 = arith.constant 0 : i32
      %dma_start3A_211 = arith.constant 0 : i32
      %dma_start3A_212 = tpu.memref_slice %arg13[%dma_start3A_210, %dma_start3A_211] : memref<10000x16xf32, #tpu.memory_space<vmem_shared>> -> memref<10000x16xf32, #tpu.memory_space<vmem_shared>>
      tpu.enqueue_indirect_dma source(%arg11 : memref<80x16xf32, #tpu.memory_space<vmem>>) target(%dma_start3A_212 : memref<10000x16xf32, #tpu.memory_space<vmem_shared>>) offsets(%dma_start3A_209 : memref<80xi32, #tpu.memory_space<vmem>>) semaphore(%arg22 : memref<!tpu.dma_semaphore, #tpu.memory_space<semaphore_mem>>) {add = true}
      %le3A_213 = arith.constant 120 : i32
      %le3A_214 = arith.cmpi sle, %add3A_200, %le3A_213 : i32
      %convert_element_type3A_215 = arith.extui %le3A_214 : i1 to i32
      %cond3A_216 = arith.constant 0 : i32
      %cond3A_217 = arith.cmpi ne, %convert_element_type3A_215, %cond3A_216 : i32
      scf.if %cond3A_217 {
        %ge3A_240 = arith.constant 1 : i32
        %ge3A_241 = arith.cmpi sge, %add3A_200, %ge3A_240 : i32
        %convert_element_type3A_242 = arith.extui %ge3A_241 : i1 to i32
        %cond3A_243 = arith.constant 0 : i32
        %cond3A_244 = arith.cmpi ne, %convert_element_type3A_242, %cond3A_243 : i32
        scf.if %cond3A_244 {
          %dma_wait3A_255 = arith.constant 0 : i32
          %dma_wait3A_256 = arith.constant 0 : i32
          %dma_wait3A_257 = tpu.memref_slice %arg7[%dma_wait3A_255, %dma_wait3A_256] : memref<125x80xi32, #tpu.memory_space<vmem>> -> memref<1x80xi32, #tpu.memory_space<vmem>>
          %dma_wait3A_258 = tpu.memref_squeeze %dma_wait3A_257 : memref<1x80xi32, #tpu.memory_space<vmem>> -> memref<80xi32, #tpu.memory_space<vmem>>
          %dma_wait3A_259 = arith.constant 0 : i32
          %dma_wait3A_260 = arith.constant 0 : i32
          %dma_wait3A_261 = tpu.memref_slice %arg13[%dma_wait3A_259, %dma_wait3A_260] : memref<10000x16xf32, #tpu.memory_space<vmem_shared>> -> memref<10000x16xf32, #tpu.memory_space<vmem_shared>>
          tpu.wait_indirect_dma semaphore(%arg21 : memref<!tpu.dma_semaphore, #tpu.memory_space<semaphore_mem>>) src(%arg10 : memref<80x16xf32, #tpu.memory_space<vmem>>) dst(%dma_wait3A_261 : memref<10000x16xf32, #tpu.memory_space<vmem_shared>>)
        } else {
        }
        %add3A_245 = arith.constant 5 : i32
        %add3A_246 = arith.addi %add3A_200, %add3A_245 : i32
        %sub3A_247 = arith.constant 1 : i32
        %sub3A_248 = arith.subi %add3A_246, %sub3A_247 : i32
        %dma_start3A_249 = arith.constant 0 : i32
        %dma_start3A_250 = tpu.memref_slice %arg6[%sub3A_248, %dma_start3A_249] : memref<125x80xi32, #tpu.memory_space<vmem>> -> memref<1x80xi32, #tpu.memory_space<vmem>>
        %dma_start3A_251 = tpu.memref_squeeze %dma_start3A_250 : memref<1x80xi32, #tpu.memory_space<vmem>> -> memref<80xi32, #tpu.memory_space<vmem>>
        %dma_start3A_252 = arith.constant 0 : i32
        %dma_start3A_253 = arith.constant 0 : i32
        %dma_start3A_254 = tpu.memref_slice %arg2[%dma_start3A_252, %dma_start3A_253] : memref<10000x16xf32, #tpu.memory_space<hbm>> -> memref<10000x16xf32, #tpu.memory_space<hbm>>
        tpu.enqueue_indirect_dma source(%dma_start3A_254 : memref<10000x16xf32, #tpu.memory_space<hbm>>) target(%arg10 : memref<80x16xf32, #tpu.memory_space<vmem>>) offsets(%dma_start3A_251 : memref<80xi32, #tpu.memory_space<vmem>>) semaphore(%arg16 : memref<!tpu.dma_semaphore, #tpu.memory_space<semaphore_mem>>)
      } else {
      }
      %mul3A_218 = arith.constant 5 : i32
      %mul3A_219 = arith.muli %scan3A_133, %mul3A_218 : i32
      %add3A_220 = arith.constant 4 : i32
      %add3A_221 = arith.addi %mul3A_219, %add3A_220 : i32
      %dma_wait3A_222 = arith.constant 0 : i32
      %dma_wait3A_223 = tpu.memref_slice %arg6[%add3A_221, %dma_wait3A_222] : memref<125x80xi32, #tpu.memory_space<vmem>> -> memref<1x80xi32, #tpu.memory_space<vmem>>
      %dma_wait3A_224 = tpu.memref_squeeze %dma_wait3A_223 : memref<1x80xi32, #tpu.memory_space<vmem>> -> memref<80xi32, #tpu.memory_space<vmem>>
      %dma_wait3A_225 = arith.constant 0 : i32
      %dma_wait3A_226 = arith.constant 0 : i32
      %dma_wait3A_227 = tpu.memref_slice %arg2[%dma_wait3A_225, %dma_wait3A_226] : memref<10000x16xf32, #tpu.memory_space<hbm>> -> memref<10000x16xf32, #tpu.memory_space<hbm>>
      tpu.wait_indirect_dma semaphore(%arg18 : memref<!tpu.dma_semaphore, #tpu.memory_space<semaphore_mem>>) src(%dma_wait3A_227 : memref<10000x16xf32, #tpu.memory_space<hbm>>) dst(%arg12 : memref<80x16xf32, #tpu.memory_space<vmem>>)
      %dma_start3A_228 = arith.constant 0 : i32
      %dma_start3A_229 = tpu.memref_slice %arg7[%add3A_221, %dma_start3A_228] : memref<125x80xi32, #tpu.memory_space<vmem>> -> memref<1x80xi32, #tpu.memory_space<vmem>>
      %dma_start3A_230 = tpu.memref_squeeze %dma_start3A_229 : memref<1x80xi32, #tpu.memory_space<vmem>> -> memref<80xi32, #tpu.memory_space<vmem>>
      %dma_start3A_231 = arith.constant 0 : i32
      %dma_start3A_232 = arith.constant 0 : i32
      %dma_start3A_233 = tpu.memref_slice %arg13[%dma_start3A_231, %dma_start3A_232] : memref<10000x16xf32, #tpu.memory_space<vmem_shared>> -> memref<10000x16xf32, #tpu.memory_space<vmem_shared>>
      tpu.enqueue_indirect_dma source(%arg12 : memref<80x16xf32, #tpu.memory_space<vmem>>) target(%dma_start3A_233 : memref<10000x16xf32, #tpu.memory_space<vmem_shared>>) offsets(%dma_start3A_230 : memref<80xi32, #tpu.memory_space<vmem>>) semaphore(%arg23 : memref<!tpu.dma_semaphore, #tpu.memory_space<semaphore_mem>>) {add = true}
      %le3A_234 = arith.constant 120 : i32
      %le3A_235 = arith.cmpi sle, %add3A_221, %le3A_234 : i32
      %convert_element_type3A_236 = arith.extui %le3A_235 : i1 to i32
      %cond3A_237 = arith.constant 0 : i32
      %cond3A_238 = arith.cmpi ne, %convert_element_type3A_236, %cond3A_237 : i32
      scf.if %cond3A_238 {
        %ge3A_240 = arith.constant 1 : i32
        %ge3A_241 = arith.cmpi sge, %add3A_221, %ge3A_240 : i32
        %convert_element_type3A_242 = arith.extui %ge3A_241 : i1 to i32
        %cond3A_243 = arith.constant 0 : i32
        %cond3A_244 = arith.cmpi ne, %convert_element_type3A_242, %cond3A_243 : i32
        scf.if %cond3A_244 {
          %dma_wait3A_255 = arith.constant 0 : i32
          %dma_wait3A_256 = arith.constant 0 : i32
          %dma_wait3A_257 = tpu.memref_slice %arg7[%dma_wait3A_255, %dma_wait3A_256] : memref<125x80xi32, #tpu.memory_space<vmem>> -> memref<1x80xi32, #tpu.memory_space<vmem>>
          %dma_wait3A_258 = tpu.memref_squeeze %dma_wait3A_257 : memref<1x80xi32, #tpu.memory_space<vmem>> -> memref<80xi32, #tpu.memory_space<vmem>>
          %dma_wait3A_259 = arith.constant 0 : i32
          %dma_wait3A_260 = arith.constant 0 : i32
          %dma_wait3A_261 = tpu.memref_slice %arg13[%dma_wait3A_259, %dma_wait3A_260] : memref<10000x16xf32, #tpu.memory_space<vmem_shared>> -> memref<10000x16xf32, #tpu.memory_space<vmem_shared>>
          tpu.wait_indirect_dma semaphore(%arg22 : memref<!tpu.dma_semaphore, #tpu.memory_space<semaphore_mem>>) src(%arg11 : memref<80x16xf32, #tpu.memory_space<vmem>>) dst(%dma_wait3A_261 : memref<10000x16xf32, #tpu.memory_space<vmem_shared>>)
        } else {
        }
        %add3A_245 = arith.constant 5 : i32
        %add3A_246 = arith.addi %add3A_221, %add3A_245 : i32
        %sub3A_247 = arith.constant 1 : i32
        %sub3A_248 = arith.subi %add3A_246, %sub3A_247 : i32
        %dma_start3A_249 = arith.constant 0 : i32
        %dma_start3A_250 = tpu.memref_slice %arg6[%sub3A_248, %dma_start3A_249] : memref<125x80xi32, #tpu.memory_space<vmem>> -> memref<1x80xi32, #tpu.memory_space<vmem>>
        %dma_start3A_251 = tpu.memref_squeeze %dma_start3A_250 : memref<1x80xi32, #tpu.memory_space<vmem>> -> memref<80xi32, #tpu.memory_space<vmem>>
        %dma_start3A_252 = arith.constant 0 : i32
        %dma_start3A_253 = arith.constant 0 : i32
        %dma_start3A_254 = tpu.memref_slice %arg2[%dma_start3A_252, %dma_start3A_253] : memref<10000x16xf32, #tpu.memory_space<hbm>> -> memref<10000x16xf32, #tpu.memory_space<hbm>>
        tpu.enqueue_indirect_dma source(%dma_start3A_254 : memref<10000x16xf32, #tpu.memory_space<hbm>>) target(%arg11 : memref<80x16xf32, #tpu.memory_space<vmem>>) offsets(%dma_start3A_251 : memref<80xi32, #tpu.memory_space<vmem>>) semaphore(%arg17 : memref<!tpu.dma_semaphore, #tpu.memory_space<semaphore_mem>>)
      } else {
      }
      %scan3A_239 = arith.constant 0 : i32
      scf.yield %scan3A_239 : i32
    }
    %scan3A_86 = arith.constant 25 : i32
    %dma_wait3A_87 = arith.constant 0 : i32
    %dma_wait3A_88 = arith.constant 0 : i32
    %dma_wait3A_89 = tpu.memref_slice %arg7[%dma_wait3A_87, %dma_wait3A_88] : memref<125x80xi32, #tpu.memory_space<vmem>> -> memref<1x80xi32, #tpu.memory_space<vmem>>
    %dma_wait3A_90 = tpu.memref_squeeze %dma_wait3A_89 : memref<1x80xi32, #tpu.memory_space<vmem>> -> memref<80xi32, #tpu.memory_space<vmem>>
    %dma_wait3A_91 = arith.constant 0 : i32
    %dma_wait3A_92 = arith.constant 0 : i32
    %dma_wait3A_93 = tpu.memref_slice %arg13[%dma_wait3A_91, %dma_wait3A_92] : memref<10000x16xf32, #tpu.memory_space<vmem_shared>> -> memref<10000x16xf32, #tpu.memory_space<vmem_shared>>
    tpu.wait_indirect_dma semaphore(%arg19 : memref<!tpu.dma_semaphore, #tpu.memory_space<semaphore_mem>>) src(%arg8 : memref<80x16xf32, #tpu.memory_space<vmem>>) dst(%dma_wait3A_93 : memref<10000x16xf32, #tpu.memory_space<vmem_shared>>)
    %dma_wait3A_94 = arith.constant 0 : i32
    %dma_wait3A_95 = arith.constant 0 : i32
    %dma_wait3A_96 = tpu.memref_slice %arg7[%dma_wait3A_94, %dma_wait3A_95] : memref<125x80xi32, #tpu.memory_space<vmem>> -> memref<1x80xi32, #tpu.memory_space<vmem>>
    %dma_wait3A_97 = tpu.memref_squeeze %dma_wait3A_96 : memref<1x80xi32, #tpu.memory_space<vmem>> -> memref<80xi32, #tpu.memory_space<vmem>>
    %dma_wait3A_98 = arith.constant 0 : i32
    %dma_wait3A_99 = arith.constant 0 : i32
    %dma_wait3A_100 = tpu.memref_slice %arg13[%dma_wait3A_98, %dma_wait3A_99] : memref<10000x16xf32, #tpu.memory_space<vmem_shared>> -> memref<10000x16xf32, #tpu.memory_space<vmem_shared>>
    tpu.wait_indirect_dma semaphore(%arg20 : memref<!tpu.dma_semaphore, #tpu.memory_space<semaphore_mem>>) src(%arg9 : memref<80x16xf32, #tpu.memory_space<vmem>>) dst(%dma_wait3A_100 : memref<10000x16xf32, #tpu.memory_space<vmem_shared>>)
    %dma_wait3A_101 = arith.constant 0 : i32
    %dma_wait3A_102 = arith.constant 0 : i32
    %dma_wait3A_103 = tpu.memref_slice %arg7[%dma_wait3A_101, %dma_wait3A_102] : memref<125x80xi32, #tpu.memory_space<vmem>> -> memref<1x80xi32, #tpu.memory_space<vmem>>
    %dma_wait3A_104 = tpu.memref_squeeze %dma_wait3A_103 : memref<1x80xi32, #tpu.memory_space<vmem>> -> memref<80xi32, #tpu.memory_space<vmem>>
    %dma_wait3A_105 = arith.constant 0 : i32
    %dma_wait3A_106 = arith.constant 0 : i32
    %dma_wait3A_107 = tpu.memref_slice %arg13[%dma_wait3A_105, %dma_wait3A_106] : memref<10000x16xf32, #tpu.memory_space<vmem_shared>> -> memref<10000x16xf32, #tpu.memory_space<vmem_shared>>
    tpu.wait_indirect_dma semaphore(%arg21 : memref<!tpu.dma_semaphore, #tpu.memory_space<semaphore_mem>>) src(%arg10 : memref<80x16xf32, #tpu.memory_space<vmem>>) dst(%dma_wait3A_107 : memref<10000x16xf32, #tpu.memory_space<vmem_shared>>)
    %dma_wait3A_108 = arith.constant 0 : i32
    %dma_wait3A_109 = arith.constant 0 : i32
    %dma_wait3A_110 = tpu.memref_slice %arg7[%dma_wait3A_108, %dma_wait3A_109] : memref<125x80xi32, #tpu.memory_space<vmem>> -> memref<1x80xi32, #tpu.memory_space<vmem>>
    %dma_wait3A_111 = tpu.memref_squeeze %dma_wait3A_110 : memref<1x80xi32, #tpu.memory_space<vmem>> -> memref<80xi32, #tpu.memory_space<vmem>>
    %dma_wait3A_112 = arith.constant 0 : i32
    %dma_wait3A_113 = arith.constant 0 : i32
    %dma_wait3A_114 = tpu.memref_slice %arg13[%dma_wait3A_112, %dma_wait3A_113] : memref<10000x16xf32, #tpu.memory_space<vmem_shared>> -> memref<10000x16xf32, #tpu.memory_space<vmem_shared>>
    tpu.wait_indirect_dma semaphore(%arg22 : memref<!tpu.dma_semaphore, #tpu.memory_space<semaphore_mem>>) src(%arg11 : memref<80x16xf32, #tpu.memory_space<vmem>>) dst(%dma_wait3A_114 : memref<10000x16xf32, #tpu.memory_space<vmem_shared>>)
    %dma_wait3A_115 = arith.constant 0 : i32
    %dma_wait3A_116 = arith.constant 0 : i32
    %dma_wait3A_117 = tpu.memref_slice %arg7[%dma_wait3A_115, %dma_wait3A_116] : memref<125x80xi32, #tpu.memory_space<vmem>> -> memref<1x80xi32, #tpu.memory_space<vmem>>
    %dma_wait3A_118 = tpu.memref_squeeze %dma_wait3A_117 : memref<1x80xi32, #tpu.memory_space<vmem>> -> memref<80xi32, #tpu.memory_space<vmem>>
    %dma_wait3A_119 = arith.constant 0 : i32
    %dma_wait3A_120 = arith.constant 0 : i32
    %dma_wait3A_121 = tpu.memref_slice %arg13[%dma_wait3A_119, %dma_wait3A_120] : memref<10000x16xf32, #tpu.memory_space<vmem_shared>> -> memref<10000x16xf32, #tpu.memory_space<vmem_shared>>
    tpu.wait_indirect_dma semaphore(%arg23 : memref<!tpu.dma_semaphore, #tpu.memory_space<semaphore_mem>>) src(%arg12 : memref<80x16xf32, #tpu.memory_space<vmem>>) dst(%dma_wait3A_121 : memref<10000x16xf32, #tpu.memory_space<vmem_shared>>)
    %barrier3A_122 = arith.constant 0 : index
    tpu.barrier barrier_id(%barrier3A_122)
    %lt3A_123 = arith.constant 14 : i32
    %lt3A_124 = arith.cmpi slt, %arg1, %lt3A_123 : i32
    %convert_element_type3A_125 = arith.extui %lt3A_124 : i1 to i32
    %cond3A_126 = arith.constant 0 : i32
    %cond3A_127 = arith.cmpi ne, %convert_element_type3A_125, %cond3A_126 : i32
    scf.if %cond3A_127 {
      "tpu.region"() ({
        %run_scoped3A = tpu.sem_alloc : memref<!tpu.dma_semaphore, #tpu.memory_space<semaphore_mem>>
        %dma_start3A_133 = arith.constant 0 : i32
        %dma_start3A_134 = arith.constant 0 : i32
        %dma_start3A_135 = tpu.memref_slice %arg5[%arg0, %dma_start3A_133, %dma_start3A_134] : memref<2x10000x16xf32, #tpu.memory_space<hbm>> -> memref<1x10000x16xf32, #tpu.memory_space<hbm>>
        %dma_start3A_136 = tpu.memref_squeeze %dma_start3A_135 : memref<1x10000x16xf32, #tpu.memory_space<hbm>> -> memref<10000x16xf32, #tpu.memory_space<hbm>>
        %dma_start3A_137 = arith.constant 0 : i32
        %dma_start3A_138 = tpu.memref_slice %dma_start3A_136[%select_n3A, %dma_start3A_137] : memref<10000x16xf32, #tpu.memory_space<hbm>> -> memref<624x16xf32, #tpu.memory_space<hbm>>
        %dma_start3A_139 = arith.constant 0 : i32
        %dma_start3A_140 = tpu.memref_slice %arg13[%select_n3A, %dma_start3A_139] : memref<10000x16xf32, #tpu.memory_space<vmem_shared>> -> memref<624x16xf32, #tpu.memory_space<vmem_shared>>
        tpu.enqueue_dma source(%dma_start3A_140 : memref<624x16xf32, #tpu.memory_space<vmem_shared>>) target(%dma_start3A_138 : memref<624x16xf32, #tpu.memory_space<hbm>>) target_semaphore(%run_scoped3A : memref<!tpu.dma_semaphore, #tpu.memory_space<semaphore_mem>>)
        %dma_wait3A_141 = arith.constant 0 : i32
        %dma_wait3A_142 = arith.constant 0 : i32
        %dma_wait3A_143 = tpu.memref_slice %arg5[%arg0, %dma_wait3A_141, %dma_wait3A_142] : memref<2x10000x16xf32, #tpu.memory_space<hbm>> -> memref<1x10000x16xf32, #tpu.memory_space<hbm>>
        %dma_wait3A_144 = tpu.memref_squeeze %dma_wait3A_143 : memref<1x10000x16xf32, #tpu.memory_space<hbm>> -> memref<10000x16xf32, #tpu.memory_space<hbm>>
        %dma_wait3A_145 = arith.constant 0 : i32
        %dma_wait3A_146 = tpu.memref_slice %dma_wait3A_144[%select_n3A, %dma_wait3A_145] : memref<10000x16xf32, #tpu.memory_space<hbm>> -> memref<624x16xf32, #tpu.memory_space<hbm>>
        %dma_wait3A_147 = arith.constant 0 : i32
        %dma_wait3A_148 = tpu.memref_slice %arg13[%select_n3A, %dma_wait3A_147] : memref<10000x16xf32, #tpu.memory_space<vmem_shared>> -> memref<624x16xf32, #tpu.memory_space<vmem_shared>>
        tpu.wait_dma2 semaphore(%run_scoped3A : memref<!tpu.dma_semaphore, #tpu.memory_space<semaphore_mem>>) src(%dma_wait3A_148 : memref<624x16xf32, #tpu.memory_space<vmem_shared>>) dst(%dma_wait3A_146 : memref<624x16xf32, #tpu.memory_space<hbm>>)
        tpu.yield
      }) : () -> ()
    } else {
    }
    %ge3A_128 = arith.constant 14 : i32
    %ge3A_129 = arith.cmpi sge, %arg1, %ge3A_128 : i32
    %convert_element_type3A_130 = arith.extui %ge3A_129 : i1 to i32
    %cond3A_131 = arith.constant 0 : i32
    %cond3A_132 = arith.cmpi ne, %convert_element_type3A_130, %cond3A_131 : i32
    scf.if %cond3A_132 {
      "tpu.region"() ({
        %run_scoped3A = tpu.sem_alloc : memref<!tpu.dma_semaphore, #tpu.memory_space<semaphore_mem>>
        %dma_start3A_133 = arith.constant 0 : i32
        %dma_start3A_134 = arith.constant 0 : i32
        %dma_start3A_135 = tpu.memref_slice %arg5[%arg0, %dma_start3A_133, %dma_start3A_134] : memref<2x10000x16xf32, #tpu.memory_space<hbm>> -> memref<1x10000x16xf32, #tpu.memory_space<hbm>>
        %dma_start3A_136 = tpu.memref_squeeze %dma_start3A_135 : memref<1x10000x16xf32, #tpu.memory_space<hbm>> -> memref<10000x16xf32, #tpu.memory_space<hbm>>
        %dma_start3A_137 = arith.constant 0 : i32
        %dma_start3A_138 = tpu.memref_slice %dma_start3A_136[%select_n3A, %dma_start3A_137] : memref<10000x16xf32, #tpu.memory_space<hbm>> -> memref<632x16xf32, #tpu.memory_space<hbm>>
        %dma_start3A_139 = arith.constant 0 : i32
        %dma_start3A_140 = tpu.memref_slice %arg13[%select_n3A, %dma_start3A_139] : memref<10000x16xf32, #tpu.memory_space<vmem_shared>> -> memref<632x16xf32, #tpu.memory_space<vmem_shared>>
        tpu.enqueue_dma source(%dma_start3A_140 : memref<632x16xf32, #tpu.memory_space<vmem_shared>>) target(%dma_start3A_138 : memref<632x16xf32, #tpu.memory_space<hbm>>) target_semaphore(%run_scoped3A : memref<!tpu.dma_semaphore, #tpu.memory_space<semaphore_mem>>)
        %dma_wait3A_141 = arith.constant 0 : i32
        %dma_wait3A_142 = arith.constant 0 : i32
        %dma_wait3A_143 = tpu.memref_slice %arg5[%arg0, %dma_wait3A_141, %dma_wait3A_142] : memref<2x10000x16xf32, #tpu.memory_space<hbm>> -> memref<1x10000x16xf32, #tpu.memory_space<hbm>>
        %dma_wait3A_144 = tpu.memref_squeeze %dma_wait3A_143 : memref<1x10000x16xf32, #tpu.memory_space<hbm>> -> memref<10000x16xf32, #tpu.memory_space<hbm>>
        %dma_wait3A_145 = arith.constant 0 : i32
        %dma_wait3A_146 = tpu.memref_slice %dma_wait3A_144[%select_n3A, %dma_wait3A_145] : memref<10000x16xf32, #tpu.memory_space<hbm>> -> memref<632x16xf32, #tpu.memory_space<hbm>>
        %dma_wait3A_147 = arith.constant 0 : i32
        %dma_wait3A_148 = tpu.memref_slice %arg13[%select_n3A, %dma_wait3A_147] : memref<10000x16xf32, #tpu.memory_space<vmem_shared>> -> memref<632x16xf32, #tpu.memory_space<vmem_shared>>
        tpu.wait_dma2 semaphore(%run_scoped3A : memref<!tpu.dma_semaphore, #tpu.memory_space<semaphore_mem>>) src(%dma_wait3A_148 : memref<632x16xf32, #tpu.memory_space<vmem_shared>>) dst(%dma_wait3A_146 : memref<632x16xf32, #tpu.memory_space<hbm>>)
        tpu.yield
      }) : () -> ()
    } else {
    }
    return
  }
}

#map = affine_map<(d0, d1) -> (0, 0)>
#map1 = affine_map<(d0, d1) -> (0, 0, 0)>
module attributes {stable_mosaic.version = 14 : i64} {
  func.func @segsum(%arg0: i32, %arg1: i32, %arg2: memref<10000x64xf32, #tpu.memory_space<hbm>>, %arg3: memref<32x125x80xi32, #tpu.memory_space<hbm>>, %arg4: memref<32x125x80xi32, #tpu.memory_space<hbm>>, %arg5: memref<2x10000x64xf32, #tpu.memory_space<hbm>>, %arg6: memref<125x80xi32, #tpu.memory_space<vmem>>, %arg7: memref<125x80xi32, #tpu.memory_space<vmem>>, %arg8: memref<80x64xf32, #tpu.memory_space<vmem>>, %arg9: memref<80x64xf32, #tpu.memory_space<vmem>>, %arg10: memref<80x64xf32, #tpu.memory_space<vmem>>, %arg11: memref<80x64xf32, #tpu.memory_space<vmem>>, %arg12: memref<80x64xf32, #tpu.memory_space<vmem>>, %arg13: memref<10000x64xf32, #tpu.memory_space<vmem_shared>>, %arg14: memref<!tpu.dma_semaphore, #tpu.memory_space<semaphore_mem>>, %arg15: memref<!tpu.dma_semaphore, #tpu.memory_space<semaphore_mem>>, %arg16: memref<!tpu.dma_semaphore, #tpu.memory_space<semaphore_mem>>, %arg17: memref<!tpu.dma_semaphore, #tpu.memory_space<semaphore_mem>>, %arg18: memref<!tpu.dma_semaphore, #tpu.memory_space<semaphore_mem>>, %arg19: memref<!tpu.dma_semaphore, #tpu.memory_space<semaphore_mem>>, %arg20: memref<!tpu.dma_semaphore, #tpu.memory_space<semaphore_mem>>, %arg21: memref<!tpu.dma_semaphore, #tpu.memory_space<semaphore_mem>>, %arg22: memref<!tpu.dma_semaphore, #tpu.memory_space<semaphore_mem>>, %arg23: memref<!tpu.dma_semaphore, #tpu.memory_space<semaphore_mem>>) attributes {dimension_semantics = [#tpu.dimension_semantics<core_parallel>, #tpu.dimension_semantics<subcore_parallel>], iteration_bounds = array<i64: 2, 16>, scalar_prefetch = 0 : i64, scratch_operands = 18 : i64, tpu.core_type = #tpu.core_type<sc_vector_subcore>, window_params = [{transform_indices = #map}, {transform_indices = #map1}, {transform_indices = #map1}, {transform_indices = #map1}]} {
    %mul3A = arith.constant 16 : i32
    %mul3A_0 = arith.muli %arg0, %mul3A : i32
    %add3A = arith.addi %mul3A_0, %arg1 : i32
    %dma_start3A = arith.constant 0 : i32
    %dma_start3A_1 = arith.constant 0 : i32
    %dma_start3A_2 = tpu.memref_slice %arg3[%add3A, %dma_start3A, %dma_start3A_1] : memref<32x125x80xi32, #tpu.memory_space<hbm>> -> memref<1x125x80xi32, #tpu.memory_space<hbm>>
    %dma_start3A_3 = tpu.memref_squeeze %dma_start3A_2 : memref<1x125x80xi32, #tpu.memory_space<hbm>> -> memref<125x80xi32, #tpu.memory_space<hbm>>
    %dma_start3A_4 = arith.constant 0 : i32
    %dma_start3A_5 = arith.constant 0 : i32
    %dma_start3A_6 = tpu.memref_slice %arg3[%add3A, %dma_start3A_4, %dma_start3A_5] : memref<32x125x80xi32, #tpu.memory_space<hbm>> -> memref<1x125x80xi32, #tpu.memory_space<hbm>>
    %dma_start3A_7 = tpu.memref_squeeze %dma_start3A_6 : memref<1x125x80xi32, #tpu.memory_space<hbm>> -> memref<125x80xi32, #tpu.memory_space<hbm>>
    tpu.enqueue_dma source(%dma_start3A_7 : memref<125x80xi32, #tpu.memory_space<hbm>>) target(%arg6 : memref<125x80xi32, #tpu.memory_space<vmem>>) target_semaphore(%arg14 : memref<!tpu.dma_semaphore, #tpu.memory_space<semaphore_mem>>)
    %dma_start3A_8 = arith.constant 0 : i32
    %dma_start3A_9 = arith.constant 0 : i32
    %dma_start3A_10 = tpu.memref_slice %arg4[%add3A, %dma_start3A_8, %dma_start3A_9] : memref<32x125x80xi32, #tpu.memory_space<hbm>> -> memref<1x125x80xi32, #tpu.memory_space<hbm>>
    %dma_start3A_11 = tpu.memref_squeeze %dma_start3A_10 : memref<1x125x80xi32, #tpu.memory_space<hbm>> -> memref<125x80xi32, #tpu.memory_space<hbm>>
    %dma_start3A_12 = arith.constant 0 : i32
    %dma_start3A_13 = arith.constant 0 : i32
    %dma_start3A_14 = tpu.memref_slice %arg4[%add3A, %dma_start3A_12, %dma_start3A_13] : memref<32x125x80xi32, #tpu.memory_space<hbm>> -> memref<1x125x80xi32, #tpu.memory_space<hbm>>
    %dma_start3A_15 = tpu.memref_squeeze %dma_start3A_14 : memref<1x125x80xi32, #tpu.memory_space<hbm>> -> memref<125x80xi32, #tpu.memory_space<hbm>>
    tpu.enqueue_dma source(%dma_start3A_15 : memref<125x80xi32, #tpu.memory_space<hbm>>) target(%arg7 : memref<125x80xi32, #tpu.memory_space<vmem>>) target_semaphore(%arg15 : memref<!tpu.dma_semaphore, #tpu.memory_space<semaphore_mem>>)
    %scan3A = arith.constant 0 : i32
    %scan3A_16 = arith.constant 0 : i32
    %scan3A_17 = arith.constant 80 : i32
    %scan3A_18 = arith.addi %scan3A_16, %scan3A_17 : i32
    %scan3A_19 = arith.constant 1 : i32
    %scan3A_20 = scf.for %scan3A_133 = %scan3A_16 to %scan3A_18 step %scan3A_19 iter_args(%scan3A_134 = %scan3A) -> (i32)  : i32 {
      %broadcast_in_dim3A = arith.constant 0.000000e+00 : f32
      %broadcast_in_dim3A_135 = vector.broadcast %broadcast_in_dim3A : f32 to vector<16xf32>
      %swap3A = arith.index_cast %scan3A_133 : i32 to index
      %swap3A_136 = arith.constant 0 : index
      %swap3A_137 = tpu.vector_load %arg8[%swap3A, %swap3A_136] {strides = array<i32>} : memref<80x64xf32, #tpu.memory_space<vmem>>, vector<1x16xf32>,
      %swap3A_138 = vector.shape_cast %swap3A_137 : vector<1x16xf32> to vector<16xf32>
      %swap3A_139 = vector.shape_cast %broadcast_in_dim3A_135 : vector<16xf32> to vector<1x16xf32>
      tpu.vector_store %arg8[%swap3A, %swap3A_136], %swap3A_139 {strides = array<i32>} : memref<80x64xf32, #tpu.memory_space<vmem>>, vector<1x16xf32>,
      %broadcast_in_dim3A_140 = arith.constant 0.000000e+00 : f32
      %broadcast_in_dim3A_141 = vector.broadcast %broadcast_in_dim3A_140 : f32 to vector<16xf32>
      %swap3A_142 = arith.index_cast %scan3A_133 : i32 to index
      %swap3A_143 = arith.constant 16 : index
      %swap3A_144 = tpu.vector_load %arg8[%swap3A_142, %swap3A_143] {strides = array<i32>} : memref<80x64xf32, #tpu.memory_space<vmem>>, vector<1x16xf32>,
      %swap3A_145 = vector.shape_cast %swap3A_144 : vector<1x16xf32> to vector<16xf32>
      %swap3A_146 = vector.shape_cast %broadcast_in_dim3A_141 : vector<16xf32> to vector<1x16xf32>
      tpu.vector_store %arg8[%swap3A_142, %swap3A_143], %swap3A_146 {strides = array<i32>} : memref<80x64xf32, #tpu.memory_space<vmem>>, vector<1x16xf32>,
      %broadcast_in_dim3A_147 = arith.constant 0.000000e+00 : f32
      %broadcast_in_dim3A_148 = vector.broadcast %broadcast_in_dim3A_147 : f32 to vector<16xf32>
      %swap3A_149 = arith.index_cast %scan3A_133 : i32 to index
      %swap3A_150 = arith.constant 32 : index
      %swap3A_151 = tpu.vector_load %arg8[%swap3A_149, %swap3A_150] {strides = array<i32>} : memref<80x64xf32, #tpu.memory_space<vmem>>, vector<1x16xf32>,
      %swap3A_152 = vector.shape_cast %swap3A_151 : vector<1x16xf32> to vector<16xf32>
      %swap3A_153 = vector.shape_cast %broadcast_in_dim3A_148 : vector<16xf32> to vector<1x16xf32>
      tpu.vector_store %arg8[%swap3A_149, %swap3A_150], %swap3A_153 {strides = array<i32>} : memref<80x64xf32, #tpu.memory_space<vmem>>, vector<1x16xf32>,
      %broadcast_in_dim3A_154 = arith.constant 0.000000e+00 : f32
      %broadcast_in_dim3A_155 = vector.broadcast %broadcast_in_dim3A_154 : f32 to vector<16xf32>
      %swap3A_156 = arith.index_cast %scan3A_133 : i32 to index
      %swap3A_157 = arith.constant 48 : index
      %swap3A_158 = tpu.vector_load %arg8[%swap3A_156, %swap3A_157] {strides = array<i32>} : memref<80x64xf32, #tpu.memory_space<vmem>>, vector<1x16xf32>,
      %swap3A_159 = vector.shape_cast %swap3A_158 : vector<1x16xf32> to vector<16xf32>
      %swap3A_160 = vector.shape_cast %broadcast_in_dim3A_155 : vector<16xf32> to vector<1x16xf32>
      tpu.vector_store %arg8[%swap3A_156, %swap3A_157], %swap3A_160 {strides = array<i32>} : memref<80x64xf32, #tpu.memory_space<vmem>>, vector<1x16xf32>,
      %scan3A_161 = arith.constant 0 : i32
      scf.yield %scan3A_161 : i32
    }
    %scan3A_21 = arith.constant 80 : i32
    %lt3A = arith.constant 14 : i32
    %lt3A_22 = arith.cmpi slt, %arg1, %lt3A : i32
    %mul3A_23 = arith.constant 624 : i32
    %mul3A_24 = arith.muli %arg1, %mul3A_23 : i32
    %sub3A = arith.constant 14 : i32
    %sub3A_25 = arith.subi %arg1, %sub3A : i32
    %mul3A_26 = arith.constant 632 : i32
    %mul3A_27 = arith.muli %sub3A_25, %mul3A_26 : i32
    %add3A_28 = arith.constant 8736 : i32
    %add3A_29 = arith.addi %add3A_28, %mul3A_27 : i32
    %select_n3A = arith.select %lt3A_22, %mul3A_24, %add3A_29 : i32
    %lt3A_30 = arith.constant 14 : i32
    %lt3A_31 = arith.cmpi slt, %arg1, %lt3A_30 : i32
    %convert_element_type3A = arith.extui %lt3A_31 : i1 to i32
    %cond3A = arith.constant 0 : i32
    %cond3A_32 = arith.cmpi ne, %convert_element_type3A, %cond3A : i32
    scf.if %cond3A_32 {
      %add3A_133 = arith.constant 0 : i32
      %add3A_134 = arith.addi %select_n3A, %add3A_133 : i32
      "tpu.region"() ({
        %run_scoped3A = tpu.sem_alloc : memref<!tpu.dma_semaphore, #tpu.memory_space<semaphore_mem>>
        %dma_start3A_149 = arith.constant 0 : i32
        %dma_start3A_150 = tpu.memref_slice %arg13[%add3A_134, %dma_start3A_149] : memref<10000x64xf32, #tpu.memory_space<vmem_shared>> -> memref<80x64xf32, #tpu.memory_space<vmem_shared>>
        %dma_start3A_151 = arith.constant 0 : i32
        %dma_start3A_152 = tpu.memref_slice %arg13[%add3A_134, %dma_start3A_151] : memref<10000x64xf32, #tpu.memory_space<vmem_shared>> -> memref<80x64xf32, #tpu.memory_space<vmem_shared>>
        tpu.enqueue_dma source(%arg8 : memref<80x64xf32, #tpu.memory_space<vmem>>) target(%dma_start3A_152 : memref<80x64xf32, #tpu.memory_space<vmem_shared>>) target_semaphore(%run_scoped3A : memref<!tpu.dma_semaphore, #tpu.memory_space<semaphore_mem>>)
        %dma_wait3A_153 = arith.constant 0 : i32
        %dma_wait3A_154 = tpu.memref_slice %arg13[%add3A_134, %dma_wait3A_153] : memref<10000x64xf32, #tpu.memory_space<vmem_shared>> -> memref<80x64xf32, #tpu.memory_space<vmem_shared>>
        %dma_wait3A_155 = arith.constant 0 : i32
        %dma_wait3A_156 = tpu.memref_slice %arg13[%add3A_134, %dma_wait3A_155] : memref<10000x64xf32, #tpu.memory_space<vmem_shared>> -> memref<80x64xf32, #tpu.memory_space<vmem_shared>>
        tpu.wait_dma2 semaphore(%run_scoped3A : memref<!tpu.dma_semaphore, #tpu.memory_space<semaphore_mem>>) src(%arg8 : memref<80x64xf32, #tpu.memory_space<vmem>>) dst(%dma_wait3A_156 : memref<80x64xf32, #tpu.memory_space<vmem_shared>>)
        tpu.yield
      }) : () -> ()
      %add3A_135 = arith.constant 80 : i32
      %add3A_136 = arith.addi %select_n3A, %add3A_135 : i32
      "tpu.region"() ({
        %run_scoped3A = tpu.sem_alloc : memref<!tpu.dma_semaphore, #tpu.memory_space<semaphore_mem>>
        %dma_start3A_149 = arith.constant 0 : i32
        %dma_start3A_150 = tpu.memref_slice %arg13[%add3A_136, %dma_start3A_149] : memref<10000x64xf32, #tpu.memory_space<vmem_shared>> -> memref<80x64xf32, #tpu.memory_space<vmem_shared>>
        %dma_start3A_151 = arith.constant 0 : i32
        %dma_start3A_152 = tpu.memref_slice %arg13[%add3A_136, %dma_start3A_151] : memref<10000x64xf32, #tpu.memory_space<vmem_shared>> -> memref<80x64xf32, #tpu.memory_space<vmem_shared>>
        tpu.enqueue_dma source(%arg8 : memref<80x64xf32, #tpu.memory_space<vmem>>) target(%dma_start3A_152 : memref<80x64xf32, #tpu.memory_space<vmem_shared>>) target_semaphore(%run_scoped3A : memref<!tpu.dma_semaphore, #tpu.memory_space<semaphore_mem>>)
        %dma_wait3A_153 = arith.constant 0 : i32
        %dma_wait3A_154 = tpu.memref_slice %arg13[%add3A_136, %dma_wait3A_153] : memref<10000x64xf32, #tpu.memory_space<vmem_shared>> -> memref<80x64xf32, #tpu.memory_space<vmem_shared>>
        %dma_wait3A_155 = arith.constant 0 : i32
        %dma_wait3A_156 = tpu.memref_slice %arg13[%add3A_136, %dma_wait3A_155] : memref<10000x64xf32, #tpu.memory_space<vmem_shared>> -> memref<80x64xf32, #tpu.memory_space<vmem_shared>>
        tpu.wait_dma2 semaphore(%run_scoped3A : memref<!tpu.dma_semaphore, #tpu.memory_space<semaphore_mem>>) src(%arg8 : memref<80x64xf32, #tpu.memory_space<vmem>>) dst(%dma_wait3A_156 : memref<80x64xf32, #tpu.memory_space<vmem_shared>>)
        tpu.yield
      }) : () -> ()
      %add3A_137 = arith.constant 160 : i32
      %add3A_138 = arith.addi %select_n3A, %add3A_137 : i32
      "tpu.region"() ({
        %run_scoped3A = tpu.sem_alloc : memref<!tpu.dma_semaphore, #tpu.memory_space<semaphore_mem>>
        %dma_start3A_149 = arith.constant 0 : i32
        %dma_start3A_150 = tpu.memref_slice %arg13[%add3A_138, %dma_start3A_149] : memref<10000x64xf32, #tpu.memory_space<vmem_shared>> -> memref<80x64xf32, #tpu.memory_space<vmem_shared>>
        %dma_start3A_151 = arith.constant 0 : i32
        %dma_start3A_152 = tpu.memref_slice %arg13[%add3A_138, %dma_start3A_151] : memref<10000x64xf32, #tpu.memory_space<vmem_shared>> -> memref<80x64xf32, #tpu.memory_space<vmem_shared>>
        tpu.enqueue_dma source(%arg8 : memref<80x64xf32, #tpu.memory_space<vmem>>) target(%dma_start3A_152 : memref<80x64xf32, #tpu.memory_space<vmem_shared>>) target_semaphore(%run_scoped3A : memref<!tpu.dma_semaphore, #tpu.memory_space<semaphore_mem>>)
        %dma_wait3A_153 = arith.constant 0 : i32
        %dma_wait3A_154 = tpu.memref_slice %arg13[%add3A_138, %dma_wait3A_153] : memref<10000x64xf32, #tpu.memory_space<vmem_shared>> -> memref<80x64xf32, #tpu.memory_space<vmem_shared>>
        %dma_wait3A_155 = arith.constant 0 : i32
        %dma_wait3A_156 = tpu.memref_slice %arg13[%add3A_138, %dma_wait3A_155] : memref<10000x64xf32, #tpu.memory_space<vmem_shared>> -> memref<80x64xf32, #tpu.memory_space<vmem_shared>>
        tpu.wait_dma2 semaphore(%run_scoped3A : memref<!tpu.dma_semaphore, #tpu.memory_space<semaphore_mem>>) src(%arg8 : memref<80x64xf32, #tpu.memory_space<vmem>>) dst(%dma_wait3A_156 : memref<80x64xf32, #tpu.memory_space<vmem_shared>>)
        tpu.yield
      }) : () -> ()
      %add3A_139 = arith.constant 240 : i32
      %add3A_140 = arith.addi %select_n3A, %add3A_139 : i32
      "tpu.region"() ({
        %run_scoped3A = tpu.sem_alloc : memref<!tpu.dma_semaphore, #tpu.memory_space<semaphore_mem>>
        %dma_start3A_149 = arith.constant 0 : i32
        %dma_start3A_150 = tpu.memref_slice %arg13[%add3A_140, %dma_start3A_149] : memref<10000x64xf32, #tpu.memory_space<vmem_shared>> -> memref<80x64xf32, #tpu.memory_space<vmem_shared>>
        %dma_start3A_151 = arith.constant 0 : i32
        %dma_start3A_152 = tpu.memref_slice %arg13[%add3A_140, %dma_start3A_151] : memref<10000x64xf32, #tpu.memory_space<vmem_shared>> -> memref<80x64xf32, #tpu.memory_space<vmem_shared>>
        tpu.enqueue_dma source(%arg8 : memref<80x64xf32, #tpu.memory_space<vmem>>) target(%dma_start3A_152 : memref<80x64xf32, #tpu.memory_space<vmem_shared>>) target_semaphore(%run_scoped3A : memref<!tpu.dma_semaphore, #tpu.memory_space<semaphore_mem>>)
        %dma_wait3A_153 = arith.constant 0 : i32
        %dma_wait3A_154 = tpu.memref_slice %arg13[%add3A_140, %dma_wait3A_153] : memref<10000x64xf32, #tpu.memory_space<vmem_shared>> -> memref<80x64xf32, #tpu.memory_space<vmem_shared>>
        %dma_wait3A_155 = arith.constant 0 : i32
        %dma_wait3A_156 = tpu.memref_slice %arg13[%add3A_140, %dma_wait3A_155] : memref<10000x64xf32, #tpu.memory_space<vmem_shared>> -> memref<80x64xf32, #tpu.memory_space<vmem_shared>>
        tpu.wait_dma2 semaphore(%run_scoped3A : memref<!tpu.dma_semaphore, #tpu.memory_space<semaphore_mem>>) src(%arg8 : memref<80x64xf32, #tpu.memory_space<vmem>>) dst(%dma_wait3A_156 : memref<80x64xf32, #tpu.memory_space<vmem_shared>>)
        tpu.yield
      }) : () -> ()
      %add3A_141 = arith.constant 320 : i32
      %add3A_142 = arith.addi %select_n3A, %add3A_141 : i32
      "tpu.region"() ({
        %run_scoped3A = tpu.sem_alloc : memref<!tpu.dma_semaphore, #tpu.memory_space<semaphore_mem>>
        %dma_start3A_149 = arith.constant 0 : i32
        %dma_start3A_150 = tpu.memref_slice %arg13[%add3A_142, %dma_start3A_149] : memref<10000x64xf32, #tpu.memory_space<vmem_shared>> -> memref<80x64xf32, #tpu.memory_space<vmem_shared>>
        %dma_start3A_151 = arith.constant 0 : i32
        %dma_start3A_152 = tpu.memref_slice %arg13[%add3A_142, %dma_start3A_151] : memref<10000x64xf32, #tpu.memory_space<vmem_shared>> -> memref<80x64xf32, #tpu.memory_space<vmem_shared>>
        tpu.enqueue_dma source(%arg8 : memref<80x64xf32, #tpu.memory_space<vmem>>) target(%dma_start3A_152 : memref<80x64xf32, #tpu.memory_space<vmem_shared>>) target_semaphore(%run_scoped3A : memref<!tpu.dma_semaphore, #tpu.memory_space<semaphore_mem>>)
        %dma_wait3A_153 = arith.constant 0 : i32
        %dma_wait3A_154 = tpu.memref_slice %arg13[%add3A_142, %dma_wait3A_153] : memref<10000x64xf32, #tpu.memory_space<vmem_shared>> -> memref<80x64xf32, #tpu.memory_space<vmem_shared>>
        %dma_wait3A_155 = arith.constant 0 : i32
        %dma_wait3A_156 = tpu.memref_slice %arg13[%add3A_142, %dma_wait3A_155] : memref<10000x64xf32, #tpu.memory_space<vmem_shared>> -> memref<80x64xf32, #tpu.memory_space<vmem_shared>>
        tpu.wait_dma2 semaphore(%run_scoped3A : memref<!tpu.dma_semaphore, #tpu.memory_space<semaphore_mem>>) src(%arg8 : memref<80x64xf32, #tpu.memory_space<vmem>>) dst(%dma_wait3A_156 : memref<80x64xf32, #tpu.memory_space<vmem_shared>>)
        tpu.yield
      }) : () -> ()
      %add3A_143 = arith.constant 400 : i32
      %add3A_144 = arith.addi %select_n3A, %add3A_143 : i32
      "tpu.region"() ({
        %run_scoped3A = tpu.sem_alloc : memref<!tpu.dma_semaphore, #tpu.memory_space<semaphore_mem>>
        %dma_start3A_149 = arith.constant 0 : i32
        %dma_start3A_150 = tpu.memref_slice %arg13[%add3A_144, %dma_start3A_149] : memref<10000x64xf32, #tpu.memory_space<vmem_shared>> -> memref<80x64xf32, #tpu.memory_space<vmem_shared>>
        %dma_start3A_151 = arith.constant 0 : i32
        %dma_start3A_152 = tpu.memref_slice %arg13[%add3A_144, %dma_start3A_151] : memref<10000x64xf32, #tpu.memory_space<vmem_shared>> -> memref<80x64xf32, #tpu.memory_space<vmem_shared>>
        tpu.enqueue_dma source(%arg8 : memref<80x64xf32, #tpu.memory_space<vmem>>) target(%dma_start3A_152 : memref<80x64xf32, #tpu.memory_space<vmem_shared>>) target_semaphore(%run_scoped3A : memref<!tpu.dma_semaphore, #tpu.memory_space<semaphore_mem>>)
        %dma_wait3A_153 = arith.constant 0 : i32
        %dma_wait3A_154 = tpu.memref_slice %arg13[%add3A_144, %dma_wait3A_153] : memref<10000x64xf32, #tpu.memory_space<vmem_shared>> -> memref<80x64xf32, #tpu.memory_space<vmem_shared>>
        %dma_wait3A_155 = arith.constant 0 : i32
        %dma_wait3A_156 = tpu.memref_slice %arg13[%add3A_144, %dma_wait3A_155] : memref<10000x64xf32, #tpu.memory_space<vmem_shared>> -> memref<80x64xf32, #tpu.memory_space<vmem_shared>>
        tpu.wait_dma2 semaphore(%run_scoped3A : memref<!tpu.dma_semaphore, #tpu.memory_space<semaphore_mem>>) src(%arg8 : memref<80x64xf32, #tpu.memory_space<vmem>>) dst(%dma_wait3A_156 : memref<80x64xf32, #tpu.memory_space<vmem_shared>>)
        tpu.yield
      }) : () -> ()
      %add3A_145 = arith.constant 480 : i32
      %add3A_146 = arith.addi %select_n3A, %add3A_145 : i32
      "tpu.region"() ({
        %run_scoped3A = tpu.sem_alloc : memref<!tpu.dma_semaphore, #tpu.memory_space<semaphore_mem>>
        %dma_start3A_149 = arith.constant 0 : i32
        %dma_start3A_150 = tpu.memref_slice %arg13[%add3A_146, %dma_start3A_149] : memref<10000x64xf32, #tpu.memory_space<vmem_shared>> -> memref<80x64xf32, #tpu.memory_space<vmem_shared>>
        %dma_start3A_151 = arith.constant 0 : i32
        %dma_start3A_152 = tpu.memref_slice %arg13[%add3A_146, %dma_start3A_151] : memref<10000x64xf32, #tpu.memory_space<vmem_shared>> -> memref<80x64xf32, #tpu.memory_space<vmem_shared>>
        tpu.enqueue_dma source(%arg8 : memref<80x64xf32, #tpu.memory_space<vmem>>) target(%dma_start3A_152 : memref<80x64xf32, #tpu.memory_space<vmem_shared>>) target_semaphore(%run_scoped3A : memref<!tpu.dma_semaphore, #tpu.memory_space<semaphore_mem>>)
        %dma_wait3A_153 = arith.constant 0 : i32
        %dma_wait3A_154 = tpu.memref_slice %arg13[%add3A_146, %dma_wait3A_153] : memref<10000x64xf32, #tpu.memory_space<vmem_shared>> -> memref<80x64xf32, #tpu.memory_space<vmem_shared>>
        %dma_wait3A_155 = arith.constant 0 : i32
        %dma_wait3A_156 = tpu.memref_slice %arg13[%add3A_146, %dma_wait3A_155] : memref<10000x64xf32, #tpu.memory_space<vmem_shared>> -> memref<80x64xf32, #tpu.memory_space<vmem_shared>>
        tpu.wait_dma2 semaphore(%run_scoped3A : memref<!tpu.dma_semaphore, #tpu.memory_space<semaphore_mem>>) src(%arg8 : memref<80x64xf32, #tpu.memory_space<vmem>>) dst(%dma_wait3A_156 : memref<80x64xf32, #tpu.memory_space<vmem_shared>>)
        tpu.yield
      }) : () -> ()
      %add3A_147 = arith.constant 560 : i32
      %add3A_148 = arith.addi %select_n3A, %add3A_147 : i32
      "tpu.region"() ({
        %run_scoped3A = tpu.sem_alloc : memref<!tpu.dma_semaphore, #tpu.memory_space<semaphore_mem>>
        %dma_start3A_149 = arith.constant 0 : i32
        %dma_start3A_150 = arith.constant 0 : i32
        %dma_start3A_151 = tpu.memref_slice %arg8[%dma_start3A_149, %dma_start3A_150] : memref<80x64xf32, #tpu.memory_space<vmem>> -> memref<64x64xf32, #tpu.memory_space<vmem>>
        %dma_start3A_152 = arith.constant 0 : i32
        %dma_start3A_153 = tpu.memref_slice %arg13[%add3A_148, %dma_start3A_152] : memref<10000x64xf32, #tpu.memory_space<vmem_shared>> -> memref<64x64xf32, #tpu.memory_space<vmem_shared>>
        %dma_start3A_154 = arith.constant 0 : i32
        %dma_start3A_155 = tpu.memref_slice %arg13[%add3A_148, %dma_start3A_154] : memref<10000x64xf32, #tpu.memory_space<vmem_shared>> -> memref<64x64xf32, #tpu.memory_space<vmem_shared>>
        %dma_start3A_156 = arith.constant 0 : i32
        %dma_start3A_157 = arith.constant 0 : i32
        %dma_start3A_158 = tpu.memref_slice %arg8[%dma_start3A_156, %dma_start3A_157] : memref<80x64xf32, #tpu.memory_space<vmem>> -> memref<64x64xf32, #tpu.memory_space<vmem>>
        tpu.enqueue_dma source(%dma_start3A_158 : memref<64x64xf32, #tpu.memory_space<vmem>>) target(%dma_start3A_155 : memref<64x64xf32, #tpu.memory_space<vmem_shared>>) target_semaphore(%run_scoped3A : memref<!tpu.dma_semaphore, #tpu.memory_space<semaphore_mem>>)
        %dma_wait3A_159 = arith.constant 0 : i32
        %dma_wait3A_160 = arith.constant 0 : i32
        %dma_wait3A_161 = tpu.memref_slice %arg8[%dma_wait3A_159, %dma_wait3A_160] : memref<80x64xf32, #tpu.memory_space<vmem>> -> memref<64x64xf32, #tpu.memory_space<vmem>>
        %dma_wait3A_162 = arith.constant 0 : i32
        %dma_wait3A_163 = tpu.memref_slice %arg13[%add3A_148, %dma_wait3A_162] : memref<10000x64xf32, #tpu.memory_space<vmem_shared>> -> memref<64x64xf32, #tpu.memory_space<vmem_shared>>
        %dma_wait3A_164 = arith.constant 0 : i32
        %dma_wait3A_165 = tpu.memref_slice %arg13[%add3A_148, %dma_wait3A_164] : memref<10000x64xf32, #tpu.memory_space<vmem_shared>> -> memref<64x64xf32, #tpu.memory_space<vmem_shared>>
        %dma_wait3A_166 = arith.constant 0 : i32
        %dma_wait3A_167 = arith.constant 0 : i32
        %dma_wait3A_168 = tpu.memref_slice %arg8[%dma_wait3A_166, %dma_wait3A_167] : memref<80x64xf32, #tpu.memory_space<vmem>> -> memref<64x64xf32, #tpu.memory_space<vmem>>
        tpu.wait_dma2 semaphore(%run_scoped3A : memref<!tpu.dma_semaphore, #tpu.memory_space<semaphore_mem>>) src(%dma_wait3A_168 : memref<64x64xf32, #tpu.memory_space<vmem>>) dst(%dma_wait3A_165 : memref<64x64xf32, #tpu.memory_space<vmem_shared>>)
        tpu.yield
      }) : () -> ()
    } else {
    }
    %ge3A = arith.constant 14 : i32
    %ge3A_33 = arith.cmpi sge, %arg1, %ge3A : i32
    %convert_element_type3A_34 = arith.extui %ge3A_33 : i1 to i32
    %cond3A_35 = arith.constant 0 : i32
    %cond3A_36 = arith.cmpi ne, %convert_element_type3A_34, %cond3A_35 : i32
    scf.if %cond3A_36 {
      %add3A_133 = arith.constant 0 : i32
      %add3A_134 = arith.addi %select_n3A, %add3A_133 : i32
      "tpu.region"() ({
        %run_scoped3A = tpu.sem_alloc : memref<!tpu.dma_semaphore, #tpu.memory_space<semaphore_mem>>
        %dma_start3A_149 = arith.constant 0 : i32
        %dma_start3A_150 = tpu.memref_slice %arg13[%add3A_134, %dma_start3A_149] : memref<10000x64xf32, #tpu.memory_space<vmem_shared>> -> memref<80x64xf32, #tpu.memory_space<vmem_shared>>
        %dma_start3A_151 = arith.constant 0 : i32
        %dma_start3A_152 = tpu.memref_slice %arg13[%add3A_134, %dma_start3A_151] : memref<10000x64xf32, #tpu.memory_space<vmem_shared>> -> memref<80x64xf32, #tpu.memory_space<vmem_shared>>
        tpu.enqueue_dma source(%arg8 : memref<80x64xf32, #tpu.memory_space<vmem>>) target(%dma_start3A_152 : memref<80x64xf32, #tpu.memory_space<vmem_shared>>) target_semaphore(%run_scoped3A : memref<!tpu.dma_semaphore, #tpu.memory_space<semaphore_mem>>)
        %dma_wait3A_153 = arith.constant 0 : i32
        %dma_wait3A_154 = tpu.memref_slice %arg13[%add3A_134, %dma_wait3A_153] : memref<10000x64xf32, #tpu.memory_space<vmem_shared>> -> memref<80x64xf32, #tpu.memory_space<vmem_shared>>
        %dma_wait3A_155 = arith.constant 0 : i32
        %dma_wait3A_156 = tpu.memref_slice %arg13[%add3A_134, %dma_wait3A_155] : memref<10000x64xf32, #tpu.memory_space<vmem_shared>> -> memref<80x64xf32, #tpu.memory_space<vmem_shared>>
        tpu.wait_dma2 semaphore(%run_scoped3A : memref<!tpu.dma_semaphore, #tpu.memory_space<semaphore_mem>>) src(%arg8 : memref<80x64xf32, #tpu.memory_space<vmem>>) dst(%dma_wait3A_156 : memref<80x64xf32, #tpu.memory_space<vmem_shared>>)
        tpu.yield
      }) : () -> ()
      %add3A_135 = arith.constant 80 : i32
      %add3A_136 = arith.addi %select_n3A, %add3A_135 : i32
      "tpu.region"() ({
        %run_scoped3A = tpu.sem_alloc : memref<!tpu.dma_semaphore, #tpu.memory_space<semaphore_mem>>
        %dma_start3A_149 = arith.constant 0 : i32
        %dma_start3A_150 = tpu.memref_slice %arg13[%add3A_136, %dma_start3A_149] : memref<10000x64xf32, #tpu.memory_space<vmem_shared>> -> memref<80x64xf32, #tpu.memory_space<vmem_shared>>
        %dma_start3A_151 = arith.constant 0 : i32
        %dma_start3A_152 = tpu.memref_slice %arg13[%add3A_136, %dma_start3A_151] : memref<10000x64xf32, #tpu.memory_space<vmem_shared>> -> memref<80x64xf32, #tpu.memory_space<vmem_shared>>
        tpu.enqueue_dma source(%arg8 : memref<80x64xf32, #tpu.memory_space<vmem>>) target(%dma_start3A_152 : memref<80x64xf32, #tpu.memory_space<vmem_shared>>) target_semaphore(%run_scoped3A : memref<!tpu.dma_semaphore, #tpu.memory_space<semaphore_mem>>)
        %dma_wait3A_153 = arith.constant 0 : i32
        %dma_wait3A_154 = tpu.memref_slice %arg13[%add3A_136, %dma_wait3A_153] : memref<10000x64xf32, #tpu.memory_space<vmem_shared>> -> memref<80x64xf32, #tpu.memory_space<vmem_shared>>
        %dma_wait3A_155 = arith.constant 0 : i32
        %dma_wait3A_156 = tpu.memref_slice %arg13[%add3A_136, %dma_wait3A_155] : memref<10000x64xf32, #tpu.memory_space<vmem_shared>> -> memref<80x64xf32, #tpu.memory_space<vmem_shared>>
        tpu.wait_dma2 semaphore(%run_scoped3A : memref<!tpu.dma_semaphore, #tpu.memory_space<semaphore_mem>>) src(%arg8 : memref<80x64xf32, #tpu.memory_space<vmem>>) dst(%dma_wait3A_156 : memref<80x64xf32, #tpu.memory_space<vmem_shared>>)
        tpu.yield
      }) : () -> ()
      %add3A_137 = arith.constant 160 : i32
      %add3A_138 = arith.addi %select_n3A, %add3A_137 : i32
      "tpu.region"() ({
        %run_scoped3A = tpu.sem_alloc : memref<!tpu.dma_semaphore, #tpu.memory_space<semaphore_mem>>
        %dma_start3A_149 = arith.constant 0 : i32
        %dma_start3A_150 = tpu.memref_slice %arg13[%add3A_138, %dma_start3A_149] : memref<10000x64xf32, #tpu.memory_space<vmem_shared>> -> memref<80x64xf32, #tpu.memory_space<vmem_shared>>
        %dma_start3A_151 = arith.constant 0 : i32
        %dma_start3A_152 = tpu.memref_slice %arg13[%add3A_138, %dma_start3A_151] : memref<10000x64xf32, #tpu.memory_space<vmem_shared>> -> memref<80x64xf32, #tpu.memory_space<vmem_shared>>
        tpu.enqueue_dma source(%arg8 : memref<80x64xf32, #tpu.memory_space<vmem>>) target(%dma_start3A_152 : memref<80x64xf32, #tpu.memory_space<vmem_shared>>) target_semaphore(%run_scoped3A : memref<!tpu.dma_semaphore, #tpu.memory_space<semaphore_mem>>)
        %dma_wait3A_153 = arith.constant 0 : i32
        %dma_wait3A_154 = tpu.memref_slice %arg13[%add3A_138, %dma_wait3A_153] : memref<10000x64xf32, #tpu.memory_space<vmem_shared>> -> memref<80x64xf32, #tpu.memory_space<vmem_shared>>
        %dma_wait3A_155 = arith.constant 0 : i32
        %dma_wait3A_156 = tpu.memref_slice %arg13[%add3A_138, %dma_wait3A_155] : memref<10000x64xf32, #tpu.memory_space<vmem_shared>> -> memref<80x64xf32, #tpu.memory_space<vmem_shared>>
        tpu.wait_dma2 semaphore(%run_scoped3A : memref<!tpu.dma_semaphore, #tpu.memory_space<semaphore_mem>>) src(%arg8 : memref<80x64xf32, #tpu.memory_space<vmem>>) dst(%dma_wait3A_156 : memref<80x64xf32, #tpu.memory_space<vmem_shared>>)
        tpu.yield
      }) : () -> ()
      %add3A_139 = arith.constant 240 : i32
      %add3A_140 = arith.addi %select_n3A, %add3A_139 : i32
      "tpu.region"() ({
        %run_scoped3A = tpu.sem_alloc : memref<!tpu.dma_semaphore, #tpu.memory_space<semaphore_mem>>
        %dma_start3A_149 = arith.constant 0 : i32
        %dma_start3A_150 = tpu.memref_slice %arg13[%add3A_140, %dma_start3A_149] : memref<10000x64xf32, #tpu.memory_space<vmem_shared>> -> memref<80x64xf32, #tpu.memory_space<vmem_shared>>
        %dma_start3A_151 = arith.constant 0 : i32
        %dma_start3A_152 = tpu.memref_slice %arg13[%add3A_140, %dma_start3A_151] : memref<10000x64xf32, #tpu.memory_space<vmem_shared>> -> memref<80x64xf32, #tpu.memory_space<vmem_shared>>
        tpu.enqueue_dma source(%arg8 : memref<80x64xf32, #tpu.memory_space<vmem>>) target(%dma_start3A_152 : memref<80x64xf32, #tpu.memory_space<vmem_shared>>) target_semaphore(%run_scoped3A : memref<!tpu.dma_semaphore, #tpu.memory_space<semaphore_mem>>)
        %dma_wait3A_153 = arith.constant 0 : i32
        %dma_wait3A_154 = tpu.memref_slice %arg13[%add3A_140, %dma_wait3A_153] : memref<10000x64xf32, #tpu.memory_space<vmem_shared>> -> memref<80x64xf32, #tpu.memory_space<vmem_shared>>
        %dma_wait3A_155 = arith.constant 0 : i32
        %dma_wait3A_156 = tpu.memref_slice %arg13[%add3A_140, %dma_wait3A_155] : memref<10000x64xf32, #tpu.memory_space<vmem_shared>> -> memref<80x64xf32, #tpu.memory_space<vmem_shared>>
        tpu.wait_dma2 semaphore(%run_scoped3A : memref<!tpu.dma_semaphore, #tpu.memory_space<semaphore_mem>>) src(%arg8 : memref<80x64xf32, #tpu.memory_space<vmem>>) dst(%dma_wait3A_156 : memref<80x64xf32, #tpu.memory_space<vmem_shared>>)
        tpu.yield
      }) : () -> ()
      %add3A_141 = arith.constant 320 : i32
      %add3A_142 = arith.addi %select_n3A, %add3A_141 : i32
      "tpu.region"() ({
        %run_scoped3A = tpu.sem_alloc : memref<!tpu.dma_semaphore, #tpu.memory_space<semaphore_mem>>
        %dma_start3A_149 = arith.constant 0 : i32
        %dma_start3A_150 = tpu.memref_slice %arg13[%add3A_142, %dma_start3A_149] : memref<10000x64xf32, #tpu.memory_space<vmem_shared>> -> memref<80x64xf32, #tpu.memory_space<vmem_shared>>
        %dma_start3A_151 = arith.constant 0 : i32
        %dma_start3A_152 = tpu.memref_slice %arg13[%add3A_142, %dma_start3A_151] : memref<10000x64xf32, #tpu.memory_space<vmem_shared>> -> memref<80x64xf32, #tpu.memory_space<vmem_shared>>
        tpu.enqueue_dma source(%arg8 : memref<80x64xf32, #tpu.memory_space<vmem>>) target(%dma_start3A_152 : memref<80x64xf32, #tpu.memory_space<vmem_shared>>) target_semaphore(%run_scoped3A : memref<!tpu.dma_semaphore, #tpu.memory_space<semaphore_mem>>)
        %dma_wait3A_153 = arith.constant 0 : i32
        %dma_wait3A_154 = tpu.memref_slice %arg13[%add3A_142, %dma_wait3A_153] : memref<10000x64xf32, #tpu.memory_space<vmem_shared>> -> memref<80x64xf32, #tpu.memory_space<vmem_shared>>
        %dma_wait3A_155 = arith.constant 0 : i32
        %dma_wait3A_156 = tpu.memref_slice %arg13[%add3A_142, %dma_wait3A_155] : memref<10000x64xf32, #tpu.memory_space<vmem_shared>> -> memref<80x64xf32, #tpu.memory_space<vmem_shared>>
        tpu.wait_dma2 semaphore(%run_scoped3A : memref<!tpu.dma_semaphore, #tpu.memory_space<semaphore_mem>>) src(%arg8 : memref<80x64xf32, #tpu.memory_space<vmem>>) dst(%dma_wait3A_156 : memref<80x64xf32, #tpu.memory_space<vmem_shared>>)
        tpu.yield
      }) : () -> ()
      %add3A_143 = arith.constant 400 : i32
      %add3A_144 = arith.addi %select_n3A, %add3A_143 : i32
      "tpu.region"() ({
        %run_scoped3A = tpu.sem_alloc : memref<!tpu.dma_semaphore, #tpu.memory_space<semaphore_mem>>
        %dma_start3A_149 = arith.constant 0 : i32
        %dma_start3A_150 = tpu.memref_slice %arg13[%add3A_144, %dma_start3A_149] : memref<10000x64xf32, #tpu.memory_space<vmem_shared>> -> memref<80x64xf32, #tpu.memory_space<vmem_shared>>
        %dma_start3A_151 = arith.constant 0 : i32
        %dma_start3A_152 = tpu.memref_slice %arg13[%add3A_144, %dma_start3A_151] : memref<10000x64xf32, #tpu.memory_space<vmem_shared>> -> memref<80x64xf32, #tpu.memory_space<vmem_shared>>
        tpu.enqueue_dma source(%arg8 : memref<80x64xf32, #tpu.memory_space<vmem>>) target(%dma_start3A_152 : memref<80x64xf32, #tpu.memory_space<vmem_shared>>) target_semaphore(%run_scoped3A : memref<!tpu.dma_semaphore, #tpu.memory_space<semaphore_mem>>)
        %dma_wait3A_153 = arith.constant 0 : i32
        %dma_wait3A_154 = tpu.memref_slice %arg13[%add3A_144, %dma_wait3A_153] : memref<10000x64xf32, #tpu.memory_space<vmem_shared>> -> memref<80x64xf32, #tpu.memory_space<vmem_shared>>
        %dma_wait3A_155 = arith.constant 0 : i32
        %dma_wait3A_156 = tpu.memref_slice %arg13[%add3A_144, %dma_wait3A_155] : memref<10000x64xf32, #tpu.memory_space<vmem_shared>> -> memref<80x64xf32, #tpu.memory_space<vmem_shared>>
        tpu.wait_dma2 semaphore(%run_scoped3A : memref<!tpu.dma_semaphore, #tpu.memory_space<semaphore_mem>>) src(%arg8 : memref<80x64xf32, #tpu.memory_space<vmem>>) dst(%dma_wait3A_156 : memref<80x64xf32, #tpu.memory_space<vmem_shared>>)
        tpu.yield
      }) : () -> ()
      %add3A_145 = arith.constant 480 : i32
      %add3A_146 = arith.addi %select_n3A, %add3A_145 : i32
      "tpu.region"() ({
        %run_scoped3A = tpu.sem_alloc : memref<!tpu.dma_semaphore, #tpu.memory_space<semaphore_mem>>
        %dma_start3A_149 = arith.constant 0 : i32
        %dma_start3A_150 = tpu.memref_slice %arg13[%add3A_146, %dma_start3A_149] : memref<10000x64xf32, #tpu.memory_space<vmem_shared>> -> memref<80x64xf32, #tpu.memory_space<vmem_shared>>
        %dma_start3A_151 = arith.constant 0 : i32
        %dma_start3A_152 = tpu.memref_slice %arg13[%add3A_146, %dma_start3A_151] : memref<10000x64xf32, #tpu.memory_space<vmem_shared>> -> memref<80x64xf32, #tpu.memory_space<vmem_shared>>
        tpu.enqueue_dma source(%arg8 : memref<80x64xf32, #tpu.memory_space<vmem>>) target(%dma_start3A_152 : memref<80x64xf32, #tpu.memory_space<vmem_shared>>) target_semaphore(%run_scoped3A : memref<!tpu.dma_semaphore, #tpu.memory_space<semaphore_mem>>)
        %dma_wait3A_153 = arith.constant 0 : i32
        %dma_wait3A_154 = tpu.memref_slice %arg13[%add3A_146, %dma_wait3A_153] : memref<10000x64xf32, #tpu.memory_space<vmem_shared>> -> memref<80x64xf32, #tpu.memory_space<vmem_shared>>
        %dma_wait3A_155 = arith.constant 0 : i32
        %dma_wait3A_156 = tpu.memref_slice %arg13[%add3A_146, %dma_wait3A_155] : memref<10000x64xf32, #tpu.memory_space<vmem_shared>> -> memref<80x64xf32, #tpu.memory_space<vmem_shared>>
        tpu.wait_dma2 semaphore(%run_scoped3A : memref<!tpu.dma_semaphore, #tpu.memory_space<semaphore_mem>>) src(%arg8 : memref<80x64xf32, #tpu.memory_space<vmem>>) dst(%dma_wait3A_156 : memref<80x64xf32, #tpu.memory_space<vmem_shared>>)
        tpu.yield
      }) : () -> ()
      %add3A_147 = arith.constant 560 : i32
      %add3A_148 = arith.addi %select_n3A, %add3A_147 : i32
      "tpu.region"() ({
        %run_scoped3A = tpu.sem_alloc : memref<!tpu.dma_semaphore, #tpu.memory_space<semaphore_mem>>
        %dma_start3A_149 = arith.constant 0 : i32
        %dma_start3A_150 = arith.constant 0 : i32
        %dma_start3A_151 = tpu.memref_slice %arg8[%dma_start3A_149, %dma_start3A_150] : memref<80x64xf32, #tpu.memory_space<vmem>> -> memref<72x64xf32, #tpu.memory_space<vmem>>
        %dma_start3A_152 = arith.constant 0 : i32
        %dma_start3A_153 = tpu.memref_slice %arg13[%add3A_148, %dma_start3A_152] : memref<10000x64xf32, #tpu.memory_space<vmem_shared>> -> memref<72x64xf32, #tpu.memory_space<vmem_shared>>
        %dma_start3A_154 = arith.constant 0 : i32
        %dma_start3A_155 = tpu.memref_slice %arg13[%add3A_148, %dma_start3A_154] : memref<10000x64xf32, #tpu.memory_space<vmem_shared>> -> memref<72x64xf32, #tpu.memory_space<vmem_shared>>
        %dma_start3A_156 = arith.constant 0 : i32
        %dma_start3A_157 = arith.constant 0 : i32
        %dma_start3A_158 = tpu.memref_slice %arg8[%dma_start3A_156, %dma_start3A_157] : memref<80x64xf32, #tpu.memory_space<vmem>> -> memref<72x64xf32, #tpu.memory_space<vmem>>
        tpu.enqueue_dma source(%dma_start3A_158 : memref<72x64xf32, #tpu.memory_space<vmem>>) target(%dma_start3A_155 : memref<72x64xf32, #tpu.memory_space<vmem_shared>>) target_semaphore(%run_scoped3A : memref<!tpu.dma_semaphore, #tpu.memory_space<semaphore_mem>>)
        %dma_wait3A_159 = arith.constant 0 : i32
        %dma_wait3A_160 = arith.constant 0 : i32
        %dma_wait3A_161 = tpu.memref_slice %arg8[%dma_wait3A_159, %dma_wait3A_160] : memref<80x64xf32, #tpu.memory_space<vmem>> -> memref<72x64xf32, #tpu.memory_space<vmem>>
        %dma_wait3A_162 = arith.constant 0 : i32
        %dma_wait3A_163 = tpu.memref_slice %arg13[%add3A_148, %dma_wait3A_162] : memref<10000x64xf32, #tpu.memory_space<vmem_shared>> -> memref<72x64xf32, #tpu.memory_space<vmem_shared>>
        %dma_wait3A_164 = arith.constant 0 : i32
        %dma_wait3A_165 = tpu.memref_slice %arg13[%add3A_148, %dma_wait3A_164] : memref<10000x64xf32, #tpu.memory_space<vmem_shared>> -> memref<72x64xf32, #tpu.memory_space<vmem_shared>>
        %dma_wait3A_166 = arith.constant 0 : i32
        %dma_wait3A_167 = arith.constant 0 : i32
        %dma_wait3A_168 = tpu.memref_slice %arg8[%dma_wait3A_166, %dma_wait3A_167] : memref<80x64xf32, #tpu.memory_space<vmem>> -> memref<72x64xf32, #tpu.memory_space<vmem>>
        tpu.wait_dma2 semaphore(%run_scoped3A : memref<!tpu.dma_semaphore, #tpu.memory_space<semaphore_mem>>) src(%dma_wait3A_168 : memref<72x64xf32, #tpu.memory_space<vmem>>) dst(%dma_wait3A_165 : memref<72x64xf32, #tpu.memory_space<vmem_shared>>)
        tpu.yield
      }) : () -> ()
    } else {
    }
    %barrier3A = arith.constant 0 : index
    tpu.barrier barrier_id(%barrier3A)
    %dma_wait3A = arith.constant 0 : i32
    %dma_wait3A_37 = arith.constant 0 : i32
    %dma_wait3A_38 = tpu.memref_slice %arg3[%add3A, %dma_wait3A, %dma_wait3A_37] : memref<32x125x80xi32, #tpu.memory_space<hbm>> -> memref<1x125x80xi32, #tpu.memory_space<hbm>>
    %dma_wait3A_39 = tpu.memref_squeeze %dma_wait3A_38 : memref<1x125x80xi32, #tpu.memory_space<hbm>> -> memref<125x80xi32, #tpu.memory_space<hbm>>
    %dma_wait3A_40 = arith.constant 0 : i32
    %dma_wait3A_41 = arith.constant 0 : i32
    %dma_wait3A_42 = tpu.memref_slice %arg3[%add3A, %dma_wait3A_40, %dma_wait3A_41] : memref<32x125x80xi32, #tpu.memory_space<hbm>> -> memref<1x125x80xi32, #tpu.memory_space<hbm>>
    %dma_wait3A_43 = tpu.memref_squeeze %dma_wait3A_42 : memref<1x125x80xi32, #tpu.memory_space<hbm>> -> memref<125x80xi32, #tpu.memory_space<hbm>>
    tpu.wait_dma2 semaphore(%arg14 : memref<!tpu.dma_semaphore, #tpu.memory_space<semaphore_mem>>) src(%dma_wait3A_43 : memref<125x80xi32, #tpu.memory_space<hbm>>) dst(%arg6 : memref<125x80xi32, #tpu.memory_space<vmem>>)
    %dma_wait3A_44 = arith.constant 0 : i32
    %dma_wait3A_45 = arith.constant 0 : i32
    %dma_wait3A_46 = tpu.memref_slice %arg4[%add3A, %dma_wait3A_44, %dma_wait3A_45] : memref<32x125x80xi32, #tpu.memory_space<hbm>> -> memref<1x125x80xi32, #tpu.memory_space<hbm>>
    %dma_wait3A_47 = tpu.memref_squeeze %dma_wait3A_46 : memref<1x125x80xi32, #tpu.memory_space<hbm>> -> memref<125x80xi32, #tpu.memory_space<hbm>>
    %dma_wait3A_48 = arith.constant 0 : i32
    %dma_wait3A_49 = arith.constant 0 : i32
    %dma_wait3A_50 = tpu.memref_slice %arg4[%add3A, %dma_wait3A_48, %dma_wait3A_49] : memref<32x125x80xi32, #tpu.memory_space<hbm>> -> memref<1x125x80xi32, #tpu.memory_space<hbm>>
    %dma_wait3A_51 = tpu.memref_squeeze %dma_wait3A_50 : memref<1x125x80xi32, #tpu.memory_space<hbm>> -> memref<125x80xi32, #tpu.memory_space<hbm>>
    tpu.wait_dma2 semaphore(%arg15 : memref<!tpu.dma_semaphore, #tpu.memory_space<semaphore_mem>>) src(%dma_wait3A_51 : memref<125x80xi32, #tpu.memory_space<hbm>>) dst(%arg7 : memref<125x80xi32, #tpu.memory_space<vmem>>)
    %dma_start3A_52 = arith.constant 0 : i32
    %dma_start3A_53 = arith.constant 0 : i32
    %dma_start3A_54 = tpu.memref_slice %arg6[%dma_start3A_52, %dma_start3A_53] : memref<125x80xi32, #tpu.memory_space<vmem>> -> memref<1x80xi32, #tpu.memory_space<vmem>>
    %dma_start3A_55 = tpu.memref_squeeze %dma_start3A_54 : memref<1x80xi32, #tpu.memory_space<vmem>> -> memref<80xi32, #tpu.memory_space<vmem>>
    %dma_start3A_56 = arith.constant 0 : i32
    %dma_start3A_57 = arith.constant 0 : i32
    %dma_start3A_58 = tpu.memref_slice %arg2[%dma_start3A_56, %dma_start3A_57] : memref<10000x64xf32, #tpu.memory_space<hbm>> -> memref<10000x64xf32, #tpu.memory_space<hbm>>
    tpu.enqueue_indirect_dma source(%dma_start3A_58 : memref<10000x64xf32, #tpu.memory_space<hbm>>) target(%arg8 : memref<80x64xf32, #tpu.memory_space<vmem>>) offsets(%dma_start3A_55 : memref<80xi32, #tpu.memory_space<vmem>>) semaphore(%arg14 : memref<!tpu.dma_semaphore, #tpu.memory_space<semaphore_mem>>)
    %dma_start3A_59 = arith.constant 1 : i32
    %dma_start3A_60 = arith.constant 0 : i32
    %dma_start3A_61 = tpu.memref_slice %arg6[%dma_start3A_59, %dma_start3A_60] : memref<125x80xi32, #tpu.memory_space<vmem>> -> memref<1x80xi32, #tpu.memory_space<vmem>>
    %dma_start3A_62 = tpu.memref_squeeze %dma_start3A_61 : memref<1x80xi32, #tpu.memory_space<vmem>> -> memref<80xi32, #tpu.memory_space<vmem>>
    %dma_start3A_63 = arith.constant 0 : i32
    %dma_start3A_64 = arith.constant 0 : i32
    %dma_start3A_65 = tpu.memref_slice %arg2[%dma_start3A_63, %dma_start3A_64] : memref<10000x64xf32, #tpu.memory_space<hbm>> -> memref<10000x64xf32, #tpu.memory_space<hbm>>
    tpu.enqueue_indirect_dma source(%dma_start3A_65 : memref<10000x64xf32, #tpu.memory_space<hbm>>) target(%arg9 : memref<80x64xf32, #tpu.memory_space<vmem>>) offsets(%dma_start3A_62 : memref<80xi32, #tpu.memory_space<vmem>>) semaphore(%arg15 : memref<!tpu.dma_semaphore, #tpu.memory_space<semaphore_mem>>)
    %dma_start3A_66 = arith.constant 2 : i32
    %dma_start3A_67 = arith.constant 0 : i32
    %dma_start3A_68 = tpu.memref_slice %arg6[%dma_start3A_66, %dma_start3A_67] : memref<125x80xi32, #tpu.memory_space<vmem>> -> memref<1x80xi32, #tpu.memory_space<vmem>>
    %dma_start3A_69 = tpu.memref_squeeze %dma_start3A_68 : memref<1x80xi32, #tpu.memory_space<vmem>> -> memref<80xi32, #tpu.memory_space<vmem>>
    %dma_start3A_70 = arith.constant 0 : i32
    %dma_start3A_71 = arith.constant 0 : i32
    %dma_start3A_72 = tpu.memref_slice %arg2[%dma_start3A_70, %dma_start3A_71] : memref<10000x64xf32, #tpu.memory_space<hbm>> -> memref<10000x64xf32, #tpu.memory_space<hbm>>
    tpu.enqueue_indirect_dma source(%dma_start3A_72 : memref<10000x64xf32, #tpu.memory_space<hbm>>) target(%arg10 : memref<80x64xf32, #tpu.memory_space<vmem>>) offsets(%dma_start3A_69 : memref<80xi32, #tpu.memory_space<vmem>>) semaphore(%arg16 : memref<!tpu.dma_semaphore, #tpu.memory_space<semaphore_mem>>)
    %dma_start3A_73 = arith.constant 3 : i32
    %dma_start3A_74 = arith.constant 0 : i32
    %dma_start3A_75 = tpu.memref_slice %arg6[%dma_start3A_73, %dma_start3A_74] : memref<125x80xi32, #tpu.memory_space<vmem>> -> memref<1x80xi32, #tpu.memory_space<vmem>>
    %dma_start3A_76 = tpu.memref_squeeze %dma_start3A_75 : memref<1x80xi32, #tpu.memory_space<vmem>> -> memref<80xi32, #tpu.memory_space<vmem>>
    %dma_start3A_77 = arith.constant 0 : i32
    %dma_start3A_78 = arith.constant 0 : i32
    %dma_start3A_79 = tpu.memref_slice %arg2[%dma_start3A_77, %dma_start3A_78] : memref<10000x64xf32, #tpu.memory_space<hbm>> -> memref<10000x64xf32, #tpu.memory_space<hbm>>
    tpu.enqueue_indirect_dma source(%dma_start3A_79 : memref<10000x64xf32, #tpu.memory_space<hbm>>) target(%arg11 : memref<80x64xf32, #tpu.memory_space<vmem>>) offsets(%dma_start3A_76 : memref<80xi32, #tpu.memory_space<vmem>>) semaphore(%arg17 : memref<!tpu.dma_semaphore, #tpu.memory_space<semaphore_mem>>)
    %scan3A_80 = arith.constant 0 : i32
    %scan3A_81 = arith.constant 0 : i32
    %scan3A_82 = arith.constant 25 : i32
    %scan3A_83 = arith.addi %scan3A_81, %scan3A_82 : i32
    %scan3A_84 = arith.constant 1 : i32
    %scan3A_85 = scf.for %scan3A_133 = %scan3A_81 to %scan3A_83 step %scan3A_84 iter_args(%scan3A_134 = %scan3A_80) -> (i32)  : i32 {
      %mul3A_135 = arith.constant 5 : i32
      %mul3A_136 = arith.muli %scan3A_133, %mul3A_135 : i32
      %add3A_137 = arith.constant 0 : i32
      %add3A_138 = arith.addi %mul3A_136, %add3A_137 : i32
      %dma_wait3A_139 = arith.constant 0 : i32
      %dma_wait3A_140 = tpu.memref_slice %arg6[%add3A_138, %dma_wait3A_139] : memref<125x80xi32, #tpu.memory_space<vmem>> -> memref<1x80xi32, #tpu.memory_space<vmem>>
      %dma_wait3A_141 = tpu.memref_squeeze %dma_wait3A_140 : memref<1x80xi32, #tpu.memory_space<vmem>> -> memref<80xi32, #tpu.memory_space<vmem>>
      %dma_wait3A_142 = arith.constant 0 : i32
      %dma_wait3A_143 = arith.constant 0 : i32
      %dma_wait3A_144 = tpu.memref_slice %arg2[%dma_wait3A_142, %dma_wait3A_143] : memref<10000x64xf32, #tpu.memory_space<hbm>> -> memref<10000x64xf32, #tpu.memory_space<hbm>>
      tpu.wait_indirect_dma semaphore(%arg14 : memref<!tpu.dma_semaphore, #tpu.memory_space<semaphore_mem>>) src(%dma_wait3A_144 : memref<10000x64xf32, #tpu.memory_space<hbm>>) dst(%arg8 : memref<80x64xf32, #tpu.memory_space<vmem>>)
      %dma_start3A_145 = arith.constant 0 : i32
      %dma_start3A_146 = tpu.memref_slice %arg7[%add3A_138, %dma_start3A_145] : memref<125x80xi32, #tpu.memory_space<vmem>> -> memref<1x80xi32, #tpu.memory_space<vmem>>
      %dma_start3A_147 = tpu.memref_squeeze %dma_start3A_146 : memref<1x80xi32, #tpu.memory_space<vmem>> -> memref<80xi32, #tpu.memory_space<vmem>>
      %dma_start3A_148 = arith.constant 0 : i32
      %dma_start3A_149 = arith.constant 0 : i32
      %dma_start3A_150 = tpu.memref_slice %arg13[%dma_start3A_148, %dma_start3A_149] : memref<10000x64xf32, #tpu.memory_space<vmem_shared>> -> memref<10000x64xf32, #tpu.memory_space<vmem_shared>>
      tpu.enqueue_indirect_dma source(%arg8 : memref<80x64xf32, #tpu.memory_space<vmem>>) target(%dma_start3A_150 : memref<10000x64xf32, #tpu.memory_space<vmem_shared>>) offsets(%dma_start3A_147 : memref<80xi32, #tpu.memory_space<vmem>>) semaphore(%arg19 : memref<!tpu.dma_semaphore, #tpu.memory_space<semaphore_mem>>) {add = true}
      %le3A = arith.constant 120 : i32
      %le3A_151 = arith.cmpi sle, %add3A_138, %le3A : i32
      %convert_element_type3A_152 = arith.extui %le3A_151 : i1 to i32
      %cond3A_153 = arith.constant 0 : i32
      %cond3A_154 = arith.cmpi ne, %convert_element_type3A_152, %cond3A_153 : i32
      scf.if %cond3A_154 {
        %ge3A_240 = arith.constant 1 : i32
        %ge3A_241 = arith.cmpi sge, %add3A_138, %ge3A_240 : i32
        %convert_element_type3A_242 = arith.extui %ge3A_241 : i1 to i32
        %cond3A_243 = arith.constant 0 : i32
        %cond3A_244 = arith.cmpi ne, %convert_element_type3A_242, %cond3A_243 : i32
        scf.if %cond3A_244 {
          %dma_wait3A_255 = arith.constant 0 : i32
          %dma_wait3A_256 = arith.constant 0 : i32
          %dma_wait3A_257 = tpu.memref_slice %arg7[%dma_wait3A_255, %dma_wait3A_256] : memref<125x80xi32, #tpu.memory_space<vmem>> -> memref<1x80xi32, #tpu.memory_space<vmem>>
          %dma_wait3A_258 = tpu.memref_squeeze %dma_wait3A_257 : memref<1x80xi32, #tpu.memory_space<vmem>> -> memref<80xi32, #tpu.memory_space<vmem>>
          %dma_wait3A_259 = arith.constant 0 : i32
          %dma_wait3A_260 = arith.constant 0 : i32
          %dma_wait3A_261 = tpu.memref_slice %arg13[%dma_wait3A_259, %dma_wait3A_260] : memref<10000x64xf32, #tpu.memory_space<vmem_shared>> -> memref<10000x64xf32, #tpu.memory_space<vmem_shared>>
          tpu.wait_indirect_dma semaphore(%arg23 : memref<!tpu.dma_semaphore, #tpu.memory_space<semaphore_mem>>) src(%arg12 : memref<80x64xf32, #tpu.memory_space<vmem>>) dst(%dma_wait3A_261 : memref<10000x64xf32, #tpu.memory_space<vmem_shared>>)
        } else {
        }
        %add3A_245 = arith.constant 5 : i32
        %add3A_246 = arith.addi %add3A_138, %add3A_245 : i32
        %sub3A_247 = arith.constant 1 : i32
        %sub3A_248 = arith.subi %add3A_246, %sub3A_247 : i32
        %dma_start3A_249 = arith.constant 0 : i32
        %dma_start3A_250 = tpu.memref_slice %arg6[%sub3A_248, %dma_start3A_249] : memref<125x80xi32, #tpu.memory_space<vmem>> -> memref<1x80xi32, #tpu.memory_space<vmem>>
        %dma_start3A_251 = tpu.memref_squeeze %dma_start3A_250 : memref<1x80xi32, #tpu.memory_space<vmem>> -> memref<80xi32, #tpu.memory_space<vmem>>
        %dma_start3A_252 = arith.constant 0 : i32
        %dma_start3A_253 = arith.constant 0 : i32
        %dma_start3A_254 = tpu.memref_slice %arg2[%dma_start3A_252, %dma_start3A_253] : memref<10000x64xf32, #tpu.memory_space<hbm>> -> memref<10000x64xf32, #tpu.memory_space<hbm>>
        tpu.enqueue_indirect_dma source(%dma_start3A_254 : memref<10000x64xf32, #tpu.memory_space<hbm>>) target(%arg12 : memref<80x64xf32, #tpu.memory_space<vmem>>) offsets(%dma_start3A_251 : memref<80xi32, #tpu.memory_space<vmem>>) semaphore(%arg18 : memref<!tpu.dma_semaphore, #tpu.memory_space<semaphore_mem>>)
      } else {
      }
      %mul3A_155 = arith.constant 5 : i32
      %mul3A_156 = arith.muli %scan3A_133, %mul3A_155 : i32
      %add3A_157 = arith.constant 1 : i32
      %add3A_158 = arith.addi %mul3A_156, %add3A_157 : i32
      %dma_wait3A_159 = arith.constant 0 : i32
      %dma_wait3A_160 = tpu.memref_slice %arg6[%add3A_158, %dma_wait3A_159] : memref<125x80xi32, #tpu.memory_space<vmem>> -> memref<1x80xi32, #tpu.memory_space<vmem>>
      %dma_wait3A_161 = tpu.memref_squeeze %dma_wait3A_160 : memref<1x80xi32, #tpu.memory_space<vmem>> -> memref<80xi32, #tpu.memory_space<vmem>>
      %dma_wait3A_162 = arith.constant 0 : i32
      %dma_wait3A_163 = arith.constant 0 : i32
      %dma_wait3A_164 = tpu.memref_slice %arg2[%dma_wait3A_162, %dma_wait3A_163] : memref<10000x64xf32, #tpu.memory_space<hbm>> -> memref<10000x64xf32, #tpu.memory_space<hbm>>
      tpu.wait_indirect_dma semaphore(%arg15 : memref<!tpu.dma_semaphore, #tpu.memory_space<semaphore_mem>>) src(%dma_wait3A_164 : memref<10000x64xf32, #tpu.memory_space<hbm>>) dst(%arg9 : memref<80x64xf32, #tpu.memory_space<vmem>>)
      %dma_start3A_165 = arith.constant 0 : i32
      %dma_start3A_166 = tpu.memref_slice %arg7[%add3A_158, %dma_start3A_165] : memref<125x80xi32, #tpu.memory_space<vmem>> -> memref<1x80xi32, #tpu.memory_space<vmem>>
      %dma_start3A_167 = tpu.memref_squeeze %dma_start3A_166 : memref<1x80xi32, #tpu.memory_space<vmem>> -> memref<80xi32, #tpu.memory_space<vmem>>
      %dma_start3A_168 = arith.constant 0 : i32
      %dma_start3A_169 = arith.constant 0 : i32
      %dma_start3A_170 = tpu.memref_slice %arg13[%dma_start3A_168, %dma_start3A_169] : memref<10000x64xf32, #tpu.memory_space<vmem_shared>> -> memref<10000x64xf32, #tpu.memory_space<vmem_shared>>
      tpu.enqueue_indirect_dma source(%arg9 : memref<80x64xf32, #tpu.memory_space<vmem>>) target(%dma_start3A_170 : memref<10000x64xf32, #tpu.memory_space<vmem_shared>>) offsets(%dma_start3A_167 : memref<80xi32, #tpu.memory_space<vmem>>) semaphore(%arg20 : memref<!tpu.dma_semaphore, #tpu.memory_space<semaphore_mem>>) {add = true}
      %le3A_171 = arith.constant 120 : i32
      %le3A_172 = arith.cmpi sle, %add3A_158, %le3A_171 : i32
      %convert_element_type3A_173 = arith.extui %le3A_172 : i1 to i32
      %cond3A_174 = arith.constant 0 : i32
      %cond3A_175 = arith.cmpi ne, %convert_element_type3A_173, %cond3A_174 : i32
      scf.if %cond3A_175 {
        %ge3A_240 = arith.constant 1 : i32
        %ge3A_241 = arith.cmpi sge, %add3A_158, %ge3A_240 : i32
        %convert_element_type3A_242 = arith.extui %ge3A_241 : i1 to i32
        %cond3A_243 = arith.constant 0 : i32
        %cond3A_244 = arith.cmpi ne, %convert_element_type3A_242, %cond3A_243 : i32
        scf.if %cond3A_244 {
          %dma_wait3A_255 = arith.constant 0 : i32
          %dma_wait3A_256 = arith.constant 0 : i32
          %dma_wait3A_257 = tpu.memref_slice %arg7[%dma_wait3A_255, %dma_wait3A_256] : memref<125x80xi32, #tpu.memory_space<vmem>> -> memref<1x80xi32, #tpu.memory_space<vmem>>
          %dma_wait3A_258 = tpu.memref_squeeze %dma_wait3A_257 : memref<1x80xi32, #tpu.memory_space<vmem>> -> memref<80xi32, #tpu.memory_space<vmem>>
          %dma_wait3A_259 = arith.constant 0 : i32
          %dma_wait3A_260 = arith.constant 0 : i32
          %dma_wait3A_261 = tpu.memref_slice %arg13[%dma_wait3A_259, %dma_wait3A_260] : memref<10000x64xf32, #tpu.memory_space<vmem_shared>> -> memref<10000x64xf32, #tpu.memory_space<vmem_shared>>
          tpu.wait_indirect_dma semaphore(%arg19 : memref<!tpu.dma_semaphore, #tpu.memory_space<semaphore_mem>>) src(%arg8 : memref<80x64xf32, #tpu.memory_space<vmem>>) dst(%dma_wait3A_261 : memref<10000x64xf32, #tpu.memory_space<vmem_shared>>)
        } else {
        }
        %add3A_245 = arith.constant 5 : i32
        %add3A_246 = arith.addi %add3A_158, %add3A_245 : i32
        %sub3A_247 = arith.constant 1 : i32
        %sub3A_248 = arith.subi %add3A_246, %sub3A_247 : i32
        %dma_start3A_249 = arith.constant 0 : i32
        %dma_start3A_250 = tpu.memref_slice %arg6[%sub3A_248, %dma_start3A_249] : memref<125x80xi32, #tpu.memory_space<vmem>> -> memref<1x80xi32, #tpu.memory_space<vmem>>
        %dma_start3A_251 = tpu.memref_squeeze %dma_start3A_250 : memref<1x80xi32, #tpu.memory_space<vmem>> -> memref<80xi32, #tpu.memory_space<vmem>>
        %dma_start3A_252 = arith.constant 0 : i32
        %dma_start3A_253 = arith.constant 0 : i32
        %dma_start3A_254 = tpu.memref_slice %arg2[%dma_start3A_252, %dma_start3A_253] : memref<10000x64xf32, #tpu.memory_space<hbm>> -> memref<10000x64xf32, #tpu.memory_space<hbm>>
        tpu.enqueue_indirect_dma source(%dma_start3A_254 : memref<10000x64xf32, #tpu.memory_space<hbm>>) target(%arg8 : memref<80x64xf32, #tpu.memory_space<vmem>>) offsets(%dma_start3A_251 : memref<80xi32, #tpu.memory_space<vmem>>) semaphore(%arg14 : memref<!tpu.dma_semaphore, #tpu.memory_space<semaphore_mem>>)
      } else {
      }
      %mul3A_176 = arith.constant 5 : i32
      %mul3A_177 = arith.muli %scan3A_133, %mul3A_176 : i32
      %add3A_178 = arith.constant 2 : i32
      %add3A_179 = arith.addi %mul3A_177, %add3A_178 : i32
      %dma_wait3A_180 = arith.constant 0 : i32
      %dma_wait3A_181 = tpu.memref_slice %arg6[%add3A_179, %dma_wait3A_180] : memref<125x80xi32, #tpu.memory_space<vmem>> -> memref<1x80xi32, #tpu.memory_space<vmem>>
      %dma_wait3A_182 = tpu.memref_squeeze %dma_wait3A_181 : memref<1x80xi32, #tpu.memory_space<vmem>> -> memref<80xi32, #tpu.memory_space<vmem>>
      %dma_wait3A_183 = arith.constant 0 : i32
      %dma_wait3A_184 = arith.constant 0 : i32
      %dma_wait3A_185 = tpu.memref_slice %arg2[%dma_wait3A_183, %dma_wait3A_184] : memref<10000x64xf32, #tpu.memory_space<hbm>> -> memref<10000x64xf32, #tpu.memory_space<hbm>>
      tpu.wait_indirect_dma semaphore(%arg16 : memref<!tpu.dma_semaphore, #tpu.memory_space<semaphore_mem>>) src(%dma_wait3A_185 : memref<10000x64xf32, #tpu.memory_space<hbm>>) dst(%arg10 : memref<80x64xf32, #tpu.memory_space<vmem>>)
      %dma_start3A_186 = arith.constant 0 : i32
      %dma_start3A_187 = tpu.memref_slice %arg7[%add3A_179, %dma_start3A_186] : memref<125x80xi32, #tpu.memory_space<vmem>> -> memref<1x80xi32, #tpu.memory_space<vmem>>
      %dma_start3A_188 = tpu.memref_squeeze %dma_start3A_187 : memref<1x80xi32, #tpu.memory_space<vmem>> -> memref<80xi32, #tpu.memory_space<vmem>>
      %dma_start3A_189 = arith.constant 0 : i32
      %dma_start3A_190 = arith.constant 0 : i32
      %dma_start3A_191 = tpu.memref_slice %arg13[%dma_start3A_189, %dma_start3A_190] : memref<10000x64xf32, #tpu.memory_space<vmem_shared>> -> memref<10000x64xf32, #tpu.memory_space<vmem_shared>>
      tpu.enqueue_indirect_dma source(%arg10 : memref<80x64xf32, #tpu.memory_space<vmem>>) target(%dma_start3A_191 : memref<10000x64xf32, #tpu.memory_space<vmem_shared>>) offsets(%dma_start3A_188 : memref<80xi32, #tpu.memory_space<vmem>>) semaphore(%arg21 : memref<!tpu.dma_semaphore, #tpu.memory_space<semaphore_mem>>) {add = true}
      %le3A_192 = arith.constant 120 : i32
      %le3A_193 = arith.cmpi sle, %add3A_179, %le3A_192 : i32
      %convert_element_type3A_194 = arith.extui %le3A_193 : i1 to i32
      %cond3A_195 = arith.constant 0 : i32
      %cond3A_196 = arith.cmpi ne, %convert_element_type3A_194, %cond3A_195 : i32
      scf.if %cond3A_196 {
        %ge3A_240 = arith.constant 1 : i32
        %ge3A_241 = arith.cmpi sge, %add3A_179, %ge3A_240 : i32
        %convert_element_type3A_242 = arith.extui %ge3A_241 : i1 to i32
        %cond3A_243 = arith.constant 0 : i32
        %cond3A_244 = arith.cmpi ne, %convert_element_type3A_242, %cond3A_243 : i32
        scf.if %cond3A_244 {
          %dma_wait3A_255 = arith.constant 0 : i32
          %dma_wait3A_256 = arith.constant 0 : i32
          %dma_wait3A_257 = tpu.memref_slice %arg7[%dma_wait3A_255, %dma_wait3A_256] : memref<125x80xi32, #tpu.memory_space<vmem>> -> memref<1x80xi32, #tpu.memory_space<vmem>>
          %dma_wait3A_258 = tpu.memref_squeeze %dma_wait3A_257 : memref<1x80xi32, #tpu.memory_space<vmem>> -> memref<80xi32, #tpu.memory_space<vmem>>
          %dma_wait3A_259 = arith.constant 0 : i32
          %dma_wait3A_260 = arith.constant 0 : i32
          %dma_wait3A_261 = tpu.memref_slice %arg13[%dma_wait3A_259, %dma_wait3A_260] : memref<10000x64xf32, #tpu.memory_space<vmem_shared>> -> memref<10000x64xf32, #tpu.memory_space<vmem_shared>>
          tpu.wait_indirect_dma semaphore(%arg20 : memref<!tpu.dma_semaphore, #tpu.memory_space<semaphore_mem>>) src(%arg9 : memref<80x64xf32, #tpu.memory_space<vmem>>) dst(%dma_wait3A_261 : memref<10000x64xf32, #tpu.memory_space<vmem_shared>>)
        } else {
        }
        %add3A_245 = arith.constant 5 : i32
        %add3A_246 = arith.addi %add3A_179, %add3A_245 : i32
        %sub3A_247 = arith.constant 1 : i32
        %sub3A_248 = arith.subi %add3A_246, %sub3A_247 : i32
        %dma_start3A_249 = arith.constant 0 : i32
        %dma_start3A_250 = tpu.memref_slice %arg6[%sub3A_248, %dma_start3A_249] : memref<125x80xi32, #tpu.memory_space<vmem>> -> memref<1x80xi32, #tpu.memory_space<vmem>>
        %dma_start3A_251 = tpu.memref_squeeze %dma_start3A_250 : memref<1x80xi32, #tpu.memory_space<vmem>> -> memref<80xi32, #tpu.memory_space<vmem>>
        %dma_start3A_252 = arith.constant 0 : i32
        %dma_start3A_253 = arith.constant 0 : i32
        %dma_start3A_254 = tpu.memref_slice %arg2[%dma_start3A_252, %dma_start3A_253] : memref<10000x64xf32, #tpu.memory_space<hbm>> -> memref<10000x64xf32, #tpu.memory_space<hbm>>
        tpu.enqueue_indirect_dma source(%dma_start3A_254 : memref<10000x64xf32, #tpu.memory_space<hbm>>) target(%arg9 : memref<80x64xf32, #tpu.memory_space<vmem>>) offsets(%dma_start3A_251 : memref<80xi32, #tpu.memory_space<vmem>>) semaphore(%arg15 : memref<!tpu.dma_semaphore, #tpu.memory_space<semaphore_mem>>)
      } else {
      }
      %mul3A_197 = arith.constant 5 : i32
      %mul3A_198 = arith.muli %scan3A_133, %mul3A_197 : i32
      %add3A_199 = arith.constant 3 : i32
      %add3A_200 = arith.addi %mul3A_198, %add3A_199 : i32
      %dma_wait3A_201 = arith.constant 0 : i32
      %dma_wait3A_202 = tpu.memref_slice %arg6[%add3A_200, %dma_wait3A_201] : memref<125x80xi32, #tpu.memory_space<vmem>> -> memref<1x80xi32, #tpu.memory_space<vmem>>
      %dma_wait3A_203 = tpu.memref_squeeze %dma_wait3A_202 : memref<1x80xi32, #tpu.memory_space<vmem>> -> memref<80xi32, #tpu.memory_space<vmem>>
      %dma_wait3A_204 = arith.constant 0 : i32
      %dma_wait3A_205 = arith.constant 0 : i32
      %dma_wait3A_206 = tpu.memref_slice %arg2[%dma_wait3A_204, %dma_wait3A_205] : memref<10000x64xf32, #tpu.memory_space<hbm>> -> memref<10000x64xf32, #tpu.memory_space<hbm>>
      tpu.wait_indirect_dma semaphore(%arg17 : memref<!tpu.dma_semaphore, #tpu.memory_space<semaphore_mem>>) src(%dma_wait3A_206 : memref<10000x64xf32, #tpu.memory_space<hbm>>) dst(%arg11 : memref<80x64xf32, #tpu.memory_space<vmem>>)
      %dma_start3A_207 = arith.constant 0 : i32
      %dma_start3A_208 = tpu.memref_slice %arg7[%add3A_200, %dma_start3A_207] : memref<125x80xi32, #tpu.memory_space<vmem>> -> memref<1x80xi32, #tpu.memory_space<vmem>>
      %dma_start3A_209 = tpu.memref_squeeze %dma_start3A_208 : memref<1x80xi32, #tpu.memory_space<vmem>> -> memref<80xi32, #tpu.memory_space<vmem>>
      %dma_start3A_210 = arith.constant 0 : i32
      %dma_start3A_211 = arith.constant 0 : i32
      %dma_start3A_212 = tpu.memref_slice %arg13[%dma_start3A_210, %dma_start3A_211] : memref<10000x64xf32, #tpu.memory_space<vmem_shared>> -> memref<10000x64xf32, #tpu.memory_space<vmem_shared>>
      tpu.enqueue_indirect_dma source(%arg11 : memref<80x64xf32, #tpu.memory_space<vmem>>) target(%dma_start3A_212 : memref<10000x64xf32, #tpu.memory_space<vmem_shared>>) offsets(%dma_start3A_209 : memref<80xi32, #tpu.memory_space<vmem>>) semaphore(%arg22 : memref<!tpu.dma_semaphore, #tpu.memory_space<semaphore_mem>>) {add = true}
      %le3A_213 = arith.constant 120 : i32
      %le3A_214 = arith.cmpi sle, %add3A_200, %le3A_213 : i32
      %convert_element_type3A_215 = arith.extui %le3A_214 : i1 to i32
      %cond3A_216 = arith.constant 0 : i32
      %cond3A_217 = arith.cmpi ne, %convert_element_type3A_215, %cond3A_216 : i32
      scf.if %cond3A_217 {
        %ge3A_240 = arith.constant 1 : i32
        %ge3A_241 = arith.cmpi sge, %add3A_200, %ge3A_240 : i32
        %convert_element_type3A_242 = arith.extui %ge3A_241 : i1 to i32
        %cond3A_243 = arith.constant 0 : i32
        %cond3A_244 = arith.cmpi ne, %convert_element_type3A_242, %cond3A_243 : i32
        scf.if %cond3A_244 {
          %dma_wait3A_255 = arith.constant 0 : i32
          %dma_wait3A_256 = arith.constant 0 : i32
          %dma_wait3A_257 = tpu.memref_slice %arg7[%dma_wait3A_255, %dma_wait3A_256] : memref<125x80xi32, #tpu.memory_space<vmem>> -> memref<1x80xi32, #tpu.memory_space<vmem>>
          %dma_wait3A_258 = tpu.memref_squeeze %dma_wait3A_257 : memref<1x80xi32, #tpu.memory_space<vmem>> -> memref<80xi32, #tpu.memory_space<vmem>>
          %dma_wait3A_259 = arith.constant 0 : i32
          %dma_wait3A_260 = arith.constant 0 : i32
          %dma_wait3A_261 = tpu.memref_slice %arg13[%dma_wait3A_259, %dma_wait3A_260] : memref<10000x64xf32, #tpu.memory_space<vmem_shared>> -> memref<10000x64xf32, #tpu.memory_space<vmem_shared>>
          tpu.wait_indirect_dma semaphore(%arg21 : memref<!tpu.dma_semaphore, #tpu.memory_space<semaphore_mem>>) src(%arg10 : memref<80x64xf32, #tpu.memory_space<vmem>>) dst(%dma_wait3A_261 : memref<10000x64xf32, #tpu.memory_space<vmem_shared>>)
        } else {
        }
        %add3A_245 = arith.constant 5 : i32
        %add3A_246 = arith.addi %add3A_200, %add3A_245 : i32
        %sub3A_247 = arith.constant 1 : i32
        %sub3A_248 = arith.subi %add3A_246, %sub3A_247 : i32
        %dma_start3A_249 = arith.constant 0 : i32
        %dma_start3A_250 = tpu.memref_slice %arg6[%sub3A_248, %dma_start3A_249] : memref<125x80xi32, #tpu.memory_space<vmem>> -> memref<1x80xi32, #tpu.memory_space<vmem>>
        %dma_start3A_251 = tpu.memref_squeeze %dma_start3A_250 : memref<1x80xi32, #tpu.memory_space<vmem>> -> memref<80xi32, #tpu.memory_space<vmem>>
        %dma_start3A_252 = arith.constant 0 : i32
        %dma_start3A_253 = arith.constant 0 : i32
        %dma_start3A_254 = tpu.memref_slice %arg2[%dma_start3A_252, %dma_start3A_253] : memref<10000x64xf32, #tpu.memory_space<hbm>> -> memref<10000x64xf32, #tpu.memory_space<hbm>>
        tpu.enqueue_indirect_dma source(%dma_start3A_254 : memref<10000x64xf32, #tpu.memory_space<hbm>>) target(%arg10 : memref<80x64xf32, #tpu.memory_space<vmem>>) offsets(%dma_start3A_251 : memref<80xi32, #tpu.memory_space<vmem>>) semaphore(%arg16 : memref<!tpu.dma_semaphore, #tpu.memory_space<semaphore_mem>>)
      } else {
      }
      %mul3A_218 = arith.constant 5 : i32
      %mul3A_219 = arith.muli %scan3A_133, %mul3A_218 : i32
      %add3A_220 = arith.constant 4 : i32
      %add3A_221 = arith.addi %mul3A_219, %add3A_220 : i32
      %dma_wait3A_222 = arith.constant 0 : i32
      %dma_wait3A_223 = tpu.memref_slice %arg6[%add3A_221, %dma_wait3A_222] : memref<125x80xi32, #tpu.memory_space<vmem>> -> memref<1x80xi32, #tpu.memory_space<vmem>>
      %dma_wait3A_224 = tpu.memref_squeeze %dma_wait3A_223 : memref<1x80xi32, #tpu.memory_space<vmem>> -> memref<80xi32, #tpu.memory_space<vmem>>
      %dma_wait3A_225 = arith.constant 0 : i32
      %dma_wait3A_226 = arith.constant 0 : i32
      %dma_wait3A_227 = tpu.memref_slice %arg2[%dma_wait3A_225, %dma_wait3A_226] : memref<10000x64xf32, #tpu.memory_space<hbm>> -> memref<10000x64xf32, #tpu.memory_space<hbm>>
      tpu.wait_indirect_dma semaphore(%arg18 : memref<!tpu.dma_semaphore, #tpu.memory_space<semaphore_mem>>) src(%dma_wait3A_227 : memref<10000x64xf32, #tpu.memory_space<hbm>>) dst(%arg12 : memref<80x64xf32, #tpu.memory_space<vmem>>)
      %dma_start3A_228 = arith.constant 0 : i32
      %dma_start3A_229 = tpu.memref_slice %arg7[%add3A_221, %dma_start3A_228] : memref<125x80xi32, #tpu.memory_space<vmem>> -> memref<1x80xi32, #tpu.memory_space<vmem>>
      %dma_start3A_230 = tpu.memref_squeeze %dma_start3A_229 : memref<1x80xi32, #tpu.memory_space<vmem>> -> memref<80xi32, #tpu.memory_space<vmem>>
      %dma_start3A_231 = arith.constant 0 : i32
      %dma_start3A_232 = arith.constant 0 : i32
      %dma_start3A_233 = tpu.memref_slice %arg13[%dma_start3A_231, %dma_start3A_232] : memref<10000x64xf32, #tpu.memory_space<vmem_shared>> -> memref<10000x64xf32, #tpu.memory_space<vmem_shared>>
      tpu.enqueue_indirect_dma source(%arg12 : memref<80x64xf32, #tpu.memory_space<vmem>>) target(%dma_start3A_233 : memref<10000x64xf32, #tpu.memory_space<vmem_shared>>) offsets(%dma_start3A_230 : memref<80xi32, #tpu.memory_space<vmem>>) semaphore(%arg23 : memref<!tpu.dma_semaphore, #tpu.memory_space<semaphore_mem>>) {add = true}
      %le3A_234 = arith.constant 120 : i32
      %le3A_235 = arith.cmpi sle, %add3A_221, %le3A_234 : i32
      %convert_element_type3A_236 = arith.extui %le3A_235 : i1 to i32
      %cond3A_237 = arith.constant 0 : i32
      %cond3A_238 = arith.cmpi ne, %convert_element_type3A_236, %cond3A_237 : i32
      scf.if %cond3A_238 {
        %ge3A_240 = arith.constant 1 : i32
        %ge3A_241 = arith.cmpi sge, %add3A_221, %ge3A_240 : i32
        %convert_element_type3A_242 = arith.extui %ge3A_241 : i1 to i32
        %cond3A_243 = arith.constant 0 : i32
        %cond3A_244 = arith.cmpi ne, %convert_element_type3A_242, %cond3A_243 : i32
        scf.if %cond3A_244 {
          %dma_wait3A_255 = arith.constant 0 : i32
          %dma_wait3A_256 = arith.constant 0 : i32
          %dma_wait3A_257 = tpu.memref_slice %arg7[%dma_wait3A_255, %dma_wait3A_256] : memref<125x80xi32, #tpu.memory_space<vmem>> -> memref<1x80xi32, #tpu.memory_space<vmem>>
          %dma_wait3A_258 = tpu.memref_squeeze %dma_wait3A_257 : memref<1x80xi32, #tpu.memory_space<vmem>> -> memref<80xi32, #tpu.memory_space<vmem>>
          %dma_wait3A_259 = arith.constant 0 : i32
          %dma_wait3A_260 = arith.constant 0 : i32
          %dma_wait3A_261 = tpu.memref_slice %arg13[%dma_wait3A_259, %dma_wait3A_260] : memref<10000x64xf32, #tpu.memory_space<vmem_shared>> -> memref<10000x64xf32, #tpu.memory_space<vmem_shared>>
          tpu.wait_indirect_dma semaphore(%arg22 : memref<!tpu.dma_semaphore, #tpu.memory_space<semaphore_mem>>) src(%arg11 : memref<80x64xf32, #tpu.memory_space<vmem>>) dst(%dma_wait3A_261 : memref<10000x64xf32, #tpu.memory_space<vmem_shared>>)
        } else {
        }
        %add3A_245 = arith.constant 5 : i32
        %add3A_246 = arith.addi %add3A_221, %add3A_245 : i32
        %sub3A_247 = arith.constant 1 : i32
        %sub3A_248 = arith.subi %add3A_246, %sub3A_247 : i32
        %dma_start3A_249 = arith.constant 0 : i32
        %dma_start3A_250 = tpu.memref_slice %arg6[%sub3A_248, %dma_start3A_249] : memref<125x80xi32, #tpu.memory_space<vmem>> -> memref<1x80xi32, #tpu.memory_space<vmem>>
        %dma_start3A_251 = tpu.memref_squeeze %dma_start3A_250 : memref<1x80xi32, #tpu.memory_space<vmem>> -> memref<80xi32, #tpu.memory_space<vmem>>
        %dma_start3A_252 = arith.constant 0 : i32
        %dma_start3A_253 = arith.constant 0 : i32
        %dma_start3A_254 = tpu.memref_slice %arg2[%dma_start3A_252, %dma_start3A_253] : memref<10000x64xf32, #tpu.memory_space<hbm>> -> memref<10000x64xf32, #tpu.memory_space<hbm>>
        tpu.enqueue_indirect_dma source(%dma_start3A_254 : memref<10000x64xf32, #tpu.memory_space<hbm>>) target(%arg11 : memref<80x64xf32, #tpu.memory_space<vmem>>) offsets(%dma_start3A_251 : memref<80xi32, #tpu.memory_space<vmem>>) semaphore(%arg17 : memref<!tpu.dma_semaphore, #tpu.memory_space<semaphore_mem>>)
      } else {
      }
      %scan3A_239 = arith.constant 0 : i32
      scf.yield %scan3A_239 : i32
    }
    %scan3A_86 = arith.constant 25 : i32
    %dma_wait3A_87 = arith.constant 0 : i32
    %dma_wait3A_88 = arith.constant 0 : i32
    %dma_wait3A_89 = tpu.memref_slice %arg7[%dma_wait3A_87, %dma_wait3A_88] : memref<125x80xi32, #tpu.memory_space<vmem>> -> memref<1x80xi32, #tpu.memory_space<vmem>>
    %dma_wait3A_90 = tpu.memref_squeeze %dma_wait3A_89 : memref<1x80xi32, #tpu.memory_space<vmem>> -> memref<80xi32, #tpu.memory_space<vmem>>
    %dma_wait3A_91 = arith.constant 0 : i32
    %dma_wait3A_92 = arith.constant 0 : i32
    %dma_wait3A_93 = tpu.memref_slice %arg13[%dma_wait3A_91, %dma_wait3A_92] : memref<10000x64xf32, #tpu.memory_space<vmem_shared>> -> memref<10000x64xf32, #tpu.memory_space<vmem_shared>>
    tpu.wait_indirect_dma semaphore(%arg19 : memref<!tpu.dma_semaphore, #tpu.memory_space<semaphore_mem>>) src(%arg8 : memref<80x64xf32, #tpu.memory_space<vmem>>) dst(%dma_wait3A_93 : memref<10000x64xf32, #tpu.memory_space<vmem_shared>>)
    %dma_wait3A_94 = arith.constant 0 : i32
    %dma_wait3A_95 = arith.constant 0 : i32
    %dma_wait3A_96 = tpu.memref_slice %arg7[%dma_wait3A_94, %dma_wait3A_95] : memref<125x80xi32, #tpu.memory_space<vmem>> -> memref<1x80xi32, #tpu.memory_space<vmem>>
    %dma_wait3A_97 = tpu.memref_squeeze %dma_wait3A_96 : memref<1x80xi32, #tpu.memory_space<vmem>> -> memref<80xi32, #tpu.memory_space<vmem>>
    %dma_wait3A_98 = arith.constant 0 : i32
    %dma_wait3A_99 = arith.constant 0 : i32
    %dma_wait3A_100 = tpu.memref_slice %arg13[%dma_wait3A_98, %dma_wait3A_99] : memref<10000x64xf32, #tpu.memory_space<vmem_shared>> -> memref<10000x64xf32, #tpu.memory_space<vmem_shared>>
    tpu.wait_indirect_dma semaphore(%arg20 : memref<!tpu.dma_semaphore, #tpu.memory_space<semaphore_mem>>) src(%arg9 : memref<80x64xf32, #tpu.memory_space<vmem>>) dst(%dma_wait3A_100 : memref<10000x64xf32, #tpu.memory_space<vmem_shared>>)
    %dma_wait3A_101 = arith.constant 0 : i32
    %dma_wait3A_102 = arith.constant 0 : i32
    %dma_wait3A_103 = tpu.memref_slice %arg7[%dma_wait3A_101, %dma_wait3A_102] : memref<125x80xi32, #tpu.memory_space<vmem>> -> memref<1x80xi32, #tpu.memory_space<vmem>>
    %dma_wait3A_104 = tpu.memref_squeeze %dma_wait3A_103 : memref<1x80xi32, #tpu.memory_space<vmem>> -> memref<80xi32, #tpu.memory_space<vmem>>
    %dma_wait3A_105 = arith.constant 0 : i32
    %dma_wait3A_106 = arith.constant 0 : i32
    %dma_wait3A_107 = tpu.memref_slice %arg13[%dma_wait3A_105, %dma_wait3A_106] : memref<10000x64xf32, #tpu.memory_space<vmem_shared>> -> memref<10000x64xf32, #tpu.memory_space<vmem_shared>>
    tpu.wait_indirect_dma semaphore(%arg21 : memref<!tpu.dma_semaphore, #tpu.memory_space<semaphore_mem>>) src(%arg10 : memref<80x64xf32, #tpu.memory_space<vmem>>) dst(%dma_wait3A_107 : memref<10000x64xf32, #tpu.memory_space<vmem_shared>>)
    %dma_wait3A_108 = arith.constant 0 : i32
    %dma_wait3A_109 = arith.constant 0 : i32
    %dma_wait3A_110 = tpu.memref_slice %arg7[%dma_wait3A_108, %dma_wait3A_109] : memref<125x80xi32, #tpu.memory_space<vmem>> -> memref<1x80xi32, #tpu.memory_space<vmem>>
    %dma_wait3A_111 = tpu.memref_squeeze %dma_wait3A_110 : memref<1x80xi32, #tpu.memory_space<vmem>> -> memref<80xi32, #tpu.memory_space<vmem>>
    %dma_wait3A_112 = arith.constant 0 : i32
    %dma_wait3A_113 = arith.constant 0 : i32
    %dma_wait3A_114 = tpu.memref_slice %arg13[%dma_wait3A_112, %dma_wait3A_113] : memref<10000x64xf32, #tpu.memory_space<vmem_shared>> -> memref<10000x64xf32, #tpu.memory_space<vmem_shared>>
    tpu.wait_indirect_dma semaphore(%arg22 : memref<!tpu.dma_semaphore, #tpu.memory_space<semaphore_mem>>) src(%arg11 : memref<80x64xf32, #tpu.memory_space<vmem>>) dst(%dma_wait3A_114 : memref<10000x64xf32, #tpu.memory_space<vmem_shared>>)
    %dma_wait3A_115 = arith.constant 0 : i32
    %dma_wait3A_116 = arith.constant 0 : i32
    %dma_wait3A_117 = tpu.memref_slice %arg7[%dma_wait3A_115, %dma_wait3A_116] : memref<125x80xi32, #tpu.memory_space<vmem>> -> memref<1x80xi32, #tpu.memory_space<vmem>>
    %dma_wait3A_118 = tpu.memref_squeeze %dma_wait3A_117 : memref<1x80xi32, #tpu.memory_space<vmem>> -> memref<80xi32, #tpu.memory_space<vmem>>
    %dma_wait3A_119 = arith.constant 0 : i32
    %dma_wait3A_120 = arith.constant 0 : i32
    %dma_wait3A_121 = tpu.memref_slice %arg13[%dma_wait3A_119, %dma_wait3A_120] : memref<10000x64xf32, #tpu.memory_space<vmem_shared>> -> memref<10000x64xf32, #tpu.memory_space<vmem_shared>>
    tpu.wait_indirect_dma semaphore(%arg23 : memref<!tpu.dma_semaphore, #tpu.memory_space<semaphore_mem>>) src(%arg12 : memref<80x64xf32, #tpu.memory_space<vmem>>) dst(%dma_wait3A_121 : memref<10000x64xf32, #tpu.memory_space<vmem_shared>>)
    %barrier3A_122 = arith.constant 0 : index
    tpu.barrier barrier_id(%barrier3A_122)
    %lt3A_123 = arith.constant 14 : i32
    %lt3A_124 = arith.cmpi slt, %arg1, %lt3A_123 : i32
    %convert_element_type3A_125 = arith.extui %lt3A_124 : i1 to i32
    %cond3A_126 = arith.constant 0 : i32
    %cond3A_127 = arith.cmpi ne, %convert_element_type3A_125, %cond3A_126 : i32
    scf.if %cond3A_127 {
      "tpu.region"() ({
        %run_scoped3A = tpu.sem_alloc : memref<!tpu.dma_semaphore, #tpu.memory_space<semaphore_mem>>
        %dma_start3A_133 = arith.constant 0 : i32
        %dma_start3A_134 = arith.constant 0 : i32
        %dma_start3A_135 = tpu.memref_slice %arg5[%arg0, %dma_start3A_133, %dma_start3A_134] : memref<2x10000x64xf32, #tpu.memory_space<hbm>> -> memref<1x10000x64xf32, #tpu.memory_space<hbm>>
        %dma_start3A_136 = tpu.memref_squeeze %dma_start3A_135 : memref<1x10000x64xf32, #tpu.memory_space<hbm>> -> memref<10000x64xf32, #tpu.memory_space<hbm>>
        %dma_start3A_137 = arith.constant 0 : i32
        %dma_start3A_138 = tpu.memref_slice %dma_start3A_136[%select_n3A, %dma_start3A_137] : memref<10000x64xf32, #tpu.memory_space<hbm>> -> memref<624x64xf32, #tpu.memory_space<hbm>>
        %dma_start3A_139 = arith.constant 0 : i32
        %dma_start3A_140 = tpu.memref_slice %arg13[%select_n3A, %dma_start3A_139] : memref<10000x64xf32, #tpu.memory_space<vmem_shared>> -> memref<624x64xf32, #tpu.memory_space<vmem_shared>>
        tpu.enqueue_dma source(%dma_start3A_140 : memref<624x64xf32, #tpu.memory_space<vmem_shared>>) target(%dma_start3A_138 : memref<624x64xf32, #tpu.memory_space<hbm>>) target_semaphore(%run_scoped3A : memref<!tpu.dma_semaphore, #tpu.memory_space<semaphore_mem>>)
        %dma_wait3A_141 = arith.constant 0 : i32
        %dma_wait3A_142 = arith.constant 0 : i32
        %dma_wait3A_143 = tpu.memref_slice %arg5[%arg0, %dma_wait3A_141, %dma_wait3A_142] : memref<2x10000x64xf32, #tpu.memory_space<hbm>> -> memref<1x10000x64xf32, #tpu.memory_space<hbm>>
        %dma_wait3A_144 = tpu.memref_squeeze %dma_wait3A_143 : memref<1x10000x64xf32, #tpu.memory_space<hbm>> -> memref<10000x64xf32, #tpu.memory_space<hbm>>
        %dma_wait3A_145 = arith.constant 0 : i32
        %dma_wait3A_146 = tpu.memref_slice %dma_wait3A_144[%select_n3A, %dma_wait3A_145] : memref<10000x64xf32, #tpu.memory_space<hbm>> -> memref<624x64xf32, #tpu.memory_space<hbm>>
        %dma_wait3A_147 = arith.constant 0 : i32
        %dma_wait3A_148 = tpu.memref_slice %arg13[%select_n3A, %dma_wait3A_147] : memref<10000x64xf32, #tpu.memory_space<vmem_shared>> -> memref<624x64xf32, #tpu.memory_space<vmem_shared>>
        tpu.wait_dma2 semaphore(%run_scoped3A : memref<!tpu.dma_semaphore, #tpu.memory_space<semaphore_mem>>) src(%dma_wait3A_148 : memref<624x64xf32, #tpu.memory_space<vmem_shared>>) dst(%dma_wait3A_146 : memref<624x64xf32, #tpu.memory_space<hbm>>)
        tpu.yield
      }) : () -> ()
    } else {
    }
    %ge3A_128 = arith.constant 14 : i32
    %ge3A_129 = arith.cmpi sge, %arg1, %ge3A_128 : i32
    %convert_element_type3A_130 = arith.extui %ge3A_129 : i1 to i32
    %cond3A_131 = arith.constant 0 : i32
    %cond3A_132 = arith.cmpi ne, %convert_element_type3A_130, %cond3A_131 : i32
    scf.if %cond3A_132 {
      "tpu.region"() ({
        %run_scoped3A = tpu.sem_alloc : memref<!tpu.dma_semaphore, #tpu.memory_space<semaphore_mem>>
        %dma_start3A_133 = arith.constant 0 : i32
        %dma_start3A_134 = arith.constant 0 : i32
        %dma_start3A_135 = tpu.memref_slice %arg5[%arg0, %dma_start3A_133, %dma_start3A_134] : memref<2x10000x64xf32, #tpu.memory_space<hbm>> -> memref<1x10000x64xf32, #tpu.memory_space<hbm>>
        %dma_start3A_136 = tpu.memref_squeeze %dma_start3A_135 : memref<1x10000x64xf32, #tpu.memory_space<hbm>> -> memref<10000x64xf32, #tpu.memory_space<hbm>>
        %dma_start3A_137 = arith.constant 0 : i32
        %dma_start3A_138 = tpu.memref_slice %dma_start3A_136[%select_n3A, %dma_start3A_137] : memref<10000x64xf32, #tpu.memory_space<hbm>> -> memref<632x64xf32, #tpu.memory_space<hbm>>
        %dma_start3A_139 = arith.constant 0 : i32
        %dma_start3A_140 = tpu.memref_slice %arg13[%select_n3A, %dma_start3A_139] : memref<10000x64xf32, #tpu.memory_space<vmem_shared>> -> memref<632x64xf32, #tpu.memory_space<vmem_shared>>
        tpu.enqueue_dma source(%dma_start3A_140 : memref<632x64xf32, #tpu.memory_space<vmem_shared>>) target(%dma_start3A_138 : memref<632x64xf32, #tpu.memory_space<hbm>>) target_semaphore(%run_scoped3A : memref<!tpu.dma_semaphore, #tpu.memory_space<semaphore_mem>>)
        %dma_wait3A_141 = arith.constant 0 : i32
        %dma_wait3A_142 = arith.constant 0 : i32
        %dma_wait3A_143 = tpu.memref_slice %arg5[%arg0, %dma_wait3A_141, %dma_wait3A_142] : memref<2x10000x64xf32, #tpu.memory_space<hbm>> -> memref<1x10000x64xf32, #tpu.memory_space<hbm>>
        %dma_wait3A_144 = tpu.memref_squeeze %dma_wait3A_143 : memref<1x10000x64xf32, #tpu.memory_space<hbm>> -> memref<10000x64xf32, #tpu.memory_space<hbm>>
        %dma_wait3A_145 = arith.constant 0 : i32
        %dma_wait3A_146 = tpu.memref_slice %dma_wait3A_144[%select_n3A, %dma_wait3A_145] : memref<10000x64xf32, #tpu.memory_space<hbm>> -> memref<632x64xf32, #tpu.memory_space<hbm>>
        %dma_wait3A_147 = arith.constant 0 : i32
        %dma_wait3A_148 = tpu.memref_slice %arg13[%select_n3A, %dma_wait3A_147] : memref<10000x64xf32, #tpu.memory_space<vmem_shared>> -> memref<632x64xf32, #tpu.memory_space<vmem_shared>>
        tpu.wait_dma2 semaphore(%run_scoped3A : memref<!tpu.dma_semaphore, #tpu.memory_space<semaphore_mem>>) src(%dma_wait3A_148 : memref<632x64xf32, #tpu.memory_space<vmem_shared>>) dst(%dma_wait3A_146 : memref<632x64xf32, #tpu.memory_space<hbm>>)
        tpu.yield
      }) : () -> ()
    } else {
    }
    return
  }
}

module attributes {stable_mosaic.version = 14 : i64} {
  func.func @_tc1_body(%arg0: i32, %arg1: memref<2x1000x16xf32, #tpu.memory_space<vmem>>, %arg2: memref<1000x128xf32, #tpu.memory_space<vmem>>, %arg3: memref<1000x1xf32, #tpu.memory_space<vmem>>, %arg4: memref<1000x128xf32, #tpu.memory_space<vmem>>) attributes {dimension_semantics = [#tpu.dimension_semantics<arbitrary>], iteration_bounds = array<i64: 10>, scalar_prefetch = 0 : i64, scratch_operands = 0 : i64, tpu.core_type = #tpu.core_type<tc>, window_params = [{transform_indices = @transform_0, window_bounds = array<i64: 2, 1000, 16>}, {transform_indices = @transform_1, window_bounds = array<i64: 1000, 128>}, {transform_indices = @transform_2, window_bounds = array<i64: 1000, 1>}, {transform_indices = @transform_3, window_bounds = array<i64: 1000, 128>}]} {
    %get3A = arith.constant 0 : index
    %get3A_0 = arith.constant 0 : index
    %get3A_1 = arith.constant 0 : index
    %get3A_2 = vector.load %arg1[%get3A, %get3A_0, %get3A_1] : memref<2x1000x16xf32, #tpu.memory_space<vmem>>, vector<1x1000x16xf32>
    %get3A_3 = vector.shape_cast %get3A_2 : vector<1x1000x16xf32> to vector<1000x16xf32>
    %slice3A = vector.extract_strided_slice %get3A_3 {offsets = [0, 0], sizes = [1000, 1], strides = [1, 1]} : vector<1000x16xf32> to vector<1000x1xf32>
    %get3A_4 = arith.constant 1 : index
    %get3A_5 = arith.constant 0 : index
    %get3A_6 = arith.constant 0 : index
    %get3A_7 = vector.load %arg1[%get3A_4, %get3A_5, %get3A_6] : memref<2x1000x16xf32, #tpu.memory_space<vmem>>, vector<1x1000x16xf32>
    %get3A_8 = vector.shape_cast %get3A_7 : vector<1x1000x16xf32> to vector<1000x16xf32>
    %slice3A_9 = vector.extract_strided_slice %get3A_8 {offsets = [0, 0], sizes = [1000, 1], strides = [1, 1]} : vector<1000x16xf32> to vector<1000x1xf32>
    %add3A = arith.addf %slice3A, %slice3A_9 : vector<1000x1xf32>
    %add3A_10 = arith.constant 1.000000e+00 : f32
    %add3A_11 = vector.broadcast %add3A_10 : f32 to vector<1000x1xf32>
    %add3A_12 = arith.addf %add3A, %add3A_11 : vector<1000x1xf32>
    %rsqrt3A = math.rsqrt %add3A_12 : vector<1000x1xf32>
    %swap3A = arith.constant 0 : index
    %swap3A_13 = arith.constant 0 : index
    %swap3A_14 = vector.load %arg3[%swap3A, %swap3A_13] : memref<1000x1xf32, #tpu.memory_space<vmem>>, vector<1000x1xf32>
    tpu.vector_store %arg3[%swap3A, %swap3A_13], %rsqrt3A {strides = array<i32>} : memref<1000x1xf32, #tpu.memory_space<vmem>>, vector<1000x1xf32>,
    %get3A_15 = arith.constant 0 : index
    %get3A_16 = arith.constant 0 : index
    %get3A_17 = vector.load %arg2[%get3A_15, %get3A_16] : memref<1000x128xf32, #tpu.memory_space<vmem>>, vector<1000x128xf32>
    %mul3A = vector.broadcast %rsqrt3A : vector<1000x1xf32> to vector<1000x128xf32>
    %mul3A_18 = arith.mulf %mul3A, %get3A_17 : vector<1000x128xf32>
    %swap3A_19 = arith.constant 0 : index
    %swap3A_20 = arith.constant 0 : index
    %swap3A_21 = vector.load %arg4[%swap3A_19, %swap3A_20] : memref<1000x128xf32, #tpu.memory_space<vmem>>, vector<1000x128xf32>
    tpu.vector_store %arg4[%swap3A_19, %swap3A_20], %mul3A_18 {strides = array<i32>} : memref<1000x128xf32, #tpu.memory_space<vmem>>, vector<1000x128xf32>,
    return
  }
  func.func @transform_0(%arg0: i32) -> (i32, i32, i32) {
    %c0_i32 = arith.constant 0 : i32
    %c0_i32_0 = arith.constant 0 : i32
    %c0_i32_1 = arith.constant 0 : i32
    return %c0_i32, %arg0, %c0_i32_0 : i32, i32, i32
  }
  func.func @transform_1(%arg0: i32) -> (i32, i32) {
    %c0_i32 = arith.constant 0 : i32
    %c0_i32_0 = arith.constant 0 : i32
    return %arg0, %c0_i32 : i32, i32
  }
  func.func @transform_2(%arg0: i32) -> (i32, i32) {
    %c0_i32 = arith.constant 0 : i32
    %c0_i32_0 = arith.constant 0 : i32
    return %arg0, %c0_i32 : i32, i32
  }
  func.func @transform_3(%arg0: i32) -> (i32, i32) {
    %c0_i32 = arith.constant 0 : i32
    %c0_i32_0 = arith.constant 0 : i32
    return %arg0, %c0_i32 : i32, i32
  }
}

module attributes {stable_mosaic.version = 14 : i64} {
  func.func @_tc_mm_body(%arg0: i32, %arg1: memref<1000x128xf32, #tpu.memory_space<vmem>>, %arg2: memref<128x128xf32, #tpu.memory_space<vmem>>, %arg3: memref<1000x128xf32, #tpu.memory_space<vmem>>) attributes {dimension_semantics = [#tpu.dimension_semantics<arbitrary>], iteration_bounds = array<i64: 10>, scalar_prefetch = 0 : i64, scratch_operands = 0 : i64, tpu.core_type = #tpu.core_type<tc>, window_params = [{transform_indices = @transform_0, window_bounds = array<i64: 1000, 128>}, {pipeline_mode = #tpu.pipeline_mode<synchronous>, transform_indices = @transform_1, window_bounds = array<i64: 128, 128>}, {transform_indices = @transform_2, window_bounds = array<i64: 1000, 128>}]} {
    %get3A = arith.constant 0 : index
    %get3A_0 = arith.constant 0 : index
    %get3A_1 = vector.load %arg1[%get3A, %get3A_0] : memref<1000x128xf32, #tpu.memory_space<vmem>>, vector<1000x128xf32>
    %get3A_2 = arith.constant 0 : index
    %get3A_3 = arith.constant 0 : index
    %get3A_4 = vector.load %arg2[%get3A_2, %get3A_3] : memref<128x128xf32, #tpu.memory_space<vmem>>, vector<128x128xf32>
    %dot_general3A = arith.constant dense<0.000000e+00> : vector<1000x128xf32>
    %dot_general3A_5 = tpu.matmul %get3A_1, %get3A_4, %dot_general3A {dimension_numbers = #tpu.dot_dimension_numbers<[1], [0], [0], [1], [0, 0, 1, 1], [], []>, transpose_lhs_hint = false} : vector<1000x128xf32>, vector<128x128xf32>, vector<1000x128xf32> -> vector<1000x128xf32>
    %swap3A = arith.constant 0 : index
    %swap3A_6 = arith.constant 0 : index
    %swap3A_7 = vector.load %arg3[%swap3A, %swap3A_6] : memref<1000x128xf32, #tpu.memory_space<vmem>>, vector<1000x128xf32>
    tpu.vector_store %arg3[%swap3A, %swap3A_6], %dot_general3A_5 {strides = array<i32>} : memref<1000x128xf32, #tpu.memory_space<vmem>>, vector<1000x128xf32>,
    return
  }
  func.func @transform_0(%arg0: i32) -> (i32, i32) {
    %c0_i32 = arith.constant 0 : i32
    %c0_i32_0 = arith.constant 0 : i32
    return %arg0, %c0_i32 : i32, i32
  }
  func.func @transform_1(%arg0: i32) -> (i32, i32) {
    %c0_i32 = arith.constant 0 : i32
    %c0_i32_0 = arith.constant 0 : i32
    %c0_i32_1 = arith.constant 0 : i32
    return %c0_i32, %c0_i32_0 : i32, i32
  }
  func.func @transform_2(%arg0: i32) -> (i32, i32) {
    %c0_i32 = arith.constant 0 : i32
    %c0_i32_0 = arith.constant 0 : i32
    return %arg0, %c0_i32 : i32, i32
  }
}

module attributes {stable_mosaic.version = 14 : i64} {
  func.func @_tc_mid_body(%arg0: i32, %arg1: memref<2x1000x128xf32, #tpu.memory_space<vmem>>, %arg2: memref<1000x128xf32, #tpu.memory_space<vmem>>, %arg3: memref<1000x1xf32, #tpu.memory_space<vmem>>, %arg4: memref<128x64xf32, #tpu.memory_space<vmem>>, %arg5: memref<1x128xf32, #tpu.memory_space<vmem>>, %arg6: memref<1000x64xf32, #tpu.memory_space<vmem>>) attributes {dimension_semantics = [#tpu.dimension_semantics<arbitrary>], iteration_bounds = array<i64: 10>, scalar_prefetch = 0 : i64, scratch_operands = 0 : i64, tpu.core_type = #tpu.core_type<tc>, window_params = [{transform_indices = @transform_0, window_bounds = array<i64: 2, 1000, 128>}, {transform_indices = @transform_1, window_bounds = array<i64: 1000, 128>}, {transform_indices = @transform_2, window_bounds = array<i64: 1000, 1>}, {pipeline_mode = #tpu.pipeline_mode<synchronous>, transform_indices = @transform_3, window_bounds = array<i64: 128, 64>}, {pipeline_mode = #tpu.pipeline_mode<synchronous>, transform_indices = @transform_4, window_bounds = array<i64: 1, 128>}, {transform_indices = @transform_5, window_bounds = array<i64: 1000, 64>}]} {
    %get3A = arith.constant 0 : index
    %get3A_0 = arith.constant 0 : index
    %get3A_1 = vector.load %arg3[%get3A, %get3A_0] : memref<1000x1xf32, #tpu.memory_space<vmem>>, vector<1000x1xf32>
    %get3A_2 = arith.constant 0 : index
    %get3A_3 = arith.constant 0 : index
    %get3A_4 = arith.constant 0 : index
    %get3A_5 = vector.load %arg1[%get3A_2, %get3A_3, %get3A_4] : memref<2x1000x128xf32, #tpu.memory_space<vmem>>, vector<1x1000x128xf32>
    %get3A_6 = vector.shape_cast %get3A_5 : vector<1x1000x128xf32> to vector<1000x128xf32>
    %get3A_7 = arith.constant 1 : index
    %get3A_8 = arith.constant 0 : index
    %get3A_9 = arith.constant 0 : index
    %get3A_10 = vector.load %arg1[%get3A_7, %get3A_8, %get3A_9] : memref<2x1000x128xf32, #tpu.memory_space<vmem>>, vector<1x1000x128xf32>
    %get3A_11 = vector.shape_cast %get3A_10 : vector<1x1000x128xf32> to vector<1000x128xf32>
    %add3A = arith.addf %get3A_6, %get3A_11 : vector<1000x128xf32>
    %get3A_12 = arith.constant 0 : index
    %get3A_13 = arith.constant 0 : index
    %get3A_14 = vector.load %arg2[%get3A_12, %get3A_13] : memref<1000x128xf32, #tpu.memory_space<vmem>>, vector<1000x128xf32>
    %add3A_15 = arith.addf %add3A, %get3A_14 : vector<1000x128xf32>
    %mul3A = vector.broadcast %get3A_1 : vector<1000x1xf32> to vector<1000x128xf32>
    %mul3A_16 = arith.mulf %mul3A, %add3A_15 : vector<1000x128xf32>
    %get3A_17 = arith.constant 0 : index
    %get3A_18 = arith.constant 0 : index
    %get3A_19 = vector.load %arg5[%get3A_17, %get3A_18] : memref<1x128xf32, #tpu.memory_space<vmem>>, vector<1x128xf32>
    %add3A_20 = vector.broadcast %get3A_19 : vector<1x128xf32> to vector<1000x128xf32>
    %add3A_21 = arith.addf %mul3A_16, %add3A_20 : vector<1000x128xf32>
    %tanh3A = math.tanh %add3A_21 : vector<1000x128xf32>
    %get3A_22 = arith.constant 0 : index
    %get3A_23 = arith.constant 0 : index
    %get3A_24 = vector.load %arg4[%get3A_22, %get3A_23] : memref<128x64xf32, #tpu.memory_space<vmem>>, vector<128x64xf32>
    %dot_general3A = arith.constant dense<0.000000e+00> : vector<1000x64xf32>
    %dot_general3A_25 = tpu.matmul %tanh3A, %get3A_24, %dot_general3A {dimension_numbers = #tpu.dot_dimension_numbers<[1], [0], [0], [1], [0, 0, 1, 1], [], []>, transpose_lhs_hint = false} : vector<1000x128xf32>, vector<128x64xf32>, vector<1000x64xf32> -> vector<1000x64xf32>
    %mul3A_26 = vector.broadcast %get3A_1 : vector<1000x1xf32> to vector<1000x64xf32>
    %mul3A_27 = arith.mulf %mul3A_26, %dot_general3A_25 : vector<1000x64xf32>
    %swap3A = arith.constant 0 : index
    %swap3A_28 = arith.constant 0 : index
    %swap3A_29 = vector.load %arg6[%swap3A, %swap3A_28] : memref<1000x64xf32, #tpu.memory_space<vmem>>, vector<1000x64xf32>
    tpu.vector_store %arg6[%swap3A, %swap3A_28], %mul3A_27 {strides = array<i32>} : memref<1000x64xf32, #tpu.memory_space<vmem>>, vector<1000x64xf32>,
    return
  }
  func.func @transform_0(%arg0: i32) -> (i32, i32, i32) {
    %c0_i32 = arith.constant 0 : i32
    %c0_i32_0 = arith.constant 0 : i32
    %c0_i32_1 = arith.constant 0 : i32
    return %c0_i32, %arg0, %c0_i32_0 : i32, i32, i32
  }
  func.func @transform_1(%arg0: i32) -> (i32, i32) {
    %c0_i32 = arith.constant 0 : i32
    %c0_i32_0 = arith.constant 0 : i32
    return %arg0, %c0_i32 : i32, i32
  }
  func.func @transform_2(%arg0: i32) -> (i32, i32) {
    %c0_i32 = arith.constant 0 : i32
    %c0_i32_0 = arith.constant 0 : i32
    return %arg0, %c0_i32 : i32, i32
  }
  func.func @transform_3(%arg0: i32) -> (i32, i32) {
    %c0_i32 = arith.constant 0 : i32
    %c0_i32_0 = arith.constant 0 : i32
    %c0_i32_1 = arith.constant 0 : i32
    return %c0_i32, %c0_i32_0 : i32, i32
  }
  func.func @transform_4(%arg0: i32) -> (i32, i32) {
    %c0_i32 = arith.constant 0 : i32
    %c0_i32_0 = arith.constant 0 : i32
    %c0_i32_1 = arith.constant 0 : i32
    return %c0_i32, %c0_i32_0 : i32, i32
  }
  func.func @transform_5(%arg0: i32) -> (i32, i32) {
    %c0_i32 = arith.constant 0 : i32
    %c0_i32_0 = arith.constant 0 : i32
    return %arg0, %c0_i32 : i32, i32
  }
}

module attributes {stable_mosaic.version = 14 : i64} {
  func.func @_tc_mid_body(%arg0: i32, %arg1: memref<2x1000x64xf32, #tpu.memory_space<vmem>>, %arg2: memref<1000x64xf32, #tpu.memory_space<vmem>>, %arg3: memref<1000x1xf32, #tpu.memory_space<vmem>>, %arg4: memref<64x16xf32, #tpu.memory_space<vmem>>, %arg5: memref<1x64xf32, #tpu.memory_space<vmem>>, %arg6: memref<1000x16xf32, #tpu.memory_space<vmem>>) attributes {dimension_semantics = [#tpu.dimension_semantics<arbitrary>], iteration_bounds = array<i64: 10>, scalar_prefetch = 0 : i64, scratch_operands = 0 : i64, tpu.core_type = #tpu.core_type<tc>, window_params = [{transform_indices = @transform_0, window_bounds = array<i64: 2, 1000, 64>}, {transform_indices = @transform_1, window_bounds = array<i64: 1000, 64>}, {transform_indices = @transform_2, window_bounds = array<i64: 1000, 1>}, {pipeline_mode = #tpu.pipeline_mode<synchronous>, transform_indices = @transform_3, window_bounds = array<i64: 64, 16>}, {pipeline_mode = #tpu.pipeline_mode<synchronous>, transform_indices = @transform_4, window_bounds = array<i64: 1, 64>}, {transform_indices = @transform_5, window_bounds = array<i64: 1000, 16>}]} {
    %get3A = arith.constant 0 : index
    %get3A_0 = arith.constant 0 : index
    %get3A_1 = vector.load %arg3[%get3A, %get3A_0] : memref<1000x1xf32, #tpu.memory_space<vmem>>, vector<1000x1xf32>
    %get3A_2 = arith.constant 0 : index
    %get3A_3 = arith.constant 0 : index
    %get3A_4 = arith.constant 0 : index
    %get3A_5 = vector.load %arg1[%get3A_2, %get3A_3, %get3A_4] : memref<2x1000x64xf32, #tpu.memory_space<vmem>>, vector<1x1000x64xf32>
    %get3A_6 = vector.shape_cast %get3A_5 : vector<1x1000x64xf32> to vector<1000x64xf32>
    %get3A_7 = arith.constant 1 : index
    %get3A_8 = arith.constant 0 : index
    %get3A_9 = arith.constant 0 : index
    %get3A_10 = vector.load %arg1[%get3A_7, %get3A_8, %get3A_9] : memref<2x1000x64xf32, #tpu.memory_space<vmem>>, vector<1x1000x64xf32>
    %get3A_11 = vector.shape_cast %get3A_10 : vector<1x1000x64xf32> to vector<1000x64xf32>
    %add3A = arith.addf %get3A_6, %get3A_11 : vector<1000x64xf32>
    %get3A_12 = arith.constant 0 : index
    %get3A_13 = arith.constant 0 : index
    %get3A_14 = vector.load %arg2[%get3A_12, %get3A_13] : memref<1000x64xf32, #tpu.memory_space<vmem>>, vector<1000x64xf32>
    %add3A_15 = arith.addf %add3A, %get3A_14 : vector<1000x64xf32>
    %mul3A = vector.broadcast %get3A_1 : vector<1000x1xf32> to vector<1000x64xf32>
    %mul3A_16 = arith.mulf %mul3A, %add3A_15 : vector<1000x64xf32>
    %get3A_17 = arith.constant 0 : index
    %get3A_18 = arith.constant 0 : index
    %get3A_19 = vector.load %arg5[%get3A_17, %get3A_18] : memref<1x64xf32, #tpu.memory_space<vmem>>, vector<1x64xf32>
    %add3A_20 = vector.broadcast %get3A_19 : vector<1x64xf32> to vector<1000x64xf32>
    %add3A_21 = arith.addf %mul3A_16, %add3A_20 : vector<1000x64xf32>
    %tanh3A = math.tanh %add3A_21 : vector<1000x64xf32>
    %get3A_22 = arith.constant 0 : index
    %get3A_23 = arith.constant 0 : index
    %get3A_24 = vector.load %arg4[%get3A_22, %get3A_23] : memref<64x16xf32, #tpu.memory_space<vmem>>, vector<64x16xf32>
    %dot_general3A = arith.constant dense<0.000000e+00> : vector<1000x16xf32>
    %dot_general3A_25 = tpu.matmul %tanh3A, %get3A_24, %dot_general3A {dimension_numbers = #tpu.dot_dimension_numbers<[1], [0], [0], [1], [0, 0, 1, 1], [], []>, transpose_lhs_hint = false} : vector<1000x64xf32>, vector<64x16xf32>, vector<1000x16xf32> -> vector<1000x16xf32>
    %mul3A_26 = vector.broadcast %get3A_1 : vector<1000x1xf32> to vector<1000x16xf32>
    %mul3A_27 = arith.mulf %mul3A_26, %dot_general3A_25 : vector<1000x16xf32>
    %swap3A = arith.constant 0 : index
    %swap3A_28 = arith.constant 0 : index
    %swap3A_29 = vector.load %arg6[%swap3A, %swap3A_28] : memref<1000x16xf32, #tpu.memory_space<vmem>>, vector<1000x16xf32>
    tpu.vector_store %arg6[%swap3A, %swap3A_28], %mul3A_27 {strides = array<i32>} : memref<1000x16xf32, #tpu.memory_space<vmem>>, vector<1000x16xf32>,
    return
  }
  func.func @transform_0(%arg0: i32) -> (i32, i32, i32) {
    %c0_i32 = arith.constant 0 : i32
    %c0_i32_0 = arith.constant 0 : i32
    %c0_i32_1 = arith.constant 0 : i32
    return %c0_i32, %arg0, %c0_i32_0 : i32, i32, i32
  }
  func.func @transform_1(%arg0: i32) -> (i32, i32) {
    %c0_i32 = arith.constant 0 : i32
    %c0_i32_0 = arith.constant 0 : i32
    return %arg0, %c0_i32 : i32, i32
  }
  func.func @transform_2(%arg0: i32) -> (i32, i32) {
    %c0_i32 = arith.constant 0 : i32
    %c0_i32_0 = arith.constant 0 : i32
    return %arg0, %c0_i32 : i32, i32
  }
  func.func @transform_3(%arg0: i32) -> (i32, i32) {
    %c0_i32 = arith.constant 0 : i32
    %c0_i32_0 = arith.constant 0 : i32
    %c0_i32_1 = arith.constant 0 : i32
    return %c0_i32, %c0_i32_0 : i32, i32
  }
  func.func @transform_4(%arg0: i32) -> (i32, i32) {
    %c0_i32 = arith.constant 0 : i32
    %c0_i32_0 = arith.constant 0 : i32
    %c0_i32_1 = arith.constant 0 : i32
    return %c0_i32, %c0_i32_0 : i32, i32
  }
  func.func @transform_5(%arg0: i32) -> (i32, i32) {
    %c0_i32 = arith.constant 0 : i32
    %c0_i32_0 = arith.constant 0 : i32
    return %arg0, %c0_i32 : i32, i32
  }
}

module attributes {stable_mosaic.version = 14 : i64} {
  func.func @_tc_out_body(%arg0: i32, %arg1: memref<2x1000x16xf32, #tpu.memory_space<vmem>>, %arg2: memref<1000x16xf32, #tpu.memory_space<vmem>>, %arg3: memref<1000x1xf32, #tpu.memory_space<vmem>>, %arg4: memref<1x16xf32, #tpu.memory_space<vmem>>, %arg5: memref<1000x1xf32, #tpu.memory_space<vmem>>) attributes {dimension_semantics = [#tpu.dimension_semantics<arbitrary>], iteration_bounds = array<i64: 10>, scalar_prefetch = 0 : i64, scratch_operands = 0 : i64, tpu.core_type = #tpu.core_type<tc>, window_params = [{transform_indices = @transform_0, window_bounds = array<i64: 2, 1000, 16>}, {transform_indices = @transform_1, window_bounds = array<i64: 1000, 16>}, {transform_indices = @transform_2, window_bounds = array<i64: 1000, 1>}, {pipeline_mode = #tpu.pipeline_mode<synchronous>, transform_indices = @transform_3, window_bounds = array<i64: 1, 16>}, {transform_indices = @transform_4, window_bounds = array<i64: 1000, 1>}]} {
    %get3A = arith.constant 0 : index
    %get3A_0 = arith.constant 0 : index
    %get3A_1 = vector.load %arg3[%get3A, %get3A_0] : memref<1000x1xf32, #tpu.memory_space<vmem>>, vector<1000x1xf32>
    %get3A_2 = arith.constant 0 : index
    %get3A_3 = arith.constant 0 : index
    %get3A_4 = arith.constant 0 : index
    %get3A_5 = vector.load %arg1[%get3A_2, %get3A_3, %get3A_4] : memref<2x1000x16xf32, #tpu.memory_space<vmem>>, vector<1x1000x16xf32>
    %get3A_6 = vector.shape_cast %get3A_5 : vector<1x1000x16xf32> to vector<1000x16xf32>
    %get3A_7 = arith.constant 1 : index
    %get3A_8 = arith.constant 0 : index
    %get3A_9 = arith.constant 0 : index
    %get3A_10 = vector.load %arg1[%get3A_7, %get3A_8, %get3A_9] : memref<2x1000x16xf32, #tpu.memory_space<vmem>>, vector<1x1000x16xf32>
    %get3A_11 = vector.shape_cast %get3A_10 : vector<1x1000x16xf32> to vector<1000x16xf32>
    %add3A = arith.addf %get3A_6, %get3A_11 : vector<1000x16xf32>
    %get3A_12 = arith.constant 0 : index
    %get3A_13 = arith.constant 0 : index
    %get3A_14 = vector.load %arg2[%get3A_12, %get3A_13] : memref<1000x16xf32, #tpu.memory_space<vmem>>, vector<1000x16xf32>
    %add3A_15 = arith.addf %add3A, %get3A_14 : vector<1000x16xf32>
    %mul3A = vector.broadcast %get3A_1 : vector<1000x1xf32> to vector<1000x16xf32>
    %mul3A_16 = arith.mulf %mul3A, %add3A_15 : vector<1000x16xf32>
    %get3A_17 = arith.constant 0 : index
    %get3A_18 = arith.constant 0 : index
    %get3A_19 = vector.load %arg4[%get3A_17, %get3A_18] : memref<1x16xf32, #tpu.memory_space<vmem>>, vector<1x16xf32>
    %add3A_20 = vector.broadcast %get3A_19 : vector<1x16xf32> to vector<1000x16xf32>
    %add3A_21 = arith.addf %mul3A_16, %add3A_20 : vector<1000x16xf32>
    %slice3A = vector.extract_strided_slice %add3A_21 {offsets = [0, 0], sizes = [1000, 1], strides = [1, 1]} : vector<1000x16xf32> to vector<1000x1xf32>
    %swap3A = arith.constant 0 : index
    %swap3A_22 = arith.constant 0 : index
    %swap3A_23 = vector.load %arg5[%swap3A, %swap3A_22] : memref<1000x1xf32, #tpu.memory_space<vmem>>, vector<1000x1xf32>
    tpu.vector_store %arg5[%swap3A, %swap3A_22], %slice3A {strides = array<i32>} : memref<1000x1xf32, #tpu.memory_space<vmem>>, vector<1000x1xf32>,
    return
  }
  func.func @transform_0(%arg0: i32) -> (i32, i32, i32) {
    %c0_i32 = arith.constant 0 : i32
    %c0_i32_0 = arith.constant 0 : i32
    %c0_i32_1 = arith.constant 0 : i32
    return %c0_i32, %arg0, %c0_i32_0 : i32, i32, i32
  }
  func.func @transform_1(%arg0: i32) -> (i32, i32) {
    %c0_i32 = arith.constant 0 : i32
    %c0_i32_0 = arith.constant 0 : i32
    return %arg0, %c0_i32 : i32, i32
  }
  func.func @transform_2(%arg0: i32) -> (i32, i32) {
    %c0_i32 = arith.constant 0 : i32
    %c0_i32_0 = arith.constant 0 : i32
    return %arg0, %c0_i32 : i32, i32
  }
  func.func @transform_3(%arg0: i32) -> (i32, i32) {
    %c0_i32 = arith.constant 0 : i32
    %c0_i32_0 = arith.constant 0 : i32
    %c0_i32_1 = arith.constant 0 : i32
    return %c0_i32, %c0_i32_0 : i32, i32
  }
  func.func @transform_4(%arg0: i32) -> (i32, i32) {
    %c0_i32 = arith.constant 0 : i32
    %c0_i32_0 = arith.constant 0 : i32
    return %arg0, %c0_i32 : i32, i32
  }
}

</mosaic_0001>

<sc_bundles>
// kernel: kernel.11.cloned.1.call-start
scs
__scs_entry_jumppad:
0x0: {  	(pc) =	sbr.rel $0x88, $3  }
0x1: {  	(tag) =	ssettag $0x0;
	lr =	simm.s32 $0x1  }
0x2: {  	[smem:$0x3F99] =	sst lr;
	_ =	strace $0xD0000000  }
0x3: {  	_ = 	snop  }
0x4: {  	_ = 	snop  }
0x5: {  	_ = 	snop  }
0x6: {  	_ = 	snop  }
0x7: {  	_ = 	snop  }
__scs_overlays_trampoline_lowered:
0x8: {  	[smem:$0x3FA8] =	sst s0  }
0x9: {  	[smem:$0x3FA9] =	sst s1  }
0xa: {  	[smem:$0x3FAA] =	sst s2  }
0xb: {  	[smem:$0x3FAB] =	sst s3  }
0xc: {  	[smem:$0x3FAC] =	sst s4  }
0xd: {  	[smem:$0x3FAD] =	sst s5  }
0xe: {  	[smem:$0x3FAE] =	sst s6  }
0xf: {  	[smem:$0x3FAF] =	sst s7  }
0x10: {  	[smem:$0x3FB0] =	sst s8  }
0x11: {  	[smem:$0x3FB1] =	sst s9;
	s0 =	simm.s32 @!p0 $0x0  }
0x12: {  	s1 =	sld [smem:$0x3F97];
	s0 =	simm.s32 @p0 $0x1  }
0x13: {  	[smem:$0x3FB2] =	sst s0;
	s0 =	simm.s32 @!p1 $0x0  }
0x14: {  	s2 =	sld [smem:$0x3F96];
	s0 =	simm.s32 @p1 $0x1  }
0x15: {  	[smem:$0x3FB3] =	sst s0;
	s0 =	simm.s32 @!p2 $0x0  }
0x16: {  	s3 =	sld [smem:$0x3FDB];
	s0 =	simm.s32 @p2 $0x1  }
0x17: {  	s4 =	simm.s32 $0x1BF5;
	[smem:$0x3FB5] =	sst s0  }
0x18: {  	s0 =	sld [smem:$0x3F98];
	_ =	swait.ge [sflag:s4], $0x0  }
0x19: {  	s7 =	sld [smem:$0x3F99]  }
0x1a: {  	s8 =	sadd.s32 $0xFFFFE003, lr  }
0x1b: {  	s9 =	sadd.s32 $0xFFFFFEF7, lr;
	s5 =	simm.s32 $0xFFFFFFFF;
	p2 =	slt.u32 s8, $0xFFFFF086  }
0x1c: {  	p1 =	slt.u32 s9, $0xF7A;
	s5 =	simm.s32 @!p2 $0x0  }
0x1d: {  	s5 =	simm.s32 @p1 $0x1;
	p0 =	seq.s32 s7, s2  }
0x1e: {  	s7 =	smul.u32 @!p0 $0xF7A, s2;
	p2 =	seq.s32 @!p0 s5, $0x0  }
0x1f: {  	s9 =	smul.u32 $0xF7A, s1;
	s8 =	simm.s32 @!p0 $0x1BF5;
	p2 =	por !p2, p0  }
0x20: {  	[sflag:s8] =	ssyncset.s32 @!p0 $0xFFFFF086;
	s6 =	sadd.s32 @!p0 s3, s7;
	s7 =	simm.s32 @!p0 $0x108  }
0x21: {  	s3 =	sadd.s32 s3, s9;
	s6 =	sadd.s32 @!p0 $0x88, s6;
	s7 =	simm.s32 @p2 $0x1082  }
0x22: {  	[simem:s7], [sflag:s8] =	dma.local @!p0 [hbm:s6], $0xF7A  }
0x23: {  	s9 =	sor.u32 $0xD0000000, s2;
	s6 =	simm.s32 $0x108;
	_ =	swait.ge @!p0 [sflag:s8], $0x0  }
0x24: {  	s3 =	sadd.s32 $0x88, s3;
	s6 =	simm.s32 @!p1 $0x1082;
	[sflag:s4] =	ssyncset.s32 $0xFFFFF086  }
0x25: {  	[simem:s6], [sflag:s4] =	dma.local [hbm:s3], $0xF7A  }
0x26: {  	[smem:$0x3F99] =	sst s1;
	(tag) =	ssettag s2;
	_ =	strace s9  }
0x27: {  	s1 =	sld [smem:$0x3FA9]  }
0x28: {  	s2 =	sld [smem:$0x3FAA]  }
0x29: {  	s4 =	sld [smem:$0x3FAC]  }
0x2a: {  	p0 =	seq.s32 s5, $0x0;
	s5 =	sld [smem:$0x3FAD]  }
0x2b: {  	s6 =	sld [smem:$0x3FAE]  }
0x2c: {  	s7 =	sld [smem:$0x3FAF]  }
0x2d: {  	s3 =	simm.s32 $0x108;
	s8 =	sld [smem:$0x3FB0]  }
0x2e: {  	s3 =	simm.s32 @!p0 $0x1082;
	s9 =	sld [smem:$0x3FB1]  }
0x2f: {  	lr =	sadd.s32 s0, s3;
	s0 =	sld [smem:$0x3FA8]  }
0x30: {  	s3 =	sld [smem:$0x3FAB]  }
0x31: {  	[smem:$0x3FB4] =	sst s10  }
0x32: {  	s10 =	sld [smem:$0x3FB2];
	_ =	sdelay $0x3  }
0x33: {  	p0 =	seq.s32 s10, $0x1;
	s10 =	sld [smem:$0x3FB4];
	_ =	sdelay $0x3  }
0x34: {  	[smem:$0x3FB4] =	sst s10  }
0x35: {  	s10 =	sld [smem:$0x3FB3];
	_ =	sdelay $0x3  }
0x36: {  	p1 =	seq.s32 s10, $0x1;
	s10 =	sld [smem:$0x3FB4];
	_ =	sdelay $0x3  }
0x37: {  	[smem:$0x3FB4] =	sst s10  }
0x38: {  	s10 =	sld [smem:$0x3FB5]  }
0x39: {  	_ = 	snop;
	(pc) =	sbr.ind lr, $3  }
0x3a: {  	_ = 	snop  }
0x3b: {  	_ = 	snop  }
0x3c: {  	p2 =	seq.s32 s10, $0x1;
	s10 =	sld [smem:$0x3FB4]  }
0x3d: {  	_ =	shalt  }
0x3e: {  	_ =	shalt  }
0x3f: {  	_ =	shalt  }
0x40: {  	_ =	shalt  }
0x41: {  	_ =	shalt  }
0x42: {  	_ =	shalt  }
0x43: {  	_ =	shalt  }
0x44: {  	_ =	shalt  }
0x45: {  	_ =	shalt  }
0x46: {  	_ =	shalt  }
0x47: {  	_ =	shalt  }
0x48: {  	_ =	shalt  }
0x49: {  	_ =	shalt  }
0x4a: {  	_ =	shalt  }
0x4b: {  	_ =	shalt  }
0x4c: {  	_ =	shalt  }
0x4d: {  	_ =	shalt  }
0x4e: {  	_ =	shalt  }
0x4f: {  	_ =	shalt  }
0x50: {  	_ =	shalt  }
0x51: {  	_ =	shalt  }
0x52: {  	_ =	shalt  }
0x53: {  	_ =	shalt  }
0x54: {  	_ =	shalt  }
0x55: {  	_ =	shalt  }
0x56: {  	_ =	shalt  }
0x57: {  	_ =	shalt  }
0x58: {  	_ =	shalt  }
0x59: {  	_ =	shalt  }
0x5a: {  	_ =	shalt  }
0x5b: {  	_ =	shalt  }
0x5c: {  	_ =	shalt  }
0x5d: {  	_ =	shalt  }
0x5e: {  	_ =	shalt  }
0x5f: {  	_ =	shalt  }
0x60: {  	_ =	shalt  }
0x61: {  	_ =	shalt  }
0x62: {  	_ =	shalt  }
0x63: {  	_ =	shalt  }
0x64: {  	_ =	shalt  }
0x65: {  	_ =	shalt  }
0x66: {  	_ =	shalt  }
0x67: {  	_ =	shalt  }
0x68: {  	_ =	shalt  }
0x69: {  	_ =	shalt  }
0x6a: {  	_ =	shalt  }
0x6b: {  	_ =	shalt  }
0x6c: {  	_ =	shalt  }
0x6d: {  	_ =	shalt  }
0x6e: {  	_ =	shalt  }
0x6f: {  	_ =	shalt  }
0x70: {  	_ =	shalt  }
0x71: {  	_ =	shalt  }
0x72: {  	_ =	shalt  }
0x73: {  	_ =	shalt  }
0x74: {  	_ =	shalt  }
0x75: {  	_ =	shalt  }
0x76: {  	_ =	shalt  }
0x77: {  	_ =	shalt  }
0x78: {  	_ =	shalt  }
0x79: {  	_ =	shalt  }
0x7a: {  	_ =	shalt  }
0x7b: {  	_ =	shalt  }
0x7c: {  	_ =	shalt  }
0x7d: {  	_ =	shalt  }
0x7e: {  	_ =	shalt  }
0x7f: {  	_ =	shalt  }
0x80: {  	_ =	shalt  }
0x81: {  	_ =	shalt  }
0x82: {  	_ =	shalt  }
0x83: {  	_ =	shalt  }
0x84: {  	_ =	shalt  }
0x85: {  	_ =	shalt  }
0x86: {  	_ =	shalt  }
0x87: {  	_ =	shalt  }
.Lfunc_end0:
.L_simem_size_0:
called_computation_lowered:
.L_overlay_start_0:
0x88: {  	s2 =	sld [smem:$0x3FD9]  }
0x89: {  	s3 =	sld [smem:$0x3FFE];
	_ =	sdelay $0x1  }
0x8a: {  	s1 =	srdreg.scid  }
0x8b: {  	s0 =	sand.u32 $0x1, s1  }
0x8c: {  	s16 =	sshll.u32 s0, $0xA;
	s2 =	sadd.s32 s3, s2  }
0x8d: {  	s2 =	sadd.s32 s2, s16  }
0x8e: {  	[smem:$0x3FC0] =	sst s2  }
0x8f: {  	_ = 	snop  }
0x90: {  	(tm) =	ssettm $0x1  }
0x91: {  	s17 =	sld [smem:$0x3FFB];
	_ =	sdelay $0x3  }
0x92: {  	_ =	strace s17  }
0x93: {  	s2 =	sld [smem:$0x3FFC];
	_ =	sdelay $0x3  }
0x94: {  	_ =	strace s2  }
0x95: {  	s2 =	sld [smem:$0x3FFD];
	_ =	sdelay $0x3  }
0x96: {  	_ =	strace s2  }
0x97: {  	_ =	strace $0x8FFFFFFF  }
0x98: {  	s18 =	sld [smem:$0x3FDB];
	_ =	sdelay $0x1  }
0x99: {  	s19 =	simm.s32 $_scs_section_size  }
0x9a: {  	s4 =	simm.s32 $_size__tile_overlayer_lowered;
	s5 =	simm.s32 $_tile_overlayer_lowered  }
0x9b: {  	s22 =	simm.s32 $0x1BFF;
	s21 =	sshll.u32 s5, $0x1;
	s2 =	sadd.s32 s19, s18  }
0x9c: {  	s6 =	simm.s32 $0x0;
	s20 =	sshll.u32 s4, $0x1;
	s4 =	sadd.s32 s21, s2  }
0x9d: {  	[timem:s6], [sflag:s22] =	dma.local [hbm:s4], s20  }
0x9e: {  	_ =	swait.ge [sflag:s22], s20  }
0x9f: {  	s3 =	ssub.s32 $0x0, s20;
	[sflag:s22] =	ssyncset.done $0x0  }
0xa0: {  	[sflag:s22] =	ssyncadd.s32 s3;
	_ =	sdelay $0x1  }
0xa1: {  	s23 =	simm.s32 $0x1B8B  }
0xa2: {  	_ =	swait.ge [sflag:s23], $0x1  }
0xa3: {  	[sflag:s23] =	ssyncset.done $0x0  }
0xa4: {  	s25 =	simm.s32 $0x1B8E;
	s24 =	sld [smem:$0x3FFE];
	[sflag:s23] =	ssyncadd.s32 $0xFFFFFFFF  }
0xa5: {  	s26 =	simm.s32 $execute0_lowered;
	[smem:$0x3FD2] =	sst s25  }
0xa6: {  	s4 =	sshll.u32 s26, $0x1;
	_ =	strace $0x80000046;
	[dreg:$0x1] =	wrdreg $0xFFFFFFFF  }
0xa7: {  	s28 =	simm.s32 $_size_execute0_lowered;
	s2 =	sadd.s32 s2, s4;
	[dreg:$0x0] =	wrdreg $0x0  }
0xa8: {  	s4 =	sshll.u32 s28, $0x1;
	[dreg:$0x2] =	wrdreg s2  }
0xa9: {  	[dreg:$0x3] =	wrdreg s4  }
0xaa: {  	[dreg:$0x4] =	wrdreg $0xC0  }
0xab: {  	_ =	task [dreg:s6], $0x5FFFF  }
0xac: {  	[dreg:$0x1] =	wrdreg $0xFFFFFFFF  }
0xad: {  	[dreg:$0x0] =	wrdreg $0x60  }
0xae: {  	[dreg:$0x2] =	wrdreg s24  }
0xaf: {  	[dreg:$0x3] =	wrdreg $0x31100  }
0xb0: {  	[dreg:$0x4] =	wrdreg $0x9  }
0xb1: {  	_ =	task.clear_ibuf [dreg:s6], $0x5FFFF;
	_ =	strace $0x90000046  }
0xb2: {  	s29 =	simm.s32 $0x9;
	_ =	strace $0x80000048  }
0xb3: {  	_ =	swait.ge [sflag:s29], $0x1  }
0xb4: {  	[sflag:s29] =	ssyncadd.s32 $0xFFFFFFFF  }
0xb5: {  	_ =	strace $0x90000048  }
0xb6: {  	_ =	sfence  }
0xb7: {  	s30 =	sld [smem:$0x0];
	_ =	sdelay $0x2  }
0xb8: {  	s31 =	sshll.u32 s1, $0xD;
	s1 =	sshrl.u32 s1, $0x2  }
0xb9: {  	s3 =	sand.u32 $0x4000, s31;
	s1 =	sadd.s32 s1, s30  }
0xba: {  	s0 =	sor.u32 s3, s0;
	s1 =	sshll.u32 s1, $0x11  }
0xbb: {  	s0 =	sor.u32 s1, s0  }
0xbc: {  	s0 =	sadd.s32 $0x8F2B, s0  }
0xbd: {  	[sflag:s0] =	ssyncadd.remote.s32 $0x1  }
0xbe: {  	_ =	sfence.sel $0xFFFF  }
0xbf: {  	[dreg:$0x0] =	wrdreg $0xFFFFFFFF;
	(pc) =	sbr.abs _section_cstart, $3  }
0xc0: {  	[dreg:$0x1] =	wrdreg $0xFFFFFFFF  }
0xc1: {  	_ =	task.clear_ibuf [dreg:s6], $0x2FFFF;
	_ =	strace $0x9FFFFFFF  }
0xc2: {  	(tm) =	ssettm $0x7FFFFFFF  }
0xc3: {  	_ =	shalt  }
tec
execute0_lowered:
.L_overlay_start_1:
0x0: {  	(tag) =	ssettag $0x1  }
0x1: {  	s3 =	rddreg [dreg:$0x0]  }
0x2: {  	s0 =	srdreg.scid;
	s2 =	rddreg [dreg:$0x1]  }
0x3: {  	s1 =	stileid.u32;
	s5 =	simm.s32 $0x0;
	s28 =	simm.s32 $0x50  }
0x4: {  	s29 =	simm.s32 $0x2C10;
	s30 =	simm.s32 $0x2;
	s25 =	smul.u32 $0x9C00, s1  }
0x5: {  	s31 =	simm.s32 $0x0;
	s0 =	sand.u32 $0x1, s0;
	s7 =	smul.u32 $0x278, s1  }
0x6: {  	[smem:$0x7FF] =	sst s5;
	s18 =	smul.u32 $0x270, s1;
	p0 =	sgt.u32 s1, $0xD  }
0x7: {  	s23 =	smul.u32 $0x2700, s1;
	s4 =	sshll.u32 s0, $0x4;
	_ =	strace $0x80000047  }
0x8: {  	s24 =	smul.u32 $0x4E20, s0;
	s0 =	ssub.s32 $0x2, s0;
	s4 =	sor.u32 s1, s4  }
0x9: {  	s26 =	sshrl.u32 s0, $0x1;
	s9 =	sadd.s32 $0xFFFFFF90, s7;
	s21 =	sshrl.u32 s23, $0x3  }
0xa: {  	s4 =	smul.u32 $0x4E2, s4;
	s0 =	ssub.s32 s0, s26;
	s11 =	sshll.u32 s9, $0x6  }
0xb: {  	s18 =	smov.u32 @p0 s9;
	s26 =	simm.s32 $0x1;
	s13 =	sshra.s32 s11, $0x2  }
0xc: {  	s6 =	sadd.s32 s4, s3;
	s3 =	sadd.s32 s24, s3;
	s4 =	sshrl.u32 s25, $0x2  }
0xd: {  	s13 =	sadd.s32 s13, s2;
	s24 =	sshll.u32 s18, $0x4;
	s25 =	sadd.s32 s23, s2  }
0xe: {  	s23 =	smax.u32 s0, $0x1;
	s4 =	sadd.s32 s4, s2;
	s5 =	sadd.s32 $0xBE00, s6  }
0xf: {  	s14 =	sadd.s32 $0x500, s13;
	s15 =	sadd.s32 $0xA00, s13;
	s16 =	sadd.s32 $0xF00, s13  }
0x10: {  	s17 =	sadd.s32 $0x1400, s13;
	s18 =	sadd.s32 $0x1900, s13;
	s3 =	sadd.s32 $0x15C00, s3  }
0x11: {  	s20 =	sshrl.u32 s24, $0x3;
	s19 =	sadd.s32 $0x1E00, s13;
	s22 =	sadd.s32 $0x2300, s13  }
0x12: {  	s25 =	sshrl.u32 @!p0 s25, $0x3;
	s6 =	sadd.s32 $0x500, s4;
	s7 =	sadd.s32 $0xA00, s4  }
0x13: {  	s8 =	sadd.s32 $0xF00, s4;
	s9 =	sadd.s32 $0x1400, s4;
	s10 =	sadd.s32 $0x1900, s4  }
0x14: {  	s20 =	sadd.s32 @p0 s20, s3;
	s21 =	sadd.s32 @!p0 s21, s3;
	s3 =	sadd.s32 s24, s2  }
0x15: {  	v0 =	vimm.f32 $0.0e+00;
	v1 =	vimm.f32 $1.000000000e+00;
	s11 =	sadd.s32 $0x1E00, s4;
	s12 =	sadd.s32 $0x2300, s4;
	s24 =	sshrl.u32 @p0 s3, $0x3  }
.LBB2_1:
0x16: {  	s0 =	simm.s32 $0x0  }
0x17: {  	[tilespmem:s0], [sflag:$0x1] =	stream.linear.gather [hbm4b:s5+s0], $0x2710, $0x38;
	[tilespmem:$0x5820] =	vst v63  }
0x18: {  	s3 =	simm.s32 $0x0;
	s0 =	simm.s32 $0x40  }
.LBB2_2:
0x19: {  	p1 =	sne.s32 s0, $0x13C0;
	[tilespmem:s3+$0x2710] =	vst v0;
	s1 =	smov.u32 s0;
	s0 =	sadd.s32 $0x40, s0  }
.Ltmp0:
0x1a: {  	[tilespmem:s3+$0x2C10] =	vst v1;
	(pc) =	sbr.rel @p1 .LBB2_2-.Ltmp0, $2  }
0x1b: {  	_ =	sdelay $0x2  }
0x1c: {  	s3 =	sshra.s32 s1, $0x2  }
0x1d: {  	[tilespmem:s3+$0x2710] =	vst v0  }
0x1e: {  	[tilespmem:s3+$0x2C10] =	vst v1;
	s0 =	simm.s32 @p0 $0x2710;
	s1 =	simm.s32 @p0 $0x2  }
0x1f: {  	[spmem:s13] =	stream.linear.scatter @p0 [tilespmem:s0], [sflag:$0x2], $0x500, $0x38;
	[tilespmem:$0x5820] =	vst v63  }
0x20: {  	_ =	swait.ge @p0 [sflag:s1], $0x500  }
0x21: {  	[sflag:s1] =	ssyncset.done @p0 $0x0  }
0x22: {  	[sflag:s1] =	ssyncadd.s32 @p0 $0xFFFFFB00  }
0x23: {  	[spmem:s14] =	stream.linear.scatter @p0 [tilespmem:s0], [sflag:$0x2], $0x500, $0x38;
	[tilespmem:$0x5820] =	vst v63  }
0x24: {  	_ =	swait.ge @p0 [sflag:s1], $0x500  }
0x25: {  	[sflag:s1] =	ssyncset.done @p0 $0x0  }
0x26: {  	[sflag:s1] =	ssyncadd.s32 @p0 $0xFFFFFB00  }
0x27: {  	[spmem:s15] =	stream.linear.scatter @p0 [tilespmem:s0], [sflag:$0x2], $0x500, $0x38;
	[tilespmem:$0x5820] =	vst v63  }
0x28: {  	_ =	swait.ge @p0 [sflag:s1], $0x500  }
0x29: {  	[sflag:s1] =	ssyncset.done @p0 $0x0  }
0x2a: {  	[sflag:s1] =	ssyncadd.s32 @p0 $0xFFFFFB00  }
0x2b: {  	[spmem:s16] =	stream.linear.scatter @p0 [tilespmem:s0], [sflag:$0x2], $0x500, $0x38;
	[tilespmem:$0x5820] =	vst v63  }
0x2c: {  	_ =	swait.ge @p0 [sflag:s1], $0x500  }
0x2d: {  	[sflag:s1] =	ssyncset.done @p0 $0x0  }
0x2e: {  	[sflag:s1] =	ssyncadd.s32 @p0 $0xFFFFFB00  }
0x2f: {  	[spmem:s17] =	stream.linear.scatter @p0 [tilespmem:s0], [sflag:$0x2], $0x500, $0x38;
	[tilespmem:$0x5820] =	vst v63  }
0x30: {  	_ =	swait.ge @p0 [sflag:s1], $0x500  }
0x31: {  	[sflag:s1] =	ssyncset.done @p0 $0x0  }
0x32: {  	[sflag:s1] =	ssyncadd.s32 @p0 $0xFFFFFB00  }
0x33: {  	[spmem:s18] =	stream.linear.scatter @p0 [tilespmem:s0], [sflag:$0x2], $0x500, $0x38;
	[tilespmem:$0x5820] =	vst v63  }
0x34: {  	_ =	swait.ge @p0 [sflag:s1], $0x500  }
0x35: {  	[sflag:s1] =	ssyncset.done @p0 $0x0  }
0x36: {  	[sflag:s1] =	ssyncadd.s32 @p0 $0xFFFFFB00  }
0x37: {  	[spmem:s19] =	stream.linear.scatter @p0 [tilespmem:s0], [sflag:$0x2], $0x500, $0x38;
	[tilespmem:$0x5820] =	vst v63  }
0x38: {  	_ =	swait.ge @p0 [sflag:s1], $0x500  }
0x39: {  	[sflag:s1] =	ssyncset.done @p0 $0x0  }
0x3a: {  	[sflag:s1] =	ssyncadd.s32 @p0 $0xFFFFFB00  }
0x3b: {  	[spmem:s22] =	stream.linear.scatter @p0 [tilespmem:s0], [sflag:$0x2], $0x480, $0x38;
	[tilespmem:$0x5820] =	vst v63  }
0x3c: {  	_ =	swait.ge @p0 [sflag:s1], $0x480  }
0x3d: {  	[sflag:s1] =	ssyncset.done @p0 $0x0  }
0x3e: {  	s0 =	simm.s32 @!p0 $0x2710;
	[sflag:s1] =	ssyncadd.s32 @p0 $0xFFFFFB80;
	s1 =	simm.s32 @!p0 $0x2  }
0x3f: {  	[spmem:s4] =	stream.linear.scatter @!p0 [tilespmem:s0], [sflag:$0x2], $0x500, $0x38;
	[tilespmem:$0x5820] =	vst v63  }
0x40: {  	_ =	swait.ge @!p0 [sflag:s1], $0x500  }
0x41: {  	[sflag:s1] =	ssyncset.done @!p0 $0x0  }
0x42: {  	[sflag:s1] =	ssyncadd.s32 @!p0 $0xFFFFFB00  }
0x43: {  	[spmem:s6] =	stream.linear.scatter @!p0 [tilespmem:s0], [sflag:$0x2], $0x500, $0x38;
	[tilespmem:$0x5820] =	vst v63  }
0x44: {  	_ =	swait.ge @!p0 [sflag:s1], $0x500  }
0x45: {  	[sflag:s1] =	ssyncset.done @!p0 $0x0  }
0x46: {  	[sflag:s1] =	ssyncadd.s32 @!p0 $0xFFFFFB00  }
0x47: {  	[spmem:s7] =	stream.linear.scatter @!p0 [tilespmem:s0], [sflag:$0x2], $0x500, $0x38;
	[tilespmem:$0x5820] =	vst v63  }
0x48: {  	_ =	swait.ge @!p0 [sflag:s1], $0x500  }
0x49: {  	[sflag:s1] =	ssyncset.done @!p0 $0x0  }
0x4a: {  	[sflag:s1] =	ssyncadd.s32 @!p0 $0xFFFFFB00  }
0x4b: {  	[spmem:s8] =	stream.linear.scatter @!p0 [tilespmem:s0], [sflag:$0x2], $0x500, $0x38;
	[tilespmem:$0x5820] =	vst v63  }
0x4c: {  	_ =	swait.ge @!p0 [sflag:s1], $0x500  }
0x4d: {  	[sflag:s1] =	ssyncset.done @!p0 $0x0  }
0x4e: {  	[sflag:s1] =	ssyncadd.s32 @!p0 $0xFFFFFB00  }
0x4f: {  	[spmem:s9] =	stream.linear.scatter @!p0 [tilespmem:s0], [sflag:$0x2], $0x500, $0x38;
	[tilespmem:$0x5820] =	vst v63  }
0x50: {  	_ =	swait.ge @!p0 [sflag:s1], $0x500  }
0x51: {  	[sflag:s1] =	ssyncset.done @!p0 $0x0  }
0x52: {  	[sflag:s1] =	ssyncadd.s32 @!p0 $0xFFFFFB00  }
0x53: {  	[spmem:s10] =	stream.linear.scatter @!p0 [tilespmem:s0], [sflag:$0x2], $0x500, $0x38;
	[tilespmem:$0x5820] =	vst v63  }
0x54: {  	_ =	swait.ge @!p0 [sflag:s1], $0x500  }
0x55: {  	[sflag:s1] =	ssyncset.done @!p0 $0x0  }
0x56: {  	[sflag:s1] =	ssyncadd.s32 @!p0 $0xFFFFFB00  }
0x57: {  	[spmem:s11] =	stream.linear.scatter @!p0 [tilespmem:s0], [sflag:$0x2], $0x500, $0x38;
	[tilespmem:$0x5820] =	vst v63  }
0x58: {  	_ =	swait.ge @!p0 [sflag:s1], $0x500  }
0x59: {  	[sflag:s1] =	ssyncset.done @!p0 $0x0  }
0x5a: {  	[sflag:s1] =	ssyncadd.s32 @!p0 $0xFFFFFB00  }
0x5b: {  	[spmem:s12] =	stream.linear.scatter @!p0 [tilespmem:s0], [sflag:$0x2], $0x400, $0x38;
	[tilespmem:$0x5820] =	vst v63  }
0x5c: {  	_ =	swait.ge @!p0 [sflag:s1], $0x400  }
0x5d: {  	[sflag:s1] =	ssyncset.done @!p0 $0x0  }
0x5e: {  	[sflag:s1] =	ssyncadd.s32 @!p0 $0xFFFFFC00  }
0x5f: {  	[bflag:$0x0] =	sbarrier.arrive $0xFFFF  }
0x60: {  	_ =	swait.ge [sflag:s26], $0x2710  }
0x61: {  	[sflag:s26] =	ssyncset.done $0x0  }
0x62: {  	s3 =	simm.s32 $0x0;
	[sflag:s26] =	ssyncadd.s32 $0xFFFFD8F0  }
0x63: {  	[spmem:s2] =	stream.indirect.scatter.add.f32 [tilespmem:s29], [sflag:$0x2], $0x10, s3, s28, $0xb8;
	[tilespmem:$0x5820] =	vst v63  }
0x64: {  	_ =	swait.ge [sflag:s30], $0x500  }
0x65: {  	s0 =	simm.s32 $0x140;
	[sflag:s30] =	ssyncset.done $0x0  }
.LBB2_4:
0x66: {  	s1 =	sshra.s32 s0, $0x2;
	[sflag:s30] =	ssyncadd.s32 $0xFFFFFB00;
	p1 =	sne.s32 s0, $0x9B00  }
0x67: {  	[spmem:s2] =	stream.indirect.scatter.add.f32 [tilespmem:s29], [sflag:$0x2], $0x10, s1, s28, $0xb8;
	[tilespmem:$0x5820] =	vst v63  }
.Ltmp1:
0x68: {  	_ = 	snop;
	(pc) =	sbr.rel @p1 .LBB2_4-.Ltmp1, $4  }
0x69: {  	_ = 	snop  }
0x6a: {  	s0 =	sadd.s32 $0x140, s0  }
0x6b: {  	_ =	swait.ge [sflag:s30], $0x500  }
0x6c: {  	[sflag:s30] =	ssyncset.done $0x0  }
0x6d: {  	s1 =	stileid.u32  }
0x6e: {  	[sflag:s30] =	ssyncadd.s32 $0xFFFFFB00;
	s0 =	sshll.u32 @p0 s1, $0x6  }
0x6f: {  	[bflag:$0x0] =	sbarrier.arrive $0xFFFF;
	s0 =	sor.u32 @p0 $0x1C02, s0  }
0x70: {  	[hbm:s20], [sflag:s0] =	dma.local @p0 [spmem:s24], $0x4F0  }
0x71: {  	s0 =	simm.s32 @p0 $0x2  }
0x72: {  	_ =	swait.ge @p0 [sflag:s0], $0x4F0  }
0x73: {  	s31 =	sadd.s32 $0x1, s31;
	s1 =	sshll.u32 @!p0 s1, $0x6;
	[sflag:s0] =	ssyncset.done @p0 $0x0  }
0x74: {  	p1 =	sne.s32 s31, s23;
	[sflag:s0] =	ssyncadd.s32 @p0 $0xFFFFFB10;
	s0 =	sor.u32 @!p0 $0x1C02, s1  }
0x75: {  	[hbm:s21], [sflag:s0] =	dma.local @!p0 [spmem:s25], $0x4E0  }
.Ltmp2:
0x76: {  	_ = 	snop;
	(pc) =	sbr.rel @p1 .LBB2_1-.Ltmp2, $4  }
0x77: {  	s0 =	simm.s32 @!p0 $0x2  }
0x78: {  	_ =	swait.ge @!p0 [sflag:s0], $0x4E0  }
0x79: {  	[sflag:s0] =	ssyncset.done @!p0 $0x0  }
0x7a: {  	s3 =	stileid.u32;
	[sflag:s0] =	ssyncadd.s32 @!p0 $0xFFFFFB20  }
0x7b: {  	_ =	sfence.sel $0x180000  }
0x7c: {  	[bflag:$0x0] =	sbarrier.arrive $0xFFFF  }
0x7d: {  	_ =	strace $0x90000047  }
0x7e: {  	[bflag:$0x2] =	sbarrier.arrive $0xFFFF  }
0x7f: {  	p0 =	sne.s32 s3, $0x0;
	s0 =	rddreg [dreg:$0x2]  }
0x80: {  	s0 =	sadd.s32 @!p0 $0x100000, s0  }
0x81: {  	[sflag:s0] =	ssyncadd.tile.s32 @!p0 $0x1;
	_ =	shalt  }
.Lfunc_end2:
_tile_overlayer_lowered:
.L_overlay_start_2:
0x82: {  	(tag) =	ssettag $0x2  }
0x83: {  	s0 =	rddreg [dreg:$0x0];
	s2 =	stileid.u32  }
0x84: {  	s1 =	rddreg [dreg:$0x1];
	p0 =	sne.s32 s2, $0x0  }
0x85: {  	s3 =	rddreg [dreg:$0x2];
	[bflag:$0x3] =	sbarrier.arrive $0xFFFF;
	s2 =	simm.s32 @!p0 $0x1C02  }
0x86: {  	[timem:s3], [sflag:s2] =	dma.local @!p0 [hbm:s0], s1  }
0x87: {  	s0 =	simm.s32 @!p0 $0x2  }
0x88: {  	_ =	swait.ge @!p0 [sflag:s0], s1  }
0x89: {  	s1 =	ssub.s32 @!p0 $0x0, s1;
	[sflag:s0] =	ssyncset.done @!p0 $0x0  }
0x8a: {  	[sflag:s0] =	ssyncadd.s32 @!p0 s1  }
0x8b: {  	[bflag:$0x3] =	sbarrier.arrive $0xFFFF  }
0x8c: {  	_ =	shalt  }

// kernel: kernel.14.cloned.1.call-start
scs
__scs_entry_jumppad:
0x0: {  	(pc) =	sbr.rel $0x88, $3  }
0x1: {  	(tag) =	ssettag $0x0;
	lr =	simm.s32 $0x1  }
0x2: {  	[smem:$0x3F99] =	sst lr;
	_ =	strace $0xD0000000  }
0x3: {  	_ = 	snop  }
0x4: {  	_ = 	snop  }
0x5: {  	_ = 	snop  }
0x6: {  	_ = 	snop  }
0x7: {  	_ = 	snop  }
__scs_overlays_trampoline_lowered:
0x8: {  	[smem:$0x3FA8] =	sst s0  }
0x9: {  	[smem:$0x3FA9] =	sst s1  }
0xa: {  	[smem:$0x3FAA] =	sst s2  }
0xb: {  	[smem:$0x3FAB] =	sst s3  }
0xc: {  	[smem:$0x3FAC] =	sst s4  }
0xd: {  	[smem:$0x3FAD] =	sst s5  }
0xe: {  	[smem:$0x3FAE] =	sst s6  }
0xf: {  	[smem:$0x3FAF] =	sst s7  }
0x10: {  	[smem:$0x3FB0] =	sst s8  }
0x11: {  	[smem:$0x3FB1] =	sst s9;
	s0 =	simm.s32 @!p0 $0x0  }
0x12: {  	s1 =	sld [smem:$0x3F97];
	s0 =	simm.s32 @p0 $0x1  }
0x13: {  	[smem:$0x3FB2] =	sst s0;
	s0 =	simm.s32 @!p1 $0x0  }
0x14: {  	s2 =	sld [smem:$0x3F96];
	s0 =	simm.s32 @p1 $0x1  }
0x15: {  	[smem:$0x3FB3] =	sst s0;
	s0 =	simm.s32 @!p2 $0x0  }
0x16: {  	s3 =	sld [smem:$0x3FDB];
	s0 =	simm.s32 @p2 $0x1  }
0x17: {  	s4 =	simm.s32 $0x1BF5;
	[smem:$0x3FB5] =	sst s0  }
0x18: {  	s0 =	sld [smem:$0x3F98];
	_ =	swait.ge [sflag:s4], $0x0  }
0x19: {  	s7 =	sld [smem:$0x3F99]  }
0x1a: {  	s8 =	sadd.s32 $0xFFFFE003, lr  }
0x1b: {  	s9 =	sadd.s32 $0xFFFFFEF7, lr;
	s5 =	simm.s32 $0xFFFFFFFF;
	p2 =	slt.u32 s8, $0xFFFFF086  }
0x1c: {  	p1 =	slt.u32 s9, $0xF7A;
	s5 =	simm.s32 @!p2 $0x0  }
0x1d: {  	s5 =	simm.s32 @p1 $0x1;
	p0 =	seq.s32 s7, s2  }
0x1e: {  	s7 =	smul.u32 @!p0 $0xF7A, s2;
	p2 =	seq.s32 @!p0 s5, $0x0  }
0x1f: {  	s9 =	smul.u32 $0xF7A, s1;
	s8 =	simm.s32 @!p0 $0x1BF5;
	p2 =	por !p2, p0  }
0x20: {  	[sflag:s8] =	ssyncset.s32 @!p0 $0xFFFFF086;
	s6 =	sadd.s32 @!p0 s3, s7;
	s7 =	simm.s32 @!p0 $0x108  }
0x21: {  	s3 =	sadd.s32 s3, s9;
	s6 =	sadd.s32 @!p0 $0x88, s6;
	s7 =	simm.s32 @p2 $0x1082  }
0x22: {  	[simem:s7], [sflag:s8] =	dma.local @!p0 [hbm:s6], $0xF7A  }
0x23: {  	s9 =	sor.u32 $0xD0000000, s2;
	s6 =	simm.s32 $0x108;
	_ =	swait.ge @!p0 [sflag:s8], $0x0  }
0x24: {  	s3 =	sadd.s32 $0x88, s3;
	s6 =	simm.s32 @!p1 $0x1082;
	[sflag:s4] =	ssyncset.s32 $0xFFFFF086  }
0x25: {  	[simem:s6], [sflag:s4] =	dma.local [hbm:s3], $0xF7A  }
0x26: {  	[smem:$0x3F99] =	sst s1;
	(tag) =	ssettag s2;
	_ =	strace s9  }
0x27: {  	s1 =	sld [smem:$0x3FA9]  }
0x28: {  	s2 =	sld [smem:$0x3FAA]  }
0x29: {  	s4 =	sld [smem:$0x3FAC]  }
0x2a: {  	p0 =	seq.s32 s5, $0x0;
	s5 =	sld [smem:$0x3FAD]  }
0x2b: {  	s6 =	sld [smem:$0x3FAE]  }
0x2c: {  	s7 =	sld [smem:$0x3FAF]  }
0x2d: {  	s3 =	simm.s32 $0x108;
	s8 =	sld [smem:$0x3FB0]  }
0x2e: {  	s3 =	simm.s32 @!p0 $0x1082;
	s9 =	sld [smem:$0x3FB1]  }
0x2f: {  	lr =	sadd.s32 s0, s3;
	s0 =	sld [smem:$0x3FA8]  }
0x30: {  	s3 =	sld [smem:$0x3FAB]  }
0x31: {  	[smem:$0x3FB4] =	sst s10  }
0x32: {  	s10 =	sld [smem:$0x3FB2];
	_ =	sdelay $0x3  }
0x33: {  	p0 =	seq.s32 s10, $0x1;
	s10 =	sld [smem:$0x3FB4];
	_ =	sdelay $0x3  }
0x34: {  	[smem:$0x3FB4] =	sst s10  }
0x35: {  	s10 =	sld [smem:$0x3FB3];
	_ =	sdelay $0x3  }
0x36: {  	p1 =	seq.s32 s10, $0x1;
	s10 =	sld [smem:$0x3FB4];
	_ =	sdelay $0x3  }
0x37: {  	[smem:$0x3FB4] =	sst s10  }
0x38: {  	s10 =	sld [smem:$0x3FB5]  }
0x39: {  	_ = 	snop;
	(pc) =	sbr.ind lr, $3  }
0x3a: {  	_ = 	snop  }
0x3b: {  	_ = 	snop  }
0x3c: {  	p2 =	seq.s32 s10, $0x1;
	s10 =	sld [smem:$0x3FB4]  }
0x3d: {  	_ =	shalt  }
0x3e: {  	_ =	shalt  }
0x3f: {  	_ =	shalt  }
0x40: {  	_ =	shalt  }
0x41: {  	_ =	shalt  }
0x42: {  	_ =	shalt  }
0x43: {  	_ =	shalt  }
0x44: {  	_ =	shalt  }
0x45: {  	_ =	shalt  }
0x46: {  	_ =	shalt  }
0x47: {  	_ =	shalt  }
0x48: {  	_ =	shalt  }
0x49: {  	_ =	shalt  }
0x4a: {  	_ =	shalt  }
0x4b: {  	_ =	shalt  }
0x4c: {  	_ =	shalt  }
0x4d: {  	_ =	shalt  }
0x4e: {  	_ =	shalt  }
0x4f: {  	_ =	shalt  }
0x50: {  	_ =	shalt  }
0x51: {  	_ =	shalt  }
0x52: {  	_ =	shalt  }
0x53: {  	_ =	shalt  }
0x54: {  	_ =	shalt  }
0x55: {  	_ =	shalt  }
0x56: {  	_ =	shalt  }
0x57: {  	_ =	shalt  }
0x58: {  	_ =	shalt  }
0x59: {  	_ =	shalt  }
0x5a: {  	_ =	shalt  }
0x5b: {  	_ =	shalt  }
0x5c: {  	_ =	shalt  }
0x5d: {  	_ =	shalt  }
0x5e: {  	_ =	shalt  }
0x5f: {  	_ =	shalt  }
0x60: {  	_ =	shalt  }
0x61: {  	_ =	shalt  }
0x62: {  	_ =	shalt  }
0x63: {  	_ =	shalt  }
0x64: {  	_ =	shalt  }
0x65: {  	_ =	shalt  }
0x66: {  	_ =	shalt  }
0x67: {  	_ =	shalt  }
0x68: {  	_ =	shalt  }
0x69: {  	_ =	shalt  }
0x6a: {  	_ =	shalt  }
0x6b: {  	_ =	shalt  }
0x6c: {  	_ =	shalt  }
0x6d: {  	_ =	shalt  }
0x6e: {  	_ =	shalt  }
0x6f: {  	_ =	shalt  }
0x70: {  	_ =	shalt  }
0x71: {  	_ =	shalt  }
0x72: {  	_ =	shalt  }
0x73: {  	_ =	shalt  }
0x74: {  	_ =	shalt  }
0x75: {  	_ =	shalt  }
0x76: {  	_ =	shalt  }
0x77: {  	_ =	shalt  }
0x78: {  	_ =	shalt  }
0x79: {  	_ =	shalt  }
0x7a: {  	_ =	shalt  }
0x7b: {  	_ =	shalt  }
0x7c: {  	_ =	shalt  }
0x7d: {  	_ =	shalt  }
0x7e: {  	_ =	shalt  }
0x7f: {  	_ =	shalt  }
0x80: {  	_ =	shalt  }
0x81: {  	_ =	shalt  }
0x82: {  	_ =	shalt  }
0x83: {  	_ =	shalt  }
0x84: {  	_ =	shalt  }
0x85: {  	_ =	shalt  }
0x86: {  	_ =	shalt  }
0x87: {  	_ =	shalt  }
.Lfunc_end0:
.L_simem_size_0:
called_computation.1_lowered:
.L_overlay_start_0:
0x88: {  	s2 =	sld [smem:$0x3FD9]  }
0x89: {  	s3 =	sld [smem:$0x3FFE];
	_ =	sdelay $0x1  }
0x8a: {  	s1 =	srdreg.scid  }
0x8b: {  	s0 =	sand.u32 $0x1, s1  }
0x8c: {  	s16 =	sshll.u32 s0, $0xA;
	s2 =	sadd.s32 s3, s2  }
0x8d: {  	s2 =	sadd.s32 s2, s16  }
0x8e: {  	[smem:$0x3FC0] =	sst s2  }
0x8f: {  	_ = 	snop  }
0x90: {  	(tm) =	ssettm $0x1  }
0x91: {  	s17 =	sld [smem:$0x3FFB];
	_ =	sdelay $0x3  }
0x92: {  	_ =	strace s17  }
0x93: {  	s2 =	sld [smem:$0x3FFC];
	_ =	sdelay $0x3  }
0x94: {  	_ =	strace s2  }
0x95: {  	s2 =	sld [smem:$0x3FFD];
	_ =	sdelay $0x3  }
0x96: {  	_ =	strace s2  }
0x97: {  	_ =	strace $0x8FFFFFFF  }
0x98: {  	s18 =	sld [smem:$0x3FDB];
	_ =	sdelay $0x1  }
0x99: {  	s19 =	simm.s32 $_scs_section_size  }
0x9a: {  	s4 =	simm.s32 $_size__tile_overlayer_lowered;
	s5 =	simm.s32 $_tile_overlayer_lowered  }
0x9b: {  	s22 =	simm.s32 $0x1BFF;
	s21 =	sshll.u32 s5, $0x1;
	s2 =	sadd.s32 s19, s18  }
0x9c: {  	s6 =	simm.s32 $0x0;
	s20 =	sshll.u32 s4, $0x1;
	s4 =	sadd.s32 s21, s2  }
0x9d: {  	[timem:s6], [sflag:s22] =	dma.local [hbm:s4], s20  }
0x9e: {  	_ =	swait.ge [sflag:s22], s20  }
0x9f: {  	s3 =	ssub.s32 $0x0, s20;
	[sflag:s22] =	ssyncset.done $0x0  }
0xa0: {  	[sflag:s22] =	ssyncadd.s32 s3;
	_ =	sdelay $0x1  }
0xa1: {  	s23 =	simm.s32 $0x1B8B  }
0xa2: {  	_ =	swait.ge [sflag:s23], $0x1  }
0xa3: {  	[sflag:s23] =	ssyncset.done $0x0  }
0xa4: {  	s25 =	simm.s32 $0x1B8E;
	s24 =	sld [smem:$0x3FFE];
	[sflag:s23] =	ssyncadd.s32 $0xFFFFFFFF  }
0xa5: {  	s26 =	simm.s32 $execute0_lowered;
	[smem:$0x3FD2] =	sst s25  }
0xa6: {  	s4 =	sshll.u32 s26, $0x1;
	_ =	strace $0x80000049;
	[dreg:$0x1] =	wrdreg $0xFFFFFFFF  }
0xa7: {  	s28 =	simm.s32 $_size_execute0_lowered;
	s2 =	sadd.s32 s2, s4;
	[dreg:$0x0] =	wrdreg $0x0  }
0xa8: {  	s4 =	sshll.u32 s28, $0x1;
	[dreg:$0x2] =	wrdreg s2  }
0xa9: {  	[dreg:$0x3] =	wrdreg s4  }
0xaa: {  	[dreg:$0x4] =	wrdreg $0xC0  }
0xab: {  	_ =	task [dreg:s6], $0x5FFFF  }
0xac: {  	[dreg:$0x1] =	wrdreg $0xFFFFFFFF  }
0xad: {  	[dreg:$0x0] =	wrdreg $0x60  }
0xae: {  	[dreg:$0x2] =	wrdreg s24  }
0xaf: {  	[dreg:$0x3] =	wrdreg $0xB2200  }
0xb0: {  	[dreg:$0x4] =	wrdreg $0x9  }
0xb1: {  	_ =	task.clear_ibuf [dreg:s6], $0x5FFFF;
	_ =	strace $0x90000049  }
0xb2: {  	s29 =	simm.s32 $0x9;
	_ =	strace $0x8000004B  }
0xb3: {  	_ =	swait.ge [sflag:s29], $0x1  }
0xb4: {  	[sflag:s29] =	ssyncadd.s32 $0xFFFFFFFF  }
0xb5: {  	_ =	strace $0x9000004B  }
0xb6: {  	_ =	sfence  }
0xb7: {  	s30 =	sld [smem:$0x0];
	_ =	sdelay $0x2  }
0xb8: {  	s31 =	sshll.u32 s1, $0xD;
	s1 =	sshrl.u32 s1, $0x2  }
0xb9: {  	s3 =	sand.u32 $0x4000, s31;
	s1 =	sadd.s32 s1, s30  }
0xba: {  	s0 =	sor.u32 s3, s0;
	s1 =	sshll.u32 s1, $0x11  }
0xbb: {  	s0 =	sor.u32 s1, s0  }
0xbc: {  	s0 =	sadd.s32 $0x8F2B, s0  }
0xbd: {  	[sflag:s0] =	ssyncadd.remote.s32 $0x1  }
0xbe: {  	_ =	sfence.sel $0xFFFF  }
0xbf: {  	[dreg:$0x0] =	wrdreg $0xFFFFFFFF;
	(pc) =	sbr.abs _section_cstart, $3  }
0xc0: {  	[dreg:$0x1] =	wrdreg $0xFFFFFFFF  }
0xc1: {  	_ =	task.clear_ibuf [dreg:s6], $0x2FFFF;
	_ =	strace $0x9FFFFFFF  }
0xc2: {  	(tm) =	ssettm $0x7FFFFFFF  }
0xc3: {  	_ =	shalt  }
tec
execute0_lowered:
.L_overlay_start_1:
0x0: {  	(tag) =	ssettag $0x1  }
0x1: {  	s0 =	srdreg.scid  }
0x2: {  	s3 =	rddreg [dreg:$0x0];
	s1 =	stileid.u32  }
0x3: {  	s2 =	rddreg [dreg:$0x1];
	s0 =	sand.u32 $0x1, s0;
	s8 =	smul.u32 $0x4E000, s1  }
0x4: {  	s4 =	sshll.u32 s0, $0x4;
	s6 =	smul.u32 $0x27100, s0;
	s0 =	ssub.s32 $0x2, s0  }
0x5: {  	s5 =	simm.s32 $0x0;
	s10 =	sshrl.u32 s0, $0x1;
	s8 =	sshrl.u32 s8, $0x2  }
0x6: {  	[smem:$0x7FF] =	sst s5;
	s0 =	ssub.s32 s0, s10;
	s10 =	sadd.s32 s8, s2  }
0x7: {  	_ =	strace $0x8000004A;
	s12 =	sadd.s32 $0x1400, s10;
	[dreg:$0x5] =	wrdreg s10  }
0x8: {  	s13 =	sadd.s32 $0x2800, s10;
	[dreg:$0x6] =	wrdreg s12  }
0x9: {  	s14 =	sadd.s32 $0x3C00, s10;
	[dreg:$0x7] =	wrdreg s13  }
0xa: {  	s15 =	sadd.s32 $0x5000, s10;
	[dreg:$0x8] =	wrdreg s14  }
0xb: {  	s7 =	smul.u32 $0x278, s1;
	s16 =	sadd.s32 $0x6400, s10;
	[dreg:$0x9] =	wrdreg s15  }
0xc: {  	p0 =	sgt.u32 s1, $0xD;
	s17 =	sadd.s32 $0x7800, s10;
	[dreg:$0xa] =	wrdreg s16  }
0xd: {  	s4 =	sor.u32 s1, s4;
	s18 =	sadd.s32 $0x8C00, s10;
	[dreg:$0xb] =	wrdreg s17  }
0xe: {  	s9 =	smul.u32 $0x4E2, s4;
	s19 =	sadd.s32 $0xA000, s10;
	[dreg:$0xc] =	wrdreg s18  }
0xf: {  	s4 =	sadd.s32 $0x15C00, s3;
	s20 =	sadd.s32 $0xB400, s10;
	[dreg:$0xd] =	wrdreg s19  }
0x10: {  	s21 =	sadd.s32 $0xC800, s10;
	s23 =	sadd.s32 $0xDC00, s10;
	[dreg:$0xe] =	wrdreg s20  }
0x11: {  	s24 =	sadd.s32 $0xF000, s10;
	s5 =	sadd.s32 s9, s3;
	[dreg:$0xf] =	wrdreg s21  }
0x12: {  	s3 =	sadd.s32 s6, s3;
	s6 =	smul.u32 $0x270, s1;
	[dreg:$0x10] =	wrdreg s23  }
0x13: {  	s7 =	sadd.s32 $0xFFFFFF90, s7;
	[dreg:$0x12] =	wrdreg s24;
	s11 =	sadd.s32 $0x2000, s5  }
0x14: {  	s5 =	sadd.s32 $0xBE00, s5;
	[dreg:$0x3] =	wrdreg s11;
	s6 =	smov.u32 @p0 s7  }
0x15: {  	[dreg:$0x4] =	wrdreg s5;
	s7 =	sshll.u32 s7, $0x9;
	s6 =	sshll.u32 s6, $0x7  }
0x16: {  	s25 =	sshra.s32 s7, $0x2;
	s7 =	sadd.s32 $0x12C00, s10;
	s8 =	sshrl.u32 s6, $0x3  }
0x17: {  	s5 =	sadd.s32 s6, s2;
	s6 =	sadd.s32 $0x11800, s10;
	[dreg:$0x16] =	wrdreg s7  }
0x18: {  	s3 =	sadd.s32 $0x3CE00, s3;
	s26 =	sadd.s32 s25, s2;
	[dreg:$0x15] =	wrdreg s6  }
0x19: {  	s22 =	smul.u32 $0x13800, s1;
	s1 =	sadd.s32 @p0 s8, s3;
	[dreg:$0x13] =	wrdreg s26  }
0x1a: {  	s24 =	sshrl.u32 @p0 s5, $0x3;
	s5 =	sadd.s32 $0x10400, s10;
	[dreg:$0x11] =	wrdreg s1  }
0x1b: {  	s9 =	sshrl.u32 s22, $0x3;
	s8 =	sadd.s32 $0x1400, s26;
	[dreg:$0x14] =	wrdreg s5  }
0x1c: {  	s20 =	sadd.s32 @!p0 s9, s3;
	s9 =	sadd.s32 $0x2800, s26;
	[dreg:$0x17] =	wrdreg s8  }
0x1d: {  	s10 =	sadd.s32 $0x3C00, s26;
	[dreg:$0x18] =	wrdreg s9  }
0x1e: {  	s11 =	sadd.s32 $0x5000, s26;
	[dreg:$0x19] =	wrdreg s10  }
0x1f: {  	s12 =	sadd.s32 $0x6400, s26;
	[dreg:$0x1a] =	wrdreg s11  }
0x20: {  	s13 =	sadd.s32 $0x7800, s26;
	[dreg:$0x1b] =	wrdreg s12  }
0x21: {  	s14 =	sadd.s32 $0x8C00, s26;
	[dreg:$0x1c] =	wrdreg s13  }
0x22: {  	s15 =	sadd.s32 $0xA000, s26;
	[dreg:$0x1d] =	wrdreg s14  }
0x23: {  	s16 =	sadd.s32 $0xB400, s26;
	[dreg:$0x1e] =	wrdreg s15  }
0x24: {  	s28 =	simm.s32 $0x4E20;
	s17 =	sadd.s32 $0xC800, s26;
	[dreg:$0x1f] =	wrdreg s16  }
0x25: {  	s29 =	simm.s32 $0xB;
	s18 =	sadd.s32 $0xDC00, s26;
	[smem:$0x7F8] =	sst s17  }
0x26: {  	s30 =	simm.s32 $0x1;
	s19 =	sadd.s32 $0xF000, s26;
	[smem:$0x7F9] =	sst s18  }
0x27: {  	s31 =	simm.s32 $0x2;
	s21 =	sadd.s32 $0x10400, s26;
	[smem:$0x7FA] =	sst s19  }
0x28: {  	s3 =	sadd.s32 s22, s2;
	s22 =	sadd.s32 $0x11800, s26;
	[smem:$0x7FB] =	sst s21  }
0x29: {  	s23 =	smax.u32 s0, $0x1;
	s26 =	sadd.s32 $0x12C00, s26;
	[smem:$0x7FC] =	sst s22  }
0x2a: {  	s0 =	simm.s32 $0x28;
	s25 =	sshrl.u32 @!p0 s3, $0x3;
	[smem:$0x7FD] =	sst s26  }
.Ltmp0:
0x2b: {  	s26 =	simm.s32 $0x2710;
	s8 =	simm.s32 $0x6220;
	(pc) =	sbr.rel .LBB2_1-.Ltmp0, $4  }
0x2c: {  	s10 =	simm.s32 $0x7620;
	s12 =	simm.s32 $0x8A20;
	s14 =	simm.s32 $0x9E20  }
0x2d: {  	s9 =	simm.s32 $0x6;
	s17 =	simm.s32 $0x3;
	s18 =	simm.s32 $0x7  }
0x2e: {  	s13 =	simm.s32 $0x4;
	s16 =	simm.s32 $0x8;
	s21 =	simm.s32 $0x5  }
0x2f: {  	v0 =	vimm.f32 $0.0e+00;
	s11 =	simm.s32 $0x9;
	s15 =	simm.s32 $0xA;
	s3 =	simm.s32 $0x0  }
.LBB2_9:
0x30: {  	_ =	swait.ge [sflag:s21], $0x1400  }
0x31: {  	[sflag:s21] =	ssyncset.done $0x0  }
0x32: {  	[sflag:s21] =	ssyncadd.s32 $0xFFFFEC00  }
0x33: {  	[spmem:s2] =	stream.indirect.scatter.add.f32 [tilespmem:s14], [sflag:$0xA], $0x80, s6, s0, $0xb8;
	[tilespmem:$0x1EAA0] =	vst v63  }
0x34: {  	_ =	swait.ge [sflag:s9], $0x1400  }
0x35: {  	[sflag:s9] =	ssyncset.done $0x0  }
0x36: {  	[sflag:s9] =	ssyncadd.s32 $0xFFFFEC00  }
0x37: {  	_ =	swait.ge [sflag:s18], $0x1400  }
0x38: {  	[sflag:s18] =	ssyncset.done $0x0  }
0x39: {  	[sflag:s18] =	ssyncadd.s32 $0xFFFFEC00  }
0x3a: {  	_ =	swait.ge [sflag:s16], $0x1400  }
0x3b: {  	[sflag:s16] =	ssyncset.done $0x0  }
0x3c: {  	[sflag:s16] =	ssyncadd.s32 $0xFFFFEC00  }
0x3d: {  	_ =	swait.ge [sflag:s11], $0x1400  }
0x3e: {  	[sflag:s11] =	ssyncset.done $0x0  }
0x3f: {  	[sflag:s11] =	ssyncadd.s32 $0xFFFFEC00  }
0x40: {  	_ =	swait.ge [sflag:s15], $0x1400  }
0x41: {  	[sflag:s15] =	ssyncset.done $0x0  }
0x42: {  	s5 =	stileid.u32;
	[sflag:s15] =	ssyncadd.s32 $0xFFFFEC00  }
0x43: {  	s1 =	sshll.u32 @p0 s5, $0x6;
	[bflag:$0x0] =	sbarrier.arrive $0xFFFF  }
0x44: {  	s1 =	sor.u32 @p0 $0x1C0B, s1;
	s6 =	rddreg [dreg:$0x11]  }
0x45: {  	[hbm:s6], [sflag:s1] =	dma.local @p0 [spmem:s24], $0x2780  }
0x46: {  	s1 =	simm.s32 @p0 $0xB  }
0x47: {  	_ =	swait.ge @p0 [sflag:s1], $0x2780  }
0x48: {  	s3 =	sadd.s32 $0x1, s3;
	s5 =	sshll.u32 @!p0 s5, $0x6;
	[sflag:s1] =	ssyncset.done @p0 $0x0  }
0x49: {  	p1 =	sne.s32 s3, s23;
	[sflag:s1] =	ssyncadd.s32 @p0 $0xFFFFD880;
	s1 =	sor.u32 @!p0 $0x1C0B, s5  }
0x4a: {  	[hbm:s20], [sflag:s1] =	dma.local @!p0 [spmem:s25], $0x2700  }
.Ltmp1:
0x4b: {  	_ = 	snop;
	(pc) =	sbr.rel @!p1 .LBB2_10-.Ltmp1, $4  }
0x4c: {  	s1 =	simm.s32 @!p0 $0xB  }
0x4d: {  	_ =	swait.ge @!p0 [sflag:s1], $0x2700  }
0x4e: {  	[sflag:s1] =	ssyncset.done @!p0 $0x0  }
0x4f: {  	s6 =	stileid.u32;
	[sflag:s1] =	ssyncadd.s32 @!p0 $0xFFFFD900  }
.LBB2_1:
0x50: {  	s1 =	simm.s32 $0x0;
	s5 =	rddreg [dreg:$0x3]  }
0x51: {  	[tilespmem:s1], [sflag:$0x1] =	stream.linear.gather [hbm4b:s5+s1], $0x2710, $0x38;
	[tilespmem:$0x1EAA0] =	vst v63  }
0x52: {  	s22 =	rddreg [dreg:$0x4];
	s7 =	simm.s32 $0x200;
	s5 =	simm.s32 $0x0  }
0x53: {  	[tilespmem:s26], [sflag:$0x2] =	stream.linear.gather [hbm4b:s22+s1], $0x2710, $0x38;
	[tilespmem:$0x1EAA0] =	vst v63  }
.LBB2_2:
0x54: {  	p1 =	sne.s32 s7, $0x4E00;
	[tilespmem:s5+$0x4E90] =	vst v0  }
0x55: {  	[tilespmem:s5+$0x4E20] =	vst v0  }
0x56: {  	[tilespmem:s5+$0x4E30] =	vst v0  }
.Ltmp2:
0x57: {  	[tilespmem:s5+$0x4E40] =	vst v0;
	(pc) =	sbr.rel @p1 .LBB2_2-.Ltmp2, $4  }
0x58: {  	[tilespmem:s5+$0x4E50] =	vst v0  }
0x59: {  	[tilespmem:s5+$0x4E60] =	vst v0  }
0x5a: {  	[tilespmem:s5+$0x4E70] =	vst v0  }
0x5b: {  	[tilespmem:s5+$0x4E80] =	vst v0;
	s5 =	sshra.s32 s7, $0x2;
	s7 =	sadd.s32 $0x200, s7  }
0x5c: {  	[tilespmem:s5+$0x4E90] =	vst v0  }
0x5d: {  	[tilespmem:s5+$0x4E20] =	vst v0  }
0x5e: {  	[tilespmem:s5+$0x4E30] =	vst v0  }
.Ltmp3:
0x5f: {  	[tilespmem:s5+$0x4E40] =	vst v0;
	(pc) =	sbr.rel @!p0 .LBB2_4-.Ltmp3, $4  }
0x60: {  	[tilespmem:s5+$0x4E50] =	vst v0  }
0x61: {  	[tilespmem:s5+$0x4E60] =	vst v0  }
0x62: {  	[tilespmem:s5+$0x4E70] =	vst v0  }
0x63: {  	[tilespmem:s5+$0x4E80] =	vst v0  }
0x64: {  	s1 =	rddreg [dreg:$0x13]  }
0x65: {  	[spmem:s1] =	stream.linear.scatter [tilespmem:s28], [sflag:$0xB], $0x1400, $0x38;
	[tilespmem:$0x1EAA0] =	vst v63  }
0x66: {  	_ =	swait.ge [sflag:s29], $0x1400  }
0x67: {  	[sflag:s29] =	ssyncset.done $0x0  }
0x68: {  	s5 =	rddreg [dreg:$0x17];
	[sflag:s29] =	ssyncadd.s32 $0xFFFFEC00  }
0x69: {  	[spmem:s5] =	stream.linear.scatter [tilespmem:s28], [sflag:$0xB], $0x1400, $0x38;
	[tilespmem:$0x1EAA0] =	vst v63  }
0x6a: {  	_ =	swait.ge [sflag:s29], $0x1400  }
0x6b: {  	[sflag:s29] =	ssyncset.done $0x0  }
0x6c: {  	s6 =	rddreg [dreg:$0x18];
	[sflag:s29] =	ssyncadd.s32 $0xFFFFEC00  }
0x6d: {  	[spmem:s6] =	stream.linear.scatter [tilespmem:s28], [sflag:$0xB], $0x1400, $0x38;
	[tilespmem:$0x1EAA0] =	vst v63  }
0x6e: {  	_ =	swait.ge [sflag:s29], $0x1400  }
0x6f: {  	[sflag:s29] =	ssyncset.done $0x0  }
0x70: {  	s7 =	rddreg [dreg:$0x19];
	[sflag:s29] =	ssyncadd.s32 $0xFFFFEC00  }
0x71: {  	[spmem:s7] =	stream.linear.scatter [tilespmem:s28], [sflag:$0xB], $0x1400, $0x38;
	[tilespmem:$0x1EAA0] =	vst v63  }
0x72: {  	_ =	swait.ge [sflag:s29], $0x1400  }
0x73: {  	[sflag:s29] =	ssyncset.done $0x0  }
0x74: {  	s19 =	rddreg [dreg:$0x1a];
	[sflag:s29] =	ssyncadd.s32 $0xFFFFEC00  }
0x75: {  	[spmem:s19] =	stream.linear.scatter [tilespmem:s28], [sflag:$0xB], $0x1400, $0x38;
	[tilespmem:$0x1EAA0] =	vst v63  }
0x76: {  	_ =	swait.ge [sflag:s29], $0x1400  }
0x77: {  	[sflag:s29] =	ssyncset.done $0x0  }
0x78: {  	s22 =	rddreg [dreg:$0x1b];
	[sflag:s29] =	ssyncadd.s32 $0xFFFFEC00  }
0x79: {  	[spmem:s22] =	stream.linear.scatter [tilespmem:s28], [sflag:$0xB], $0x1400, $0x38;
	[tilespmem:$0x1EAA0] =	vst v63  }
0x7a: {  	_ =	swait.ge [sflag:s29], $0x1400  }
0x7b: {  	[sflag:s29] =	ssyncset.done $0x0  }
0x7c: {  	s5 =	rddreg [dreg:$0x1c];
	[sflag:s29] =	ssyncadd.s32 $0xFFFFEC00  }
0x7d: {  	[spmem:s5] =	stream.linear.scatter [tilespmem:s28], [sflag:$0xB], $0x1400, $0x38;
	[tilespmem:$0x1EAA0] =	vst v63  }
0x7e: {  	_ =	swait.ge [sflag:s29], $0x1400  }
0x7f: {  	[sflag:s29] =	ssyncset.done $0x0  }
0x80: {  	s6 =	rddreg [dreg:$0x1d];
	[sflag:s29] =	ssyncadd.s32 $0xFFFFEC00  }
0x81: {  	[spmem:s6] =	stream.linear.scatter [tilespmem:s28], [sflag:$0xB], $0x1400, $0x38;
	[tilespmem:$0x1EAA0] =	vst v63  }
0x82: {  	_ =	swait.ge [sflag:s29], $0x1400  }
0x83: {  	[sflag:s29] =	ssyncset.done $0x0  }
0x84: {  	s7 =	rddreg [dreg:$0x1e];
	[sflag:s29] =	ssyncadd.s32 $0xFFFFEC00  }
0x85: {  	[spmem:s7] =	stream.linear.scatter [tilespmem:s28], [sflag:$0xB], $0x1400, $0x38;
	[tilespmem:$0x1EAA0] =	vst v63  }
0x86: {  	_ =	swait.ge [sflag:s29], $0x1400  }
0x87: {  	[sflag:s29] =	ssyncset.done $0x0  }
0x88: {  	s19 =	rddreg [dreg:$0x1f];
	[sflag:s29] =	ssyncadd.s32 $0xFFFFEC00  }
0x89: {  	[spmem:s19] =	stream.linear.scatter [tilespmem:s28], [sflag:$0xB], $0x1400, $0x38;
	[tilespmem:$0x1EAA0] =	vst v63  }
0x8a: {  	_ =	swait.ge [sflag:s29], $0x1400  }
0x8b: {  	s22 =	sld [smem:$0x7F8]  }
0x8c: {  	[sflag:s29] =	ssyncset.done $0x0  }
0x8d: {  	[sflag:s29] =	ssyncadd.s32 $0xFFFFEC00  }
0x8e: {  	[spmem:s22] =	stream.linear.scatter [tilespmem:s28], [sflag:$0xB], $0x1400, $0x38;
	[tilespmem:$0x1EAA0] =	vst v63  }
0x8f: {  	_ =	swait.ge [sflag:s29], $0x1400  }
0x90: {  	s5 =	sld [smem:$0x7F9]  }
0x91: {  	[sflag:s29] =	ssyncset.done $0x0  }
0x92: {  	[sflag:s29] =	ssyncadd.s32 $0xFFFFEC00  }
0x93: {  	[spmem:s5] =	stream.linear.scatter [tilespmem:s28], [sflag:$0xB], $0x1400, $0x38;
	[tilespmem:$0x1EAA0] =	vst v63  }
0x94: {  	_ =	swait.ge [sflag:s29], $0x1400  }
0x95: {  	s6 =	sld [smem:$0x7FA]  }
0x96: {  	[sflag:s29] =	ssyncset.done $0x0  }
0x97: {  	[sflag:s29] =	ssyncadd.s32 $0xFFFFEC00  }
0x98: {  	[spmem:s6] =	stream.linear.scatter [tilespmem:s28], [sflag:$0xB], $0x1400, $0x38;
	[tilespmem:$0x1EAA0] =	vst v63  }
0x99: {  	_ =	swait.ge [sflag:s29], $0x1400  }
0x9a: {  	s7 =	sld [smem:$0x7FB]  }
0x9b: {  	[sflag:s29] =	ssyncset.done $0x0  }
0x9c: {  	[sflag:s29] =	ssyncadd.s32 $0xFFFFEC00  }
0x9d: {  	[spmem:s7] =	stream.linear.scatter [tilespmem:s28], [sflag:$0xB], $0x1400, $0x38;
	[tilespmem:$0x1EAA0] =	vst v63  }
0x9e: {  	_ =	swait.ge [sflag:s29], $0x1400  }
0x9f: {  	s19 =	sld [smem:$0x7FC]  }
0xa0: {  	[sflag:s29] =	ssyncset.done $0x0  }
0xa1: {  	[sflag:s29] =	ssyncadd.s32 $0xFFFFEC00  }
0xa2: {  	[spmem:s19] =	stream.linear.scatter [tilespmem:s28], [sflag:$0xB], $0x1400, $0x38;
	[tilespmem:$0x1EAA0] =	vst v63  }
0xa3: {  	_ =	swait.ge [sflag:s29], $0x1400  }
0xa4: {  	s22 =	sld [smem:$0x7FD]  }
0xa5: {  	[sflag:s29] =	ssyncset.done $0x0  }
.Ltmp4:
0xa6: {  	[sflag:s29] =	ssyncadd.s32 $0xFFFFEC00;
	(pc) =	sbr.rel .LBB2_6-.Ltmp4, $4  }
0xa7: {  	[spmem:s22] =	stream.linear.scatter [tilespmem:s28], [sflag:$0xB], $0x1000, $0x38;
	[tilespmem:$0x1EAA0] =	vst v63  }
0xa8: {  	_ =	swait.ge [sflag:s29], $0x1000  }
0xa9: {  	[sflag:s29] =	ssyncset.done $0x0  }
0xaa: {  	[sflag:s29] =	ssyncadd.s32 $0xFFFFF000  }
.LBB2_4:
0xab: {  	s1 =	rddreg [dreg:$0x5]  }
0xac: {  	[spmem:s1] =	stream.linear.scatter [tilespmem:s28], [sflag:$0xB], $0x1400, $0x38;
	[tilespmem:$0x1EAA0] =	vst v63  }
0xad: {  	_ =	swait.ge [sflag:s29], $0x1400  }
0xae: {  	[sflag:s29] =	ssyncset.done $0x0  }
0xaf: {  	s5 =	rddreg [dreg:$0x6];
	[sflag:s29] =	ssyncadd.s32 $0xFFFFEC00  }
0xb0: {  	[spmem:s5] =	stream.linear.scatter [tilespmem:s28], [sflag:$0xB], $0x1400, $0x38;
	[tilespmem:$0x1EAA0] =	vst v63  }
0xb1: {  	_ =	swait.ge [sflag:s29], $0x1400  }
0xb2: {  	[sflag:s29] =	ssyncset.done $0x0  }
0xb3: {  	s6 =	rddreg [dreg:$0x7];
	[sflag:s29] =	ssyncadd.s32 $0xFFFFEC00  }
0xb4: {  	[spmem:s6] =	stream.linear.scatter [tilespmem:s28], [sflag:$0xB], $0x1400, $0x38;
	[tilespmem:$0x1EAA0] =	vst v63  }
0xb5: {  	_ =	swait.ge [sflag:s29], $0x1400  }
0xb6: {  	[sflag:s29] =	ssyncset.done $0x0  }
0xb7: {  	s7 =	rddreg [dreg:$0x8];
	[sflag:s29] =	ssyncadd.s32 $0xFFFFEC00  }
0xb8: {  	[spmem:s7] =	stream.linear.scatter [tilespmem:s28], [sflag:$0xB], $0x1400, $0x38;
	[tilespmem:$0x1EAA0] =	vst v63  }
0xb9: {  	_ =	swait.ge [sflag:s29], $0x1400  }
0xba: {  	[sflag:s29] =	ssyncset.done $0x0  }
0xbb: {  	s19 =	rddreg [dreg:$0x9];
	[sflag:s29] =	ssyncadd.s32 $0xFFFFEC00  }
0xbc: {  	[spmem:s19] =	stream.linear.scatter [tilespmem:s28], [sflag:$0xB], $0x1400, $0x38;
	[tilespmem:$0x1EAA0] =	vst v63  }
0xbd: {  	_ =	swait.ge [sflag:s29], $0x1400  }
0xbe: {  	[sflag:s29] =	ssyncset.done $0x0  }
0xbf: {  	s22 =	rddreg [dreg:$0xa];
	[sflag:s29] =	ssyncadd.s32 $0xFFFFEC00  }
0xc0: {  	[spmem:s22] =	stream.linear.scatter [tilespmem:s28], [sflag:$0xB], $0x1400, $0x38;
	[tilespmem:$0x1EAA0] =	vst v63  }
0xc1: {  	_ =	swait.ge [sflag:s29], $0x1400  }
0xc2: {  	[sflag:s29] =	ssyncset.done $0x0  }
0xc3: {  	s5 =	rddreg [dreg:$0xb];
	[sflag:s29] =	ssyncadd.s32 $0xFFFFEC00  }
0xc4: {  	[spmem:s5] =	stream.linear.scatter [tilespmem:s28], [sflag:$0xB], $0x1400, $0x38;
	[tilespmem:$0x1EAA0] =	vst v63  }
0xc5: {  	_ =	swait.ge [sflag:s29], $0x1400  }
0xc6: {  	[sflag:s29] =	ssyncset.done $0x0  }
0xc7: {  	s6 =	rddreg [dreg:$0xc];
	[sflag:s29] =	ssyncadd.s32 $0xFFFFEC00  }
0xc8: {  	[spmem:s6] =	stream.linear.scatter [tilespmem:s28], [sflag:$0xB], $0x1400, $0x38;
	[tilespmem:$0x1EAA0] =	vst v63  }
0xc9: {  	_ =	swait.ge [sflag:s29], $0x1400  }
0xca: {  	[sflag:s29] =	ssyncset.done $0x0  }
0xcb: {  	s7 =	rddreg [dreg:$0xd];
	[sflag:s29] =	ssyncadd.s32 $0xFFFFEC00  }
0xcc: {  	[spmem:s7] =	stream.linear.scatter [tilespmem:s28], [sflag:$0xB], $0x1400, $0x38;
	[tilespmem:$0x1EAA0] =	vst v63  }
0xcd: {  	_ =	swait.ge [sflag:s29], $0x1400  }
0xce: {  	[sflag:s29] =	ssyncset.done $0x0  }
0xcf: {  	s19 =	rddreg [dreg:$0xe];
	[sflag:s29] =	ssyncadd.s32 $0xFFFFEC00  }
0xd0: {  	[spmem:s19] =	stream.linear.scatter [tilespmem:s28], [sflag:$0xB], $0x1400, $0x38;
	[tilespmem:$0x1EAA0] =	vst v63  }
0xd1: {  	_ =	swait.ge [sflag:s29], $0x1400  }
0xd2: {  	[sflag:s29] =	ssyncset.done $0x0  }
0xd3: {  	s22 =	rddreg [dreg:$0xf];
	[sflag:s29] =	ssyncadd.s32 $0xFFFFEC00  }
0xd4: {  	[spmem:s22] =	stream.linear.scatter [tilespmem:s28], [sflag:$0xB], $0x1400, $0x38;
	[tilespmem:$0x1EAA0] =	vst v63  }
0xd5: {  	_ =	swait.ge [sflag:s29], $0x1400  }
0xd6: {  	[sflag:s29] =	ssyncset.done $0x0  }
0xd7: {  	s5 =	rddreg [dreg:$0x10];
	[sflag:s29] =	ssyncadd.s32 $0xFFFFEC00  }
0xd8: {  	[spmem:s5] =	stream.linear.scatter [tilespmem:s28], [sflag:$0xB], $0x1400, $0x38;
	[tilespmem:$0x1EAA0] =	vst v63  }
0xd9: {  	_ =	swait.ge [sflag:s29], $0x1400  }
0xda: {  	[sflag:s29] =	ssyncset.done $0x0  }
0xdb: {  	s6 =	rddreg [dreg:$0x12];
	[sflag:s29] =	ssyncadd.s32 $0xFFFFEC00  }
0xdc: {  	[spmem:s6] =	stream.linear.scatter [tilespmem:s28], [sflag:$0xB], $0x1400, $0x38;
	[tilespmem:$0x1EAA0] =	vst v63  }
0xdd: {  	_ =	swait.ge [sflag:s29], $0x1400  }
0xde: {  	[sflag:s29] =	ssyncset.done $0x0  }
0xdf: {  	s7 =	rddreg [dreg:$0x14];
	[sflag:s29] =	ssyncadd.s32 $0xFFFFEC00  }
0xe0: {  	[spmem:s7] =	stream.linear.scatter [tilespmem:s28], [sflag:$0xB], $0x1400, $0x38;
	[tilespmem:$0x1EAA0] =	vst v63  }
0xe1: {  	_ =	swait.ge [sflag:s29], $0x1400  }
0xe2: {  	[sflag:s29] =	ssyncset.done $0x0  }
0xe3: {  	s19 =	rddreg [dreg:$0x15];
	[sflag:s29] =	ssyncadd.s32 $0xFFFFEC00  }
0xe4: {  	[spmem:s19] =	stream.linear.scatter [tilespmem:s28], [sflag:$0xB], $0x1400, $0x38;
	[tilespmem:$0x1EAA0] =	vst v63  }
0xe5: {  	_ =	swait.ge [sflag:s29], $0x1400  }
0xe6: {  	[sflag:s29] =	ssyncset.done $0x0  }
0xe7: {  	s22 =	rddreg [dreg:$0x16];
	[sflag:s29] =	ssyncadd.s32 $0xFFFFEC00  }
0xe8: {  	[spmem:s22] =	stream.linear.scatter [tilespmem:s28], [sflag:$0xB], $0xC00, $0x38;
	[tilespmem:$0x1EAA0] =	vst v63  }
0xe9: {  	_ =	swait.ge [sflag:s29], $0xC00  }
0xea: {  	[sflag:s29] =	ssyncset.done $0x0  }
0xeb: {  	[sflag:s29] =	ssyncadd.s32 $0xFFFFF400  }
.LBB2_6:
0xec: {  	[bflag:$0x0] =	sbarrier.arrive $0xFFFF  }
0xed: {  	_ =	swait.ge [sflag:s30], $0x2710  }
0xee: {  	[sflag:s30] =	ssyncset.done $0x0  }
0xef: {  	[sflag:s30] =	ssyncadd.s32 $0xFFFFD8F0  }
0xf0: {  	_ =	swait.ge [sflag:s31], $0x2710  }
0xf1: {  	[sflag:s31] =	ssyncset.done $0x0  }
0xf2: {  	s7 =	simm.s32 $0x0;
	[sflag:s31] =	ssyncadd.s32 $0xFFFFD8F0  }
0xf3: {  	[tilespmem:s28], [sflag:$0x1] =	stream.indirect.gather [hbm4b:s4+s0], $0x80, s7, s0, $0xb8;
	[tilespmem:$0x1EAA0] =	vst v63  }
0xf4: {  	_ = 	snop  }
0xf5: {  	[tilespmem:s8], [sflag:$0x2] =	stream.indirect.gather [hbm4b:s4+s0], $0x80, s0, s0, $0xb8;
	[tilespmem:$0x1EAA0] =	vst v63  }
0xf6: {  	s1 =	simm.s32 $0x50  }
0xf7: {  	[tilespmem:s10], [sflag:$0x3] =	stream.indirect.gather [hbm4b:s4+s0], $0x80, s1, s0, $0xb8;
	[tilespmem:$0x1EAA0] =	vst v63  }
0xf8: {  	s19 =	simm.s32 $0x78  }
0xf9: {  	[tilespmem:s12], [sflag:$0x4] =	stream.indirect.gather [hbm4b:s4+s0], $0x80, s19, s0, $0xb8;
	[tilespmem:$0x1EAA0] =	vst v63  }
0xfa: {  	_ =	swait.ge [sflag:s30], $0x1400  }
0xfb: {  	[sflag:s30] =	ssyncset.done $0x0  }
0xfc: {  	[sflag:s30] =	ssyncadd.s32 $0xFFFFEC00  }
0xfd: {  	[spmem:s2] =	stream.indirect.scatter.add.f32 [tilespmem:s28], [sflag:$0x6], $0x80, s26, s0, $0xb8;
	[tilespmem:$0x1EAA0] =	vst v63  }
0xfe: {  	s22 =	simm.s32 $0xA0  }
0xff: {  	[tilespmem:s14], [sflag:$0x5] =	stream.indirect.gather [hbm4b:s4+s0], $0x80, s22, s0, $0xb8;
	[tilespmem:$0x1EAA0] =	vst v63  }
0x100: {  	_ =	swait.ge [sflag:s31], $0x1400  }
0x101: {  	[sflag:s31] =	ssyncset.done $0x0  }
0x102: {  	s5 =	simm.s32 $0x2738;
	[sflag:s31] =	ssyncadd.s32 $0xFFFFEC00  }
0x103: {  	[spmem:s2] =	stream.indirect.scatter.add.f32 [tilespmem:s8], [sflag:$0x7], $0x80, s5, s0, $0xb8;
	[tilespmem:$0x1EAA0] =	vst v63  }
0x104: {  	_ =	swait.ge [sflag:s9], $0x1400  }
0x105: {  	[sflag:s9] =	ssyncset.done $0x0  }
0x106: {  	s6 =	simm.s32 $0xC8;
	[sflag:s9] =	ssyncadd.s32 $0xFFFFEC00  }
0x107: {  	[tilespmem:s28], [sflag:$0x1] =	stream.indirect.gather [hbm4b:s4+s0], $0x80, s6, s0, $0xb8;
	[tilespmem:$0x1EAA0] =	vst v63  }
0x108: {  	_ =	swait.ge [sflag:s17], $0x1400  }
0x109: {  	[sflag:s17] =	ssyncset.done $0x0  }
0x10a: {  	s19 =	simm.s32 $0x2760;
	[sflag:s17] =	ssyncadd.s32 $0xFFFFEC00  }
0x10b: {  	[spmem:s2] =	stream.indirect.scatter.add.f32 [tilespmem:s10], [sflag:$0x8], $0x80, s19, s0, $0xb8;
	[tilespmem:$0x1EAA0] =	vst v63  }
0x10c: {  	_ =	swait.ge [sflag:s18], $0x1400  }
0x10d: {  	[sflag:s18] =	ssyncset.done $0x0  }
0x10e: {  	s22 =	simm.s32 $0xF0;
	[sflag:s18] =	ssyncadd.s32 $0xFFFFEC00  }
0x10f: {  	[tilespmem:s8], [sflag:$0x2] =	stream.indirect.gather [hbm4b:s4+s0], $0x80, s22, s0, $0xb8;
	[tilespmem:$0x1EAA0] =	vst v63  }
0x110: {  	_ =	swait.ge [sflag:s13], $0x1400  }
0x111: {  	[sflag:s13] =	ssyncset.done $0x0  }
0x112: {  	s5 =	simm.s32 $0x2788;
	[sflag:s13] =	ssyncadd.s32 $0xFFFFEC00  }
0x113: {  	[spmem:s2] =	stream.indirect.scatter.add.f32 [tilespmem:s12], [sflag:$0x9], $0x80, s5, s0, $0xb8;
	[tilespmem:$0x1EAA0] =	vst v63  }
0x114: {  	_ =	swait.ge [sflag:s16], $0x1400  }
0x115: {  	[sflag:s16] =	ssyncset.done $0x0  }
0x116: {  	s6 =	simm.s32 $0x118;
	[sflag:s16] =	ssyncadd.s32 $0xFFFFEC00  }
0x117: {  	[tilespmem:s10], [sflag:$0x3] =	stream.indirect.gather [hbm4b:s4+s0], $0x80, s6, s0, $0xb8;
	[tilespmem:$0x1EAA0] =	vst v63  }
0x118: {  	_ =	swait.ge [sflag:s21], $0x1400  }
0x119: {  	[sflag:s21] =	ssyncset.done $0x0  }
0x11a: {  	s19 =	simm.s32 $0x27B0;
	[sflag:s21] =	ssyncadd.s32 $0xFFFFEC00  }
0x11b: {  	[spmem:s2] =	stream.indirect.scatter.add.f32 [tilespmem:s14], [sflag:$0xA], $0x80, s19, s0, $0xb8;
	[tilespmem:$0x1EAA0] =	vst v63  }
0x11c: {  	_ =	swait.ge [sflag:s11], $0x1400  }
0x11d: {  	[sflag:s11] =	ssyncset.done $0x0  }
0x11e: {  	s22 =	simm.s32 $0x140;
	[sflag:s11] =	ssyncadd.s32 $0xFFFFEC00  }
0x11f: {  	[tilespmem:s12], [sflag:$0x4] =	stream.indirect.gather [hbm4b:s4+s0], $0x80, s22, s0, $0xb8;
	[tilespmem:$0x1EAA0] =	vst v63  }
.LBB2_7:
0x120: {  	_ =	swait.ge [sflag:s30], $0x1400  }
0x121: {  	s5 =	sshra.s32 s7, $0x2;
	[sflag:s30] =	ssyncset.done $0x0  }
0x122: {  	s6 =	sadd.s32 $0x27D8, s5;
	[sflag:s30] =	ssyncadd.s32 $0xFFFFEC00  }
0x123: {  	[spmem:s2] =	stream.indirect.scatter.add.f32 [tilespmem:s28], [sflag:$0x6], $0x80, s6, s0, $0xb8;
	[tilespmem:$0x1EAA0] =	vst v63  }
0x124: {  	_ =	swait.ge [sflag:s15], $0x1400  }
0x125: {  	[sflag:s15] =	ssyncset.done $0x0  }
0x126: {  	s1 =	sadd.s32 $0x168, s5;
	[sflag:s15] =	ssyncadd.s32 $0xFFFFEC00  }
0x127: {  	[tilespmem:s14], [sflag:$0x5] =	stream.indirect.gather [hbm4b:s4+s0], $0x80, s1, s0, $0xb8;
	[tilespmem:$0x1EAA0] =	vst v63  }
0x128: {  	_ =	swait.ge [sflag:s31], $0x1400  }
0x129: {  	p1 =	seq.s32 s7, $0x9600;
	[sflag:s31] =	ssyncset.done $0x0  }
0x12a: {  	s19 =	sadd.s32 $0x2800, s5;
	s6 =	simm.s32 @p1 $0x3;
	[sflag:s31] =	ssyncadd.s32 $0xFFFFEC00  }
0x12b: {  	[spmem:s2] =	stream.indirect.scatter.add.f32 [tilespmem:s8], [sflag:$0x7], $0x80, s19, s0, $0xb8;
	[tilespmem:$0x1EAA0] =	vst v63  }
0x12c: {  	_ =	swait.ge @p1 [sflag:s6], $0x1400  }
0x12d: {  	[sflag:s6] =	ssyncset.done @p1 $0x0  }
0x12e: {  	[sflag:s6] =	ssyncadd.s32 @p1 $0xFFFFEC00;
	s6 =	sshra.s32 @p1 s7, $0x2  }
0x12f: {  	s22 =	simm.s32 @p1 $0x28;
	s1 =	simm.s32 @p1 $0x7620;
	s6 =	sadd.s32 @p1 $0x2828, s6  }
0x130: {  	[spmem:s2] =	stream.indirect.scatter.add.f32 @p1 [tilespmem:s1], [sflag:$0x8], $0x80, s6, s22, $0xb8;
	[tilespmem:$0x1EAA0] =	vst v63  }
0x131: {  	s1 =	simm.s32 @!p1 $0x6  }
0x132: {  	_ =	swait.ge @!p1 [sflag:s1], $0x1400  }
0x133: {  	[sflag:s1] =	ssyncset.done @!p1 $0x0  }
0x134: {  	[sflag:s1] =	ssyncadd.s32 @!p1 $0xFFFFEC00;
	s1 =	sshra.s32 @!p1 s7, $0x2  }
0x135: {  	s19 =	simm.s32 @!p1 $0x4E20;
	s22 =	simm.s32 @!p1 $0x28;
	s6 =	sadd.s32 @!p1 $0x190, s1  }
0x136: {  	[tilespmem:s19], [sflag:$0x1] =	stream.indirect.gather @!p1 [hbm4b:s4+s22], $0x80, s6, s22, $0xb8;
	[tilespmem:$0x1EAA0] =	vst v63  }
0x137: {  	s6 =	simm.s32 @!p1 $0x3  }
0x138: {  	_ =	swait.ge @!p1 [sflag:s6], $0x1400  }
0x139: {  	[sflag:s6] =	ssyncset.done @!p1 $0x0  }
0x13a: {  	s19 =	simm.s32 @!p1 $0x7620;
	[sflag:s6] =	ssyncadd.s32 @!p1 $0xFFFFEC00;
	s6 =	sadd.s32 @!p1 $0x2828, s1  }
0x13b: {  	[spmem:s2] =	stream.indirect.scatter.add.f32 @!p1 [tilespmem:s19], [sflag:$0x8], $0x80, s6, s22, $0xb8;
	[tilespmem:$0x1EAA0] =	vst v63  }
0x13c: {  	s6 =	simm.s32 @!p1 $0x7  }
0x13d: {  	_ =	swait.ge @!p1 [sflag:s6], $0x1400  }
0x13e: {  	[sflag:s6] =	ssyncset.done @!p1 $0x0  }
0x13f: {  	s1 =	sadd.s32 @!p1 $0x1B8, s1;
	[sflag:s6] =	ssyncadd.s32 @!p1 $0xFFFFEC00;
	s6 =	simm.s32 @!p1 $0x6220  }
0x140: {  	[tilespmem:s6], [sflag:$0x2] =	stream.indirect.gather @!p1 [hbm4b:s4+s22], $0x80, s1, s22, $0xb8;
	[tilespmem:$0x1EAA0] =	vst v63  }
.Ltmp5:
0x141: {  	_ = 	snop;
	(pc) =	sbr.rel @p1 .LBB2_9-.Ltmp5, $4  }
0x142: {  	_ =	swait.ge [sflag:s13], $0x1400  }
0x143: {  	[sflag:s13] =	ssyncset.done $0x0  }
0x144: {  	s22 =	sadd.s32 $0x2850, s5;
	s6 =	sadd.s32 $0x2878, s5;
	[sflag:s13] =	ssyncadd.s32 $0xFFFFEC00  }
0x145: {  	[spmem:s2] =	stream.indirect.scatter.add.f32 [tilespmem:s12], [sflag:$0x9], $0x80, s22, s0, $0xb8;
	[tilespmem:$0x1EAA0] =	vst v63  }
0x146: {  	_ =	swait.ge [sflag:s16], $0x1400  }
0x147: {  	[sflag:s16] =	ssyncset.done $0x0  }
0x148: {  	s1 =	sadd.s32 $0x1E0, s5;
	[sflag:s16] =	ssyncadd.s32 $0xFFFFEC00  }
0x149: {  	[tilespmem:s10], [sflag:$0x3] =	stream.indirect.gather [hbm4b:s4+s0], $0x80, s1, s0, $0xb8;
	[tilespmem:$0x1EAA0] =	vst v63  }
0x14a: {  	_ =	swait.ge [sflag:s21], $0x1400  }
0x14b: {  	[sflag:s21] =	ssyncset.done $0x0  }
0x14c: {  	[sflag:s21] =	ssyncadd.s32 $0xFFFFEC00  }
0x14d: {  	[spmem:s2] =	stream.indirect.scatter.add.f32 [tilespmem:s14], [sflag:$0xA], $0x80, s6, s0, $0xb8;
	[tilespmem:$0x1EAA0] =	vst v63  }
.Ltmp6:
0x14e: {  	_ = 	snop;
	(pc) =	sbr.rel .LBB2_7-.Ltmp6, $4  }
0x14f: {  	_ =	swait.ge [sflag:s11], $0x1400  }
0x150: {  	[sflag:s11] =	ssyncset.done $0x0  }
0x151: {  	s22 =	sadd.s32 $0x208, s5;
	s7 =	sadd.s32 $0x320, s7;
	[sflag:s11] =	ssyncadd.s32 $0xFFFFEC00  }
0x152: {  	[tilespmem:s12], [sflag:$0x4] =	stream.indirect.gather [hbm4b:s4+s0], $0x80, s22, s0, $0xb8;
	[tilespmem:$0x1EAA0] =	vst v63  }
.LBB2_10:
0x153: {  	_ =	sfence.sel $0x180000  }
0x154: {  	[bflag:$0x0] =	sbarrier.arrive $0xFFFF  }
0x155: {  	_ =	strace $0x9000004A  }
0x156: {  	[bflag:$0x2] =	sbarrier.arrive $0xFFFF  }
0x157: {  	p0 =	sne.s32 s6, $0x0;
	s0 =	rddreg [dreg:$0x2]  }
0x158: {  	s0 =	sadd.s32 @!p0 $0x100000, s0  }
0x159: {  	[sflag:s0] =	ssyncadd.tile.s32 @!p0 $0x1;
	_ =	shalt  }
.Lfunc_end2:
_tile_overlayer_lowered:
.L_overlay_start_2:
0x15a: {  	(tag) =	ssettag $0x2  }
0x15b: {  	s0 =	rddreg [dreg:$0x0];
	s2 =	stileid.u32  }
0x15c: {  	s1 =	rddreg [dreg:$0x1];
	p0 =	sne.s32 s2, $0x0  }
0x15d: {  	s3 =	rddreg [dreg:$0x2];
	[bflag:$0x3] =	sbarrier.arrive $0xFFFF;
	s2 =	simm.s32 @!p0 $0x1C0B  }
0x15e: {  	[timem:s3], [sflag:s2] =	dma.local @!p0 [hbm:s0], s1  }
0x15f: {  	s0 =	simm.s32 @!p0 $0xB  }
0x160: {  	_ =	swait.ge @!p0 [sflag:s0], s1  }
0x161: {  	s1 =	ssub.s32 @!p0 $0x0, s1;
	[sflag:s0] =	ssyncset.done @!p0 $0x0  }
0x162: {  	[sflag:s0] =	ssyncadd.s32 @!p0 s1  }
0x163: {  	[bflag:$0x3] =	sbarrier.arrive $0xFFFF  }
0x164: {  	_ =	shalt  }

// kernel: kernel.17.cloned.1.call-start
scs
__scs_entry_jumppad:
0x0: {  	(pc) =	sbr.rel $0x88, $3  }
0x1: {  	(tag) =	ssettag $0x0;
	lr =	simm.s32 $0x1  }
0x2: {  	[smem:$0x3F99] =	sst lr;
	_ =	strace $0xD0000000  }
0x3: {  	_ = 	snop  }
0x4: {  	_ = 	snop  }
0x5: {  	_ = 	snop  }
0x6: {  	_ = 	snop  }
0x7: {  	_ = 	snop  }
__scs_overlays_trampoline_lowered:
0x8: {  	[smem:$0x3FA8] =	sst s0  }
0x9: {  	[smem:$0x3FA9] =	sst s1  }
0xa: {  	[smem:$0x3FAA] =	sst s2  }
0xb: {  	[smem:$0x3FAB] =	sst s3  }
0xc: {  	[smem:$0x3FAC] =	sst s4  }
0xd: {  	[smem:$0x3FAD] =	sst s5  }
0xe: {  	[smem:$0x3FAE] =	sst s6  }
0xf: {  	[smem:$0x3FAF] =	sst s7  }
0x10: {  	[smem:$0x3FB0] =	sst s8  }
0x11: {  	[smem:$0x3FB1] =	sst s9;
	s0 =	simm.s32 @!p0 $0x0  }
0x12: {  	s1 =	sld [smem:$0x3F97];
	s0 =	simm.s32 @p0 $0x1  }
0x13: {  	[smem:$0x3FB2] =	sst s0;
	s0 =	simm.s32 @!p1 $0x0  }
0x14: {  	s2 =	sld [smem:$0x3F96];
	s0 =	simm.s32 @p1 $0x1  }
0x15: {  	[smem:$0x3FB3] =	sst s0;
	s0 =	simm.s32 @!p2 $0x0  }
0x16: {  	s3 =	sld [smem:$0x3FDB];
	s0 =	simm.s32 @p2 $0x1  }
0x17: {  	s4 =	simm.s32 $0x1BF5;
	[smem:$0x3FB5] =	sst s0  }
0x18: {  	s0 =	sld [smem:$0x3F98];
	_ =	swait.ge [sflag:s4], $0x0  }
0x19: {  	s7 =	sld [smem:$0x3F99]  }
0x1a: {  	s8 =	sadd.s32 $0xFFFFE003, lr  }
0x1b: {  	s9 =	sadd.s32 $0xFFFFFEF7, lr;
	s5 =	simm.s32 $0xFFFFFFFF;
	p2 =	slt.u32 s8, $0xFFFFF086  }
0x1c: {  	p1 =	slt.u32 s9, $0xF7A;
	s5 =	simm.s32 @!p2 $0x0  }
0x1d: {  	s5 =	simm.s32 @p1 $0x1;
	p0 =	seq.s32 s7, s2  }
0x1e: {  	s7 =	smul.u32 @!p0 $0xF7A, s2;
	p2 =	seq.s32 @!p0 s5, $0x0  }
0x1f: {  	s9 =	smul.u32 $0xF7A, s1;
	s8 =	simm.s32 @!p0 $0x1BF5;
	p2 =	por !p2, p0  }
0x20: {  	[sflag:s8] =	ssyncset.s32 @!p0 $0xFFFFF086;
	s6 =	sadd.s32 @!p0 s3, s7;
	s7 =	simm.s32 @!p0 $0x108  }
0x21: {  	s3 =	sadd.s32 s3, s9;
	s6 =	sadd.s32 @!p0 $0x88, s6;
	s7 =	simm.s32 @p2 $0x1082  }
0x22: {  	[simem:s7], [sflag:s8] =	dma.local @!p0 [hbm:s6], $0xF7A  }
0x23: {  	s9 =	sor.u32 $0xD0000000, s2;
	s6 =	simm.s32 $0x108;
	_ =	swait.ge @!p0 [sflag:s8], $0x0  }
0x24: {  	s3 =	sadd.s32 $0x88, s3;
	s6 =	simm.s32 @!p1 $0x1082;
	[sflag:s4] =	ssyncset.s32 $0xFFFFF086  }
0x25: {  	[simem:s6], [sflag:s4] =	dma.local [hbm:s3], $0xF7A  }
0x26: {  	[smem:$0x3F99] =	sst s1;
	(tag) =	ssettag s2;
	_ =	strace s9  }
0x27: {  	s1 =	sld [smem:$0x3FA9]  }
0x28: {  	s2 =	sld [smem:$0x3FAA]  }
0x29: {  	s4 =	sld [smem:$0x3FAC]  }
0x2a: {  	p0 =	seq.s32 s5, $0x0;
	s5 =	sld [smem:$0x3FAD]  }
0x2b: {  	s6 =	sld [smem:$0x3FAE]  }
0x2c: {  	s7 =	sld [smem:$0x3FAF]  }
0x2d: {  	s3 =	simm.s32 $0x108;
	s8 =	sld [smem:$0x3FB0]  }
0x2e: {  	s3 =	simm.s32 @!p0 $0x1082;
	s9 =	sld [smem:$0x3FB1]  }
0x2f: {  	lr =	sadd.s32 s0, s3;
	s0 =	sld [smem:$0x3FA8]  }
0x30: {  	s3 =	sld [smem:$0x3FAB]  }
0x31: {  	[smem:$0x3FB4] =	sst s10  }
0x32: {  	s10 =	sld [smem:$0x3FB2];
	_ =	sdelay $0x3  }
0x33: {  	p0 =	seq.s32 s10, $0x1;
	s10 =	sld [smem:$0x3FB4];
	_ =	sdelay $0x3  }
0x34: {  	[smem:$0x3FB4] =	sst s10  }
0x35: {  	s10 =	sld [smem:$0x3FB3];
	_ =	sdelay $0x3  }
0x36: {  	p1 =	seq.s32 s10, $0x1;
	s10 =	sld [smem:$0x3FB4];
	_ =	sdelay $0x3  }
0x37: {  	[smem:$0x3FB4] =	sst s10  }
0x38: {  	s10 =	sld [smem:$0x3FB5]  }
0x39: {  	_ = 	snop;
	(pc) =	sbr.ind lr, $3  }
0x3a: {  	_ = 	snop  }
0x3b: {  	_ = 	snop  }
0x3c: {  	p2 =	seq.s32 s10, $0x1;
	s10 =	sld [smem:$0x3FB4]  }
0x3d: {  	_ =	shalt  }
0x3e: {  	_ =	shalt  }
0x3f: {  	_ =	shalt  }
0x40: {  	_ =	shalt  }
0x41: {  	_ =	shalt  }
0x42: {  	_ =	shalt  }
0x43: {  	_ =	shalt  }
0x44: {  	_ =	shalt  }
0x45: {  	_ =	shalt  }
0x46: {  	_ =	shalt  }
0x47: {  	_ =	shalt  }
0x48: {  	_ =	shalt  }
0x49: {  	_ =	shalt  }
0x4a: {  	_ =	shalt  }
0x4b: {  	_ =	shalt  }
0x4c: {  	_ =	shalt  }
0x4d: {  	_ =	shalt  }
0x4e: {  	_ =	shalt  }
0x4f: {  	_ =	shalt  }
0x50: {  	_ =	shalt  }
0x51: {  	_ =	shalt  }
0x52: {  	_ =	shalt  }
0x53: {  	_ =	shalt  }
0x54: {  	_ =	shalt  }
0x55: {  	_ =	shalt  }
0x56: {  	_ =	shalt  }
0x57: {  	_ =	shalt  }
0x58: {  	_ =	shalt  }
0x59: {  	_ =	shalt  }
0x5a: {  	_ =	shalt  }
0x5b: {  	_ =	shalt  }
0x5c: {  	_ =	shalt  }
0x5d: {  	_ =	shalt  }
0x5e: {  	_ =	shalt  }
0x5f: {  	_ =	shalt  }
0x60: {  	_ =	shalt  }
0x61: {  	_ =	shalt  }
0x62: {  	_ =	shalt  }
0x63: {  	_ =	shalt  }
0x64: {  	_ =	shalt  }
0x65: {  	_ =	shalt  }
0x66: {  	_ =	shalt  }
0x67: {  	_ =	shalt  }
0x68: {  	_ =	shalt  }
0x69: {  	_ =	shalt  }
0x6a: {  	_ =	shalt  }
0x6b: {  	_ =	shalt  }
0x6c: {  	_ =	shalt  }
0x6d: {  	_ =	shalt  }
0x6e: {  	_ =	shalt  }
0x6f: {  	_ =	shalt  }
0x70: {  	_ =	shalt  }
0x71: {  	_ =	shalt  }
0x72: {  	_ =	shalt  }
0x73: {  	_ =	shalt  }
0x74: {  	_ =	shalt  }
0x75: {  	_ =	shalt  }
0x76: {  	_ =	shalt  }
0x77: {  	_ =	shalt  }
0x78: {  	_ =	shalt  }
0x79: {  	_ =	shalt  }
0x7a: {  	_ =	shalt  }
0x7b: {  	_ =	shalt  }
0x7c: {  	_ =	shalt  }
0x7d: {  	_ =	shalt  }
0x7e: {  	_ =	shalt  }
0x7f: {  	_ =	shalt  }
0x80: {  	_ =	shalt  }
0x81: {  	_ =	shalt  }
0x82: {  	_ =	shalt  }
0x83: {  	_ =	shalt  }
0x84: {  	_ =	shalt  }
0x85: {  	_ =	shalt  }
0x86: {  	_ =	shalt  }
0x87: {  	_ =	shalt  }
.Lfunc_end0:
.L_simem_size_0:
called_computation.2_lowered:
.L_overlay_start_0:
0x88: {  	s2 =	sld [smem:$0x3FD9]  }
0x89: {  	s3 =	sld [smem:$0x3FFE];
	_ =	sdelay $0x1  }
0x8a: {  	s1 =	srdreg.scid  }
0x8b: {  	s0 =	sand.u32 $0x1, s1  }
0x8c: {  	s16 =	sshll.u32 s0, $0xA;
	s2 =	sadd.s32 s3, s2  }
0x8d: {  	s2 =	sadd.s32 s2, s16  }
0x8e: {  	[smem:$0x3FC0] =	sst s2  }
0x8f: {  	_ = 	snop  }
0x90: {  	(tm) =	ssettm $0x1  }
0x91: {  	s17 =	sld [smem:$0x3FFB];
	_ =	sdelay $0x3  }
0x92: {  	_ =	strace s17  }
0x93: {  	s2 =	sld [smem:$0x3FFC];
	_ =	sdelay $0x3  }
0x94: {  	_ =	strace s2  }
0x95: {  	s2 =	sld [smem:$0x3FFD];
	_ =	sdelay $0x3  }
0x96: {  	_ =	strace s2  }
0x97: {  	_ =	strace $0x8FFFFFFF  }
0x98: {  	s18 =	sld [smem:$0x3FDB];
	_ =	sdelay $0x1  }
0x99: {  	s19 =	simm.s32 $_scs_section_size  }
0x9a: {  	s4 =	simm.s32 $_size__tile_overlayer_lowered;
	s5 =	simm.s32 $_tile_overlayer_lowered  }
0x9b: {  	s22 =	simm.s32 $0x1BFF;
	s21 =	sshll.u32 s5, $0x1;
	s2 =	sadd.s32 s19, s18  }
0x9c: {  	s6 =	simm.s32 $0x0;
	s20 =	sshll.u32 s4, $0x1;
	s4 =	sadd.s32 s21, s2  }
0x9d: {  	[timem:s6], [sflag:s22] =	dma.local [hbm:s4], s20  }
0x9e: {  	_ =	swait.ge [sflag:s22], s20  }
0x9f: {  	s3 =	ssub.s32 $0x0, s20;
	[sflag:s22] =	ssyncset.done $0x0  }
0xa0: {  	[sflag:s22] =	ssyncadd.s32 s3;
	_ =	sdelay $0x1  }
0xa1: {  	s23 =	simm.s32 $0x1B8B  }
0xa2: {  	_ =	swait.ge [sflag:s23], $0x1  }
0xa3: {  	[sflag:s23] =	ssyncset.done $0x0  }
0xa4: {  	s25 =	simm.s32 $0x1B8E;
	s24 =	sld [smem:$0x3FFE];
	[sflag:s23] =	ssyncadd.s32 $0xFFFFFFFF  }
0xa5: {  	s26 =	simm.s32 $execute0_lowered;
	[smem:$0x3FD2] =	sst s25  }
0xa6: {  	s4 =	sshll.u32 s26, $0x1;
	_ =	strace $0x8000004C;
	[dreg:$0x1] =	wrdreg $0xFFFFFFFF  }
0xa7: {  	s28 =	simm.s32 $_size_execute0_lowered;
	s2 =	sadd.s32 s2, s4;
	[dreg:$0x0] =	wrdreg $0x0  }
0xa8: {  	s4 =	sshll.u32 s28, $0x1;
	[dreg:$0x2] =	wrdreg s2  }
0xa9: {  	[dreg:$0x3] =	wrdreg s4  }
0xaa: {  	[dreg:$0x4] =	wrdreg $0xC0  }
0xab: {  	_ =	task [dreg:s6], $0x5FFFF  }
0xac: {  	[dreg:$0x1] =	wrdreg $0xFFFFFFFF  }
0xad: {  	[dreg:$0x0] =	wrdreg $0x60  }
0xae: {  	[dreg:$0x2] =	wrdreg s24  }
0xaf: {  	[dreg:$0x3] =	wrdreg $0xB2200  }
0xb0: {  	[dreg:$0x4] =	wrdreg $0x9  }
0xb1: {  	_ =	task.clear_ibuf [dreg:s6], $0x5FFFF;
	_ =	strace $0x9000004C  }
0xb2: {  	s29 =	simm.s32 $0x9;
	_ =	strace $0x8000004E  }
0xb3: {  	_ =	swait.ge [sflag:s29], $0x1  }
0xb4: {  	[sflag:s29] =	ssyncadd.s32 $0xFFFFFFFF  }
0xb5: {  	_ =	strace $0x9000004E  }
0xb6: {  	_ =	sfence  }
0xb7: {  	s30 =	sld [smem:$0x0];
	_ =	sdelay $0x2  }
0xb8: {  	s31 =	sshll.u32 s1, $0xD;
	s1 =	sshrl.u32 s1, $0x2  }
0xb9: {  	s3 =	sand.u32 $0x4000, s31;
	s1 =	sadd.s32 s1, s30  }
0xba: {  	s0 =	sor.u32 s3, s0;
	s1 =	sshll.u32 s1, $0x11  }
0xbb: {  	s0 =	sor.u32 s1, s0  }
0xbc: {  	s0 =	sadd.s32 $0x8F2B, s0  }
0xbd: {  	[sflag:s0] =	ssyncadd.remote.s32 $0x1  }
0xbe: {  	_ =	sfence.sel $0xFFFF  }
0xbf: {  	[dreg:$0x0] =	wrdreg $0xFFFFFFFF;
	(pc) =	sbr.abs _section_cstart, $3  }
0xc0: {  	[dreg:$0x1] =	wrdreg $0xFFFFFFFF  }
0xc1: {  	_ =	task.clear_ibuf [dreg:s6], $0x2FFFF;
	_ =	strace $0x9FFFFFFF  }
0xc2: {  	(tm) =	ssettm $0x7FFFFFFF  }
0xc3: {  	_ =	shalt  }
tec
execute0_lowered:
.L_overlay_start_1:
0x0: {  	(tag) =	ssettag $0x1  }
0x1: {  	s0 =	rddreg [dreg:$0x0]  }
0x2: {  	s1 =	rddreg [dreg:$0x1];
	s2 =	srdreg.scid  }
0x3: {  	s4 =	simm.s32 $0x0;
	s9 =	stileid.u32;
	s30 =	simm.s32 $0x1  }
0x4: {  	s31 =	simm.s32 $0x2;
	s10 =	simm.s32 $0x6;
	s2 =	sand.u32 $0x1, s2  }
0x5: {  	[smem:$0x7FF] =	sst s4;
	s4 =	sadd.s32 $0x15C00, s0;
	s7 =	smul.u32 $0x27000, s9  }
0x6: {  	s3 =	sshll.u32 s2, $0x4;
	s5 =	smul.u32 $0x13880, s2;
	s2 =	ssub.s32 $0x2, s2  }
0x7: {  	s11 =	smul.u32 $0x278, s9;
	s6 =	sshrl.u32 s2, $0x1;
	s13 =	sshrl.u32 s7, $0x2  }
0x8: {  	s8 =	smul.u32 $0x270, s9;
	s2 =	ssub.s32 s2, s6;
	s6 =	sadd.s32 s13, s1  }
0x9: {  	p0 =	sgt.u32 s9, $0xD;
	s23 =	smul.u32 $0x9C00, s9;
	s14 =	sadd.s32 $0x1400, s6  }
0xa: {  	_ =	strace $0x8000004D;
	s15 =	sadd.s32 $0x2800, s6;
	[dreg:$0x5] =	wrdreg s14  }
0xb: {  	s3 =	sor.u32 s9, s3;
	s16 =	sadd.s32 $0x3C00, s6;
	[dreg:$0x6] =	wrdreg s15  }
0xc: {  	s7 =	sshrl.u32 s23, $0x3;
	s18 =	sadd.s32 $0x5000, s6;
	[dreg:$0x7] =	wrdreg s16  }
0xd: {  	s9 =	simm.s32 $0x9E20;
	s19 =	sadd.s32 $0x6400, s6;
	[dreg:$0x8] =	wrdreg s18  }
0xe: {  	s3 =	smul.u32 $0x4E2, s3;
	s20 =	sadd.s32 $0x7800, s6;
	[dreg:$0x9] =	wrdreg s19  }
0xf: {  	s13 =	simm.s32 $0x8;
	s21 =	sadd.s32 $0x8C00, s6;
	[dreg:$0xa] =	wrdreg s20  }
0x10: {  	s2 =	smax.u32 s2, $0x1;
	s3 =	sadd.s32 s3, s0;
	[dreg:$0xb] =	wrdreg s21  }
0x11: {  	s0 =	sadd.s32 s5, s0;
	s5 =	sadd.s32 $0xFFFFFF90, s11;
	[dreg:$0x13] =	wrdreg s2  }
0x12: {  	s2 =	simm.s32 $0x3;
	s11 =	simm.s32 $0x7;
	s14 =	simm.s32 $0x5  }
0x13: {  	s12 =	sadd.s32 $0x2000, s3;
	s3 =	sadd.s32 $0xBE00, s3;
	s17 =	sshll.u32 s5, $0x8  }
0x14: {  	s16 =	simm.s32 $0x9;
	[dreg:$0x4] =	wrdreg s3;
	s3 =	sshra.s32 s17, $0x2  }
0x15: {  	s18 =	simm.s32 $0x0;
	s8 =	smov.u32 @p0 s5;
	s15 =	sadd.s32 s3, s1  }
0x16: {  	s0 =	sadd.s32 $0x29600, s0;
	[dreg:$0x3] =	wrdreg s12;
	s3 =	sadd.s32 $0x1400, s15  }
0x17: {  	s5 =	simm.s32 $0x6220;
	s22 =	sadd.s32 $0x2800, s15;
	[dreg:$0xc] =	wrdreg s3  }
0x18: {  	s26 =	sshll.u32 s8, $0x6;
	s24 =	sadd.s32 $0x3C00, s15;
	[dreg:$0xd] =	wrdreg s22  }
0x19: {  	s8 =	sshrl.u32 s26, $0x3;
	s25 =	sadd.s32 $0x5000, s15;
	[dreg:$0xe] =	wrdreg s24  }
0x1a: {  	s12 =	simm.s32 $0x4;
	s8 =	sadd.s32 @p0 s8, s0;
	[dreg:$0xf] =	wrdreg s25  }
0x1b: {  	s17 =	simm.s32 $0xA;
	s0 =	sadd.s32 @!p0 s7, s0;
	[dreg:$0x10] =	wrdreg s8  }
.Ltmp0:
0x1c: {  	s29 =	sadd.s32 $0x6400, s15;
	[dreg:$0x11] =	wrdreg s0;
	(pc) =	sbr.rel .LBB2_1-.Ltmp0, $4  }
0x1d: {  	s28 =	sadd.s32 $0x8C00, s15;
	s7 =	simm.s32 $0x7620;
	[dreg:$0x12] =	wrdreg s29  }
0x1e: {  	s0 =	sadd.s32 s23, s1;
	s3 =	sadd.s32 s26, s1;
	s26 =	sadd.s32 $0x7800, s15  }
0x1f: {  	s22 =	simm.s32 $0x2710;
	s8 =	simm.s32 $0x8A20;
	s24 =	sshrl.u32 @p0 s3, $0x3  }
0x20: {  	v0 =	vimm.f32 $0.0e+00;
	s25 =	sshrl.u32 @!p0 s0, $0x3;
	s0 =	simm.s32 $0x50;
	s3 =	simm.s32 $0x4E20  }
.LBB2_6:
0x21: {  	_ =	swait.ge [sflag:s14], $0x1400  }
0x22: {  	[sflag:s14] =	ssyncset.done $0x0  }
0x23: {  	[sflag:s14] =	ssyncadd.s32 $0xFFFFEC00  }
0x24: {  	[spmem:s1] =	stream.indirect.scatter.add.f32 [tilespmem:s9], [sflag:$0xA], $0x40, s21, s0, $0xb8;
	[tilespmem:$0x14E60] =	vst v63  }
0x25: {  	_ =	swait.ge [sflag:s10], $0x1400  }
0x26: {  	[sflag:s10] =	ssyncset.done $0x0  }
0x27: {  	[sflag:s10] =	ssyncadd.s32 $0xFFFFEC00  }
0x28: {  	_ =	swait.ge [sflag:s11], $0x1400  }
0x29: {  	[sflag:s11] =	ssyncset.done $0x0  }
0x2a: {  	[sflag:s11] =	ssyncadd.s32 $0xFFFFEC00  }
0x2b: {  	_ =	swait.ge [sflag:s13], $0x1400  }
0x2c: {  	[sflag:s13] =	ssyncset.done $0x0  }
0x2d: {  	[sflag:s13] =	ssyncadd.s32 $0xFFFFEC00  }
0x2e: {  	_ =	swait.ge [sflag:s16], $0x1400  }
0x2f: {  	[sflag:s16] =	ssyncset.done $0x0  }
0x30: {  	[sflag:s16] =	ssyncadd.s32 $0xFFFFEC00  }
0x31: {  	_ =	swait.ge [sflag:s17], $0x1400  }
0x32: {  	[sflag:s17] =	ssyncset.done $0x0  }
0x33: {  	s20 =	stileid.u32;
	[sflag:s17] =	ssyncadd.s32 $0xFFFFEC00  }
0x34: {  	s19 =	sshll.u32 @p0 s20, $0x6;
	[bflag:$0x0] =	sbarrier.arrive $0xFFFF  }
0x35: {  	s19 =	sor.u32 @p0 $0x1C0B, s19;
	s21 =	rddreg [dreg:$0x10]  }
0x36: {  	[hbm:s21], [sflag:s19] =	dma.local @p0 [spmem:s24], $0x13C0  }
0x37: {  	s19 =	simm.s32 @p0 $0xB  }
0x38: {  	_ =	swait.ge @p0 [sflag:s19], $0x13C0  }
0x39: {  	s20 =	sshll.u32 @!p0 s20, $0x6;
	[sflag:s19] =	ssyncset.done @p0 $0x0  }
0x3a: {  	[sflag:s19] =	ssyncadd.s32 @p0 $0xFFFFEC40;
	s19 =	sor.u32 @!p0 $0x1C0B, s20;
	s20 =	rddreg [dreg:$0x11]  }
0x3b: {  	[hbm:s20], [sflag:s19] =	dma.local @!p0 [spmem:s25], $0x1380  }
0x3c: {  	s19 =	simm.s32 @!p0 $0xB  }
0x3d: {  	_ =	swait.ge @!p0 [sflag:s19], $0x1380  }
0x3e: {  	s18 =	sadd.s32 $0x1, s18;
	s29 =	rddreg [dreg:$0x13]  }
0x3f: {  	p1 =	sne.s32 s18, s29  }
.Ltmp1:
0x40: {  	_ = 	snop;
	(pc) =	sbr.rel @!p1 .LBB2_7-.Ltmp1, $3  }
0x41: {  	_ =	sdelay $0x1  }
0x42: {  	[sflag:s19] =	ssyncset.done @!p0 $0x0  }
0x43: {  	s22 =	simm.s32 $0x2710;
	s21 =	stileid.u32;
	[sflag:s19] =	ssyncadd.s32 @!p0 $0xFFFFEC80  }
.LBB2_1:
0x44: {  	s19 =	simm.s32 $0x0;
	s20 =	rddreg [dreg:$0x3]  }
0x45: {  	[tilespmem:s19], [sflag:$0x1] =	stream.linear.gather [hbm4b:s20+s19], $0x2710, $0x38;
	[tilespmem:$0x14E60] =	vst v63  }
0x46: {  	s29 =	rddreg [dreg:$0x4]  }
0x47: {  	[tilespmem:s22], [sflag:$0x2] =	stream.linear.gather [hbm4b:s29+s19], $0x2710, $0x38;
	[tilespmem:$0x14E60] =	vst v63  }
0x48: {  	s20 =	simm.s32 $0x100;
	s19 =	simm.s32 $0x0  }
.LBB2_2:
0x49: {  	p1 =	sne.s32 s20, $0x4F00;
	[tilespmem:s19+$0x4E50] =	vst v0;
	s21 =	smov.u32 s20;
	s20 =	sadd.s32 $0x100, s20  }
.Ltmp2:
0x4a: {  	[tilespmem:s19+$0x4E40] =	vst v0;
	(pc) =	sbr.rel @p1 .LBB2_2-.Ltmp2, $3  }
0x4b: {  	[tilespmem:s19+$0x4E20] =	vst v0  }
0x4c: {  	[tilespmem:s19+$0x4E30] =	vst v0;
	_ =	sdelay $0x1  }
0x4d: {  	s19 =	sshra.s32 s21, $0x2  }
0x4e: {  	[tilespmem:s19+$0x4E50] =	vst v0  }
0x4f: {  	[tilespmem:s19+$0x4E40] =	vst v0  }
0x50: {  	[tilespmem:s19+$0x4E20] =	vst v0  }
0x51: {  	[tilespmem:s19+$0x4E30] =	vst v0;
	s19 =	simm.s32 @p0 $0x4E20;
	s20 =	simm.s32 @p0 $0xB  }
0x52: {  	[spmem:s15] =	stream.linear.scatter @p0 [tilespmem:s19], [sflag:$0xB], $0x1400, $0x38;
	[tilespmem:$0x14E60] =	vst v63  }
0x53: {  	_ =	swait.ge @p0 [sflag:s20], $0x1400  }
0x54: {  	[sflag:s20] =	ssyncset.done @p0 $0x0  }
0x55: {  	s21 =	rddreg [dreg:$0xc];
	[sflag:s20] =	ssyncadd.s32 @p0 $0xFFFFEC00  }
0x56: {  	[spmem:s21] =	stream.linear.scatter @p0 [tilespmem:s19], [sflag:$0xB], $0x1400, $0x38;
	[tilespmem:$0x14E60] =	vst v63  }
0x57: {  	_ =	swait.ge @p0 [sflag:s20], $0x1400  }
0x58: {  	[sflag:s20] =	ssyncset.done @p0 $0x0  }
0x59: {  	s21 =	rddreg [dreg:$0xd];
	[sflag:s20] =	ssyncadd.s32 @p0 $0xFFFFEC00  }
0x5a: {  	[spmem:s21] =	stream.linear.scatter @p0 [tilespmem:s19], [sflag:$0xB], $0x1400, $0x38;
	[tilespmem:$0x14E60] =	vst v63  }
0x5b: {  	_ =	swait.ge @p0 [sflag:s20], $0x1400  }
0x5c: {  	[sflag:s20] =	ssyncset.done @p0 $0x0  }
0x5d: {  	s21 =	rddreg [dreg:$0xe];
	[sflag:s20] =	ssyncadd.s32 @p0 $0xFFFFEC00  }
0x5e: {  	[spmem:s21] =	stream.linear.scatter @p0 [tilespmem:s19], [sflag:$0xB], $0x1400, $0x38;
	[tilespmem:$0x14E60] =	vst v63  }
0x5f: {  	_ =	swait.ge @p0 [sflag:s20], $0x1400  }
0x60: {  	[sflag:s20] =	ssyncset.done @p0 $0x0  }
0x61: {  	s21 =	rddreg [dreg:$0xf];
	[sflag:s20] =	ssyncadd.s32 @p0 $0xFFFFEC00  }
0x62: {  	[spmem:s21] =	stream.linear.scatter @p0 [tilespmem:s19], [sflag:$0xB], $0x1400, $0x38;
	[tilespmem:$0x14E60] =	vst v63  }
0x63: {  	_ =	swait.ge @p0 [sflag:s20], $0x1400  }
0x64: {  	[sflag:s20] =	ssyncset.done @p0 $0x0  }
0x65: {  	s21 =	rddreg [dreg:$0x12];
	[sflag:s20] =	ssyncadd.s32 @p0 $0xFFFFEC00  }
0x66: {  	[spmem:s21] =	stream.linear.scatter @p0 [tilespmem:s19], [sflag:$0xB], $0x1400, $0x38;
	[tilespmem:$0x14E60] =	vst v63  }
0x67: {  	_ =	swait.ge @p0 [sflag:s20], $0x1400  }
0x68: {  	[sflag:s20] =	ssyncset.done @p0 $0x0  }
0x69: {  	[sflag:s20] =	ssyncadd.s32 @p0 $0xFFFFEC00  }
0x6a: {  	[spmem:s26] =	stream.linear.scatter @p0 [tilespmem:s19], [sflag:$0xB], $0x1400, $0x38;
	[tilespmem:$0x14E60] =	vst v63  }
0x6b: {  	_ =	swait.ge @p0 [sflag:s20], $0x1400  }
0x6c: {  	[sflag:s20] =	ssyncset.done @p0 $0x0  }
0x6d: {  	[sflag:s20] =	ssyncadd.s32 @p0 $0xFFFFEC00  }
0x6e: {  	[spmem:s28] =	stream.linear.scatter @p0 [tilespmem:s19], [sflag:$0xB], $0x1200, $0x38;
	[tilespmem:$0x14E60] =	vst v63  }
0x6f: {  	_ =	swait.ge @p0 [sflag:s20], $0x1200  }
0x70: {  	[sflag:s20] =	ssyncset.done @p0 $0x0  }
0x71: {  	s19 =	simm.s32 @!p0 $0x4E20;
	[sflag:s20] =	ssyncadd.s32 @p0 $0xFFFFEE00;
	s20 =	simm.s32 @!p0 $0xB  }
0x72: {  	[spmem:s6] =	stream.linear.scatter @!p0 [tilespmem:s19], [sflag:$0xB], $0x1400, $0x38;
	[tilespmem:$0x14E60] =	vst v63  }
0x73: {  	_ =	swait.ge @!p0 [sflag:s20], $0x1400  }
0x74: {  	[sflag:s20] =	ssyncset.done @!p0 $0x0  }
0x75: {  	s21 =	rddreg [dreg:$0x5];
	[sflag:s20] =	ssyncadd.s32 @!p0 $0xFFFFEC00  }
0x76: {  	[spmem:s21] =	stream.linear.scatter @!p0 [tilespmem:s19], [sflag:$0xB], $0x1400, $0x38;
	[tilespmem:$0x14E60] =	vst v63  }
0x77: {  	_ =	swait.ge @!p0 [sflag:s20], $0x1400  }
0x78: {  	[sflag:s20] =	ssyncset.done @!p0 $0x0  }
0x79: {  	s21 =	rddreg [dreg:$0x6];
	[sflag:s20] =	ssyncadd.s32 @!p0 $0xFFFFEC00  }
0x7a: {  	[spmem:s21] =	stream.linear.scatter @!p0 [tilespmem:s19], [sflag:$0xB], $0x1400, $0x38;
	[tilespmem:$0x14E60] =	vst v63  }
0x7b: {  	_ =	swait.ge @!p0 [sflag:s20], $0x1400  }
0x7c: {  	[sflag:s20] =	ssyncset.done @!p0 $0x0  }
0x7d: {  	s21 =	rddreg [dreg:$0x7];
	[sflag:s20] =	ssyncadd.s32 @!p0 $0xFFFFEC00  }
0x7e: {  	[spmem:s21] =	stream.linear.scatter @!p0 [tilespmem:s19], [sflag:$0xB], $0x1400, $0x38;
	[tilespmem:$0x14E60] =	vst v63  }
0x7f: {  	_ =	swait.ge @!p0 [sflag:s20], $0x1400  }
0x80: {  	[sflag:s20] =	ssyncset.done @!p0 $0x0  }
0x81: {  	s21 =	rddreg [dreg:$0x8];
	[sflag:s20] =	ssyncadd.s32 @!p0 $0xFFFFEC00  }
0x82: {  	[spmem:s21] =	stream.linear.scatter @!p0 [tilespmem:s19], [sflag:$0xB], $0x1400, $0x38;
	[tilespmem:$0x14E60] =	vst v63  }
0x83: {  	_ =	swait.ge @!p0 [sflag:s20], $0x1400  }
0x84: {  	[sflag:s20] =	ssyncset.done @!p0 $0x0  }
0x85: {  	s21 =	rddreg [dreg:$0x9];
	[sflag:s20] =	ssyncadd.s32 @!p0 $0xFFFFEC00  }
0x86: {  	[spmem:s21] =	stream.linear.scatter @!p0 [tilespmem:s19], [sflag:$0xB], $0x1400, $0x38;
	[tilespmem:$0x14E60] =	vst v63  }
0x87: {  	_ =	swait.ge @!p0 [sflag:s20], $0x1400  }
0x88: {  	[sflag:s20] =	ssyncset.done @!p0 $0x0  }
0x89: {  	s21 =	rddreg [dreg:$0xa];
	[sflag:s20] =	ssyncadd.s32 @!p0 $0xFFFFEC00  }
0x8a: {  	[spmem:s21] =	stream.linear.scatter @!p0 [tilespmem:s19], [sflag:$0xB], $0x1400, $0x38;
	[tilespmem:$0x14E60] =	vst v63  }
0x8b: {  	_ =	swait.ge @!p0 [sflag:s20], $0x1400  }
0x8c: {  	[sflag:s20] =	ssyncset.done @!p0 $0x0  }
0x8d: {  	s21 =	rddreg [dreg:$0xb];
	[sflag:s20] =	ssyncadd.s32 @!p0 $0xFFFFEC00  }
0x8e: {  	[spmem:s21] =	stream.linear.scatter @!p0 [tilespmem:s19], [sflag:$0xB], $0x1000, $0x38;
	[tilespmem:$0x14E60] =	vst v63  }
0x8f: {  	_ =	swait.ge @!p0 [sflag:s20], $0x1000  }
0x90: {  	[sflag:s20] =	ssyncset.done @!p0 $0x0  }
0x91: {  	[sflag:s20] =	ssyncadd.s32 @!p0 $0xFFFFF000  }
0x92: {  	[bflag:$0x0] =	sbarrier.arrive $0xFFFF  }
0x93: {  	_ =	swait.ge [sflag:s30], $0x2710  }
0x94: {  	[sflag:s30] =	ssyncset.done $0x0  }
0x95: {  	[sflag:s30] =	ssyncadd.s32 $0xFFFFD8F0  }
0x96: {  	_ =	swait.ge [sflag:s31], $0x2710  }
0x97: {  	[sflag:s31] =	ssyncset.done $0x0  }
0x98: {  	s19 =	simm.s32 $0x0;
	[sflag:s31] =	ssyncadd.s32 $0xFFFFD8F0  }
0x99: {  	[tilespmem:s3], [sflag:$0x1] =	stream.indirect.gather [hbm4b:s4+s0], $0x40, s19, s0, $0xb8;
	[tilespmem:$0x14E60] =	vst v63  }
0x9a: {  	_ = 	snop  }
0x9b: {  	[tilespmem:s5], [sflag:$0x2] =	stream.indirect.gather [hbm4b:s4+s0], $0x40, s0, s0, $0xb8;
	[tilespmem:$0x14E60] =	vst v63  }
0x9c: {  	s21 =	simm.s32 $0xA0  }
0x9d: {  	[tilespmem:s7], [sflag:$0x3] =	stream.indirect.gather [hbm4b:s4+s0], $0x40, s21, s0, $0xb8;
	[tilespmem:$0x14E60] =	vst v63  }
0x9e: {  	s23 =	simm.s32 $0xF0  }
0x9f: {  	[tilespmem:s8], [sflag:$0x4] =	stream.indirect.gather [hbm4b:s4+s0], $0x40, s23, s0, $0xb8;
	[tilespmem:$0x14E60] =	vst v63  }
0xa0: {  	_ =	swait.ge [sflag:s30], $0x1400  }
0xa1: {  	[sflag:s30] =	ssyncset.done $0x0  }
0xa2: {  	[sflag:s30] =	ssyncadd.s32 $0xFFFFEC00  }
0xa3: {  	[spmem:s1] =	stream.indirect.scatter.add.f32 [tilespmem:s3], [sflag:$0x6], $0x40, s22, s0, $0xb8;
	[tilespmem:$0x14E60] =	vst v63  }
0xa4: {  	s29 =	simm.s32 $0x140  }
0xa5: {  	[tilespmem:s9], [sflag:$0x5] =	stream.indirect.gather [hbm4b:s4+s0], $0x40, s29, s0, $0xb8;
	[tilespmem:$0x14E60] =	vst v63  }
0xa6: {  	_ =	swait.ge [sflag:s31], $0x1400  }
0xa7: {  	[sflag:s31] =	ssyncset.done $0x0  }
0xa8: {  	s21 =	simm.s32 $0x2760;
	[sflag:s31] =	ssyncadd.s32 $0xFFFFEC00  }
0xa9: {  	[spmem:s1] =	stream.indirect.scatter.add.f32 [tilespmem:s5], [sflag:$0x7], $0x40, s21, s0, $0xb8;
	[tilespmem:$0x14E60] =	vst v63  }
0xaa: {  	_ =	swait.ge [sflag:s10], $0x1400  }
0xab: {  	[sflag:s10] =	ssyncset.done $0x0  }
0xac: {  	s22 =	simm.s32 $0x190;
	[sflag:s10] =	ssyncadd.s32 $0xFFFFEC00  }
0xad: {  	[tilespmem:s3], [sflag:$0x1] =	stream.indirect.gather [hbm4b:s4+s0], $0x40, s22, s0, $0xb8;
	[tilespmem:$0x14E60] =	vst v63  }
0xae: {  	_ =	swait.ge [sflag:s2], $0x1400  }
0xaf: {  	[sflag:s2] =	ssyncset.done $0x0  }
0xb0: {  	s23 =	simm.s32 $0x27B0;
	[sflag:s2] =	ssyncadd.s32 $0xFFFFEC00  }
0xb1: {  	[spmem:s1] =	stream.indirect.scatter.add.f32 [tilespmem:s7], [sflag:$0x8], $0x40, s23, s0, $0xb8;
	[tilespmem:$0x14E60] =	vst v63  }
0xb2: {  	_ =	swait.ge [sflag:s11], $0x1400  }
0xb3: {  	[sflag:s11] =	ssyncset.done $0x0  }
0xb4: {  	s29 =	simm.s32 $0x1E0;
	[sflag:s11] =	ssyncadd.s32 $0xFFFFEC00  }
0xb5: {  	[tilespmem:s5], [sflag:$0x2] =	stream.indirect.gather [hbm4b:s4+s0], $0x40, s29, s0, $0xb8;
	[tilespmem:$0x14E60] =	vst v63  }
0xb6: {  	_ =	swait.ge [sflag:s12], $0x1400  }
0xb7: {  	[sflag:s12] =	ssyncset.done $0x0  }
0xb8: {  	s21 =	simm.s32 $0x2800;
	[sflag:s12] =	ssyncadd.s32 $0xFFFFEC00  }
0xb9: {  	[spmem:s1] =	stream.indirect.scatter.add.f32 [tilespmem:s8], [sflag:$0x9], $0x40, s21, s0, $0xb8;
	[tilespmem:$0x14E60] =	vst v63  }
0xba: {  	_ =	swait.ge [sflag:s13], $0x1400  }
0xbb: {  	[sflag:s13] =	ssyncset.done $0x0  }
0xbc: {  	s22 =	simm.s32 $0x230;
	[sflag:s13] =	ssyncadd.s32 $0xFFFFEC00  }
0xbd: {  	[tilespmem:s7], [sflag:$0x3] =	stream.indirect.gather [hbm4b:s4+s0], $0x40, s22, s0, $0xb8;
	[tilespmem:$0x14E60] =	vst v63  }
0xbe: {  	_ =	swait.ge [sflag:s14], $0x1400  }
0xbf: {  	[sflag:s14] =	ssyncset.done $0x0  }
0xc0: {  	s23 =	simm.s32 $0x2850;
	[sflag:s14] =	ssyncadd.s32 $0xFFFFEC00  }
0xc1: {  	[spmem:s1] =	stream.indirect.scatter.add.f32 [tilespmem:s9], [sflag:$0xA], $0x40, s23, s0, $0xb8;
	[tilespmem:$0x14E60] =	vst v63  }
0xc2: {  	_ =	swait.ge [sflag:s16], $0x1400  }
0xc3: {  	[sflag:s16] =	ssyncset.done $0x0  }
0xc4: {  	s29 =	simm.s32 $0x280;
	[sflag:s16] =	ssyncadd.s32 $0xFFFFEC00  }
0xc5: {  	[tilespmem:s8], [sflag:$0x4] =	stream.indirect.gather [hbm4b:s4+s0], $0x40, s29, s0, $0xb8;
	[tilespmem:$0x14E60] =	vst v63  }
.LBB2_4:
0xc6: {  	_ =	swait.ge [sflag:s30], $0x1400  }
0xc7: {  	s20 =	sshra.s32 s19, $0x2;
	[sflag:s30] =	ssyncset.done $0x0  }
0xc8: {  	s21 =	sadd.s32 $0x28A0, s20;
	[sflag:s30] =	ssyncadd.s32 $0xFFFFEC00  }
0xc9: {  	[spmem:s1] =	stream.indirect.scatter.add.f32 [tilespmem:s3], [sflag:$0x6], $0x40, s21, s0, $0xb8;
	[tilespmem:$0x14E60] =	vst v63  }
0xca: {  	_ =	swait.ge [sflag:s17], $0x1400  }
0xcb: {  	[sflag:s17] =	ssyncset.done $0x0  }
0xcc: {  	s22 =	sadd.s32 $0x2D0, s20;
	[sflag:s17] =	ssyncadd.s32 $0xFFFFEC00  }
0xcd: {  	[tilespmem:s9], [sflag:$0x5] =	stream.indirect.gather [hbm4b:s4+s0], $0x40, s22, s0, $0xb8;
	[tilespmem:$0x14E60] =	vst v63  }
0xce: {  	_ =	swait.ge [sflag:s31], $0x1400  }
0xcf: {  	p1 =	seq.s32 s19, $0x8FC0;
	[sflag:s31] =	ssyncset.done $0x0  }
0xd0: {  	s23 =	sadd.s32 $0x28F0, s20;
	s21 =	simm.s32 @p1 $0x3;
	[sflag:s31] =	ssyncadd.s32 $0xFFFFEC00  }
0xd1: {  	[spmem:s1] =	stream.indirect.scatter.add.f32 [tilespmem:s5], [sflag:$0x7], $0x40, s23, s0, $0xb8;
	[tilespmem:$0x14E60] =	vst v63  }
0xd2: {  	_ =	swait.ge @p1 [sflag:s21], $0x1400  }
0xd3: {  	[sflag:s21] =	ssyncset.done @p1 $0x0  }
0xd4: {  	[sflag:s21] =	ssyncadd.s32 @p1 $0xFFFFEC00;
	s21 =	sshra.s32 @p1 s19, $0x2  }
0xd5: {  	s22 =	simm.s32 @p1 $0x50;
	s23 =	simm.s32 @p1 $0x7620;
	s21 =	sadd.s32 @p1 $0x2940, s21  }
0xd6: {  	[spmem:s1] =	stream.indirect.scatter.add.f32 @p1 [tilespmem:s23], [sflag:$0x8], $0x40, s21, s22, $0xb8;
	[tilespmem:$0x14E60] =	vst v63  }
0xd7: {  	s21 =	simm.s32 @!p1 $0x6  }
0xd8: {  	_ =	swait.ge @!p1 [sflag:s21], $0x1400  }
0xd9: {  	[sflag:s21] =	ssyncset.done @!p1 $0x0  }
0xda: {  	[sflag:s21] =	ssyncadd.s32 @!p1 $0xFFFFEC00;
	s21 =	sshra.s32 @!p1 s19, $0x2  }
0xdb: {  	s29 =	simm.s32 @!p1 $0x4E20;
	s23 =	simm.s32 @!p1 $0x50;
	s22 =	sadd.s32 @!p1 $0x320, s21  }
0xdc: {  	[tilespmem:s29], [sflag:$0x1] =	stream.indirect.gather @!p1 [hbm4b:s4+s23], $0x40, s22, s23, $0xb8;
	[tilespmem:$0x14E60] =	vst v63  }
0xdd: {  	s22 =	simm.s32 @!p1 $0x3  }
0xde: {  	_ =	swait.ge @!p1 [sflag:s22], $0x1400  }
0xdf: {  	[sflag:s22] =	ssyncset.done @!p1 $0x0  }
0xe0: {  	s29 =	simm.s32 @!p1 $0x7620;
	[sflag:s22] =	ssyncadd.s32 @!p1 $0xFFFFEC00;
	s22 =	sadd.s32 @!p1 $0x2940, s21  }
0xe1: {  	[spmem:s1] =	stream.indirect.scatter.add.f32 @!p1 [tilespmem:s29], [sflag:$0x8], $0x40, s22, s23, $0xb8;
	[tilespmem:$0x14E60] =	vst v63  }
0xe2: {  	s22 =	simm.s32 @!p1 $0x7  }
0xe3: {  	_ =	swait.ge @!p1 [sflag:s22], $0x1400  }
0xe4: {  	[sflag:s22] =	ssyncset.done @!p1 $0x0  }
0xe5: {  	s21 =	sadd.s32 @!p1 $0x370, s21;
	[sflag:s22] =	ssyncadd.s32 @!p1 $0xFFFFEC00;
	s22 =	simm.s32 @!p1 $0x6220  }
0xe6: {  	[tilespmem:s22], [sflag:$0x2] =	stream.indirect.gather @!p1 [hbm4b:s4+s23], $0x40, s21, s23, $0xb8;
	[tilespmem:$0x14E60] =	vst v63  }
.Ltmp3:
0xe7: {  	_ = 	snop;
	(pc) =	sbr.rel @p1 .LBB2_6-.Ltmp3, $4  }
0xe8: {  	_ =	swait.ge [sflag:s12], $0x1400  }
0xe9: {  	[sflag:s12] =	ssyncset.done $0x0  }
0xea: {  	s29 =	sadd.s32 $0x2990, s20;
	s21 =	sadd.s32 $0x29E0, s20;
	[sflag:s12] =	ssyncadd.s32 $0xFFFFEC00  }
0xeb: {  	[spmem:s1] =	stream.indirect.scatter.add.f32 [tilespmem:s8], [sflag:$0x9], $0x40, s29, s0, $0xb8;
	[tilespmem:$0x14E60] =	vst v63  }
0xec: {  	_ =	swait.ge [sflag:s13], $0x1400  }
0xed: {  	[sflag:s13] =	ssyncset.done $0x0  }
0xee: {  	s22 =	sadd.s32 $0x3C0, s20;
	[sflag:s13] =	ssyncadd.s32 $0xFFFFEC00  }
0xef: {  	[tilespmem:s7], [sflag:$0x3] =	stream.indirect.gather [hbm4b:s4+s0], $0x40, s22, s0, $0xb8;
	[tilespmem:$0x14E60] =	vst v63  }
0xf0: {  	_ =	swait.ge [sflag:s14], $0x1400  }
0xf1: {  	[sflag:s14] =	ssyncset.done $0x0  }
0xf2: {  	[sflag:s14] =	ssyncadd.s32 $0xFFFFEC00  }
0xf3: {  	[spmem:s1] =	stream.indirect.scatter.add.f32 [tilespmem:s9], [sflag:$0xA], $0x40, s21, s0, $0xb8;
	[tilespmem:$0x14E60] =	vst v63  }
.Ltmp4:
0xf4: {  	_ = 	snop;
	(pc) =	sbr.rel .LBB2_4-.Ltmp4, $4  }
0xf5: {  	_ =	swait.ge [sflag:s16], $0x1400  }
0xf6: {  	[sflag:s16] =	ssyncset.done $0x0  }
0xf7: {  	s29 =	sadd.s32 $0x410, s20;
	s19 =	sadd.s32 $0x640, s19;
	[sflag:s16] =	ssyncadd.s32 $0xFFFFEC00  }
0xf8: {  	[tilespmem:s8], [sflag:$0x4] =	stream.indirect.gather [hbm4b:s4+s0], $0x40, s29, s0, $0xb8;
	[tilespmem:$0x14E60] =	vst v63  }
.LBB2_7:
0xf9: {  	_ =	sfence.sel $0x180000  }
0xfa: {  	[bflag:$0x0] =	sbarrier.arrive $0xFFFF  }
0xfb: {  	_ =	strace $0x9000004D  }
0xfc: {  	[bflag:$0x2] =	sbarrier.arrive $0xFFFF  }
0xfd: {  	p0 =	sne.s32 s21, $0x0;
	s0 =	rddreg [dreg:$0x2]  }
0xfe: {  	s0 =	sadd.s32 @!p0 $0x100000, s0  }
0xff: {  	[sflag:s0] =	ssyncadd.tile.s32 @!p0 $0x1;
	_ =	shalt  }
.Lfunc_end2:
_tile_overlayer_lowered:
.L_overlay_start_2:
0x100: {  	(tag) =	ssettag $0x2  }
0x101: {  	s0 =	rddreg [dreg:$0x0];
	s2 =	stileid.u32  }
0x102: {  	s1 =	rddreg [dreg:$0x1];
	p0 =	sne.s32 s2, $0x0  }
0x103: {  	s3 =	rddreg [dreg:$0x2];
	[bflag:$0x3] =	sbarrier.arrive $0xFFFF;
	s2 =	simm.s32 @!p0 $0x1C0B  }
0x104: {  	[timem:s3], [sflag:s2] =	dma.local @!p0 [hbm:s0], s1  }
0x105: {  	s0 =	simm.s32 @!p0 $0xB  }
0x106: {  	_ =	swait.ge @!p0 [sflag:s0], s1  }
0x107: {  	s1 =	ssub.s32 @!p0 $0x0, s1;
	[sflag:s0] =	ssyncset.done @!p0 $0x0  }
0x108: {  	[sflag:s0] =	ssyncadd.s32 @!p0 s1  }
0x109: {  	[bflag:$0x3] =	sbarrier.arrive $0xFFFF  }
0x10a: {  	_ =	shalt  }

// kernel: kernel.20.cloned.1.call-start
scs
__scs_entry_jumppad:
0x0: {  	(pc) =	sbr.rel $0x88, $3  }
0x1: {  	(tag) =	ssettag $0x0;
	lr =	simm.s32 $0x1  }
0x2: {  	[smem:$0x3F99] =	sst lr;
	_ =	strace $0xD0000000  }
0x3: {  	_ = 	snop  }
0x4: {  	_ = 	snop  }
0x5: {  	_ = 	snop  }
0x6: {  	_ = 	snop  }
0x7: {  	_ = 	snop  }
__scs_overlays_trampoline_lowered:
0x8: {  	[smem:$0x3FA8] =	sst s0  }
0x9: {  	[smem:$0x3FA9] =	sst s1  }
0xa: {  	[smem:$0x3FAA] =	sst s2  }
0xb: {  	[smem:$0x3FAB] =	sst s3  }
0xc: {  	[smem:$0x3FAC] =	sst s4  }
0xd: {  	[smem:$0x3FAD] =	sst s5  }
0xe: {  	[smem:$0x3FAE] =	sst s6  }
0xf: {  	[smem:$0x3FAF] =	sst s7  }
0x10: {  	[smem:$0x3FB0] =	sst s8  }
0x11: {  	[smem:$0x3FB1] =	sst s9;
	s0 =	simm.s32 @!p0 $0x0  }
0x12: {  	s1 =	sld [smem:$0x3F97];
	s0 =	simm.s32 @p0 $0x1  }
0x13: {  	[smem:$0x3FB2] =	sst s0;
	s0 =	simm.s32 @!p1 $0x0  }
0x14: {  	s2 =	sld [smem:$0x3F96];
	s0 =	simm.s32 @p1 $0x1  }
0x15: {  	[smem:$0x3FB3] =	sst s0;
	s0 =	simm.s32 @!p2 $0x0  }
0x16: {  	s3 =	sld [smem:$0x3FDB];
	s0 =	simm.s32 @p2 $0x1  }
0x17: {  	s4 =	simm.s32 $0x1BF5;
	[smem:$0x3FB5] =	sst s0  }
0x18: {  	s0 =	sld [smem:$0x3F98];
	_ =	swait.ge [sflag:s4], $0x0  }
0x19: {  	s7 =	sld [smem:$0x3F99]  }
0x1a: {  	s8 =	sadd.s32 $0xFFFFE003, lr  }
0x1b: {  	s9 =	sadd.s32 $0xFFFFFEF7, lr;
	s5 =	simm.s32 $0xFFFFFFFF;
	p2 =	slt.u32 s8, $0xFFFFF086  }
0x1c: {  	p1 =	slt.u32 s9, $0xF7A;
	s5 =	simm.s32 @!p2 $0x0  }
0x1d: {  	s5 =	simm.s32 @p1 $0x1;
	p0 =	seq.s32 s7, s2  }
0x1e: {  	s7 =	smul.u32 @!p0 $0xF7A, s2;
	p2 =	seq.s32 @!p0 s5, $0x0  }
0x1f: {  	s9 =	smul.u32 $0xF7A, s1;
	s8 =	simm.s32 @!p0 $0x1BF5;
	p2 =	por !p2, p0  }
0x20: {  	[sflag:s8] =	ssyncset.s32 @!p0 $0xFFFFF086;
	s6 =	sadd.s32 @!p0 s3, s7;
	s7 =	simm.s32 @!p0 $0x108  }
0x21: {  	s3 =	sadd.s32 s3, s9;
	s6 =	sadd.s32 @!p0 $0x88, s6;
	s7 =	simm.s32 @p2 $0x1082  }
0x22: {  	[simem:s7], [sflag:s8] =	dma.local @!p0 [hbm:s6], $0xF7A  }
0x23: {  	s9 =	sor.u32 $0xD0000000, s2;
	s6 =	simm.s32 $0x108;
	_ =	swait.ge @!p0 [sflag:s8], $0x0  }
0x24: {  	s3 =	sadd.s32 $0x88, s3;
	s6 =	simm.s32 @!p1 $0x1082;
	[sflag:s4] =	ssyncset.s32 $0xFFFFF086  }
0x25: {  	[simem:s6], [sflag:s4] =	dma.local [hbm:s3], $0xF7A  }
0x26: {  	[smem:$0x3F99] =	sst s1;
	(tag) =	ssettag s2;
	_ =	strace s9  }
0x27: {  	s1 =	sld [smem:$0x3FA9]  }
0x28: {  	s2 =	sld [smem:$0x3FAA]  }
0x29: {  	s4 =	sld [smem:$0x3FAC]  }
0x2a: {  	p0 =	seq.s32 s5, $0x0;
	s5 =	sld [smem:$0x3FAD]  }
0x2b: {  	s6 =	sld [smem:$0x3FAE]  }
0x2c: {  	s7 =	sld [smem:$0x3FAF]  }
0x2d: {  	s3 =	simm.s32 $0x108;
	s8 =	sld [smem:$0x3FB0]  }
0x2e: {  	s3 =	simm.s32 @!p0 $0x1082;
	s9 =	sld [smem:$0x3FB1]  }
0x2f: {  	lr =	sadd.s32 s0, s3;
	s0 =	sld [smem:$0x3FA8]  }
0x30: {  	s3 =	sld [smem:$0x3FAB]  }
0x31: {  	[smem:$0x3FB4] =	sst s10  }
0x32: {  	s10 =	sld [smem:$0x3FB2];
	_ =	sdelay $0x3  }
0x33: {  	p0 =	seq.s32 s10, $0x1;
	s10 =	sld [smem:$0x3FB4];
	_ =	sdelay $0x3  }
0x34: {  	[smem:$0x3FB4] =	sst s10  }
0x35: {  	s10 =	sld [smem:$0x3FB3];
	_ =	sdelay $0x3  }
0x36: {  	p1 =	seq.s32 s10, $0x1;
	s10 =	sld [smem:$0x3FB4];
	_ =	sdelay $0x3  }
0x37: {  	[smem:$0x3FB4] =	sst s10  }
0x38: {  	s10 =	sld [smem:$0x3FB5]  }
0x39: {  	_ = 	snop;
	(pc) =	sbr.ind lr, $3  }
0x3a: {  	_ = 	snop  }
0x3b: {  	_ = 	snop  }
0x3c: {  	p2 =	seq.s32 s10, $0x1;
	s10 =	sld [smem:$0x3FB4]  }
0x3d: {  	_ =	shalt  }
0x3e: {  	_ =	shalt  }
0x3f: {  	_ =	shalt  }
0x40: {  	_ =	shalt  }
0x41: {  	_ =	shalt  }
0x42: {  	_ =	shalt  }
0x43: {  	_ =	shalt  }
0x44: {  	_ =	shalt  }
0x45: {  	_ =	shalt  }
0x46: {  	_ =	shalt  }
0x47: {  	_ =	shalt  }
0x48: {  	_ =	shalt  }
0x49: {  	_ =	shalt  }
0x4a: {  	_ =	shalt  }
0x4b: {  	_ =	shalt  }
0x4c: {  	_ =	shalt  }
0x4d: {  	_ =	shalt  }
0x4e: {  	_ =	shalt  }
0x4f: {  	_ =	shalt  }
0x50: {  	_ =	shalt  }
0x51: {  	_ =	shalt  }
0x52: {  	_ =	shalt  }
0x53: {  	_ =	shalt  }
0x54: {  	_ =	shalt  }
0x55: {  	_ =	shalt  }
0x56: {  	_ =	shalt  }
0x57: {  	_ =	shalt  }
0x58: {  	_ =	shalt  }
0x59: {  	_ =	shalt  }
0x5a: {  	_ =	shalt  }
0x5b: {  	_ =	shalt  }
0x5c: {  	_ =	shalt  }
0x5d: {  	_ =	shalt  }
0x5e: {  	_ =	shalt  }
0x5f: {  	_ =	shalt  }
0x60: {  	_ =	shalt  }
0x61: {  	_ =	shalt  }
0x62: {  	_ =	shalt  }
0x63: {  	_ =	shalt  }
0x64: {  	_ =	shalt  }
0x65: {  	_ =	shalt  }
0x66: {  	_ =	shalt  }
0x67: {  	_ =	shalt  }
0x68: {  	_ =	shalt  }
0x69: {  	_ =	shalt  }
0x6a: {  	_ =	shalt  }
0x6b: {  	_ =	shalt  }
0x6c: {  	_ =	shalt  }
0x6d: {  	_ =	shalt  }
0x6e: {  	_ =	shalt  }
0x6f: {  	_ =	shalt  }
0x70: {  	_ =	shalt  }
0x71: {  	_ =	shalt  }
0x72: {  	_ =	shalt  }
0x73: {  	_ =	shalt  }
0x74: {  	_ =	shalt  }
0x75: {  	_ =	shalt  }
0x76: {  	_ =	shalt  }
0x77: {  	_ =	shalt  }
0x78: {  	_ =	shalt  }
0x79: {  	_ =	shalt  }
0x7a: {  	_ =	shalt  }
0x7b: {  	_ =	shalt  }
0x7c: {  	_ =	shalt  }
0x7d: {  	_ =	shalt  }
0x7e: {  	_ =	shalt  }
0x7f: {  	_ =	shalt  }
0x80: {  	_ =	shalt  }
0x81: {  	_ =	shalt  }
0x82: {  	_ =	shalt  }
0x83: {  	_ =	shalt  }
0x84: {  	_ =	shalt  }
0x85: {  	_ =	shalt  }
0x86: {  	_ =	shalt  }
0x87: {  	_ =	shalt  }
.Lfunc_end0:
.L_simem_size_0:
called_computation.3_lowered:
.L_overlay_start_0:
0x88: {  	s2 =	sld [smem:$0x3FD9]  }
0x89: {  	s3 =	sld [smem:$0x3FFE];
	_ =	sdelay $0x1  }
0x8a: {  	s1 =	srdreg.scid  }
0x8b: {  	s0 =	sand.u32 $0x1, s1  }
0x8c: {  	s16 =	sshll.u32 s0, $0xA;
	s2 =	sadd.s32 s3, s2  }
0x8d: {  	s2 =	sadd.s32 s2, s16  }
0x8e: {  	[smem:$0x3FC0] =	sst s2  }
0x8f: {  	_ = 	snop  }
0x90: {  	(tm) =	ssettm $0x1  }
0x91: {  	s17 =	sld [smem:$0x3FFB];
	_ =	sdelay $0x3  }
0x92: {  	_ =	strace s17  }
0x93: {  	s2 =	sld [smem:$0x3FFC];
	_ =	sdelay $0x3  }
0x94: {  	_ =	strace s2  }
0x95: {  	s2 =	sld [smem:$0x3FFD];
	_ =	sdelay $0x3  }
0x96: {  	_ =	strace s2  }
0x97: {  	_ =	strace $0x8FFFFFFF  }
0x98: {  	s18 =	sld [smem:$0x3FDB];
	_ =	sdelay $0x1  }
0x99: {  	s19 =	simm.s32 $_scs_section_size  }
0x9a: {  	s4 =	simm.s32 $_size__tile_overlayer_lowered;
	s5 =	simm.s32 $_tile_overlayer_lowered  }
0x9b: {  	s22 =	simm.s32 $0x1BFF;
	s21 =	sshll.u32 s5, $0x1;
	s2 =	sadd.s32 s19, s18  }
0x9c: {  	s6 =	simm.s32 $0x0;
	s20 =	sshll.u32 s4, $0x1;
	s4 =	sadd.s32 s21, s2  }
0x9d: {  	[timem:s6], [sflag:s22] =	dma.local [hbm:s4], s20  }
0x9e: {  	_ =	swait.ge [sflag:s22], s20  }
0x9f: {  	s3 =	ssub.s32 $0x0, s20;
	[sflag:s22] =	ssyncset.done $0x0  }
0xa0: {  	[sflag:s22] =	ssyncadd.s32 s3;
	_ =	sdelay $0x1  }
0xa1: {  	s23 =	simm.s32 $0x1B8B  }
0xa2: {  	_ =	swait.ge [sflag:s23], $0x1  }
0xa3: {  	[sflag:s23] =	ssyncset.done $0x0  }
0xa4: {  	s25 =	simm.s32 $0x1B8E;
	s24 =	sld [smem:$0x3FFE];
	[sflag:s23] =	ssyncadd.s32 $0xFFFFFFFF  }
0xa5: {  	s26 =	simm.s32 $execute0_lowered;
	[smem:$0x3FD2] =	sst s25  }
0xa6: {  	s4 =	sshll.u32 s26, $0x1;
	_ =	strace $0x8000004F;
	[dreg:$0x1] =	wrdreg $0xFFFFFFFF  }
0xa7: {  	s28 =	simm.s32 $_size_execute0_lowered;
	s2 =	sadd.s32 s2, s4;
	[dreg:$0x0] =	wrdreg $0x0  }
0xa8: {  	s4 =	sshll.u32 s28, $0x1;
	[dreg:$0x2] =	wrdreg s2  }
0xa9: {  	[dreg:$0x3] =	wrdreg s4  }
0xaa: {  	[dreg:$0x4] =	wrdreg $0xC0  }
0xab: {  	_ =	task [dreg:s6], $0x5FFFF  }
0xac: {  	[dreg:$0x1] =	wrdreg $0xFFFFFFFF  }
0xad: {  	[dreg:$0x0] =	wrdreg $0x60  }
0xae: {  	[dreg:$0x2] =	wrdreg s24  }
0xaf: {  	[dreg:$0x3] =	wrdreg $0x67200  }
0xb0: {  	[dreg:$0x4] =	wrdreg $0x9  }
0xb1: {  	_ =	task.clear_ibuf [dreg:s6], $0x5FFFF;
	_ =	strace $0x9000004F  }
0xb2: {  	s29 =	simm.s32 $0x9;
	_ =	strace $0x80000051  }
0xb3: {  	_ =	swait.ge [sflag:s29], $0x1  }
0xb4: {  	[sflag:s29] =	ssyncadd.s32 $0xFFFFFFFF  }
0xb5: {  	_ =	strace $0x90000051  }
0xb6: {  	_ =	sfence  }
0xb7: {  	s30 =	sld [smem:$0x0];
	_ =	sdelay $0x2  }
0xb8: {  	s31 =	sshll.u32 s1, $0xD;
	s1 =	sshrl.u32 s1, $0x2  }
0xb9: {  	s3 =	sand.u32 $0x4000, s31;
	s1 =	sadd.s32 s1, s30  }
0xba: {  	s0 =	sor.u32 s3, s0;
	s1 =	sshll.u32 s1, $0x11  }
0xbb: {  	s0 =	sor.u32 s1, s0  }
0xbc: {  	s0 =	sadd.s32 $0x8F2B, s0  }
0xbd: {  	[sflag:s0] =	ssyncadd.remote.s32 $0x1  }
0xbe: {  	_ =	sfence.sel $0xFFFF  }
0xbf: {  	[dreg:$0x0] =	wrdreg $0xFFFFFFFF;
	(pc) =	sbr.abs _section_cstart, $3  }
0xc0: {  	[dreg:$0x1] =	wrdreg $0xFFFFFFFF  }
0xc1: {  	_ =	task.clear_ibuf [dreg:s6], $0x2FFFF;
	_ =	strace $0x9FFFFFFF  }
0xc2: {  	(tm) =	ssettm $0x7FFFFFFF  }
0xc3: {  	_ =	shalt  }
tec
execute0_lowered:
.L_overlay_start_1:
0x0: {  	(tag) =	ssettag $0x1  }
0x1: {  	s0 =	rddreg [dreg:$0x0]  }
0x2: {  	s1 =	rddreg [dreg:$0x1];
	s2 =	srdreg.scid  }
0x3: {  	s4 =	simm.s32 $0x0;
	s9 =	stileid.u32;
	s30 =	simm.s32 $0x1  }
0x4: {  	s31 =	simm.s32 $0x2;
	s10 =	simm.s32 $0x6;
	s2 =	sand.u32 $0x1, s2  }
0x5: {  	[smem:$0x7FF] =	sst s4;
	s4 =	sadd.s32 $0x15C00, s0;
	s7 =	smul.u32 $0x9C00, s9  }
0x6: {  	s3 =	sshll.u32 s2, $0x4;
	s5 =	smul.u32 $0x4E20, s2;
	s2 =	ssub.s32 $0x2, s2  }
0x7: {  	s11 =	smul.u32 $0x278, s9;
	s6 =	sshrl.u32 s2, $0x1;
	s13 =	sshrl.u32 s7, $0x2  }
0x8: {  	s8 =	smul.u32 $0x270, s9;
	s2 =	ssub.s32 s2, s6;
	s6 =	sadd.s32 s13, s1  }
0x9: {  	p0 =	sgt.u32 s9, $0xD;
	s23 =	smul.u32 $0x2700, s9;
	s14 =	sadd.s32 $0x500, s6  }
0xa: {  	_ =	strace $0x80000050;
	s15 =	sadd.s32 $0xA00, s6;
	[dreg:$0x5] =	wrdreg s14  }
0xb: {  	s3 =	sor.u32 s9, s3;
	s16 =	sadd.s32 $0xF00, s6;
	[dreg:$0x6] =	wrdreg s15  }
0xc: {  	s7 =	sshrl.u32 s23, $0x3;
	s18 =	sadd.s32 $0x1400, s6;
	[dreg:$0x7] =	wrdreg s16  }
0xd: {  	s9 =	simm.s32 $0x6220;
	s19 =	sadd.s32 $0x1900, s6;
	[dreg:$0x8] =	wrdreg s18  }
0xe: {  	s3 =	smul.u32 $0x4E2, s3;
	s20 =	sadd.s32 $0x1E00, s6;
	[dreg:$0x9] =	wrdreg s19  }
0xf: {  	s13 =	simm.s32 $0x8;
	s21 =	sadd.s32 $0x2300, s6;
	[dreg:$0xa] =	wrdreg s20  }
0x10: {  	s2 =	smax.u32 s2, $0x1;
	s3 =	sadd.s32 s3, s0;
	[dreg:$0xb] =	wrdreg s21  }
0x11: {  	s0 =	sadd.s32 s5, s0;
	s5 =	sadd.s32 $0xFFFFFF90, s11;
	[dreg:$0x13] =	wrdreg s2  }
0x12: {  	s2 =	simm.s32 $0x3;
	s11 =	simm.s32 $0x7;
	s14 =	simm.s32 $0x5  }
0x13: {  	s12 =	sadd.s32 $0x2000, s3;
	s3 =	sadd.s32 $0xBE00, s3;
	s17 =	sshll.u32 s5, $0x6  }
0x14: {  	s16 =	simm.s32 $0x9;
	[dreg:$0x4] =	wrdreg s3;
	s3 =	sshra.s32 s17, $0x2  }
0x15: {  	s18 =	simm.s32 $0x0;
	s8 =	smov.u32 @p0 s5;
	s15 =	sadd.s32 s3, s1  }
0x16: {  	s0 =	sadd.s32 $0x1AC00, s0;
	[dreg:$0x3] =	wrdreg s12;
	s3 =	sadd.s32 $0x500, s15  }
0x17: {  	s5 =	simm.s32 $0x5320;
	s22 =	sadd.s32 $0xA00, s15;
	[dreg:$0xc] =	wrdreg s3  }
0x18: {  	s26 =	sshll.u32 s8, $0x4;
	s24 =	sadd.s32 $0xF00, s15;
	[dreg:$0xd] =	wrdreg s22  }
0x19: {  	s8 =	sshrl.u32 s26, $0x3;
	s25 =	sadd.s32 $0x1400, s15;
	[dreg:$0xe] =	wrdreg s24  }
0x1a: {  	s12 =	simm.s32 $0x4;
	s8 =	sadd.s32 @p0 s8, s0;
	[dreg:$0xf] =	wrdreg s25  }
0x1b: {  	s17 =	simm.s32 $0xA;
	s0 =	sadd.s32 @!p0 s7, s0;
	[dreg:$0x10] =	wrdreg s8  }
.Ltmp0:
0x1c: {  	s29 =	sadd.s32 $0x1900, s15;
	[dreg:$0x11] =	wrdreg s0;
	(pc) =	sbr.rel .LBB2_1-.Ltmp0, $4  }
0x1d: {  	s28 =	sadd.s32 $0x2300, s15;
	s7 =	simm.s32 $0x5820;
	[dreg:$0x12] =	wrdreg s29  }
0x1e: {  	s0 =	sadd.s32 s23, s1;
	s3 =	sadd.s32 s26, s1;
	s26 =	sadd.s32 $0x1E00, s15  }
0x1f: {  	s22 =	simm.s32 $0x2710;
	s8 =	simm.s32 $0x5D20;
	s24 =	sshrl.u32 @p0 s3, $0x3  }
0x20: {  	v0 =	vimm.f32 $0.0e+00;
	s25 =	sshrl.u32 @!p0 s0, $0x3;
	s0 =	simm.s32 $0x50;
	s3 =	simm.s32 $0x4E20  }
.LBB2_6:
0x21: {  	_ =	swait.ge [sflag:s14], $0x500  }
0x22: {  	[sflag:s14] =	ssyncset.done $0x0  }
0x23: {  	[sflag:s14] =	ssyncadd.s32 $0xFFFFFB00  }
0x24: {  	[spmem:s1] =	stream.indirect.scatter.add.f32 [tilespmem:s9], [sflag:$0xA], $0x10, s21, s0, $0xb8;
	[tilespmem:$0x8E30] =	vst v63  }
0x25: {  	_ =	swait.ge [sflag:s10], $0x500  }
0x26: {  	[sflag:s10] =	ssyncset.done $0x0  }
0x27: {  	[sflag:s10] =	ssyncadd.s32 $0xFFFFFB00  }
0x28: {  	_ =	swait.ge [sflag:s11], $0x500  }
0x29: {  	[sflag:s11] =	ssyncset.done $0x0  }
0x2a: {  	[sflag:s11] =	ssyncadd.s32 $0xFFFFFB00  }
0x2b: {  	_ =	swait.ge [sflag:s13], $0x500  }
0x2c: {  	[sflag:s13] =	ssyncset.done $0x0  }
0x2d: {  	[sflag:s13] =	ssyncadd.s32 $0xFFFFFB00  }
0x2e: {  	_ =	swait.ge [sflag:s16], $0x500  }
0x2f: {  	[sflag:s16] =	ssyncset.done $0x0  }
0x30: {  	[sflag:s16] =	ssyncadd.s32 $0xFFFFFB00  }
0x31: {  	_ =	swait.ge [sflag:s17], $0x500  }
0x32: {  	[sflag:s17] =	ssyncset.done $0x0  }
0x33: {  	s20 =	stileid.u32;
	[sflag:s17] =	ssyncadd.s32 $0xFFFFFB00  }
0x34: {  	s19 =	sshll.u32 @p0 s20, $0x6;
	[bflag:$0x0] =	sbarrier.arrive $0xFFFF  }
0x35: {  	s19 =	sor.u32 @p0 $0x1C0B, s19;
	s21 =	rddreg [dreg:$0x10]  }
0x36: {  	[hbm:s21], [sflag:s19] =	dma.local @p0 [spmem:s24], $0x4F0  }
0x37: {  	s19 =	simm.s32 @p0 $0xB  }
0x38: {  	_ =	swait.ge @p0 [sflag:s19], $0x4F0  }
0x39: {  	s20 =	sshll.u32 @!p0 s20, $0x6;
	[sflag:s19] =	ssyncset.done @p0 $0x0  }
0x3a: {  	[sflag:s19] =	ssyncadd.s32 @p0 $0xFFFFFB10;
	s19 =	sor.u32 @!p0 $0x1C0B, s20;
	s20 =	rddreg [dreg:$0x11]  }
0x3b: {  	[hbm:s20], [sflag:s19] =	dma.local @!p0 [spmem:s25], $0x4E0  }
0x3c: {  	s19 =	simm.s32 @!p0 $0xB  }
0x3d: {  	_ =	swait.ge @!p0 [sflag:s19], $0x4E0  }
0x3e: {  	s18 =	sadd.s32 $0x1, s18;
	s29 =	rddreg [dreg:$0x13]  }
0x3f: {  	p1 =	sne.s32 s18, s29  }
.Ltmp1:
0x40: {  	_ = 	snop;
	(pc) =	sbr.rel @!p1 .LBB2_7-.Ltmp1, $3  }
0x41: {  	_ =	sdelay $0x1  }
0x42: {  	[sflag:s19] =	ssyncset.done @!p0 $0x0  }
0x43: {  	s22 =	simm.s32 $0x2710;
	s21 =	stileid.u32;
	[sflag:s19] =	ssyncadd.s32 @!p0 $0xFFFFFB20  }
.LBB2_1:
0x44: {  	s19 =	simm.s32 $0x0;
	s20 =	rddreg [dreg:$0x3]  }
0x45: {  	[tilespmem:s19], [sflag:$0x1] =	stream.linear.gather [hbm4b:s20+s19], $0x2710, $0x38;
	[tilespmem:$0x8E30] =	vst v63  }
0x46: {  	s29 =	rddreg [dreg:$0x4]  }
0x47: {  	[tilespmem:s22], [sflag:$0x2] =	stream.linear.gather [hbm4b:s29+s19], $0x2710, $0x38;
	[tilespmem:$0x8E30] =	vst v63  }
0x48: {  	s20 =	simm.s32 $0x0;
	s19 =	simm.s32 $0x40  }
.LBB2_2:
0x49: {  	p1 =	sne.s32 s19, $0x13C0;
	[tilespmem:s20+$0x4E20] =	vst v0;
	s20 =	smov.u32 s19;
	s19 =	sadd.s32 $0x40, s19  }
.Ltmp2:
0x4a: {  	(pc) =	sbr.rel @p1 .LBB2_2-.Ltmp2, $2  }
0x4b: {  	_ =	sdelay $0x2  }
0x4c: {  	s20 =	sshra.s32 s20, $0x2  }
0x4d: {  	[tilespmem:s20+$0x4E20] =	vst v0;
	s19 =	simm.s32 @p0 $0x4E20;
	s20 =	simm.s32 @p0 $0xB  }
0x4e: {  	[spmem:s15] =	stream.linear.scatter @p0 [tilespmem:s19], [sflag:$0xB], $0x500, $0x38;
	[tilespmem:$0x8E30] =	vst v63  }
0x4f: {  	_ =	swait.ge @p0 [sflag:s20], $0x500  }
0x50: {  	[sflag:s20] =	ssyncset.done @p0 $0x0  }
0x51: {  	s21 =	rddreg [dreg:$0xc];
	[sflag:s20] =	ssyncadd.s32 @p0 $0xFFFFFB00  }
0x52: {  	[spmem:s21] =	stream.linear.scatter @p0 [tilespmem:s19], [sflag:$0xB], $0x500, $0x38;
	[tilespmem:$0x8E30] =	vst v63  }
0x53: {  	_ =	swait.ge @p0 [sflag:s20], $0x500  }
0x54: {  	[sflag:s20] =	ssyncset.done @p0 $0x0  }
0x55: {  	s21 =	rddreg [dreg:$0xd];
	[sflag:s20] =	ssyncadd.s32 @p0 $0xFFFFFB00  }
0x56: {  	[spmem:s21] =	stream.linear.scatter @p0 [tilespmem:s19], [sflag:$0xB], $0x500, $0x38;
	[tilespmem:$0x8E30] =	vst v63  }
0x57: {  	_ =	swait.ge @p0 [sflag:s20], $0x500  }
0x58: {  	[sflag:s20] =	ssyncset.done @p0 $0x0  }
0x59: {  	s21 =	rddreg [dreg:$0xe];
	[sflag:s20] =	ssyncadd.s32 @p0 $0xFFFFFB00  }
0x5a: {  	[spmem:s21] =	stream.linear.scatter @p0 [tilespmem:s19], [sflag:$0xB], $0x500, $0x38;
	[tilespmem:$0x8E30] =	vst v63  }
0x5b: {  	_ =	swait.ge @p0 [sflag:s20], $0x500  }
0x5c: {  	[sflag:s20] =	ssyncset.done @p0 $0x0  }
0x5d: {  	s21 =	rddreg [dreg:$0xf];
	[sflag:s20] =	ssyncadd.s32 @p0 $0xFFFFFB00  }
0x5e: {  	[spmem:s21] =	stream.linear.scatter @p0 [tilespmem:s19], [sflag:$0xB], $0x500, $0x38;
	[tilespmem:$0x8E30] =	vst v63  }
0x5f: {  	_ =	swait.ge @p0 [sflag:s20], $0x500  }
0x60: {  	[sflag:s20] =	ssyncset.done @p0 $0x0  }
0x61: {  	s21 =	rddreg [dreg:$0x12];
	[sflag:s20] =	ssyncadd.s32 @p0 $0xFFFFFB00  }
0x62: {  	[spmem:s21] =	stream.linear.scatter @p0 [tilespmem:s19], [sflag:$0xB], $0x500, $0x38;
	[tilespmem:$0x8E30] =	vst v63  }
0x63: {  	_ =	swait.ge @p0 [sflag:s20], $0x500  }
0x64: {  	[sflag:s20] =	ssyncset.done @p0 $0x0  }
0x65: {  	[sflag:s20] =	ssyncadd.s32 @p0 $0xFFFFFB00  }
0x66: {  	[spmem:s26] =	stream.linear.scatter @p0 [tilespmem:s19], [sflag:$0xB], $0x500, $0x38;
	[tilespmem:$0x8E30] =	vst v63  }
0x67: {  	_ =	swait.ge @p0 [sflag:s20], $0x500  }
0x68: {  	[sflag:s20] =	ssyncset.done @p0 $0x0  }
0x69: {  	[sflag:s20] =	ssyncadd.s32 @p0 $0xFFFFFB00  }
0x6a: {  	[spmem:s28] =	stream.linear.scatter @p0 [tilespmem:s19], [sflag:$0xB], $0x480, $0x38;
	[tilespmem:$0x8E30] =	vst v63  }
0x6b: {  	_ =	swait.ge @p0 [sflag:s20], $0x480  }
0x6c: {  	[sflag:s20] =	ssyncset.done @p0 $0x0  }
0x6d: {  	s19 =	simm.s32 @!p0 $0x4E20;
	[sflag:s20] =	ssyncadd.s32 @p0 $0xFFFFFB80;
	s20 =	simm.s32 @!p0 $0xB  }
0x6e: {  	[spmem:s6] =	stream.linear.scatter @!p0 [tilespmem:s19], [sflag:$0xB], $0x500, $0x38;
	[tilespmem:$0x8E30] =	vst v63  }
0x6f: {  	_ =	swait.ge @!p0 [sflag:s20], $0x500  }
0x70: {  	[sflag:s20] =	ssyncset.done @!p0 $0x0  }
0x71: {  	s21 =	rddreg [dreg:$0x5];
	[sflag:s20] =	ssyncadd.s32 @!p0 $0xFFFFFB00  }
0x72: {  	[spmem:s21] =	stream.linear.scatter @!p0 [tilespmem:s19], [sflag:$0xB], $0x500, $0x38;
	[tilespmem:$0x8E30] =	vst v63  }
0x73: {  	_ =	swait.ge @!p0 [sflag:s20], $0x500  }
0x74: {  	[sflag:s20] =	ssyncset.done @!p0 $0x0  }
0x75: {  	s21 =	rddreg [dreg:$0x6];
	[sflag:s20] =	ssyncadd.s32 @!p0 $0xFFFFFB00  }
0x76: {  	[spmem:s21] =	stream.linear.scatter @!p0 [tilespmem:s19], [sflag:$0xB], $0x500, $0x38;
	[tilespmem:$0x8E30] =	vst v63  }
0x77: {  	_ =	swait.ge @!p0 [sflag:s20], $0x500  }
0x78: {  	[sflag:s20] =	ssyncset.done @!p0 $0x0  }
0x79: {  	s21 =	rddreg [dreg:$0x7];
	[sflag:s20] =	ssyncadd.s32 @!p0 $0xFFFFFB00  }
0x7a: {  	[spmem:s21] =	stream.linear.scatter @!p0 [tilespmem:s19], [sflag:$0xB], $0x500, $0x38;
	[tilespmem:$0x8E30] =	vst v63  }
0x7b: {  	_ =	swait.ge @!p0 [sflag:s20], $0x500  }
0x7c: {  	[sflag:s20] =	ssyncset.done @!p0 $0x0  }
0x7d: {  	s21 =	rddreg [dreg:$0x8];
	[sflag:s20] =	ssyncadd.s32 @!p0 $0xFFFFFB00  }
0x7e: {  	[spmem:s21] =	stream.linear.scatter @!p0 [tilespmem:s19], [sflag:$0xB], $0x500, $0x38;
	[tilespmem:$0x8E30] =	vst v63  }
0x7f: {  	_ =	swait.ge @!p0 [sflag:s20], $0x500  }
0x80: {  	[sflag:s20] =	ssyncset.done @!p0 $0x0  }
0x81: {  	s21 =	rddreg [dreg:$0x9];
	[sflag:s20] =	ssyncadd.s32 @!p0 $0xFFFFFB00  }
0x82: {  	[spmem:s21] =	stream.linear.scatter @!p0 [tilespmem:s19], [sflag:$0xB], $0x500, $0x38;
	[tilespmem:$0x8E30] =	vst v63  }
0x83: {  	_ =	swait.ge @!p0 [sflag:s20], $0x500  }
0x84: {  	[sflag:s20] =	ssyncset.done @!p0 $0x0  }
0x85: {  	s21 =	rddreg [dreg:$0xa];
	[sflag:s20] =	ssyncadd.s32 @!p0 $0xFFFFFB00  }
0x86: {  	[spmem:s21] =	stream.linear.scatter @!p0 [tilespmem:s19], [sflag:$0xB], $0x500, $0x38;
	[tilespmem:$0x8E30] =	vst v63  }
0x87: {  	_ =	swait.ge @!p0 [sflag:s20], $0x500  }
0x88: {  	[sflag:s20] =	ssyncset.done @!p0 $0x0  }
0x89: {  	s21 =	rddreg [dreg:$0xb];
	[sflag:s20] =	ssyncadd.s32 @!p0 $0xFFFFFB00  }
0x8a: {  	[spmem:s21] =	stream.linear.scatter @!p0 [tilespmem:s19], [sflag:$0xB], $0x400, $0x38;
	[tilespmem:$0x8E30] =	vst v63  }
0x8b: {  	_ =	swait.ge @!p0 [sflag:s20], $0x400  }
0x8c: {  	[sflag:s20] =	ssyncset.done @!p0 $0x0  }
0x8d: {  	[sflag:s20] =	ssyncadd.s32 @!p0 $0xFFFFFC00  }
0x8e: {  	[bflag:$0x0] =	sbarrier.arrive $0xFFFF  }
0x8f: {  	_ =	swait.ge [sflag:s30], $0x2710  }
0x90: {  	[sflag:s30] =	ssyncset.done $0x0  }
0x91: {  	[sflag:s30] =	ssyncadd.s32 $0xFFFFD8F0  }
0x92: {  	_ =	swait.ge [sflag:s31], $0x2710  }
0x93: {  	[sflag:s31] =	ssyncset.done $0x0  }
0x94: {  	s19 =	simm.s32 $0x0;
	[sflag:s31] =	ssyncadd.s32 $0xFFFFD8F0  }
0x95: {  	[tilespmem:s3], [sflag:$0x1] =	stream.indirect.gather [hbm4b:s4+s0], $0x10, s19, s0, $0xb8;
	[tilespmem:$0x8E30] =	vst v63  }
0x96: {  	_ = 	snop  }
0x97: {  	[tilespmem:s5], [sflag:$0x2] =	stream.indirect.gather [hbm4b:s4+s0], $0x10, s0, s0, $0xb8;
	[tilespmem:$0x8E30] =	vst v63  }
0x98: {  	s21 =	simm.s32 $0xA0  }
0x99: {  	[tilespmem:s7], [sflag:$0x3] =	stream.indirect.gather [hbm4b:s4+s0], $0x10, s21, s0, $0xb8;
	[tilespmem:$0x8E30] =	vst v63  }
0x9a: {  	s23 =	simm.s32 $0xF0  }
0x9b: {  	[tilespmem:s8], [sflag:$0x4] =	stream.indirect.gather [hbm4b:s4+s0], $0x10, s23, s0, $0xb8;
	[tilespmem:$0x8E30] =	vst v63  }
0x9c: {  	_ =	swait.ge [sflag:s30], $0x500  }
0x9d: {  	[sflag:s30] =	ssyncset.done $0x0  }
0x9e: {  	[sflag:s30] =	ssyncadd.s32 $0xFFFFFB00  }
0x9f: {  	[spmem:s1] =	stream.indirect.scatter.add.f32 [tilespmem:s3], [sflag:$0x6], $0x10, s22, s0, $0xb8;
	[tilespmem:$0x8E30] =	vst v63  }
0xa0: {  	s29 =	simm.s32 $0x140  }
0xa1: {  	[tilespmem:s9], [sflag:$0x5] =	stream.indirect.gather [hbm4b:s4+s0], $0x10, s29, s0, $0xb8;
	[tilespmem:$0x8E30] =	vst v63  }
0xa2: {  	_ =	swait.ge [sflag:s31], $0x500  }
0xa3: {  	[sflag:s31] =	ssyncset.done $0x0  }
0xa4: {  	s21 =	simm.s32 $0x2760;
	[sflag:s31] =	ssyncadd.s32 $0xFFFFFB00  }
0xa5: {  	[spmem:s1] =	stream.indirect.scatter.add.f32 [tilespmem:s5], [sflag:$0x7], $0x10, s21, s0, $0xb8;
	[tilespmem:$0x8E30] =	vst v63  }
0xa6: {  	_ =	swait.ge [sflag:s10], $0x500  }
0xa7: {  	[sflag:s10] =	ssyncset.done $0x0  }
0xa8: {  	s22 =	simm.s32 $0x190;
	[sflag:s10] =	ssyncadd.s32 $0xFFFFFB00  }
0xa9: {  	[tilespmem:s3], [sflag:$0x1] =	stream.indirect.gather [hbm4b:s4+s0], $0x10, s22, s0, $0xb8;
	[tilespmem:$0x8E30] =	vst v63  }
0xaa: {  	_ =	swait.ge [sflag:s2], $0x500  }
0xab: {  	[sflag:s2] =	ssyncset.done $0x0  }
0xac: {  	s23 =	simm.s32 $0x27B0;
	[sflag:s2] =	ssyncadd.s32 $0xFFFFFB00  }
0xad: {  	[spmem:s1] =	stream.indirect.scatter.add.f32 [tilespmem:s7], [sflag:$0x8], $0x10, s23, s0, $0xb8;
	[tilespmem:$0x8E30] =	vst v63  }
0xae: {  	_ =	swait.ge [sflag:s11], $0x500  }
0xaf: {  	[sflag:s11] =	ssyncset.done $0x0  }
0xb0: {  	s29 =	simm.s32 $0x1E0;
	[sflag:s11] =	ssyncadd.s32 $0xFFFFFB00  }
0xb1: {  	[tilespmem:s5], [sflag:$0x2] =	stream.indirect.gather [hbm4b:s4+s0], $0x10, s29, s0, $0xb8;
	[tilespmem:$0x8E30] =	vst v63  }
0xb2: {  	_ =	swait.ge [sflag:s12], $0x500  }
0xb3: {  	[sflag:s12] =	ssyncset.done $0x0  }
0xb4: {  	s21 =	simm.s32 $0x2800;
	[sflag:s12] =	ssyncadd.s32 $0xFFFFFB00  }
0xb5: {  	[spmem:s1] =	stream.indirect.scatter.add.f32 [tilespmem:s8], [sflag:$0x9], $0x10, s21, s0, $0xb8;
	[tilespmem:$0x8E30] =	vst v63  }
0xb6: {  	_ =	swait.ge [sflag:s13], $0x500  }
0xb7: {  	[sflag:s13] =	ssyncset.done $0x0  }
0xb8: {  	s22 =	simm.s32 $0x230;
	[sflag:s13] =	ssyncadd.s32 $0xFFFFFB00  }
0xb9: {  	[tilespmem:s7], [sflag:$0x3] =	stream.indirect.gather [hbm4b:s4+s0], $0x10, s22, s0, $0xb8;
	[tilespmem:$0x8E30] =	vst v63  }
0xba: {  	_ =	swait.ge [sflag:s14], $0x500  }
0xbb: {  	[sflag:s14] =	ssyncset.done $0x0  }
0xbc: {  	s23 =	simm.s32 $0x2850;
	[sflag:s14] =	ssyncadd.s32 $0xFFFFFB00  }
0xbd: {  	[spmem:s1] =	stream.indirect.scatter.add.f32 [tilespmem:s9], [sflag:$0xA], $0x10, s23, s0, $0xb8;
	[tilespmem:$0x8E30] =	vst v63  }
0xbe: {  	_ =	swait.ge [sflag:s16], $0x500  }
0xbf: {  	[sflag:s16] =	ssyncset.done $0x0  }
0xc0: {  	s29 =	simm.s32 $0x280;
	[sflag:s16] =	ssyncadd.s32 $0xFFFFFB00  }
0xc1: {  	[tilespmem:s8], [sflag:$0x4] =	stream.indirect.gather [hbm4b:s4+s0], $0x10, s29, s0, $0xb8;
	[tilespmem:$0x8E30] =	vst v63  }
.LBB2_4:
0xc2: {  	_ =	swait.ge [sflag:s30], $0x500  }
0xc3: {  	s20 =	sshra.s32 s19, $0x2;
	[sflag:s30] =	ssyncset.done $0x0  }
0xc4: {  	s21 =	sadd.s32 $0x28A0, s20;
	[sflag:s30] =	ssyncadd.s32 $0xFFFFFB00  }
0xc5: {  	[spmem:s1] =	stream.indirect.scatter.add.f32 [tilespmem:s3], [sflag:$0x6], $0x10, s21, s0, $0xb8;
	[tilespmem:$0x8E30] =	vst v63  }
0xc6: {  	_ =	swait.ge [sflag:s17], $0x500  }
0xc7: {  	[sflag:s17] =	ssyncset.done $0x0  }
0xc8: {  	s22 =	sadd.s32 $0x2D0, s20;
	[sflag:s17] =	ssyncadd.s32 $0xFFFFFB00  }
0xc9: {  	[tilespmem:s9], [sflag:$0x5] =	stream.indirect.gather [hbm4b:s4+s0], $0x10, s22, s0, $0xb8;
	[tilespmem:$0x8E30] =	vst v63  }
0xca: {  	_ =	swait.ge [sflag:s31], $0x500  }
0xcb: {  	p1 =	seq.s32 s19, $0x8FC0;
	[sflag:s31] =	ssyncset.done $0x0  }
0xcc: {  	s23 =	sadd.s32 $0x28F0, s20;
	s21 =	simm.s32 @p1 $0x3;
	[sflag:s31] =	ssyncadd.s32 $0xFFFFFB00  }
0xcd: {  	[spmem:s1] =	stream.indirect.scatter.add.f32 [tilespmem:s5], [sflag:$0x7], $0x10, s23, s0, $0xb8;
	[tilespmem:$0x8E30] =	vst v63  }
0xce: {  	_ =	swait.ge @p1 [sflag:s21], $0x500  }
0xcf: {  	[sflag:s21] =	ssyncset.done @p1 $0x0  }
0xd0: {  	[sflag:s21] =	ssyncadd.s32 @p1 $0xFFFFFB00;
	s21 =	sshra.s32 @p1 s19, $0x2  }
0xd1: {  	s22 =	simm.s32 @p1 $0x50;
	s23 =	simm.s32 @p1 $0x5820;
	s21 =	sadd.s32 @p1 $0x2940, s21  }
0xd2: {  	[spmem:s1] =	stream.indirect.scatter.add.f32 @p1 [tilespmem:s23], [sflag:$0x8], $0x10, s21, s22, $0xb8;
	[tilespmem:$0x8E30] =	vst v63  }
0xd3: {  	s21 =	simm.s32 @!p1 $0x6  }
0xd4: {  	_ =	swait.ge @!p1 [sflag:s21], $0x500  }
0xd5: {  	[sflag:s21] =	ssyncset.done @!p1 $0x0  }
0xd6: {  	[sflag:s21] =	ssyncadd.s32 @!p1 $0xFFFFFB00;
	s21 =	sshra.s32 @!p1 s19, $0x2  }
0xd7: {  	s29 =	simm.s32 @!p1 $0x4E20;
	s23 =	simm.s32 @!p1 $0x50;
	s22 =	sadd.s32 @!p1 $0x320, s21  }
0xd8: {  	[tilespmem:s29], [sflag:$0x1] =	stream.indirect.gather @!p1 [hbm4b:s4+s23], $0x10, s22, s23, $0xb8;
	[tilespmem:$0x8E30] =	vst v63  }
0xd9: {  	s22 =	simm.s32 @!p1 $0x3  }
0xda: {  	_ =	swait.ge @!p1 [sflag:s22], $0x500  }
0xdb: {  	[sflag:s22] =	ssyncset.done @!p1 $0x0  }
0xdc: {  	s29 =	simm.s32 @!p1 $0x5820;
	[sflag:s22] =	ssyncadd.s32 @!p1 $0xFFFFFB00;
	s22 =	sadd.s32 @!p1 $0x2940, s21  }
0xdd: {  	[spmem:s1] =	stream.indirect.scatter.add.f32 @!p1 [tilespmem:s29], [sflag:$0x8], $0x10, s22, s23, $0xb8;
	[tilespmem:$0x8E30] =	vst v63  }
0xde: {  	s22 =	simm.s32 @!p1 $0x7  }
0xdf: {  	_ =	swait.ge @!p1 [sflag:s22], $0x500  }
0xe0: {  	[sflag:s22] =	ssyncset.done @!p1 $0x0  }
0xe1: {  	s21 =	sadd.s32 @!p1 $0x370, s21;
	[sflag:s22] =	ssyncadd.s32 @!p1 $0xFFFFFB00;
	s22 =	simm.s32 @!p1 $0x5320  }
0xe2: {  	[tilespmem:s22], [sflag:$0x2] =	stream.indirect.gather @!p1 [hbm4b:s4+s23], $0x10, s21, s23, $0xb8;
	[tilespmem:$0x8E30] =	vst v63  }
.Ltmp3:
0xe3: {  	_ = 	snop;
	(pc) =	sbr.rel @p1 .LBB2_6-.Ltmp3, $4  }
0xe4: {  	_ =	swait.ge [sflag:s12], $0x500  }
0xe5: {  	[sflag:s12] =	ssyncset.done $0x0  }
0xe6: {  	s29 =	sadd.s32 $0x2990, s20;
	s21 =	sadd.s32 $0x29E0, s20;
	[sflag:s12] =	ssyncadd.s32 $0xFFFFFB00  }
0xe7: {  	[spmem:s1] =	stream.indirect.scatter.add.f32 [tilespmem:s8], [sflag:$0x9], $0x10, s29, s0, $0xb8;
	[tilespmem:$0x8E30] =	vst v63  }
0xe8: {  	_ =	swait.ge [sflag:s13], $0x500  }
0xe9: {  	[sflag:s13] =	ssyncset.done $0x0  }
0xea: {  	s22 =	sadd.s32 $0x3C0, s20;
	[sflag:s13] =	ssyncadd.s32 $0xFFFFFB00  }
0xeb: {  	[tilespmem:s7], [sflag:$0x3] =	stream.indirect.gather [hbm4b:s4+s0], $0x10, s22, s0, $0xb8;
	[tilespmem:$0x8E30] =	vst v63  }
0xec: {  	_ =	swait.ge [sflag:s14], $0x500  }
0xed: {  	[sflag:s14] =	ssyncset.done $0x0  }
0xee: {  	[sflag:s14] =	ssyncadd.s32 $0xFFFFFB00  }
0xef: {  	[spmem:s1] =	stream.indirect.scatter.add.f32 [tilespmem:s9], [sflag:$0xA], $0x10, s21, s0, $0xb8;
	[tilespmem:$0x8E30] =	vst v63  }
.Ltmp4:
0xf0: {  	_ = 	snop;
	(pc) =	sbr.rel .LBB2_4-.Ltmp4, $4  }
0xf1: {  	_ =	swait.ge [sflag:s16], $0x500  }
0xf2: {  	[sflag:s16] =	ssyncset.done $0x0  }
0xf3: {  	s29 =	sadd.s32 $0x410, s20;
	s19 =	sadd.s32 $0x640, s19;
	[sflag:s16] =	ssyncadd.s32 $0xFFFFFB00  }
0xf4: {  	[tilespmem:s8], [sflag:$0x4] =	stream.indirect.gather [hbm4b:s4+s0], $0x10, s29, s0, $0xb8;
	[tilespmem:$0x8E30] =	vst v63  }
.LBB2_7:
0xf5: {  	_ =	sfence.sel $0x180000  }
0xf6: {  	[bflag:$0x0] =	sbarrier.arrive $0xFFFF  }
0xf7: {  	_ =	strace $0x90000050  }
0xf8: {  	[bflag:$0x2] =	sbarrier.arrive $0xFFFF  }
0xf9: {  	p0 =	sne.s32 s21, $0x0;
	s0 =	rddreg [dreg:$0x2]  }
0xfa: {  	s0 =	sadd.s32 @!p0 $0x100000, s0  }
0xfb: {  	[sflag:s0] =	ssyncadd.tile.s32 @!p0 $0x1;
	_ =	shalt  }
.Lfunc_end2:
_tile_overlayer_lowered:
.L_overlay_start_2:
0xfc: {  	(tag) =	ssettag $0x2  }
0xfd: {  	s0 =	rddreg [dreg:$0x0];
	s2 =	stileid.u32  }
0xfe: {  	s1 =	rddreg [dreg:$0x1];
	p0 =	sne.s32 s2, $0x0  }
0xff: {  	s3 =	rddreg [dreg:$0x2];
	[bflag:$0x3] =	sbarrier.arrive $0xFFFF;
	s2 =	simm.s32 @!p0 $0x1C0B  }
0x100: {  	[timem:s3], [sflag:s2] =	dma.local @!p0 [hbm:s0], s1  }
0x101: {  	s0 =	simm.s32 @!p0 $0xB  }
0x102: {  	_ =	swait.ge @!p0 [sflag:s0], s1  }
0x103: {  	s1 =	ssub.s32 @!p0 $0x0, s1;
	[sflag:s0] =	ssyncset.done @!p0 $0x0  }
0x104: {  	[sflag:s0] =	ssyncadd.s32 @!p0 s1  }
0x105: {  	[bflag:$0x3] =	sbarrier.arrive $0xFFFF  }
0x106: {  	_ =	shalt  }

</sc_bundles>
